<compile_context>
chip_gen: v7x
topology: tpu7x:2x2x1
jax: 0.10.2.dev20260603
libtpu: 0.0.44.dev20260713+nightly
codegen_flags: <defaults>
</compile_context>

<pallas_src>
import functools

import jax
import jax.numpy as jnp
from jax import lax
from jax.experimental import pallas as pl
from jax.experimental.pallas import tpu as pltpu
from jax.experimental.pallas import tpu_sc as plsc

_NC = 2
_NS = 16
_L = 16

_K = 16
_GROUP = 12
_SB = 1536
_NEG_BIG = -1e30


def _tc_matmul(x, W, att_src, att_dst, N, D, DH, WROW):
  BN = 1000
  NBLK = N // BN

  def body(x_ref, wh_ref, wf_ref, as_ref, ad_ref, h2_ref, asp_ref, adp_ref):
    xb = x_ref[...]
    wc = wh_ref[...]
    xb16 = xb.astype(jnp.bfloat16)
    hb = lax.dot_general(xb16, wc.astype(jnp.bfloat16),
                         (((1,), (1,)), ((), ())),
                         preferred_element_type=jnp.float32)
    h2_ref[:, :DH] = hb
    col = lax.broadcasted_iota(jnp.int32, (BN, WROW - DH), 1)
    h2_ref[:, DH:] = jnp.where(col == 0, 1.0, 0.0)
    wf = wf_ref[...]
    w_as = lax.dot_general(as_ref[...], wf, (((1,), (0,)), ((), ())),
                           preferred_element_type=jnp.float32)
    w_ad = lax.dot_general(ad_ref[...], wf, (((1,), (0,)), ((), ())),
                           preferred_element_type=jnp.float32)
    asp_ref[...] = lax.dot_general(xb, w_as, (((1,), (1,)), ((), ())),
                                   preferred_element_type=jnp.float32)
    adp_ref[...] = lax.dot_general(xb, w_ad, (((1,), (1,)), ((), ())),
                                   preferred_element_type=jnp.float32)

  h2, asp, adp = pl.pallas_call(
      body,
      grid=(NBLK, _NC),
      in_specs=[
          pl.BlockSpec((BN, D), lambda i, c: (i, 0)),
          pl.BlockSpec((DH, D), lambda i, c: (c, 0)),
          pl.BlockSpec((D, D), lambda i, c: (0, 0)),
          pl.BlockSpec((1, D), lambda i, c: (0, 0)),
          pl.BlockSpec((1, D), lambda i, c: (0, 0)),
      ],
      out_specs=[
          pl.BlockSpec((BN, WROW), lambda i, c: (c * NBLK + i, 0)),
          pl.BlockSpec((BN, 1), lambda i, c: (i, 0)),
          pl.BlockSpec((BN, 1), lambda i, c: (i, 0)),
      ],
      out_shape=[
          jax.ShapeDtypeStruct((_NC * N, WROW), jnp.float32),
          jax.ShapeDtypeStruct((N, 1), jnp.float32),
          jax.ShapeDtypeStruct((N, 1), jnp.float32),
      ],
  )(x, W, W, att_src.reshape(1, D), att_dst.reshape(1, D))
  return h2, asp[:, 0], adp[:, 0]


_SC_PARAMS = dict(
    compiler_params=pltpu.CompilerParams(
        use_tc_tiling_on_sc=False, needs_layout_passes=False),
)


def _make_sc_logits_kernel(N, ET, C):
  C2 = C // 2
  NB2 = C2 // _K

  mesh = plsc.VectorSubcoreMesh(core_axis_name="c", subcore_axis_name="s")

  def body(src2_hbm, dst2_hbm, asp_hbm, adp_hbm, exq_hbm,
           asrc, adst, srcb, dstb, exb):
    c = lax.axis_index("c")
    s = lax.axis_index("s")
    w = 2 * s + c

    pltpu.sync_copy(asp_hbm, asrc)
    pltpu.sync_copy(adp_hbm, adst)
    pltpu.sync_copy(src2_hbm.at[w], srcb)
    pltpu.sync_copy(dst2_hbm.at[w], dstb)

    def vmax_body(ref):
      def step(i, mv):
        return jnp.maximum(mv, ref[pl.ds(i * _L, _L)])
      mv = lax.fori_loop(0, N // _L, step,
                         jnp.full((_L,), _NEG_BIG, jnp.float32))
      return jnp.max(mv)
    zmax = vmax_body(asrc) + vmax_body(adst)
    m = jnp.where(zmax > 0, zmax, 0.2 * zmax)

    def pa_body(b, carry):
      for j in range(_K // _L):
        off = b * _K + j * _L
        sv = srcb[pl.ds(off, _L)]
        dv = dstb[pl.ds(off, _L)]
        va = plsc.load_gather(asrc, [sv])
        vb = plsc.load_gather(adst, [dv])
        z = va + vb
        e = jnp.where(z > 0, z, 0.2 * z)
        ex = jnp.exp(e - m)
        gidx = w * C2 + off + lax.iota(jnp.int32, _L)
        exb[pl.ds(off, _L)] = jnp.where(gidx < ET, ex, 0.0)
      return carry
    lax.fori_loop(0, NB2, pa_body, 0)

    pltpu.sync_copy(exb, exq_hbm.at[w])

  scratch = dict(
      asrc=pltpu.VMEM((N,), jnp.float32),
      adst=pltpu.VMEM((N,), jnp.float32),
      srcb=pltpu.VMEM((C2,), jnp.int32),
      dstb=pltpu.VMEM((C2,), jnp.int32),
      exb=pltpu.VMEM((C2,), jnp.float32),
  )

  return pl.kernel(
      body,
      out_type=jax.ShapeDtypeStruct((2 * _NS, C2), jnp.float32),
      mesh=mesh,
      scratch_types=scratch,
      **_SC_PARAMS,
  )


def _make_sc_scatter_kernel(N, DH, WROW, C, SB):
  NSB = C // SB
  NBB = SB // _K
  NGRP = NBB // _GROUP
  NSLICE = N // _NS
  NSUB = 25
  NCHUNK = NSLICE // NSUB

  mesh = plsc.VectorSubcoreMesh(core_axis_name="c", subcore_axis_name="s")

  def body(h2_hbm, src3_hbm, dst4_hbm, exq3_hbm, bias2_hbm, out_hbm,
           srcb, dstb, exsb, nbuf, obuf, bias_v, acc, rows, gsems, ssems):
    c = lax.axis_index("c")
    s = lax.axis_index("s")
    node_base = s * NSLICE
    cN = c * N

    pltpu.sync_copy(bias2_hbm.at[c], bias_v)

    def zero_nbuf(n, carry):
      for j in range(WROW // _L):
        nbuf[n, pl.ds(j * _L, _L)] = jnp.zeros((_L,), jnp.float32)
      return carry
    lax.fori_loop(0, NSUB, zero_nbuf, 0)

    zh = []
    for q in range(NCHUNK):
      zh.append(pltpu.async_copy(
          nbuf, acc.at[pl.ds(node_base + q * NSUB, NSUB)], gsems[0]))
    for h in zh:
      h.wait()

    plsc.subcore_barrier()

    def sb_body(sb, carry):
      h_src = pltpu.async_copy(src3_hbm.at[s, sb], srcb, gsems[0])
      h_dst = pltpu.async_copy(dst4_hbm.at[s, sb], dstb, gsems[1])
      h_ex = pltpu.async_copy(exq3_hbm.at[s, sb], exsb, gsems[2])
      h_src.wait()

      def addc(i, carry2):
        srcb[pl.ds(i * _L, _L)] = srcb[pl.ds(i * _L, _L)] + cN
        return carry2
      lax.fori_loop(0, SB // _L, addc, 0)
      h_dst.wait()
      h_ex.wait()

      def pb_body(g, carry2):
        base = g * _GROUP
        gh = []
        for slot in range(_GROUP):
          gh.append(pltpu.async_copy(
              h2_hbm.at[srcb.at[pl.ds((base + slot) * _K, _K)]],
              rows[slot], gsems[slot]))
        sh = []
        for slot in range(_GROUP):
          b = base + slot
          gh[slot].wait()

          def scale(k, carry3, _slot=slot, _b=b):
            splat = jnp.zeros((_L,), jnp.int32) + (_b * _K + k)
            exs = plsc.load_gather(exsb, [splat])
            for j in range(WROW // _L):
              rows[_slot][k, pl.ds(j * _L, _L)] = (
                  rows[_slot][k, pl.ds(j * _L, _L)] * exs)
            return carry3
          lax.fori_loop(0, _K, scale, 0)
          sh.append(pltpu.async_copy(
              rows[slot], acc.at[dstb.at[b]], ssems[slot], add=True))
        for h in sh:
          h.wait()
        return carry2
      lax.fori_loop(0, NGRP, pb_body, 0)
      return carry
    lax.fori_loop(0, NSB, sb_body, 0)

    plsc.subcore_barrier()

    def norm_chunk(q, carry):
      nb = node_base + q * NSUB
      pltpu.sync_copy(acc.at[pl.ds(nb, NSUB)], nbuf)

      def norm_row(n, carry2):
        den = plsc.load_gather(
            nbuf, [jnp.zeros((_L,), jnp.int32) + n,
                   jnp.full((_L,), DH, jnp.int32)])
        rden = 1.0 / (den + 1e-16)
        for j in range(DH // _L):
          obuf[n, pl.ds(j * _L, _L)] = (
              nbuf[n, pl.ds(j * _L, _L)] * rden + bias_v[pl.ds(j * _L, _L)])
        return carry2
      lax.fori_loop(0, NSUB, norm_row, 0)
      pltpu.sync_copy(obuf, out_hbm.at[pl.ds(nb, NSUB), pl.ds(c * DH, DH)])
      return carry
    lax.fori_loop(0, NCHUNK, norm_chunk, 0)

  scratch = dict(
      srcb=pltpu.VMEM((SB,), jnp.int32),
      dstb=pltpu.VMEM((NBB, _K), jnp.int32),
      exsb=pltpu.VMEM((SB,), jnp.float32),
      nbuf=pltpu.VMEM((NSUB, WROW), jnp.float32),
      obuf=pltpu.VMEM((NSUB, DH), jnp.float32),
      bias_v=pltpu.VMEM((DH,), jnp.float32),
      acc=pltpu.VMEM_SHARED((N, WROW), jnp.float32),
      rows=[pltpu.VMEM((_K, WROW), jnp.float32) for _ in range(_GROUP)],
      gsems=[pltpu.SemaphoreType.DMA for _ in range(_GROUP)],
      ssems=[pltpu.SemaphoreType.DMA for _ in range(_GROUP)],
  )

  return pl.kernel(
      body,
      out_type=jax.ShapeDtypeStruct((N, _NC * DH), jnp.float32),
      mesh=mesh,
      scratch_types=scratch,
      **_SC_PARAMS,
  )


def kernel(x, edge_index, W, att_src, att_dst, bias):
  N, D = x.shape
  E = edge_index.shape[1]
  DH = D // _NC
  WROW = DH + _L
  ET = E + N
  per_tile = -(-ET // _NS)
  C = -(-per_tile // _SB) * _SB
  EP = C * _NS
  NSB = C // _SB
  NBB = _SB // _K

  loop = jnp.arange(N, dtype=jnp.int32)
  pad = jnp.zeros((EP - ET,), jnp.int32)
  src = jnp.concatenate([edge_index[0].astype(jnp.int32), loop, pad])
  dst = jnp.concatenate([edge_index[1].astype(jnp.int32), loop, pad])

  h2, asp, adp = _tc_matmul(x, W, att_src, att_dst, N, D, DH, WROW)
  sc_logits = _make_sc_logits_kernel(N, ET, C)
  exq = sc_logits(src.reshape(2 * _NS, C // 2), dst.reshape(2 * _NS, C // 2),
                  asp, adp)
  sc_scatter = _make_sc_scatter_kernel(N, DH, WROW, C, _SB)
  out2 = sc_scatter(h2, src.reshape(_NS, NSB, _SB),
                    dst.reshape(_NS, NSB, NBB, _K),
                    exq.reshape(_NS, NSB, _SB), bias.reshape(_NC, DH))
  return out2

# --- scband reference (transcript-rebuilt; emitter-appended) ---
"""Pipeline reference for scband-gat-36464272343075 (READ-ONLY COPY).

The authoritative reference and input builder live on the scoring server;
editing this copy changes nothing except your own understanding.
"""

import jax, jax.numpy as jnp
import numpy as np

N = 10000
E = 160000
D = 256


def setup_inputs(seed: int = 0) -> dict:
    key = jax.random.key(seed)
    k1, k2, k3, k4, k5 = jax.random.split(key, 5)
    x = jax.random.normal(k1, (N, D), dtype=jnp.float32)
    edge_index = jax.random.randint(k2, (2, E), 0, N)
    # GATConv(256, 256, heads=1) parameters
    W = jax.random.normal(k3, (D, D), dtype=jnp.float32) * 0.05      # lin.weight [out, in]
    att_src = jax.random.normal(k4, (D,), dtype=jnp.float32) * 0.05  # att_src [1,1,out] squeezed
    att_dst = jax.random.normal(k5, (D,), dtype=jnp.float32) * 0.05  # att_dst [1,1,out] squeezed
    bias = jnp.zeros((D,), dtype=jnp.float32)
    return {"x": x, "edge_index": edge_index, "W": W, "att_src": att_src, "att_dst": att_dst, "bias": bias}


def _gat_conv(x, edge_index, W, att_src, att_dst, bias):
    n = x.shape[0]
    # PyG GATConv adds self loops by default
    loop = jnp.arange(n, dtype=edge_index.dtype)
    src = jnp.concatenate([edge_index[0], loop])
    dst = jnp.concatenate([edge_index[1], loop])
    # linear projection (single head, concat=True)
    h = x @ W.T                                # [N, D]
    a_src = (h * att_src).sum(-1)              # [N]
    a_dst = (h * att_dst).sum(-1)              # [N]
    e = a_src[src] + a_dst[dst]                # [E+N]
    e = jax.nn.leaky_relu(e, negative_slope=0.2)
    # softmax over incoming edges per destination node
    emax = jax.ops.segment_max(e, dst, num_segments=n)
    emax = jax.lax.stop_gradient(emax)
    ex = jnp.exp(e - emax[dst])
    denom = jax.ops.segment_sum(ex, dst, num_segments=n)
    alpha = ex / (denom[dst] + 1e-16)
    out = jax.ops.segment_sum(h[src] * alpha[:, None], dst, num_segments=n)
    return out + bias


def reference(x, edge_index, W, att_src, att_dst, bias):
    # GAT.forward only applies conv1 and returns
    return _gat_conv(x, edge_index, W, att_src, att_dst, bias)

if __name__ == "__main__":
    import jax
    _d = setup_inputs()
    print(jax.jit(kernel)(*tuple(_d.values())))

</pallas_src>

<mosaic_0001>
#map = affine_map<(d0, d1) -> (0, 0)>
#map1 = affine_map<(d0, d1) -> (0, 0, 0)>
#map2 = affine_map<(d0, d1) -> (0, 0, 0, 0)>
module attributes {stable_mosaic.version = 14 : i64} {
  func.func @body(%arg0: i32, %arg1: i32, %arg2: memref<20000x144xf32, #tpu.memory_space<hbm>>, %arg3: memref<16x7x1536xi32, #tpu.memory_space<hbm>>, %arg4: memref<16x7x96x16xi32, #tpu.memory_space<hbm>>, %arg5: memref<16x7x1536xf32, #tpu.memory_space<hbm>>, %arg6: memref<2x128xf32, #tpu.memory_space<hbm>>, %arg7: memref<10000x256xf32, #tpu.memory_space<hbm>>, %arg8: memref<10000x144xf32, #tpu.memory_space<vmem_shared>>, %arg9: memref<128xf32, #tpu.memory_space<vmem>>, %arg10: memref<96x16xi32, #tpu.memory_space<vmem>>, %arg11: memref<1536xf32, #tpu.memory_space<vmem>>, %arg12: memref<!tpu.dma_semaphore, #tpu.memory_space<semaphore_mem>>, %arg13: memref<!tpu.dma_semaphore, #tpu.memory_space<semaphore_mem>>, %arg14: memref<!tpu.dma_semaphore, #tpu.memory_space<semaphore_mem>>, %arg15: memref<!tpu.dma_semaphore, #tpu.memory_space<semaphore_mem>>, %arg16: memref<!tpu.dma_semaphore, #tpu.memory_space<semaphore_mem>>, %arg17: memref<!tpu.dma_semaphore, #tpu.memory_space<semaphore_mem>>, %arg18: memref<!tpu.dma_semaphore, #tpu.memory_space<semaphore_mem>>, %arg19: memref<!tpu.dma_semaphore, #tpu.memory_space<semaphore_mem>>, %arg20: memref<!tpu.dma_semaphore, #tpu.memory_space<semaphore_mem>>, %arg21: memref<!tpu.dma_semaphore, #tpu.memory_space<semaphore_mem>>, %arg22: memref<!tpu.dma_semaphore, #tpu.memory_space<semaphore_mem>>, %arg23: memref<!tpu.dma_semaphore, #tpu.memory_space<semaphore_mem>>, %arg24: memref<25x144xf32, #tpu.memory_space<vmem>>, %arg25: memref<25x128xf32, #tpu.memory_space<vmem>>, %arg26: memref<16x144xf32, #tpu.memory_space<vmem>>, %arg27: memref<16x144xf32, #tpu.memory_space<vmem>>, %arg28: memref<16x144xf32, #tpu.memory_space<vmem>>, %arg29: memref<16x144xf32, #tpu.memory_space<vmem>>, %arg30: memref<16x144xf32, #tpu.memory_space<vmem>>, %arg31: memref<16x144xf32, #tpu.memory_space<vmem>>, %arg32: memref<16x144xf32, #tpu.memory_space<vmem>>, %arg33: memref<16x144xf32, #tpu.memory_space<vmem>>, %arg34: memref<16x144xf32, #tpu.memory_space<vmem>>, %arg35: memref<16x144xf32, #tpu.memory_space<vmem>>, %arg36: memref<16x144xf32, #tpu.memory_space<vmem>>, %arg37: memref<16x144xf32, #tpu.memory_space<vmem>>, %arg38: memref<1536xi32, #tpu.memory_space<vmem>>, %arg39: memref<!tpu.dma_semaphore, #tpu.memory_space<semaphore_mem>>, %arg40: memref<!tpu.dma_semaphore, #tpu.memory_space<semaphore_mem>>, %arg41: memref<!tpu.dma_semaphore, #tpu.memory_space<semaphore_mem>>, %arg42: memref<!tpu.dma_semaphore, #tpu.memory_space<semaphore_mem>>, %arg43: memref<!tpu.dma_semaphore, #tpu.memory_space<semaphore_mem>>, %arg44: memref<!tpu.dma_semaphore, #tpu.memory_space<semaphore_mem>>, %arg45: memref<!tpu.dma_semaphore, #tpu.memory_space<semaphore_mem>>, %arg46: memref<!tpu.dma_semaphore, #tpu.memory_space<semaphore_mem>>, %arg47: memref<!tpu.dma_semaphore, #tpu.memory_space<semaphore_mem>>, %arg48: memref<!tpu.dma_semaphore, #tpu.memory_space<semaphore_mem>>, %arg49: memref<!tpu.dma_semaphore, #tpu.memory_space<semaphore_mem>>, %arg50: memref<!tpu.dma_semaphore, #tpu.memory_space<semaphore_mem>>) attributes {dimension_semantics = [#tpu.dimension_semantics<core_parallel>, #tpu.dimension_semantics<subcore_parallel>], iteration_bounds = array<i64: 2, 16>, scalar_prefetch = 0 : i64, scratch_operands = 43 : i64, tpu.core_type = #tpu.core_type<sc_vector_subcore>, window_params = [{transform_indices = #map}, {transform_indices = #map1}, {transform_indices = #map2}, {transform_indices = #map1}, {transform_indices = #map}, {transform_indices = #map}]} {
    %mul3A = arith.constant 625 : i32
    %mul3A_0 = arith.muli %arg1, %mul3A : i32
    %mul3A_1 = arith.constant 10000 : i32
    %mul3A_2 = arith.muli %arg0, %mul3A_1 : i32
    "tpu.region"() ({
      %run_scoped3A = tpu.sem_alloc : memref<!tpu.dma_semaphore, #tpu.memory_space<semaphore_mem>>
      %dma_start3A_268 = arith.constant 0 : i32
      %dma_start3A_269 = tpu.memref_slice %arg6[%arg0, %dma_start3A_268] : memref<2x128xf32, #tpu.memory_space<hbm>> -> memref<1x128xf32, #tpu.memory_space<hbm>>
      %dma_start3A_270 = tpu.memref_squeeze %dma_start3A_269 : memref<1x128xf32, #tpu.memory_space<hbm>> -> memref<128xf32, #tpu.memory_space<hbm>>
      %dma_start3A_271 = arith.constant 0 : i32
      %dma_start3A_272 = tpu.memref_slice %arg6[%arg0, %dma_start3A_271] : memref<2x128xf32, #tpu.memory_space<hbm>> -> memref<1x128xf32, #tpu.memory_space<hbm>>
      %dma_start3A_273 = tpu.memref_squeeze %dma_start3A_272 : memref<1x128xf32, #tpu.memory_space<hbm>> -> memref<128xf32, #tpu.memory_space<hbm>>
      tpu.enqueue_dma source(%dma_start3A_273 : memref<128xf32, #tpu.memory_space<hbm>>) target(%arg9 : memref<128xf32, #tpu.memory_space<vmem>>) target_semaphore(%run_scoped3A : memref<!tpu.dma_semaphore, #tpu.memory_space<semaphore_mem>>)
      %dma_wait3A_274 = arith.constant 0 : i32
      %dma_wait3A_275 = tpu.memref_slice %arg6[%arg0, %dma_wait3A_274] : memref<2x128xf32, #tpu.memory_space<hbm>> -> memref<1x128xf32, #tpu.memory_space<hbm>>
      %dma_wait3A_276 = tpu.memref_squeeze %dma_wait3A_275 : memref<1x128xf32, #tpu.memory_space<hbm>> -> memref<128xf32, #tpu.memory_space<hbm>>
      %dma_wait3A_277 = arith.constant 0 : i32
      %dma_wait3A_278 = tpu.memref_slice %arg6[%arg0, %dma_wait3A_277] : memref<2x128xf32, #tpu.memory_space<hbm>> -> memref<1x128xf32, #tpu.memory_space<hbm>>
      %dma_wait3A_279 = tpu.memref_squeeze %dma_wait3A_278 : memref<1x128xf32, #tpu.memory_space<hbm>> -> memref<128xf32, #tpu.memory_space<hbm>>
      tpu.wait_dma2 semaphore(%run_scoped3A : memref<!tpu.dma_semaphore, #tpu.memory_space<semaphore_mem>>) src(%dma_wait3A_279 : memref<128xf32, #tpu.memory_space<hbm>>) dst(%arg9 : memref<128xf32, #tpu.memory_space<vmem>>)
      tpu.yield
    }) : () -> ()
    %scan3A = arith.constant 0 : i32
    %scan3A_3 = arith.constant 0 : i32
    %scan3A_4 = arith.constant 25 : i32
    %scan3A_5 = arith.addi %scan3A_3, %scan3A_4 : i32
    %scan3A_6 = arith.constant 1 : i32
    scf.for %scan3A_268 = %scan3A_3 to %scan3A_5 step %scan3A_6  : i32 {
      %broadcast_in_dim3A = arith.constant 0.000000e+00 : f32
      %broadcast_in_dim3A_269 = vector.broadcast %broadcast_in_dim3A : f32 to vector<16xf32>
      %swap3A = arith.index_cast %scan3A_268 : i32 to index
      %swap3A_270 = arith.constant 0 : index
      %swap3A_271 = tpu.vector_load %arg24[%swap3A, %swap3A_270] {strides = array<i32>} : memref<25x144xf32, #tpu.memory_space<vmem>>, vector<16xf32>,
      tpu.vector_store %arg24[%swap3A, %swap3A_270], %broadcast_in_dim3A_269 {strides = array<i32>} : memref<25x144xf32, #tpu.memory_space<vmem>>, vector<16xf32>,
      %broadcast_in_dim3A_272 = arith.constant 0.000000e+00 : f32
      %broadcast_in_dim3A_273 = vector.broadcast %broadcast_in_dim3A_272 : f32 to vector<16xf32>
      %swap3A_274 = arith.index_cast %scan3A_268 : i32 to index
      %swap3A_275 = arith.constant 16 : index
      %swap3A_276 = tpu.vector_load %arg24[%swap3A_274, %swap3A_275] {strides = array<i32>} : memref<25x144xf32, #tpu.memory_space<vmem>>, vector<16xf32>,
      tpu.vector_store %arg24[%swap3A_274, %swap3A_275], %broadcast_in_dim3A_273 {strides = array<i32>} : memref<25x144xf32, #tpu.memory_space<vmem>>, vector<16xf32>,
      %broadcast_in_dim3A_277 = arith.constant 0.000000e+00 : f32
      %broadcast_in_dim3A_278 = vector.broadcast %broadcast_in_dim3A_277 : f32 to vector<16xf32>
      %swap3A_279 = arith.index_cast %scan3A_268 : i32 to index
      %swap3A_280 = arith.constant 32 : index
      %swap3A_281 = tpu.vector_load %arg24[%swap3A_279, %swap3A_280] {strides = array<i32>} : memref<25x144xf32, #tpu.memory_space<vmem>>, vector<16xf32>,
      tpu.vector_store %arg24[%swap3A_279, %swap3A_280], %broadcast_in_dim3A_278 {strides = array<i32>} : memref<25x144xf32, #tpu.memory_space<vmem>>, vector<16xf32>,
      %broadcast_in_dim3A_282 = arith.constant 0.000000e+00 : f32
      %broadcast_in_dim3A_283 = vector.broadcast %broadcast_in_dim3A_282 : f32 to vector<16xf32>
      %swap3A_284 = arith.index_cast %scan3A_268 : i32 to index
      %swap3A_285 = arith.constant 48 : index
      %swap3A_286 = tpu.vector_load %arg24[%swap3A_284, %swap3A_285] {strides = array<i32>} : memref<25x144xf32, #tpu.memory_space<vmem>>, vector<16xf32>,
      tpu.vector_store %arg24[%swap3A_284, %swap3A_285], %broadcast_in_dim3A_283 {strides = array<i32>} : memref<25x144xf32, #tpu.memory_space<vmem>>, vector<16xf32>,
      %broadcast_in_dim3A_287 = arith.constant 0.000000e+00 : f32
      %broadcast_in_dim3A_288 = vector.broadcast %broadcast_in_dim3A_287 : f32 to vector<16xf32>
      %swap3A_289 = arith.index_cast %scan3A_268 : i32 to index
      %swap3A_290 = arith.constant 64 : index
      %swap3A_291 = tpu.vector_load %arg24[%swap3A_289, %swap3A_290] {strides = array<i32>} : memref<25x144xf32, #tpu.memory_space<vmem>>, vector<16xf32>,
      tpu.vector_store %arg24[%swap3A_289, %swap3A_290], %broadcast_in_dim3A_288 {strides = array<i32>} : memref<25x144xf32, #tpu.memory_space<vmem>>, vector<16xf32>,
      %broadcast_in_dim3A_292 = arith.constant 0.000000e+00 : f32
      %broadcast_in_dim3A_293 = vector.broadcast %broadcast_in_dim3A_292 : f32 to vector<16xf32>
      %swap3A_294 = arith.index_cast %scan3A_268 : i32 to index
      %swap3A_295 = arith.constant 80 : index
      %swap3A_296 = tpu.vector_load %arg24[%swap3A_294, %swap3A_295] {strides = array<i32>} : memref<25x144xf32, #tpu.memory_space<vmem>>, vector<16xf32>,
      tpu.vector_store %arg24[%swap3A_294, %swap3A_295], %broadcast_in_dim3A_293 {strides = array<i32>} : memref<25x144xf32, #tpu.memory_space<vmem>>, vector<16xf32>,
      %broadcast_in_dim3A_297 = arith.constant 0.000000e+00 : f32
      %broadcast_in_dim3A_298 = vector.broadcast %broadcast_in_dim3A_297 : f32 to vector<16xf32>
      %swap3A_299 = arith.index_cast %scan3A_268 : i32 to index
      %swap3A_300 = arith.constant 96 : index
      %swap3A_301 = tpu.vector_load %arg24[%swap3A_299, %swap3A_300] {strides = array<i32>} : memref<25x144xf32, #tpu.memory_space<vmem>>, vector<16xf32>,
      tpu.vector_store %arg24[%swap3A_299, %swap3A_300], %broadcast_in_dim3A_298 {strides = array<i32>} : memref<25x144xf32, #tpu.memory_space<vmem>>, vector<16xf32>,
      %broadcast_in_dim3A_302 = arith.constant 0.000000e+00 : f32
      %broadcast_in_dim3A_303 = vector.broadcast %broadcast_in_dim3A_302 : f32 to vector<16xf32>
      %swap3A_304 = arith.index_cast %scan3A_268 : i32 to index
      %swap3A_305 = arith.constant 112 : index
      %swap3A_306 = tpu.vector_load %arg24[%swap3A_304, %swap3A_305] {strides = array<i32>} : memref<25x144xf32, #tpu.memory_space<vmem>>, vector<16xf32>,
      tpu.vector_store %arg24[%swap3A_304, %swap3A_305], %broadcast_in_dim3A_303 {strides = array<i32>} : memref<25x144xf32, #tpu.memory_space<vmem>>, vector<16xf32>,
      %broadcast_in_dim3A_307 = arith.constant 0.000000e+00 : f32
      %broadcast_in_dim3A_308 = vector.broadcast %broadcast_in_dim3A_307 : f32 to vector<16xf32>
      %swap3A_309 = arith.index_cast %scan3A_268 : i32 to index
      %swap3A_310 = arith.constant 128 : index
      %swap3A_311 = tpu.vector_load %arg24[%swap3A_309, %swap3A_310] {strides = array<i32>} : memref<25x144xf32, #tpu.memory_space<vmem>>, vector<16xf32>,
      tpu.vector_store %arg24[%swap3A_309, %swap3A_310], %broadcast_in_dim3A_308 {strides = array<i32>} : memref<25x144xf32, #tpu.memory_space<vmem>>, vector<16xf32>,
    }
    %scan3A_7 = arith.constant 25 : i32
    %add3A = arith.constant 0 : i32
    %add3A_8 = arith.addi %mul3A_0, %add3A : i32
    %dma_start3A = arith.constant 0 : i32
    %dma_start3A_9 = tpu.memref_slice %arg8[%add3A_8, %dma_start3A] : memref<10000x144xf32, #tpu.memory_space<vmem_shared>> -> memref<25x144xf32, #tpu.memory_space<vmem_shared>>
    %dma_start3A_10 = arith.constant 0 : i32
    %dma_start3A_11 = tpu.memref_slice %arg8[%add3A_8, %dma_start3A_10] : memref<10000x144xf32, #tpu.memory_space<vmem_shared>> -> memref<25x144xf32, #tpu.memory_space<vmem_shared>>
    tpu.enqueue_dma source(%arg24 : memref<25x144xf32, #tpu.memory_space<vmem>>) target(%dma_start3A_11 : memref<25x144xf32, #tpu.memory_space<vmem_shared>>) target_semaphore(%arg12 : memref<!tpu.dma_semaphore, #tpu.memory_space<semaphore_mem>>)
    %add3A_12 = arith.constant 25 : i32
    %add3A_13 = arith.addi %mul3A_0, %add3A_12 : i32
    %dma_start3A_14 = arith.constant 0 : i32
    %dma_start3A_15 = tpu.memref_slice %arg8[%add3A_13, %dma_start3A_14] : memref<10000x144xf32, #tpu.memory_space<vmem_shared>> -> memref<25x144xf32, #tpu.memory_space<vmem_shared>>
    %dma_start3A_16 = arith.constant 0 : i32
    %dma_start3A_17 = tpu.memref_slice %arg8[%add3A_13, %dma_start3A_16] : memref<10000x144xf32, #tpu.memory_space<vmem_shared>> -> memref<25x144xf32, #tpu.memory_space<vmem_shared>>
    tpu.enqueue_dma source(%arg24 : memref<25x144xf32, #tpu.memory_space<vmem>>) target(%dma_start3A_17 : memref<25x144xf32, #tpu.memory_space<vmem_shared>>) target_semaphore(%arg12 : memref<!tpu.dma_semaphore, #tpu.memory_space<semaphore_mem>>)
    %add3A_18 = arith.constant 50 : i32
    %add3A_19 = arith.addi %mul3A_0, %add3A_18 : i32
    %dma_start3A_20 = arith.constant 0 : i32
    %dma_start3A_21 = tpu.memref_slice %arg8[%add3A_19, %dma_start3A_20] : memref<10000x144xf32, #tpu.memory_space<vmem_shared>> -> memref<25x144xf32, #tpu.memory_space<vmem_shared>>
    %dma_start3A_22 = arith.constant 0 : i32
    %dma_start3A_23 = tpu.memref_slice %arg8[%add3A_19, %dma_start3A_22] : memref<10000x144xf32, #tpu.memory_space<vmem_shared>> -> memref<25x144xf32, #tpu.memory_space<vmem_shared>>
    tpu.enqueue_dma source(%arg24 : memref<25x144xf32, #tpu.memory_space<vmem>>) target(%dma_start3A_23 : memref<25x144xf32, #tpu.memory_space<vmem_shared>>) target_semaphore(%arg12 : memref<!tpu.dma_semaphore, #tpu.memory_space<semaphore_mem>>)
    %add3A_24 = arith.constant 75 : i32
    %add3A_25 = arith.addi %mul3A_0, %add3A_24 : i32
    %dma_start3A_26 = arith.constant 0 : i32
    %dma_start3A_27 = tpu.memref_slice %arg8[%add3A_25, %dma_start3A_26] : memref<10000x144xf32, #tpu.memory_space<vmem_shared>> -> memref<25x144xf32, #tpu.memory_space<vmem_shared>>
    %dma_start3A_28 = arith.constant 0 : i32
    %dma_start3A_29 = tpu.memref_slice %arg8[%add3A_25, %dma_start3A_28] : memref<10000x144xf32, #tpu.memory_space<vmem_shared>> -> memref<25x144xf32, #tpu.memory_space<vmem_shared>>
    tpu.enqueue_dma source(%arg24 : memref<25x144xf32, #tpu.memory_space<vmem>>) target(%dma_start3A_29 : memref<25x144xf32, #tpu.memory_space<vmem_shared>>) target_semaphore(%arg12 : memref<!tpu.dma_semaphore, #tpu.memory_space<semaphore_mem>>)
    %add3A_30 = arith.constant 100 : i32
    %add3A_31 = arith.addi %mul3A_0, %add3A_30 : i32
    %dma_start3A_32 = arith.constant 0 : i32
    %dma_start3A_33 = tpu.memref_slice %arg8[%add3A_31, %dma_start3A_32] : memref<10000x144xf32, #tpu.memory_space<vmem_shared>> -> memref<25x144xf32, #tpu.memory_space<vmem_shared>>
    %dma_start3A_34 = arith.constant 0 : i32
    %dma_start3A_35 = tpu.memref_slice %arg8[%add3A_31, %dma_start3A_34] : memref<10000x144xf32, #tpu.memory_space<vmem_shared>> -> memref<25x144xf32, #tpu.memory_space<vmem_shared>>
    tpu.enqueue_dma source(%arg24 : memref<25x144xf32, #tpu.memory_space<vmem>>) target(%dma_start3A_35 : memref<25x144xf32, #tpu.memory_space<vmem_shared>>) target_semaphore(%arg12 : memref<!tpu.dma_semaphore, #tpu.memory_space<semaphore_mem>>)
    %add3A_36 = arith.constant 125 : i32
    %add3A_37 = arith.addi %mul3A_0, %add3A_36 : i32
    %dma_start3A_38 = arith.constant 0 : i32
    %dma_start3A_39 = tpu.memref_slice %arg8[%add3A_37, %dma_start3A_38] : memref<10000x144xf32, #tpu.memory_space<vmem_shared>> -> memref<25x144xf32, #tpu.memory_space<vmem_shared>>
    %dma_start3A_40 = arith.constant 0 : i32
    %dma_start3A_41 = tpu.memref_slice %arg8[%add3A_37, %dma_start3A_40] : memref<10000x144xf32, #tpu.memory_space<vmem_shared>> -> memref<25x144xf32, #tpu.memory_space<vmem_shared>>
    tpu.enqueue_dma source(%arg24 : memref<25x144xf32, #tpu.memory_space<vmem>>) target(%dma_start3A_41 : memref<25x144xf32, #tpu.memory_space<vmem_shared>>) target_semaphore(%arg12 : memref<!tpu.dma_semaphore, #tpu.memory_space<semaphore_mem>>)
    %add3A_42 = arith.constant 150 : i32
    %add3A_43 = arith.addi %mul3A_0, %add3A_42 : i32
    %dma_start3A_44 = arith.constant 0 : i32
    %dma_start3A_45 = tpu.memref_slice %arg8[%add3A_43, %dma_start3A_44] : memref<10000x144xf32, #tpu.memory_space<vmem_shared>> -> memref<25x144xf32, #tpu.memory_space<vmem_shared>>
    %dma_start3A_46 = arith.constant 0 : i32
    %dma_start3A_47 = tpu.memref_slice %arg8[%add3A_43, %dma_start3A_46] : memref<10000x144xf32, #tpu.memory_space<vmem_shared>> -> memref<25x144xf32, #tpu.memory_space<vmem_shared>>
    tpu.enqueue_dma source(%arg24 : memref<25x144xf32, #tpu.memory_space<vmem>>) target(%dma_start3A_47 : memref<25x144xf32, #tpu.memory_space<vmem_shared>>) target_semaphore(%arg12 : memref<!tpu.dma_semaphore, #tpu.memory_space<semaphore_mem>>)
    %add3A_48 = arith.constant 175 : i32
    %add3A_49 = arith.addi %mul3A_0, %add3A_48 : i32
    %dma_start3A_50 = arith.constant 0 : i32
    %dma_start3A_51 = tpu.memref_slice %arg8[%add3A_49, %dma_start3A_50] : memref<10000x144xf32, #tpu.memory_space<vmem_shared>> -> memref<25x144xf32, #tpu.memory_space<vmem_shared>>
    %dma_start3A_52 = arith.constant 0 : i32
    %dma_start3A_53 = tpu.memref_slice %arg8[%add3A_49, %dma_start3A_52] : memref<10000x144xf32, #tpu.memory_space<vmem_shared>> -> memref<25x144xf32, #tpu.memory_space<vmem_shared>>
    tpu.enqueue_dma source(%arg24 : memref<25x144xf32, #tpu.memory_space<vmem>>) target(%dma_start3A_53 : memref<25x144xf32, #tpu.memory_space<vmem_shared>>) target_semaphore(%arg12 : memref<!tpu.dma_semaphore, #tpu.memory_space<semaphore_mem>>)
    %add3A_54 = arith.constant 200 : i32
    %add3A_55 = arith.addi %mul3A_0, %add3A_54 : i32
    %dma_start3A_56 = arith.constant 0 : i32
    %dma_start3A_57 = tpu.memref_slice %arg8[%add3A_55, %dma_start3A_56] : memref<10000x144xf32, #tpu.memory_space<vmem_shared>> -> memref<25x144xf32, #tpu.memory_space<vmem_shared>>
    %dma_start3A_58 = arith.constant 0 : i32
    %dma_start3A_59 = tpu.memref_slice %arg8[%add3A_55, %dma_start3A_58] : memref<10000x144xf32, #tpu.memory_space<vmem_shared>> -> memref<25x144xf32, #tpu.memory_space<vmem_shared>>
    tpu.enqueue_dma source(%arg24 : memref<25x144xf32, #tpu.memory_space<vmem>>) target(%dma_start3A_59 : memref<25x144xf32, #tpu.memory_space<vmem_shared>>) target_semaphore(%arg12 : memref<!tpu.dma_semaphore, #tpu.memory_space<semaphore_mem>>)
    %add3A_60 = arith.constant 225 : i32
    %add3A_61 = arith.addi %mul3A_0, %add3A_60 : i32
    %dma_start3A_62 = arith.constant 0 : i32
    %dma_start3A_63 = tpu.memref_slice %arg8[%add3A_61, %dma_start3A_62] : memref<10000x144xf32, #tpu.memory_space<vmem_shared>> -> memref<25x144xf32, #tpu.memory_space<vmem_shared>>
    %dma_start3A_64 = arith.constant 0 : i32
    %dma_start3A_65 = tpu.memref_slice %arg8[%add3A_61, %dma_start3A_64] : memref<10000x144xf32, #tpu.memory_space<vmem_shared>> -> memref<25x144xf32, #tpu.memory_space<vmem_shared>>
    tpu.enqueue_dma source(%arg24 : memref<25x144xf32, #tpu.memory_space<vmem>>) target(%dma_start3A_65 : memref<25x144xf32, #tpu.memory_space<vmem_shared>>) target_semaphore(%arg12 : memref<!tpu.dma_semaphore, #tpu.memory_space<semaphore_mem>>)
    %add3A_66 = arith.constant 250 : i32
    %add3A_67 = arith.addi %mul3A_0, %add3A_66 : i32
    %dma_start3A_68 = arith.constant 0 : i32
    %dma_start3A_69 = tpu.memref_slice %arg8[%add3A_67, %dma_start3A_68] : memref<10000x144xf32, #tpu.memory_space<vmem_shared>> -> memref<25x144xf32, #tpu.memory_space<vmem_shared>>
    %dma_start3A_70 = arith.constant 0 : i32
    %dma_start3A_71 = tpu.memref_slice %arg8[%add3A_67, %dma_start3A_70] : memref<10000x144xf32, #tpu.memory_space<vmem_shared>> -> memref<25x144xf32, #tpu.memory_space<vmem_shared>>
    tpu.enqueue_dma source(%arg24 : memref<25x144xf32, #tpu.memory_space<vmem>>) target(%dma_start3A_71 : memref<25x144xf32, #tpu.memory_space<vmem_shared>>) target_semaphore(%arg12 : memref<!tpu.dma_semaphore, #tpu.memory_space<semaphore_mem>>)
    %add3A_72 = arith.constant 275 : i32
    %add3A_73 = arith.addi %mul3A_0, %add3A_72 : i32
    %dma_start3A_74 = arith.constant 0 : i32
    %dma_start3A_75 = tpu.memref_slice %arg8[%add3A_73, %dma_start3A_74] : memref<10000x144xf32, #tpu.memory_space<vmem_shared>> -> memref<25x144xf32, #tpu.memory_space<vmem_shared>>
    %dma_start3A_76 = arith.constant 0 : i32
    %dma_start3A_77 = tpu.memref_slice %arg8[%add3A_73, %dma_start3A_76] : memref<10000x144xf32, #tpu.memory_space<vmem_shared>> -> memref<25x144xf32, #tpu.memory_space<vmem_shared>>
    tpu.enqueue_dma source(%arg24 : memref<25x144xf32, #tpu.memory_space<vmem>>) target(%dma_start3A_77 : memref<25x144xf32, #tpu.memory_space<vmem_shared>>) target_semaphore(%arg12 : memref<!tpu.dma_semaphore, #tpu.memory_space<semaphore_mem>>)
    %add3A_78 = arith.constant 300 : i32
    %add3A_79 = arith.addi %mul3A_0, %add3A_78 : i32
    %dma_start3A_80 = arith.constant 0 : i32
    %dma_start3A_81 = tpu.memref_slice %arg8[%add3A_79, %dma_start3A_80] : memref<10000x144xf32, #tpu.memory_space<vmem_shared>> -> memref<25x144xf32, #tpu.memory_space<vmem_shared>>
    %dma_start3A_82 = arith.constant 0 : i32
    %dma_start3A_83 = tpu.memref_slice %arg8[%add3A_79, %dma_start3A_82] : memref<10000x144xf32, #tpu.memory_space<vmem_shared>> -> memref<25x144xf32, #tpu.memory_space<vmem_shared>>
    tpu.enqueue_dma source(%arg24 : memref<25x144xf32, #tpu.memory_space<vmem>>) target(%dma_start3A_83 : memref<25x144xf32, #tpu.memory_space<vmem_shared>>) target_semaphore(%arg12 : memref<!tpu.dma_semaphore, #tpu.memory_space<semaphore_mem>>)
    %add3A_84 = arith.constant 325 : i32
    %add3A_85 = arith.addi %mul3A_0, %add3A_84 : i32
    %dma_start3A_86 = arith.constant 0 : i32
    %dma_start3A_87 = tpu.memref_slice %arg8[%add3A_85, %dma_start3A_86] : memref<10000x144xf32, #tpu.memory_space<vmem_shared>> -> memref<25x144xf32, #tpu.memory_space<vmem_shared>>
    %dma_start3A_88 = arith.constant 0 : i32
    %dma_start3A_89 = tpu.memref_slice %arg8[%add3A_85, %dma_start3A_88] : memref<10000x144xf32, #tpu.memory_space<vmem_shared>> -> memref<25x144xf32, #tpu.memory_space<vmem_shared>>
    tpu.enqueue_dma source(%arg24 : memref<25x144xf32, #tpu.memory_space<vmem>>) target(%dma_start3A_89 : memref<25x144xf32, #tpu.memory_space<vmem_shared>>) target_semaphore(%arg12 : memref<!tpu.dma_semaphore, #tpu.memory_space<semaphore_mem>>)
    %add3A_90 = arith.constant 350 : i32
    %add3A_91 = arith.addi %mul3A_0, %add3A_90 : i32
    %dma_start3A_92 = arith.constant 0 : i32
    %dma_start3A_93 = tpu.memref_slice %arg8[%add3A_91, %dma_start3A_92] : memref<10000x144xf32, #tpu.memory_space<vmem_shared>> -> memref<25x144xf32, #tpu.memory_space<vmem_shared>>
    %dma_start3A_94 = arith.constant 0 : i32
    %dma_start3A_95 = tpu.memref_slice %arg8[%add3A_91, %dma_start3A_94] : memref<10000x144xf32, #tpu.memory_space<vmem_shared>> -> memref<25x144xf32, #tpu.memory_space<vmem_shared>>
    tpu.enqueue_dma source(%arg24 : memref<25x144xf32, #tpu.memory_space<vmem>>) target(%dma_start3A_95 : memref<25x144xf32, #tpu.memory_space<vmem_shared>>) target_semaphore(%arg12 : memref<!tpu.dma_semaphore, #tpu.memory_space<semaphore_mem>>)
    %add3A_96 = arith.constant 375 : i32
    %add3A_97 = arith.addi %mul3A_0, %add3A_96 : i32
    %dma_start3A_98 = arith.constant 0 : i32
    %dma_start3A_99 = tpu.memref_slice %arg8[%add3A_97, %dma_start3A_98] : memref<10000x144xf32, #tpu.memory_space<vmem_shared>> -> memref<25x144xf32, #tpu.memory_space<vmem_shared>>
    %dma_start3A_100 = arith.constant 0 : i32
    %dma_start3A_101 = tpu.memref_slice %arg8[%add3A_97, %dma_start3A_100] : memref<10000x144xf32, #tpu.memory_space<vmem_shared>> -> memref<25x144xf32, #tpu.memory_space<vmem_shared>>
    tpu.enqueue_dma source(%arg24 : memref<25x144xf32, #tpu.memory_space<vmem>>) target(%dma_start3A_101 : memref<25x144xf32, #tpu.memory_space<vmem_shared>>) target_semaphore(%arg12 : memref<!tpu.dma_semaphore, #tpu.memory_space<semaphore_mem>>)
    %add3A_102 = arith.constant 400 : i32
    %add3A_103 = arith.addi %mul3A_0, %add3A_102 : i32
    %dma_start3A_104 = arith.constant 0 : i32
    %dma_start3A_105 = tpu.memref_slice %arg8[%add3A_103, %dma_start3A_104] : memref<10000x144xf32, #tpu.memory_space<vmem_shared>> -> memref<25x144xf32, #tpu.memory_space<vmem_shared>>
    %dma_start3A_106 = arith.constant 0 : i32
    %dma_start3A_107 = tpu.memref_slice %arg8[%add3A_103, %dma_start3A_106] : memref<10000x144xf32, #tpu.memory_space<vmem_shared>> -> memref<25x144xf32, #tpu.memory_space<vmem_shared>>
    tpu.enqueue_dma source(%arg24 : memref<25x144xf32, #tpu.memory_space<vmem>>) target(%dma_start3A_107 : memref<25x144xf32, #tpu.memory_space<vmem_shared>>) target_semaphore(%arg12 : memref<!tpu.dma_semaphore, #tpu.memory_space<semaphore_mem>>)
    %add3A_108 = arith.constant 425 : i32
    %add3A_109 = arith.addi %mul3A_0, %add3A_108 : i32
    %dma_start3A_110 = arith.constant 0 : i32
    %dma_start3A_111 = tpu.memref_slice %arg8[%add3A_109, %dma_start3A_110] : memref<10000x144xf32, #tpu.memory_space<vmem_shared>> -> memref<25x144xf32, #tpu.memory_space<vmem_shared>>
    %dma_start3A_112 = arith.constant 0 : i32
    %dma_start3A_113 = tpu.memref_slice %arg8[%add3A_109, %dma_start3A_112] : memref<10000x144xf32, #tpu.memory_space<vmem_shared>> -> memref<25x144xf32, #tpu.memory_space<vmem_shared>>
    tpu.enqueue_dma source(%arg24 : memref<25x144xf32, #tpu.memory_space<vmem>>) target(%dma_start3A_113 : memref<25x144xf32, #tpu.memory_space<vmem_shared>>) target_semaphore(%arg12 : memref<!tpu.dma_semaphore, #tpu.memory_space<semaphore_mem>>)
    %add3A_114 = arith.constant 450 : i32
    %add3A_115 = arith.addi %mul3A_0, %add3A_114 : i32
    %dma_start3A_116 = arith.constant 0 : i32
    %dma_start3A_117 = tpu.memref_slice %arg8[%add3A_115, %dma_start3A_116] : memref<10000x144xf32, #tpu.memory_space<vmem_shared>> -> memref<25x144xf32, #tpu.memory_space<vmem_shared>>
    %dma_start3A_118 = arith.constant 0 : i32
    %dma_start3A_119 = tpu.memref_slice %arg8[%add3A_115, %dma_start3A_118] : memref<10000x144xf32, #tpu.memory_space<vmem_shared>> -> memref<25x144xf32, #tpu.memory_space<vmem_shared>>
    tpu.enqueue_dma source(%arg24 : memref<25x144xf32, #tpu.memory_space<vmem>>) target(%dma_start3A_119 : memref<25x144xf32, #tpu.memory_space<vmem_shared>>) target_semaphore(%arg12 : memref<!tpu.dma_semaphore, #tpu.memory_space<semaphore_mem>>)
    %add3A_120 = arith.constant 475 : i32
    %add3A_121 = arith.addi %mul3A_0, %add3A_120 : i32
    %dma_start3A_122 = arith.constant 0 : i32
    %dma_start3A_123 = tpu.memref_slice %arg8[%add3A_121, %dma_start3A_122] : memref<10000x144xf32, #tpu.memory_space<vmem_shared>> -> memref<25x144xf32, #tpu.memory_space<vmem_shared>>
    %dma_start3A_124 = arith.constant 0 : i32
    %dma_start3A_125 = tpu.memref_slice %arg8[%add3A_121, %dma_start3A_124] : memref<10000x144xf32, #tpu.memory_space<vmem_shared>> -> memref<25x144xf32, #tpu.memory_space<vmem_shared>>
    tpu.enqueue_dma source(%arg24 : memref<25x144xf32, #tpu.memory_space<vmem>>) target(%dma_start3A_125 : memref<25x144xf32, #tpu.memory_space<vmem_shared>>) target_semaphore(%arg12 : memref<!tpu.dma_semaphore, #tpu.memory_space<semaphore_mem>>)
    %add3A_126 = arith.constant 500 : i32
    %add3A_127 = arith.addi %mul3A_0, %add3A_126 : i32
    %dma_start3A_128 = arith.constant 0 : i32
    %dma_start3A_129 = tpu.memref_slice %arg8[%add3A_127, %dma_start3A_128] : memref<10000x144xf32, #tpu.memory_space<vmem_shared>> -> memref<25x144xf32, #tpu.memory_space<vmem_shared>>
    %dma_start3A_130 = arith.constant 0 : i32
    %dma_start3A_131 = tpu.memref_slice %arg8[%add3A_127, %dma_start3A_130] : memref<10000x144xf32, #tpu.memory_space<vmem_shared>> -> memref<25x144xf32, #tpu.memory_space<vmem_shared>>
    tpu.enqueue_dma source(%arg24 : memref<25x144xf32, #tpu.memory_space<vmem>>) target(%dma_start3A_131 : memref<25x144xf32, #tpu.memory_space<vmem_shared>>) target_semaphore(%arg12 : memref<!tpu.dma_semaphore, #tpu.memory_space<semaphore_mem>>)
    %add3A_132 = arith.constant 525 : i32
    %add3A_133 = arith.addi %mul3A_0, %add3A_132 : i32
    %dma_start3A_134 = arith.constant 0 : i32
    %dma_start3A_135 = tpu.memref_slice %arg8[%add3A_133, %dma_start3A_134] : memref<10000x144xf32, #tpu.memory_space<vmem_shared>> -> memref<25x144xf32, #tpu.memory_space<vmem_shared>>
    %dma_start3A_136 = arith.constant 0 : i32
    %dma_start3A_137 = tpu.memref_slice %arg8[%add3A_133, %dma_start3A_136] : memref<10000x144xf32, #tpu.memory_space<vmem_shared>> -> memref<25x144xf32, #tpu.memory_space<vmem_shared>>
    tpu.enqueue_dma source(%arg24 : memref<25x144xf32, #tpu.memory_space<vmem>>) target(%dma_start3A_137 : memref<25x144xf32, #tpu.memory_space<vmem_shared>>) target_semaphore(%arg12 : memref<!tpu.dma_semaphore, #tpu.memory_space<semaphore_mem>>)
    %add3A_138 = arith.constant 550 : i32
    %add3A_139 = arith.addi %mul3A_0, %add3A_138 : i32
    %dma_start3A_140 = arith.constant 0 : i32
    %dma_start3A_141 = tpu.memref_slice %arg8[%add3A_139, %dma_start3A_140] : memref<10000x144xf32, #tpu.memory_space<vmem_shared>> -> memref<25x144xf32, #tpu.memory_space<vmem_shared>>
    %dma_start3A_142 = arith.constant 0 : i32
    %dma_start3A_143 = tpu.memref_slice %arg8[%add3A_139, %dma_start3A_142] : memref<10000x144xf32, #tpu.memory_space<vmem_shared>> -> memref<25x144xf32, #tpu.memory_space<vmem_shared>>
    tpu.enqueue_dma source(%arg24 : memref<25x144xf32, #tpu.memory_space<vmem>>) target(%dma_start3A_143 : memref<25x144xf32, #tpu.memory_space<vmem_shared>>) target_semaphore(%arg12 : memref<!tpu.dma_semaphore, #tpu.memory_space<semaphore_mem>>)
    %add3A_144 = arith.constant 575 : i32
    %add3A_145 = arith.addi %mul3A_0, %add3A_144 : i32
    %dma_start3A_146 = arith.constant 0 : i32
    %dma_start3A_147 = tpu.memref_slice %arg8[%add3A_145, %dma_start3A_146] : memref<10000x144xf32, #tpu.memory_space<vmem_shared>> -> memref<25x144xf32, #tpu.memory_space<vmem_shared>>
    %dma_start3A_148 = arith.constant 0 : i32
    %dma_start3A_149 = tpu.memref_slice %arg8[%add3A_145, %dma_start3A_148] : memref<10000x144xf32, #tpu.memory_space<vmem_shared>> -> memref<25x144xf32, #tpu.memory_space<vmem_shared>>
    tpu.enqueue_dma source(%arg24 : memref<25x144xf32, #tpu.memory_space<vmem>>) target(%dma_start3A_149 : memref<25x144xf32, #tpu.memory_space<vmem_shared>>) target_semaphore(%arg12 : memref<!tpu.dma_semaphore, #tpu.memory_space<semaphore_mem>>)
    %add3A_150 = arith.constant 600 : i32
    %add3A_151 = arith.addi %mul3A_0, %add3A_150 : i32
    %dma_start3A_152 = arith.constant 0 : i32
    %dma_start3A_153 = tpu.memref_slice %arg8[%add3A_151, %dma_start3A_152] : memref<10000x144xf32, #tpu.memory_space<vmem_shared>> -> memref<25x144xf32, #tpu.memory_space<vmem_shared>>
    %dma_start3A_154 = arith.constant 0 : i32
    %dma_start3A_155 = tpu.memref_slice %arg8[%add3A_151, %dma_start3A_154] : memref<10000x144xf32, #tpu.memory_space<vmem_shared>> -> memref<25x144xf32, #tpu.memory_space<vmem_shared>>
    tpu.enqueue_dma source(%arg24 : memref<25x144xf32, #tpu.memory_space<vmem>>) target(%dma_start3A_155 : memref<25x144xf32, #tpu.memory_space<vmem_shared>>) target_semaphore(%arg12 : memref<!tpu.dma_semaphore, #tpu.memory_space<semaphore_mem>>)
    %dma_wait3A = arith.constant 0 : i32
    %dma_wait3A_156 = tpu.memref_slice %arg8[%add3A_8, %dma_wait3A] : memref<10000x144xf32, #tpu.memory_space<vmem_shared>> -> memref<25x144xf32, #tpu.memory_space<vmem_shared>>
    %dma_wait3A_157 = arith.constant 0 : i32
    %dma_wait3A_158 = tpu.memref_slice %arg8[%add3A_8, %dma_wait3A_157] : memref<10000x144xf32, #tpu.memory_space<vmem_shared>> -> memref<25x144xf32, #tpu.memory_space<vmem_shared>>
    tpu.wait_dma2 semaphore(%arg12 : memref<!tpu.dma_semaphore, #tpu.memory_space<semaphore_mem>>) src(%arg24 : memref<25x144xf32, #tpu.memory_space<vmem>>) dst(%dma_wait3A_158 : memref<25x144xf32, #tpu.memory_space<vmem_shared>>)
    %dma_wait3A_159 = arith.constant 0 : i32
    %dma_wait3A_160 = tpu.memref_slice %arg8[%add3A_13, %dma_wait3A_159] : memref<10000x144xf32, #tpu.memory_space<vmem_shared>> -> memref<25x144xf32, #tpu.memory_space<vmem_shared>>
    %dma_wait3A_161 = arith.constant 0 : i32
    %dma_wait3A_162 = tpu.memref_slice %arg8[%add3A_13, %dma_wait3A_161] : memref<10000x144xf32, #tpu.memory_space<vmem_shared>> -> memref<25x144xf32, #tpu.memory_space<vmem_shared>>
    tpu.wait_dma2 semaphore(%arg12 : memref<!tpu.dma_semaphore, #tpu.memory_space<semaphore_mem>>) src(%arg24 : memref<25x144xf32, #tpu.memory_space<vmem>>) dst(%dma_wait3A_162 : memref<25x144xf32, #tpu.memory_space<vmem_shared>>)
    %dma_wait3A_163 = arith.constant 0 : i32
    %dma_wait3A_164 = tpu.memref_slice %arg8[%add3A_19, %dma_wait3A_163] : memref<10000x144xf32, #tpu.memory_space<vmem_shared>> -> memref<25x144xf32, #tpu.memory_space<vmem_shared>>
    %dma_wait3A_165 = arith.constant 0 : i32
    %dma_wait3A_166 = tpu.memref_slice %arg8[%add3A_19, %dma_wait3A_165] : memref<10000x144xf32, #tpu.memory_space<vmem_shared>> -> memref<25x144xf32, #tpu.memory_space<vmem_shared>>
    tpu.wait_dma2 semaphore(%arg12 : memref<!tpu.dma_semaphore, #tpu.memory_space<semaphore_mem>>) src(%arg24 : memref<25x144xf32, #tpu.memory_space<vmem>>) dst(%dma_wait3A_166 : memref<25x144xf32, #tpu.memory_space<vmem_shared>>)
    %dma_wait3A_167 = arith.constant 0 : i32
    %dma_wait3A_168 = tpu.memref_slice %arg8[%add3A_25, %dma_wait3A_167] : memref<10000x144xf32, #tpu.memory_space<vmem_shared>> -> memref<25x144xf32, #tpu.memory_space<vmem_shared>>
    %dma_wait3A_169 = arith.constant 0 : i32
    %dma_wait3A_170 = tpu.memref_slice %arg8[%add3A_25, %dma_wait3A_169] : memref<10000x144xf32, #tpu.memory_space<vmem_shared>> -> memref<25x144xf32, #tpu.memory_space<vmem_shared>>
    tpu.wait_dma2 semaphore(%arg12 : memref<!tpu.dma_semaphore, #tpu.memory_space<semaphore_mem>>) src(%arg24 : memref<25x144xf32, #tpu.memory_space<vmem>>) dst(%dma_wait3A_170 : memref<25x144xf32, #tpu.memory_space<vmem_shared>>)
    %dma_wait3A_171 = arith.constant 0 : i32
    %dma_wait3A_172 = tpu.memref_slice %arg8[%add3A_31, %dma_wait3A_171] : memref<10000x144xf32, #tpu.memory_space<vmem_shared>> -> memref<25x144xf32, #tpu.memory_space<vmem_shared>>
    %dma_wait3A_173 = arith.constant 0 : i32
    %dma_wait3A_174 = tpu.memref_slice %arg8[%add3A_31, %dma_wait3A_173] : memref<10000x144xf32, #tpu.memory_space<vmem_shared>> -> memref<25x144xf32, #tpu.memory_space<vmem_shared>>
    tpu.wait_dma2 semaphore(%arg12 : memref<!tpu.dma_semaphore, #tpu.memory_space<semaphore_mem>>) src(%arg24 : memref<25x144xf32, #tpu.memory_space<vmem>>) dst(%dma_wait3A_174 : memref<25x144xf32, #tpu.memory_space<vmem_shared>>)
    %dma_wait3A_175 = arith.constant 0 : i32
    %dma_wait3A_176 = tpu.memref_slice %arg8[%add3A_37, %dma_wait3A_175] : memref<10000x144xf32, #tpu.memory_space<vmem_shared>> -> memref<25x144xf32, #tpu.memory_space<vmem_shared>>
    %dma_wait3A_177 = arith.constant 0 : i32
    %dma_wait3A_178 = tpu.memref_slice %arg8[%add3A_37, %dma_wait3A_177] : memref<10000x144xf32, #tpu.memory_space<vmem_shared>> -> memref<25x144xf32, #tpu.memory_space<vmem_shared>>
    tpu.wait_dma2 semaphore(%arg12 : memref<!tpu.dma_semaphore, #tpu.memory_space<semaphore_mem>>) src(%arg24 : memref<25x144xf32, #tpu.memory_space<vmem>>) dst(%dma_wait3A_178 : memref<25x144xf32, #tpu.memory_space<vmem_shared>>)
    %dma_wait3A_179 = arith.constant 0 : i32
    %dma_wait3A_180 = tpu.memref_slice %arg8[%add3A_43, %dma_wait3A_179] : memref<10000x144xf32, #tpu.memory_space<vmem_shared>> -> memref<25x144xf32, #tpu.memory_space<vmem_shared>>
    %dma_wait3A_181 = arith.constant 0 : i32
    %dma_wait3A_182 = tpu.memref_slice %arg8[%add3A_43, %dma_wait3A_181] : memref<10000x144xf32, #tpu.memory_space<vmem_shared>> -> memref<25x144xf32, #tpu.memory_space<vmem_shared>>
    tpu.wait_dma2 semaphore(%arg12 : memref<!tpu.dma_semaphore, #tpu.memory_space<semaphore_mem>>) src(%arg24 : memref<25x144xf32, #tpu.memory_space<vmem>>) dst(%dma_wait3A_182 : memref<25x144xf32, #tpu.memory_space<vmem_shared>>)
    %dma_wait3A_183 = arith.constant 0 : i32
    %dma_wait3A_184 = tpu.memref_slice %arg8[%add3A_49, %dma_wait3A_183] : memref<10000x144xf32, #tpu.memory_space<vmem_shared>> -> memref<25x144xf32, #tpu.memory_space<vmem_shared>>
    %dma_wait3A_185 = arith.constant 0 : i32
    %dma_wait3A_186 = tpu.memref_slice %arg8[%add3A_49, %dma_wait3A_185] : memref<10000x144xf32, #tpu.memory_space<vmem_shared>> -> memref<25x144xf32, #tpu.memory_space<vmem_shared>>
    tpu.wait_dma2 semaphore(%arg12 : memref<!tpu.dma_semaphore, #tpu.memory_space<semaphore_mem>>) src(%arg24 : memref<25x144xf32, #tpu.memory_space<vmem>>) dst(%dma_wait3A_186 : memref<25x144xf32, #tpu.memory_space<vmem_shared>>)
    %dma_wait3A_187 = arith.constant 0 : i32
    %dma_wait3A_188 = tpu.memref_slice %arg8[%add3A_55, %dma_wait3A_187] : memref<10000x144xf32, #tpu.memory_space<vmem_shared>> -> memref<25x144xf32, #tpu.memory_space<vmem_shared>>
    %dma_wait3A_189 = arith.constant 0 : i32
    %dma_wait3A_190 = tpu.memref_slice %arg8[%add3A_55, %dma_wait3A_189] : memref<10000x144xf32, #tpu.memory_space<vmem_shared>> -> memref<25x144xf32, #tpu.memory_space<vmem_shared>>
    tpu.wait_dma2 semaphore(%arg12 : memref<!tpu.dma_semaphore, #tpu.memory_space<semaphore_mem>>) src(%arg24 : memref<25x144xf32, #tpu.memory_space<vmem>>) dst(%dma_wait3A_190 : memref<25x144xf32, #tpu.memory_space<vmem_shared>>)
    %dma_wait3A_191 = arith.constant 0 : i32
    %dma_wait3A_192 = tpu.memref_slice %arg8[%add3A_61, %dma_wait3A_191] : memref<10000x144xf32, #tpu.memory_space<vmem_shared>> -> memref<25x144xf32, #tpu.memory_space<vmem_shared>>
    %dma_wait3A_193 = arith.constant 0 : i32
    %dma_wait3A_194 = tpu.memref_slice %arg8[%add3A_61, %dma_wait3A_193] : memref<10000x144xf32, #tpu.memory_space<vmem_shared>> -> memref<25x144xf32, #tpu.memory_space<vmem_shared>>
    tpu.wait_dma2 semaphore(%arg12 : memref<!tpu.dma_semaphore, #tpu.memory_space<semaphore_mem>>) src(%arg24 : memref<25x144xf32, #tpu.memory_space<vmem>>) dst(%dma_wait3A_194 : memref<25x144xf32, #tpu.memory_space<vmem_shared>>)
    %dma_wait3A_195 = arith.constant 0 : i32
    %dma_wait3A_196 = tpu.memref_slice %arg8[%add3A_67, %dma_wait3A_195] : memref<10000x144xf32, #tpu.memory_space<vmem_shared>> -> memref<25x144xf32, #tpu.memory_space<vmem_shared>>
    %dma_wait3A_197 = arith.constant 0 : i32
    %dma_wait3A_198 = tpu.memref_slice %arg8[%add3A_67, %dma_wait3A_197] : memref<10000x144xf32, #tpu.memory_space<vmem_shared>> -> memref<25x144xf32, #tpu.memory_space<vmem_shared>>
    tpu.wait_dma2 semaphore(%arg12 : memref<!tpu.dma_semaphore, #tpu.memory_space<semaphore_mem>>) src(%arg24 : memref<25x144xf32, #tpu.memory_space<vmem>>) dst(%dma_wait3A_198 : memref<25x144xf32, #tpu.memory_space<vmem_shared>>)
    %dma_wait3A_199 = arith.constant 0 : i32
    %dma_wait3A_200 = tpu.memref_slice %arg8[%add3A_73, %dma_wait3A_199] : memref<10000x144xf32, #tpu.memory_space<vmem_shared>> -> memref<25x144xf32, #tpu.memory_space<vmem_shared>>
    %dma_wait3A_201 = arith.constant 0 : i32
    %dma_wait3A_202 = tpu.memref_slice %arg8[%add3A_73, %dma_wait3A_201] : memref<10000x144xf32, #tpu.memory_space<vmem_shared>> -> memref<25x144xf32, #tpu.memory_space<vmem_shared>>
    tpu.wait_dma2 semaphore(%arg12 : memref<!tpu.dma_semaphore, #tpu.memory_space<semaphore_mem>>) src(%arg24 : memref<25x144xf32, #tpu.memory_space<vmem>>) dst(%dma_wait3A_202 : memref<25x144xf32, #tpu.memory_space<vmem_shared>>)
    %dma_wait3A_203 = arith.constant 0 : i32
    %dma_wait3A_204 = tpu.memref_slice %arg8[%add3A_79, %dma_wait3A_203] : memref<10000x144xf32, #tpu.memory_space<vmem_shared>> -> memref<25x144xf32, #tpu.memory_space<vmem_shared>>
    %dma_wait3A_205 = arith.constant 0 : i32
    %dma_wait3A_206 = tpu.memref_slice %arg8[%add3A_79, %dma_wait3A_205] : memref<10000x144xf32, #tpu.memory_space<vmem_shared>> -> memref<25x144xf32, #tpu.memory_space<vmem_shared>>
    tpu.wait_dma2 semaphore(%arg12 : memref<!tpu.dma_semaphore, #tpu.memory_space<semaphore_mem>>) src(%arg24 : memref<25x144xf32, #tpu.memory_space<vmem>>) dst(%dma_wait3A_206 : memref<25x144xf32, #tpu.memory_space<vmem_shared>>)
    %dma_wait3A_207 = arith.constant 0 : i32
    %dma_wait3A_208 = tpu.memref_slice %arg8[%add3A_85, %dma_wait3A_207] : memref<10000x144xf32, #tpu.memory_space<vmem_shared>> -> memref<25x144xf32, #tpu.memory_space<vmem_shared>>
    %dma_wait3A_209 = arith.constant 0 : i32
    %dma_wait3A_210 = tpu.memref_slice %arg8[%add3A_85, %dma_wait3A_209] : memref<10000x144xf32, #tpu.memory_space<vmem_shared>> -> memref<25x144xf32, #tpu.memory_space<vmem_shared>>
    tpu.wait_dma2 semaphore(%arg12 : memref<!tpu.dma_semaphore, #tpu.memory_space<semaphore_mem>>) src(%arg24 : memref<25x144xf32, #tpu.memory_space<vmem>>) dst(%dma_wait3A_210 : memref<25x144xf32, #tpu.memory_space<vmem_shared>>)
    %dma_wait3A_211 = arith.constant 0 : i32
    %dma_wait3A_212 = tpu.memref_slice %arg8[%add3A_91, %dma_wait3A_211] : memref<10000x144xf32, #tpu.memory_space<vmem_shared>> -> memref<25x144xf32, #tpu.memory_space<vmem_shared>>
    %dma_wait3A_213 = arith.constant 0 : i32
    %dma_wait3A_214 = tpu.memref_slice %arg8[%add3A_91, %dma_wait3A_213] : memref<10000x144xf32, #tpu.memory_space<vmem_shared>> -> memref<25x144xf32, #tpu.memory_space<vmem_shared>>
    tpu.wait_dma2 semaphore(%arg12 : memref<!tpu.dma_semaphore, #tpu.memory_space<semaphore_mem>>) src(%arg24 : memref<25x144xf32, #tpu.memory_space<vmem>>) dst(%dma_wait3A_214 : memref<25x144xf32, #tpu.memory_space<vmem_shared>>)
    %dma_wait3A_215 = arith.constant 0 : i32
    %dma_wait3A_216 = tpu.memref_slice %arg8[%add3A_97, %dma_wait3A_215] : memref<10000x144xf32, #tpu.memory_space<vmem_shared>> -> memref<25x144xf32, #tpu.memory_space<vmem_shared>>
    %dma_wait3A_217 = arith.constant 0 : i32
    %dma_wait3A_218 = tpu.memref_slice %arg8[%add3A_97, %dma_wait3A_217] : memref<10000x144xf32, #tpu.memory_space<vmem_shared>> -> memref<25x144xf32, #tpu.memory_space<vmem_shared>>
    tpu.wait_dma2 semaphore(%arg12 : memref<!tpu.dma_semaphore, #tpu.memory_space<semaphore_mem>>) src(%arg24 : memref<25x144xf32, #tpu.memory_space<vmem>>) dst(%dma_wait3A_218 : memref<25x144xf32, #tpu.memory_space<vmem_shared>>)
    %dma_wait3A_219 = arith.constant 0 : i32
    %dma_wait3A_220 = tpu.memref_slice %arg8[%add3A_103, %dma_wait3A_219] : memref<10000x144xf32, #tpu.memory_space<vmem_shared>> -> memref<25x144xf32, #tpu.memory_space<vmem_shared>>
    %dma_wait3A_221 = arith.constant 0 : i32
    %dma_wait3A_222 = tpu.memref_slice %arg8[%add3A_103, %dma_wait3A_221] : memref<10000x144xf32, #tpu.memory_space<vmem_shared>> -> memref<25x144xf32, #tpu.memory_space<vmem_shared>>
    tpu.wait_dma2 semaphore(%arg12 : memref<!tpu.dma_semaphore, #tpu.memory_space<semaphore_mem>>) src(%arg24 : memref<25x144xf32, #tpu.memory_space<vmem>>) dst(%dma_wait3A_222 : memref<25x144xf32, #tpu.memory_space<vmem_shared>>)
    %dma_wait3A_223 = arith.constant 0 : i32
    %dma_wait3A_224 = tpu.memref_slice %arg8[%add3A_109, %dma_wait3A_223] : memref<10000x144xf32, #tpu.memory_space<vmem_shared>> -> memref<25x144xf32, #tpu.memory_space<vmem_shared>>
    %dma_wait3A_225 = arith.constant 0 : i32
    %dma_wait3A_226 = tpu.memref_slice %arg8[%add3A_109, %dma_wait3A_225] : memref<10000x144xf32, #tpu.memory_space<vmem_shared>> -> memref<25x144xf32, #tpu.memory_space<vmem_shared>>
    tpu.wait_dma2 semaphore(%arg12 : memref<!tpu.dma_semaphore, #tpu.memory_space<semaphore_mem>>) src(%arg24 : memref<25x144xf32, #tpu.memory_space<vmem>>) dst(%dma_wait3A_226 : memref<25x144xf32, #tpu.memory_space<vmem_shared>>)
    %dma_wait3A_227 = arith.constant 0 : i32
    %dma_wait3A_228 = tpu.memref_slice %arg8[%add3A_115, %dma_wait3A_227] : memref<10000x144xf32, #tpu.memory_space<vmem_shared>> -> memref<25x144xf32, #tpu.memory_space<vmem_shared>>
    %dma_wait3A_229 = arith.constant 0 : i32
    %dma_wait3A_230 = tpu.memref_slice %arg8[%add3A_115, %dma_wait3A_229] : memref<10000x144xf32, #tpu.memory_space<vmem_shared>> -> memref<25x144xf32, #tpu.memory_space<vmem_shared>>
    tpu.wait_dma2 semaphore(%arg12 : memref<!tpu.dma_semaphore, #tpu.memory_space<semaphore_mem>>) src(%arg24 : memref<25x144xf32, #tpu.memory_space<vmem>>) dst(%dma_wait3A_230 : memref<25x144xf32, #tpu.memory_space<vmem_shared>>)
    %dma_wait3A_231 = arith.constant 0 : i32
    %dma_wait3A_232 = tpu.memref_slice %arg8[%add3A_121, %dma_wait3A_231] : memref<10000x144xf32, #tpu.memory_space<vmem_shared>> -> memref<25x144xf32, #tpu.memory_space<vmem_shared>>
    %dma_wait3A_233 = arith.constant 0 : i32
    %dma_wait3A_234 = tpu.memref_slice %arg8[%add3A_121, %dma_wait3A_233] : memref<10000x144xf32, #tpu.memory_space<vmem_shared>> -> memref<25x144xf32, #tpu.memory_space<vmem_shared>>
    tpu.wait_dma2 semaphore(%arg12 : memref<!tpu.dma_semaphore, #tpu.memory_space<semaphore_mem>>) src(%arg24 : memref<25x144xf32, #tpu.memory_space<vmem>>) dst(%dma_wait3A_234 : memref<25x144xf32, #tpu.memory_space<vmem_shared>>)
    %dma_wait3A_235 = arith.constant 0 : i32
    %dma_wait3A_236 = tpu.memref_slice %arg8[%add3A_127, %dma_wait3A_235] : memref<10000x144xf32, #tpu.memory_space<vmem_shared>> -> memref<25x144xf32, #tpu.memory_space<vmem_shared>>
    %dma_wait3A_237 = arith.constant 0 : i32
    %dma_wait3A_238 = tpu.memref_slice %arg8[%add3A_127, %dma_wait3A_237] : memref<10000x144xf32, #tpu.memory_space<vmem_shared>> -> memref<25x144xf32, #tpu.memory_space<vmem_shared>>
    tpu.wait_dma2 semaphore(%arg12 : memref<!tpu.dma_semaphore, #tpu.memory_space<semaphore_mem>>) src(%arg24 : memref<25x144xf32, #tpu.memory_space<vmem>>) dst(%dma_wait3A_238 : memref<25x144xf32, #tpu.memory_space<vmem_shared>>)
    %dma_wait3A_239 = arith.constant 0 : i32
    %dma_wait3A_240 = tpu.memref_slice %arg8[%add3A_133, %dma_wait3A_239] : memref<10000x144xf32, #tpu.memory_space<vmem_shared>> -> memref<25x144xf32, #tpu.memory_space<vmem_shared>>
    %dma_wait3A_241 = arith.constant 0 : i32
    %dma_wait3A_242 = tpu.memref_slice %arg8[%add3A_133, %dma_wait3A_241] : memref<10000x144xf32, #tpu.memory_space<vmem_shared>> -> memref<25x144xf32, #tpu.memory_space<vmem_shared>>
    tpu.wait_dma2 semaphore(%arg12 : memref<!tpu.dma_semaphore, #tpu.memory_space<semaphore_mem>>) src(%arg24 : memref<25x144xf32, #tpu.memory_space<vmem>>) dst(%dma_wait3A_242 : memref<25x144xf32, #tpu.memory_space<vmem_shared>>)
    %dma_wait3A_243 = arith.constant 0 : i32
    %dma_wait3A_244 = tpu.memref_slice %arg8[%add3A_139, %dma_wait3A_243] : memref<10000x144xf32, #tpu.memory_space<vmem_shared>> -> memref<25x144xf32, #tpu.memory_space<vmem_shared>>
    %dma_wait3A_245 = arith.constant 0 : i32
    %dma_wait3A_246 = tpu.memref_slice %arg8[%add3A_139, %dma_wait3A_245] : memref<10000x144xf32, #tpu.memory_space<vmem_shared>> -> memref<25x144xf32, #tpu.memory_space<vmem_shared>>
    tpu.wait_dma2 semaphore(%arg12 : memref<!tpu.dma_semaphore, #tpu.memory_space<semaphore_mem>>) src(%arg24 : memref<25x144xf32, #tpu.memory_space<vmem>>) dst(%dma_wait3A_246 : memref<25x144xf32, #tpu.memory_space<vmem_shared>>)
    %dma_wait3A_247 = arith.constant 0 : i32
    %dma_wait3A_248 = tpu.memref_slice %arg8[%add3A_145, %dma_wait3A_247] : memref<10000x144xf32, #tpu.memory_space<vmem_shared>> -> memref<25x144xf32, #tpu.memory_space<vmem_shared>>
    %dma_wait3A_249 = arith.constant 0 : i32
    %dma_wait3A_250 = tpu.memref_slice %arg8[%add3A_145, %dma_wait3A_249] : memref<10000x144xf32, #tpu.memory_space<vmem_shared>> -> memref<25x144xf32, #tpu.memory_space<vmem_shared>>
    tpu.wait_dma2 semaphore(%arg12 : memref<!tpu.dma_semaphore, #tpu.memory_space<semaphore_mem>>) src(%arg24 : memref<25x144xf32, #tpu.memory_space<vmem>>) dst(%dma_wait3A_250 : memref<25x144xf32, #tpu.memory_space<vmem_shared>>)
    %dma_wait3A_251 = arith.constant 0 : i32
    %dma_wait3A_252 = tpu.memref_slice %arg8[%add3A_151, %dma_wait3A_251] : memref<10000x144xf32, #tpu.memory_space<vmem_shared>> -> memref<25x144xf32, #tpu.memory_space<vmem_shared>>
    %dma_wait3A_253 = arith.constant 0 : i32
    %dma_wait3A_254 = tpu.memref_slice %arg8[%add3A_151, %dma_wait3A_253] : memref<10000x144xf32, #tpu.memory_space<vmem_shared>> -> memref<25x144xf32, #tpu.memory_space<vmem_shared>>
    tpu.wait_dma2 semaphore(%arg12 : memref<!tpu.dma_semaphore, #tpu.memory_space<semaphore_mem>>) src(%arg24 : memref<25x144xf32, #tpu.memory_space<vmem>>) dst(%dma_wait3A_254 : memref<25x144xf32, #tpu.memory_space<vmem_shared>>)
    %barrier3A = arith.constant 0 : index
    tpu.barrier barrier_id(%barrier3A)
    %scan3A_255 = arith.constant 0 : i32
    %scan3A_256 = arith.constant 0 : i32
    %scan3A_257 = arith.constant 7 : i32
    %scan3A_258 = arith.addi %scan3A_256, %scan3A_257 : i32
    %scan3A_259 = arith.constant 1 : i32
    scf.for %scan3A_268 = %scan3A_256 to %scan3A_258 step %scan3A_259  : i32 {
      %dma_start3A_269 = arith.constant 0 : i32
      %dma_start3A_270 = tpu.memref_slice %arg3[%arg1, %scan3A_268, %dma_start3A_269] : memref<16x7x1536xi32, #tpu.memory_space<hbm>> -> memref<1x1x1536xi32, #tpu.memory_space<hbm>>
      %dma_start3A_271 = tpu.memref_squeeze %dma_start3A_270 : memref<1x1x1536xi32, #tpu.memory_space<hbm>> -> memref<1536xi32, #tpu.memory_space<hbm>>
      %dma_start3A_272 = arith.constant 0 : i32
      %dma_start3A_273 = tpu.memref_slice %arg3[%arg1, %scan3A_268, %dma_start3A_272] : memref<16x7x1536xi32, #tpu.memory_space<hbm>> -> memref<1x1x1536xi32, #tpu.memory_space<hbm>>
      %dma_start3A_274 = tpu.memref_squeeze %dma_start3A_273 : memref<1x1x1536xi32, #tpu.memory_space<hbm>> -> memref<1536xi32, #tpu.memory_space<hbm>>
      tpu.enqueue_dma source(%dma_start3A_274 : memref<1536xi32, #tpu.memory_space<hbm>>) target(%arg38 : memref<1536xi32, #tpu.memory_space<vmem>>) target_semaphore(%arg12 : memref<!tpu.dma_semaphore, #tpu.memory_space<semaphore_mem>>)
      %dma_start3A_275 = arith.constant 0 : i32
      %dma_start3A_276 = arith.constant 0 : i32
      %dma_start3A_277 = tpu.memref_slice %arg4[%arg1, %scan3A_268, %dma_start3A_275, %dma_start3A_276] : memref<16x7x96x16xi32, #tpu.memory_space<hbm>> -> memref<1x1x96x16xi32, #tpu.memory_space<hbm>>
      %dma_start3A_278 = tpu.memref_squeeze %dma_start3A_277 : memref<1x1x96x16xi32, #tpu.memory_space<hbm>> -> memref<96x16xi32, #tpu.memory_space<hbm>>
      %dma_start3A_279 = arith.constant 0 : i32
      %dma_start3A_280 = arith.constant 0 : i32
      %dma_start3A_281 = tpu.memref_slice %arg4[%arg1, %scan3A_268, %dma_start3A_279, %dma_start3A_280] : memref<16x7x96x16xi32, #tpu.memory_space<hbm>> -> memref<1x1x96x16xi32, #tpu.memory_space<hbm>>
      %dma_start3A_282 = tpu.memref_squeeze %dma_start3A_281 : memref<1x1x96x16xi32, #tpu.memory_space<hbm>> -> memref<96x16xi32, #tpu.memory_space<hbm>>
      tpu.enqueue_dma source(%dma_start3A_282 : memref<96x16xi32, #tpu.memory_space<hbm>>) target(%arg10 : memref<96x16xi32, #tpu.memory_space<vmem>>) target_semaphore(%arg13 : memref<!tpu.dma_semaphore, #tpu.memory_space<semaphore_mem>>)
      %dma_start3A_283 = arith.constant 0 : i32
      %dma_start3A_284 = tpu.memref_slice %arg5[%arg1, %scan3A_268, %dma_start3A_283] : memref<16x7x1536xf32, #tpu.memory_space<hbm>> -> memref<1x1x1536xf32, #tpu.memory_space<hbm>>
      %dma_start3A_285 = tpu.memref_squeeze %dma_start3A_284 : memref<1x1x1536xf32, #tpu.memory_space<hbm>> -> memref<1536xf32, #tpu.memory_space<hbm>>
      %dma_start3A_286 = arith.constant 0 : i32
      %dma_start3A_287 = tpu.memref_slice %arg5[%arg1, %scan3A_268, %dma_start3A_286] : memref<16x7x1536xf32, #tpu.memory_space<hbm>> -> memref<1x1x1536xf32, #tpu.memory_space<hbm>>
      %dma_start3A_288 = tpu.memref_squeeze %dma_start3A_287 : memref<1x1x1536xf32, #tpu.memory_space<hbm>> -> memref<1536xf32, #tpu.memory_space<hbm>>
      tpu.enqueue_dma source(%dma_start3A_288 : memref<1536xf32, #tpu.memory_space<hbm>>) target(%arg11 : memref<1536xf32, #tpu.memory_space<vmem>>) target_semaphore(%arg14 : memref<!tpu.dma_semaphore, #tpu.memory_space<semaphore_mem>>)
      %dma_wait3A_289 = arith.constant 0 : i32
      %dma_wait3A_290 = tpu.memref_slice %arg3[%arg1, %scan3A_268, %dma_wait3A_289] : memref<16x7x1536xi32, #tpu.memory_space<hbm>> -> memref<1x1x1536xi32, #tpu.memory_space<hbm>>
      %dma_wait3A_291 = tpu.memref_squeeze %dma_wait3A_290 : memref<1x1x1536xi32, #tpu.memory_space<hbm>> -> memref<1536xi32, #tpu.memory_space<hbm>>
      %dma_wait3A_292 = arith.constant 0 : i32
      %dma_wait3A_293 = tpu.memref_slice %arg3[%arg1, %scan3A_268, %dma_wait3A_292] : memref<16x7x1536xi32, #tpu.memory_space<hbm>> -> memref<1x1x1536xi32, #tpu.memory_space<hbm>>
      %dma_wait3A_294 = tpu.memref_squeeze %dma_wait3A_293 : memref<1x1x1536xi32, #tpu.memory_space<hbm>> -> memref<1536xi32, #tpu.memory_space<hbm>>
      tpu.wait_dma2 semaphore(%arg12 : memref<!tpu.dma_semaphore, #tpu.memory_space<semaphore_mem>>) src(%dma_wait3A_294 : memref<1536xi32, #tpu.memory_space<hbm>>) dst(%arg38 : memref<1536xi32, #tpu.memory_space<vmem>>)
      %scan3A_295 = arith.constant 0 : i32
      %scan3A_296 = arith.constant 0 : i32
      %scan3A_297 = arith.constant 96 : i32
      %scan3A_298 = arith.addi %scan3A_296, %scan3A_297 : i32
      %scan3A_299 = arith.constant 1 : i32
      scf.for %scan3A_321 = %scan3A_296 to %scan3A_298 step %scan3A_299  : i32 {
        %mul3A_322 = arith.constant 16 : i32
        %mul3A_323 = arith.muli %scan3A_321, %mul3A_322 : i32
        %get3A = arith.index_cast %mul3A_323 : i32 to index
        %get3A_324 = tpu.vector_load %arg38[%get3A] {strides = array<i32>} : memref<1536xi32, #tpu.memory_space<vmem>>, vector<16xi32>,
        %add3A_325 = vector.broadcast %mul3A_2 : i32 to vector<16xi32>
        %add3A_326 = arith.addi %get3A_324, %add3A_325 : vector<16xi32>
        %mul3A_327 = arith.constant 16 : i32
        %mul3A_328 = arith.muli %scan3A_321, %mul3A_327 : i32
        %swap3A = arith.index_cast %mul3A_328 : i32 to index
        %swap3A_329 = tpu.vector_load %arg38[%swap3A] {strides = array<i32>} : memref<1536xi32, #tpu.memory_space<vmem>>, vector<16xi32>,
        tpu.vector_store %arg38[%swap3A], %add3A_326 {strides = array<i32>} : memref<1536xi32, #tpu.memory_space<vmem>>, vector<16xi32>,
      }
      %scan3A_300 = arith.constant 96 : i32
      %dma_wait3A_301 = arith.constant 0 : i32
      %dma_wait3A_302 = arith.constant 0 : i32
      %dma_wait3A_303 = tpu.memref_slice %arg4[%arg1, %scan3A_268, %dma_wait3A_301, %dma_wait3A_302] : memref<16x7x96x16xi32, #tpu.memory_space<hbm>> -> memref<1x1x96x16xi32, #tpu.memory_space<hbm>>
      %dma_wait3A_304 = tpu.memref_squeeze %dma_wait3A_303 : memref<1x1x96x16xi32, #tpu.memory_space<hbm>> -> memref<96x16xi32, #tpu.memory_space<hbm>>
      %dma_wait3A_305 = arith.constant 0 : i32
      %dma_wait3A_306 = arith.constant 0 : i32
      %dma_wait3A_307 = tpu.memref_slice %arg4[%arg1, %scan3A_268, %dma_wait3A_305, %dma_wait3A_306] : memref<16x7x96x16xi32, #tpu.memory_space<hbm>> -> memref<1x1x96x16xi32, #tpu.memory_space<hbm>>
      %dma_wait3A_308 = tpu.memref_squeeze %dma_wait3A_307 : memref<1x1x96x16xi32, #tpu.memory_space<hbm>> -> memref<96x16xi32, #tpu.memory_space<hbm>>
      tpu.wait_dma2 semaphore(%arg13 : memref<!tpu.dma_semaphore, #tpu.memory_space<semaphore_mem>>) src(%dma_wait3A_308 : memref<96x16xi32, #tpu.memory_space<hbm>>) dst(%arg10 : memref<96x16xi32, #tpu.memory_space<vmem>>)
      %dma_wait3A_309 = arith.constant 0 : i32
      %dma_wait3A_310 = tpu.memref_slice %arg5[%arg1, %scan3A_268, %dma_wait3A_309] : memref<16x7x1536xf32, #tpu.memory_space<hbm>> -> memref<1x1x1536xf32, #tpu.memory_space<hbm>>
      %dma_wait3A_311 = tpu.memref_squeeze %dma_wait3A_310 : memref<1x1x1536xf32, #tpu.memory_space<hbm>> -> memref<1536xf32, #tpu.memory_space<hbm>>
      %dma_wait3A_312 = arith.constant 0 : i32
      %dma_wait3A_313 = tpu.memref_slice %arg5[%arg1, %scan3A_268, %dma_wait3A_312] : memref<16x7x1536xf32, #tpu.memory_space<hbm>> -> memref<1x1x1536xf32, #tpu.memory_space<hbm>>
      %dma_wait3A_314 = tpu.memref_squeeze %dma_wait3A_313 : memref<1x1x1536xf32, #tpu.memory_space<hbm>> -> memref<1536xf32, #tpu.memory_space<hbm>>
      tpu.wait_dma2 semaphore(%arg14 : memref<!tpu.dma_semaphore, #tpu.memory_space<semaphore_mem>>) src(%dma_wait3A_314 : memref<1536xf32, #tpu.memory_space<hbm>>) dst(%arg11 : memref<1536xf32, #tpu.memory_space<vmem>>)
      %scan3A_315 = arith.constant 0 : i32
      %scan3A_316 = arith.constant 0 : i32
      %scan3A_317 = arith.constant 8 : i32
      %scan3A_318 = arith.addi %scan3A_316, %scan3A_317 : i32
      %scan3A_319 = arith.constant 1 : i32
      scf.for %scan3A_321 = %scan3A_316 to %scan3A_318 step %scan3A_319  : i32 {
        %mul3A_322 = arith.constant 12 : i32
        %mul3A_323 = arith.muli %scan3A_321, %mul3A_322 : i32
        %add3A_324 = arith.constant 0 : i32
        %add3A_325 = arith.addi %mul3A_323, %add3A_324 : i32
        %mul3A_326 = arith.constant 16 : i32
        %mul3A_327 = arith.muli %add3A_325, %mul3A_326 : i32
        %dma_start3A_328 = tpu.memref_slice %arg38[%mul3A_327] : memref<1536xi32, #tpu.memory_space<vmem>> -> memref<16xi32, #tpu.memory_space<vmem>>
        %dma_start3A_329 = arith.constant 0 : i32
        %dma_start3A_330 = arith.constant 0 : i32
        %dma_start3A_331 = tpu.memref_slice %arg2[%dma_start3A_329, %dma_start3A_330] : memref<20000x144xf32, #tpu.memory_space<hbm>> -> memref<20000x144xf32, #tpu.memory_space<hbm>>
        tpu.enqueue_indirect_dma source(%dma_start3A_331 : memref<20000x144xf32, #tpu.memory_space<hbm>>) target(%arg26 : memref<16x144xf32, #tpu.memory_space<vmem>>) offsets(%dma_start3A_328 : memref<16xi32, #tpu.memory_space<vmem>>) semaphore(%arg12 : memref<!tpu.dma_semaphore, #tpu.memory_space<semaphore_mem>>)
        %add3A_332 = arith.constant 1 : i32
        %add3A_333 = arith.addi %mul3A_323, %add3A_332 : i32
        %mul3A_334 = arith.constant 16 : i32
        %mul3A_335 = arith.muli %add3A_333, %mul3A_334 : i32
        %dma_start3A_336 = tpu.memref_slice %arg38[%mul3A_335] : memref<1536xi32, #tpu.memory_space<vmem>> -> memref<16xi32, #tpu.memory_space<vmem>>
        %dma_start3A_337 = arith.constant 0 : i32
        %dma_start3A_338 = arith.constant 0 : i32
        %dma_start3A_339 = tpu.memref_slice %arg2[%dma_start3A_337, %dma_start3A_338] : memref<20000x144xf32, #tpu.memory_space<hbm>> -> memref<20000x144xf32, #tpu.memory_space<hbm>>
        tpu.enqueue_indirect_dma source(%dma_start3A_339 : memref<20000x144xf32, #tpu.memory_space<hbm>>) target(%arg27 : memref<16x144xf32, #tpu.memory_space<vmem>>) offsets(%dma_start3A_336 : memref<16xi32, #tpu.memory_space<vmem>>) semaphore(%arg13 : memref<!tpu.dma_semaphore, #tpu.memory_space<semaphore_mem>>)
        %add3A_340 = arith.constant 2 : i32
        %add3A_341 = arith.addi %mul3A_323, %add3A_340 : i32
        %mul3A_342 = arith.constant 16 : i32
        %mul3A_343 = arith.muli %add3A_341, %mul3A_342 : i32
        %dma_start3A_344 = tpu.memref_slice %arg38[%mul3A_343] : memref<1536xi32, #tpu.memory_space<vmem>> -> memref<16xi32, #tpu.memory_space<vmem>>
        %dma_start3A_345 = arith.constant 0 : i32
        %dma_start3A_346 = arith.constant 0 : i32
        %dma_start3A_347 = tpu.memref_slice %arg2[%dma_start3A_345, %dma_start3A_346] : memref<20000x144xf32, #tpu.memory_space<hbm>> -> memref<20000x144xf32, #tpu.memory_space<hbm>>
        tpu.enqueue_indirect_dma source(%dma_start3A_347 : memref<20000x144xf32, #tpu.memory_space<hbm>>) target(%arg28 : memref<16x144xf32, #tpu.memory_space<vmem>>) offsets(%dma_start3A_344 : memref<16xi32, #tpu.memory_space<vmem>>) semaphore(%arg14 : memref<!tpu.dma_semaphore, #tpu.memory_space<semaphore_mem>>)
        %add3A_348 = arith.constant 3 : i32
        %add3A_349 = arith.addi %mul3A_323, %add3A_348 : i32
        %mul3A_350 = arith.constant 16 : i32
        %mul3A_351 = arith.muli %add3A_349, %mul3A_350 : i32
        %dma_start3A_352 = tpu.memref_slice %arg38[%mul3A_351] : memref<1536xi32, #tpu.memory_space<vmem>> -> memref<16xi32, #tpu.memory_space<vmem>>
        %dma_start3A_353 = arith.constant 0 : i32
        %dma_start3A_354 = arith.constant 0 : i32
        %dma_start3A_355 = tpu.memref_slice %arg2[%dma_start3A_353, %dma_start3A_354] : memref<20000x144xf32, #tpu.memory_space<hbm>> -> memref<20000x144xf32, #tpu.memory_space<hbm>>
        tpu.enqueue_indirect_dma source(%dma_start3A_355 : memref<20000x144xf32, #tpu.memory_space<hbm>>) target(%arg29 : memref<16x144xf32, #tpu.memory_space<vmem>>) offsets(%dma_start3A_352 : memref<16xi32, #tpu.memory_space<vmem>>) semaphore(%arg15 : memref<!tpu.dma_semaphore, #tpu.memory_space<semaphore_mem>>)
        %add3A_356 = arith.constant 4 : i32
        %add3A_357 = arith.addi %mul3A_323, %add3A_356 : i32
        %mul3A_358 = arith.constant 16 : i32
        %mul3A_359 = arith.muli %add3A_357, %mul3A_358 : i32
        %dma_start3A_360 = tpu.memref_slice %arg38[%mul3A_359] : memref<1536xi32, #tpu.memory_space<vmem>> -> memref<16xi32, #tpu.memory_space<vmem>>
        %dma_start3A_361 = arith.constant 0 : i32
        %dma_start3A_362 = arith.constant 0 : i32
        %dma_start3A_363 = tpu.memref_slice %arg2[%dma_start3A_361, %dma_start3A_362] : memref<20000x144xf32, #tpu.memory_space<hbm>> -> memref<20000x144xf32, #tpu.memory_space<hbm>>
        tpu.enqueue_indirect_dma source(%dma_start3A_363 : memref<20000x144xf32, #tpu.memory_space<hbm>>) target(%arg30 : memref<16x144xf32, #tpu.memory_space<vmem>>) offsets(%dma_start3A_360 : memref<16xi32, #tpu.memory_space<vmem>>) semaphore(%arg16 : memref<!tpu.dma_semaphore, #tpu.memory_space<semaphore_mem>>)
        %add3A_364 = arith.constant 5 : i32
        %add3A_365 = arith.addi %mul3A_323, %add3A_364 : i32
        %mul3A_366 = arith.constant 16 : i32
        %mul3A_367 = arith.muli %add3A_365, %mul3A_366 : i32
        %dma_start3A_368 = tpu.memref_slice %arg38[%mul3A_367] : memref<1536xi32, #tpu.memory_space<vmem>> -> memref<16xi32, #tpu.memory_space<vmem>>
        %dma_start3A_369 = arith.constant 0 : i32
        %dma_start3A_370 = arith.constant 0 : i32
        %dma_start3A_371 = tpu.memref_slice %arg2[%dma_start3A_369, %dma_start3A_370] : memref<20000x144xf32, #tpu.memory_space<hbm>> -> memref<20000x144xf32, #tpu.memory_space<hbm>>
        tpu.enqueue_indirect_dma source(%dma_start3A_371 : memref<20000x144xf32, #tpu.memory_space<hbm>>) target(%arg31 : memref<16x144xf32, #tpu.memory_space<vmem>>) offsets(%dma_start3A_368 : memref<16xi32, #tpu.memory_space<vmem>>) semaphore(%arg17 : memref<!tpu.dma_semaphore, #tpu.memory_space<semaphore_mem>>)
        %add3A_372 = arith.constant 6 : i32
        %add3A_373 = arith.addi %mul3A_323, %add3A_372 : i32
        %mul3A_374 = arith.constant 16 : i32
        %mul3A_375 = arith.muli %add3A_373, %mul3A_374 : i32
        %dma_start3A_376 = tpu.memref_slice %arg38[%mul3A_375] : memref<1536xi32, #tpu.memory_space<vmem>> -> memref<16xi32, #tpu.memory_space<vmem>>
        %dma_start3A_377 = arith.constant 0 : i32
        %dma_start3A_378 = arith.constant 0 : i32
        %dma_start3A_379 = tpu.memref_slice %arg2[%dma_start3A_377, %dma_start3A_378] : memref<20000x144xf32, #tpu.memory_space<hbm>> -> memref<20000x144xf32, #tpu.memory_space<hbm>>
        tpu.enqueue_indirect_dma source(%dma_start3A_379 : memref<20000x144xf32, #tpu.memory_space<hbm>>) target(%arg32 : memref<16x144xf32, #tpu.memory_space<vmem>>) offsets(%dma_start3A_376 : memref<16xi32, #tpu.memory_space<vmem>>) semaphore(%arg18 : memref<!tpu.dma_semaphore, #tpu.memory_space<semaphore_mem>>)
        %add3A_380 = arith.constant 7 : i32
        %add3A_381 = arith.addi %mul3A_323, %add3A_380 : i32
        %mul3A_382 = arith.constant 16 : i32
        %mul3A_383 = arith.muli %add3A_381, %mul3A_382 : i32
        %dma_start3A_384 = tpu.memref_slice %arg38[%mul3A_383] : memref<1536xi32, #tpu.memory_space<vmem>> -> memref<16xi32, #tpu.memory_space<vmem>>
        %dma_start3A_385 = arith.constant 0 : i32
        %dma_start3A_386 = arith.constant 0 : i32
        %dma_start3A_387 = tpu.memref_slice %arg2[%dma_start3A_385, %dma_start3A_386] : memref<20000x144xf32, #tpu.memory_space<hbm>> -> memref<20000x144xf32, #tpu.memory_space<hbm>>
        tpu.enqueue_indirect_dma source(%dma_start3A_387 : memref<20000x144xf32, #tpu.memory_space<hbm>>) target(%arg33 : memref<16x144xf32, #tpu.memory_space<vmem>>) offsets(%dma_start3A_384 : memref<16xi32, #tpu.memory_space<vmem>>) semaphore(%arg19 : memref<!tpu.dma_semaphore, #tpu.memory_space<semaphore_mem>>)
        %add3A_388 = arith.constant 8 : i32
        %add3A_389 = arith.addi %mul3A_323, %add3A_388 : i32
        %mul3A_390 = arith.constant 16 : i32
        %mul3A_391 = arith.muli %add3A_389, %mul3A_390 : i32
        %dma_start3A_392 = tpu.memref_slice %arg38[%mul3A_391] : memref<1536xi32, #tpu.memory_space<vmem>> -> memref<16xi32, #tpu.memory_space<vmem>>
        %dma_start3A_393 = arith.constant 0 : i32
        %dma_start3A_394 = arith.constant 0 : i32
        %dma_start3A_395 = tpu.memref_slice %arg2[%dma_start3A_393, %dma_start3A_394] : memref<20000x144xf32, #tpu.memory_space<hbm>> -> memref<20000x144xf32, #tpu.memory_space<hbm>>
        tpu.enqueue_indirect_dma source(%dma_start3A_395 : memref<20000x144xf32, #tpu.memory_space<hbm>>) target(%arg34 : memref<16x144xf32, #tpu.memory_space<vmem>>) offsets(%dma_start3A_392 : memref<16xi32, #tpu.memory_space<vmem>>) semaphore(%arg20 : memref<!tpu.dma_semaphore, #tpu.memory_space<semaphore_mem>>)
        %add3A_396 = arith.constant 9 : i32
        %add3A_397 = arith.addi %mul3A_323, %add3A_396 : i32
        %mul3A_398 = arith.constant 16 : i32
        %mul3A_399 = arith.muli %add3A_397, %mul3A_398 : i32
        %dma_start3A_400 = tpu.memref_slice %arg38[%mul3A_399] : memref<1536xi32, #tpu.memory_space<vmem>> -> memref<16xi32, #tpu.memory_space<vmem>>
        %dma_start3A_401 = arith.constant 0 : i32
        %dma_start3A_402 = arith.constant 0 : i32
        %dma_start3A_403 = tpu.memref_slice %arg2[%dma_start3A_401, %dma_start3A_402] : memref<20000x144xf32, #tpu.memory_space<hbm>> -> memref<20000x144xf32, #tpu.memory_space<hbm>>
        tpu.enqueue_indirect_dma source(%dma_start3A_403 : memref<20000x144xf32, #tpu.memory_space<hbm>>) target(%arg35 : memref<16x144xf32, #tpu.memory_space<vmem>>) offsets(%dma_start3A_400 : memref<16xi32, #tpu.memory_space<vmem>>) semaphore(%arg21 : memref<!tpu.dma_semaphore, #tpu.memory_space<semaphore_mem>>)
        %add3A_404 = arith.constant 10 : i32
        %add3A_405 = arith.addi %mul3A_323, %add3A_404 : i32
        %mul3A_406 = arith.constant 16 : i32
        %mul3A_407 = arith.muli %add3A_405, %mul3A_406 : i32
        %dma_start3A_408 = tpu.memref_slice %arg38[%mul3A_407] : memref<1536xi32, #tpu.memory_space<vmem>> -> memref<16xi32, #tpu.memory_space<vmem>>
        %dma_start3A_409 = arith.constant 0 : i32
        %dma_start3A_410 = arith.constant 0 : i32
        %dma_start3A_411 = tpu.memref_slice %arg2[%dma_start3A_409, %dma_start3A_410] : memref<20000x144xf32, #tpu.memory_space<hbm>> -> memref<20000x144xf32, #tpu.memory_space<hbm>>
        tpu.enqueue_indirect_dma source(%dma_start3A_411 : memref<20000x144xf32, #tpu.memory_space<hbm>>) target(%arg36 : memref<16x144xf32, #tpu.memory_space<vmem>>) offsets(%dma_start3A_408 : memref<16xi32, #tpu.memory_space<vmem>>) semaphore(%arg22 : memref<!tpu.dma_semaphore, #tpu.memory_space<semaphore_mem>>)
        %add3A_412 = arith.constant 11 : i32
        %add3A_413 = arith.addi %mul3A_323, %add3A_412 : i32
        %mul3A_414 = arith.constant 16 : i32
        %mul3A_415 = arith.muli %add3A_413, %mul3A_414 : i32
        %dma_start3A_416 = tpu.memref_slice %arg38[%mul3A_415] : memref<1536xi32, #tpu.memory_space<vmem>> -> memref<16xi32, #tpu.memory_space<vmem>>
        %dma_start3A_417 = arith.constant 0 : i32
        %dma_start3A_418 = arith.constant 0 : i32
        %dma_start3A_419 = tpu.memref_slice %arg2[%dma_start3A_417, %dma_start3A_418] : memref<20000x144xf32, #tpu.memory_space<hbm>> -> memref<20000x144xf32, #tpu.memory_space<hbm>>
        tpu.enqueue_indirect_dma source(%dma_start3A_419 : memref<20000x144xf32, #tpu.memory_space<hbm>>) target(%arg37 : memref<16x144xf32, #tpu.memory_space<vmem>>) offsets(%dma_start3A_416 : memref<16xi32, #tpu.memory_space<vmem>>) semaphore(%arg23 : memref<!tpu.dma_semaphore, #tpu.memory_space<semaphore_mem>>)
        %add3A_420 = arith.constant 0 : i32
        %add3A_421 = arith.addi %mul3A_323, %add3A_420 : i32
        %dma_wait3A_422 = tpu.memref_slice %arg38[%mul3A_327] : memref<1536xi32, #tpu.memory_space<vmem>> -> memref<16xi32, #tpu.memory_space<vmem>>
        %dma_wait3A_423 = arith.constant 0 : i32
        %dma_wait3A_424 = arith.constant 0 : i32
        %dma_wait3A_425 = tpu.memref_slice %arg2[%dma_wait3A_423, %dma_wait3A_424] : memref<20000x144xf32, #tpu.memory_space<hbm>> -> memref<20000x144xf32, #tpu.memory_space<hbm>>
        tpu.wait_indirect_dma semaphore(%arg12 : memref<!tpu.dma_semaphore, #tpu.memory_space<semaphore_mem>>) src(%dma_wait3A_425 : memref<20000x144xf32, #tpu.memory_space<hbm>>) dst(%arg26 : memref<16x144xf32, #tpu.memory_space<vmem>>)
        %scan3A_426 = arith.constant 0 : i32
        %scan3A_427 = arith.constant 0 : i32
        %scan3A_428 = arith.constant 16 : i32
        %scan3A_429 = arith.addi %scan3A_427, %scan3A_428 : i32
        %scan3A_430 = arith.constant 1 : i32
        scf.for %scan3A_708 = %scan3A_427 to %scan3A_429 step %scan3A_430  : i32 {
          %broadcast_in_dim3A = arith.constant 0 : i32
          %broadcast_in_dim3A_709 = vector.broadcast %broadcast_in_dim3A : i32 to vector<16xi32>
          %mul3A_710 = arith.constant 16 : i32
          %mul3A_711 = arith.muli %add3A_421, %mul3A_710 : i32
          %add3A_712 = arith.addi %mul3A_711, %scan3A_708 : i32
          %add3A_713 = vector.broadcast %add3A_712 : i32 to vector<16xi32>
          %add3A_714 = arith.addi %broadcast_in_dim3A_709, %add3A_713 : vector<16xi32>
          %gather3A = tpu.vector_load_idx %arg11[%add3A_714] : memref<1536xf32, #tpu.memory_space<vmem>>[vector<16xi32>], vector<16xf32>,
          %get3A = arith.index_cast %scan3A_708 : i32 to index
          %get3A_715 = arith.constant 0 : index
          %get3A_716 = tpu.vector_load %arg26[%get3A, %get3A_715] {strides = array<i32>} : memref<16x144xf32, #tpu.memory_space<vmem>>, vector<16xf32>,
          %mul3A_717 = arith.mulf %get3A_716, %gather3A : vector<16xf32>
          %swap3A = arith.index_cast %scan3A_708 : i32 to index
          %swap3A_718 = arith.constant 0 : index
          %swap3A_719 = tpu.vector_load %arg26[%swap3A, %swap3A_718] {strides = array<i32>} : memref<16x144xf32, #tpu.memory_space<vmem>>, vector<16xf32>,
          tpu.vector_store %arg26[%swap3A, %swap3A_718], %mul3A_717 {strides = array<i32>} : memref<16x144xf32, #tpu.memory_space<vmem>>, vector<16xf32>,
          %get3A_720 = arith.index_cast %scan3A_708 : i32 to index
          %get3A_721 = arith.constant 16 : index
          %get3A_722 = tpu.vector_load %arg26[%get3A_720, %get3A_721] {strides = array<i32>} : memref<16x144xf32, #tpu.memory_space<vmem>>, vector<16xf32>,
          %mul3A_723 = arith.mulf %get3A_722, %gather3A : vector<16xf32>
          %swap3A_724 = arith.index_cast %scan3A_708 : i32 to index
          %swap3A_725 = arith.constant 16 : index
          %swap3A_726 = tpu.vector_load %arg26[%swap3A_724, %swap3A_725] {strides = array<i32>} : memref<16x144xf32, #tpu.memory_space<vmem>>, vector<16xf32>,
          tpu.vector_store %arg26[%swap3A_724, %swap3A_725], %mul3A_723 {strides = array<i32>} : memref<16x144xf32, #tpu.memory_space<vmem>>, vector<16xf32>,
          %get3A_727 = arith.index_cast %scan3A_708 : i32 to index
          %get3A_728 = arith.constant 32 : index
          %get3A_729 = tpu.vector_load %arg26[%get3A_727, %get3A_728] {strides = array<i32>} : memref<16x144xf32, #tpu.memory_space<vmem>>, vector<16xf32>,
          %mul3A_730 = arith.mulf %get3A_729, %gather3A : vector<16xf32>
          %swap3A_731 = arith.index_cast %scan3A_708 : i32 to index
          %swap3A_732 = arith.constant 32 : index
          %swap3A_733 = tpu.vector_load %arg26[%swap3A_731, %swap3A_732] {strides = array<i32>} : memref<16x144xf32, #tpu.memory_space<vmem>>, vector<16xf32>,
          tpu.vector_store %arg26[%swap3A_731, %swap3A_732], %mul3A_730 {strides = array<i32>} : memref<16x144xf32, #tpu.memory_space<vmem>>, vector<16xf32>,
          %get3A_734 = arith.index_cast %scan3A_708 : i32 to index
          %get3A_735 = arith.constant 48 : index
          %get3A_736 = tpu.vector_load %arg26[%get3A_734, %get3A_735] {strides = array<i32>} : memref<16x144xf32, #tpu.memory_space<vmem>>, vector<16xf32>,
          %mul3A_737 = arith.mulf %get3A_736, %gather3A : vector<16xf32>
          %swap3A_738 = arith.index_cast %scan3A_708 : i32 to index
          %swap3A_739 = arith.constant 48 : index
          %swap3A_740 = tpu.vector_load %arg26[%swap3A_738, %swap3A_739] {strides = array<i32>} : memref<16x144xf32, #tpu.memory_space<vmem>>, vector<16xf32>,
          tpu.vector_store %arg26[%swap3A_738, %swap3A_739], %mul3A_737 {strides = array<i32>} : memref<16x144xf32, #tpu.memory_space<vmem>>, vector<16xf32>,
          %get3A_741 = arith.index_cast %scan3A_708 : i32 to index
          %get3A_742 = arith.constant 64 : index
          %get3A_743 = tpu.vector_load %arg26[%get3A_741, %get3A_742] {strides = array<i32>} : memref<16x144xf32, #tpu.memory_space<vmem>>, vector<16xf32>,
          %mul3A_744 = arith.mulf %get3A_743, %gather3A : vector<16xf32>
          %swap3A_745 = arith.index_cast %scan3A_708 : i32 to index
          %swap3A_746 = arith.constant 64 : index
          %swap3A_747 = tpu.vector_load %arg26[%swap3A_745, %swap3A_746] {strides = array<i32>} : memref<16x144xf32, #tpu.memory_space<vmem>>, vector<16xf32>,
          tpu.vector_store %arg26[%swap3A_745, %swap3A_746], %mul3A_744 {strides = array<i32>} : memref<16x144xf32, #tpu.memory_space<vmem>>, vector<16xf32>,
          %get3A_748 = arith.index_cast %scan3A_708 : i32 to index
          %get3A_749 = arith.constant 80 : index
          %get3A_750 = tpu.vector_load %arg26[%get3A_748, %get3A_749] {strides = array<i32>} : memref<16x144xf32, #tpu.memory_space<vmem>>, vector<16xf32>,
          %mul3A_751 = arith.mulf %get3A_750, %gather3A : vector<16xf32>
          %swap3A_752 = arith.index_cast %scan3A_708 : i32 to index
          %swap3A_753 = arith.constant 80 : index
          %swap3A_754 = tpu.vector_load %arg26[%swap3A_752, %swap3A_753] {strides = array<i32>} : memref<16x144xf32, #tpu.memory_space<vmem>>, vector<16xf32>,
          tpu.vector_store %arg26[%swap3A_752, %swap3A_753], %mul3A_751 {strides = array<i32>} : memref<16x144xf32, #tpu.memory_space<vmem>>, vector<16xf32>,
          %get3A_755 = arith.index_cast %scan3A_708 : i32 to index
          %get3A_756 = arith.constant 96 : index
          %get3A_757 = tpu.vector_load %arg26[%get3A_755, %get3A_756] {strides = array<i32>} : memref<16x144xf32, #tpu.memory_space<vmem>>, vector<16xf32>,
          %mul3A_758 = arith.mulf %get3A_757, %gather3A : vector<16xf32>
          %swap3A_759 = arith.index_cast %scan3A_708 : i32 to index
          %swap3A_760 = arith.constant 96 : index
          %swap3A_761 = tpu.vector_load %arg26[%swap3A_759, %swap3A_760] {strides = array<i32>} : memref<16x144xf32, #tpu.memory_space<vmem>>, vector<16xf32>,
          tpu.vector_store %arg26[%swap3A_759, %swap3A_760], %mul3A_758 {strides = array<i32>} : memref<16x144xf32, #tpu.memory_space<vmem>>, vector<16xf32>,
          %get3A_762 = arith.index_cast %scan3A_708 : i32 to index
          %get3A_763 = arith.constant 112 : index
          %get3A_764 = tpu.vector_load %arg26[%get3A_762, %get3A_763] {strides = array<i32>} : memref<16x144xf32, #tpu.memory_space<vmem>>, vector<16xf32>,
          %mul3A_765 = arith.mulf %get3A_764, %gather3A : vector<16xf32>
          %swap3A_766 = arith.index_cast %scan3A_708 : i32 to index
          %swap3A_767 = arith.constant 112 : index
          %swap3A_768 = tpu.vector_load %arg26[%swap3A_766, %swap3A_767] {strides = array<i32>} : memref<16x144xf32, #tpu.memory_space<vmem>>, vector<16xf32>,
          tpu.vector_store %arg26[%swap3A_766, %swap3A_767], %mul3A_765 {strides = array<i32>} : memref<16x144xf32, #tpu.memory_space<vmem>>, vector<16xf32>,
          %get3A_769 = arith.index_cast %scan3A_708 : i32 to index
          %get3A_770 = arith.constant 128 : index
          %get3A_771 = tpu.vector_load %arg26[%get3A_769, %get3A_770] {strides = array<i32>} : memref<16x144xf32, #tpu.memory_space<vmem>>, vector<16xf32>,
          %mul3A_772 = arith.mulf %get3A_771, %gather3A : vector<16xf32>
          %swap3A_773 = arith.index_cast %scan3A_708 : i32 to index
          %swap3A_774 = arith.constant 128 : index
          %swap3A_775 = tpu.vector_load %arg26[%swap3A_773, %swap3A_774] {strides = array<i32>} : memref<16x144xf32, #tpu.memory_space<vmem>>, vector<16xf32>,
          tpu.vector_store %arg26[%swap3A_773, %swap3A_774], %mul3A_772 {strides = array<i32>} : memref<16x144xf32, #tpu.memory_space<vmem>>, vector<16xf32>,
        }
        %scan3A_431 = arith.constant 16 : i32
        %dma_start3A_432 = arith.constant 0 : i32
        %dma_start3A_433 = tpu.memref_slice %arg10[%add3A_421, %dma_start3A_432] : memref<96x16xi32, #tpu.memory_space<vmem>> -> memref<1x16xi32, #tpu.memory_space<vmem>>
        %dma_start3A_434 = tpu.memref_squeeze %dma_start3A_433 : memref<1x16xi32, #tpu.memory_space<vmem>> -> memref<16xi32, #tpu.memory_space<vmem>>
        %dma_start3A_435 = arith.constant 0 : i32
        %dma_start3A_436 = arith.constant 0 : i32
        %dma_start3A_437 = tpu.memref_slice %arg8[%dma_start3A_435, %dma_start3A_436] : memref<10000x144xf32, #tpu.memory_space<vmem_shared>> -> memref<10000x144xf32, #tpu.memory_space<vmem_shared>>
        tpu.enqueue_indirect_dma source(%arg26 : memref<16x144xf32, #tpu.memory_space<vmem>>) target(%dma_start3A_437 : memref<10000x144xf32, #tpu.memory_space<vmem_shared>>) offsets(%dma_start3A_434 : memref<16xi32, #tpu.memory_space<vmem>>) semaphore(%arg39 : memref<!tpu.dma_semaphore, #tpu.memory_space<semaphore_mem>>) {add = true}
        %add3A_438 = arith.constant 1 : i32
        %add3A_439 = arith.addi %mul3A_323, %add3A_438 : i32
        %dma_wait3A_440 = tpu.memref_slice %arg38[%mul3A_335] : memref<1536xi32, #tpu.memory_space<vmem>> -> memref<16xi32, #tpu.memory_space<vmem>>
        %dma_wait3A_441 = arith.constant 0 : i32
        %dma_wait3A_442 = arith.constant 0 : i32
        %dma_wait3A_443 = tpu.memref_slice %arg2[%dma_wait3A_441, %dma_wait3A_442] : memref<20000x144xf32, #tpu.memory_space<hbm>> -> memref<20000x144xf32, #tpu.memory_space<hbm>>
        tpu.wait_indirect_dma semaphore(%arg13 : memref<!tpu.dma_semaphore, #tpu.memory_space<semaphore_mem>>) src(%dma_wait3A_443 : memref<20000x144xf32, #tpu.memory_space<hbm>>) dst(%arg27 : memref<16x144xf32, #tpu.memory_space<vmem>>)
        %scan3A_444 = arith.constant 0 : i32
        %scan3A_445 = arith.constant 0 : i32
        %scan3A_446 = arith.constant 16 : i32
        %scan3A_447 = arith.addi %scan3A_445, %scan3A_446 : i32
        %scan3A_448 = arith.constant 1 : i32
        scf.for %scan3A_708 = %scan3A_445 to %scan3A_447 step %scan3A_448  : i32 {
          %broadcast_in_dim3A = arith.constant 0 : i32
          %broadcast_in_dim3A_709 = vector.broadcast %broadcast_in_dim3A : i32 to vector<16xi32>
          %mul3A_710 = arith.constant 16 : i32
          %mul3A_711 = arith.muli %add3A_439, %mul3A_710 : i32
          %add3A_712 = arith.addi %mul3A_711, %scan3A_708 : i32
          %add3A_713 = vector.broadcast %add3A_712 : i32 to vector<16xi32>
          %add3A_714 = arith.addi %broadcast_in_dim3A_709, %add3A_713 : vector<16xi32>
          %gather3A = tpu.vector_load_idx %arg11[%add3A_714] : memref<1536xf32, #tpu.memory_space<vmem>>[vector<16xi32>], vector<16xf32>,
          %get3A = arith.index_cast %scan3A_708 : i32 to index
          %get3A_715 = arith.constant 0 : index
          %get3A_716 = tpu.vector_load %arg27[%get3A, %get3A_715] {strides = array<i32>} : memref<16x144xf32, #tpu.memory_space<vmem>>, vector<16xf32>,
          %mul3A_717 = arith.mulf %get3A_716, %gather3A : vector<16xf32>
          %swap3A = arith.index_cast %scan3A_708 : i32 to index
          %swap3A_718 = arith.constant 0 : index
          %swap3A_719 = tpu.vector_load %arg27[%swap3A, %swap3A_718] {strides = array<i32>} : memref<16x144xf32, #tpu.memory_space<vmem>>, vector<16xf32>,
          tpu.vector_store %arg27[%swap3A, %swap3A_718], %mul3A_717 {strides = array<i32>} : memref<16x144xf32, #tpu.memory_space<vmem>>, vector<16xf32>,
          %get3A_720 = arith.index_cast %scan3A_708 : i32 to index
          %get3A_721 = arith.constant 16 : index
          %get3A_722 = tpu.vector_load %arg27[%get3A_720, %get3A_721] {strides = array<i32>} : memref<16x144xf32, #tpu.memory_space<vmem>>, vector<16xf32>,
          %mul3A_723 = arith.mulf %get3A_722, %gather3A : vector<16xf32>
          %swap3A_724 = arith.index_cast %scan3A_708 : i32 to index
          %swap3A_725 = arith.constant 16 : index
          %swap3A_726 = tpu.vector_load %arg27[%swap3A_724, %swap3A_725] {strides = array<i32>} : memref<16x144xf32, #tpu.memory_space<vmem>>, vector<16xf32>,
          tpu.vector_store %arg27[%swap3A_724, %swap3A_725], %mul3A_723 {strides = array<i32>} : memref<16x144xf32, #tpu.memory_space<vmem>>, vector<16xf32>,
          %get3A_727 = arith.index_cast %scan3A_708 : i32 to index
          %get3A_728 = arith.constant 32 : index
          %get3A_729 = tpu.vector_load %arg27[%get3A_727, %get3A_728] {strides = array<i32>} : memref<16x144xf32, #tpu.memory_space<vmem>>, vector<16xf32>,
          %mul3A_730 = arith.mulf %get3A_729, %gather3A : vector<16xf32>
          %swap3A_731 = arith.index_cast %scan3A_708 : i32 to index
          %swap3A_732 = arith.constant 32 : index
          %swap3A_733 = tpu.vector_load %arg27[%swap3A_731, %swap3A_732] {strides = array<i32>} : memref<16x144xf32, #tpu.memory_space<vmem>>, vector<16xf32>,
          tpu.vector_store %arg27[%swap3A_731, %swap3A_732], %mul3A_730 {strides = array<i32>} : memref<16x144xf32, #tpu.memory_space<vmem>>, vector<16xf32>,
          %get3A_734 = arith.index_cast %scan3A_708 : i32 to index
          %get3A_735 = arith.constant 48 : index
          %get3A_736 = tpu.vector_load %arg27[%get3A_734, %get3A_735] {strides = array<i32>} : memref<16x144xf32, #tpu.memory_space<vmem>>, vector<16xf32>,
          %mul3A_737 = arith.mulf %get3A_736, %gather3A : vector<16xf32>
          %swap3A_738 = arith.index_cast %scan3A_708 : i32 to index
          %swap3A_739 = arith.constant 48 : index
          %swap3A_740 = tpu.vector_load %arg27[%swap3A_738, %swap3A_739] {strides = array<i32>} : memref<16x144xf32, #tpu.memory_space<vmem>>, vector<16xf32>,
          tpu.vector_store %arg27[%swap3A_738, %swap3A_739], %mul3A_737 {strides = array<i32>} : memref<16x144xf32, #tpu.memory_space<vmem>>, vector<16xf32>,
          %get3A_741 = arith.index_cast %scan3A_708 : i32 to index
          %get3A_742 = arith.constant 64 : index
          %get3A_743 = tpu.vector_load %arg27[%get3A_741, %get3A_742] {strides = array<i32>} : memref<16x144xf32, #tpu.memory_space<vmem>>, vector<16xf32>,
          %mul3A_744 = arith.mulf %get3A_743, %gather3A : vector<16xf32>
          %swap3A_745 = arith.index_cast %scan3A_708 : i32 to index
          %swap3A_746 = arith.constant 64 : index
          %swap3A_747 = tpu.vector_load %arg27[%swap3A_745, %swap3A_746] {strides = array<i32>} : memref<16x144xf32, #tpu.memory_space<vmem>>, vector<16xf32>,
          tpu.vector_store %arg27[%swap3A_745, %swap3A_746], %mul3A_744 {strides = array<i32>} : memref<16x144xf32, #tpu.memory_space<vmem>>, vector<16xf32>,
          %get3A_748 = arith.index_cast %scan3A_708 : i32 to index
          %get3A_749 = arith.constant 80 : index
          %get3A_750 = tpu.vector_load %arg27[%get3A_748, %get3A_749] {strides = array<i32>} : memref<16x144xf32, #tpu.memory_space<vmem>>, vector<16xf32>,
          %mul3A_751 = arith.mulf %get3A_750, %gather3A : vector<16xf32>
          %swap3A_752 = arith.index_cast %scan3A_708 : i32 to index
          %swap3A_753 = arith.constant 80 : index
          %swap3A_754 = tpu.vector_load %arg27[%swap3A_752, %swap3A_753] {strides = array<i32>} : memref<16x144xf32, #tpu.memory_space<vmem>>, vector<16xf32>,
          tpu.vector_store %arg27[%swap3A_752, %swap3A_753], %mul3A_751 {strides = array<i32>} : memref<16x144xf32, #tpu.memory_space<vmem>>, vector<16xf32>,
          %get3A_755 = arith.index_cast %scan3A_708 : i32 to index
          %get3A_756 = arith.constant 96 : index
          %get3A_757 = tpu.vector_load %arg27[%get3A_755, %get3A_756] {strides = array<i32>} : memref<16x144xf32, #tpu.memory_space<vmem>>, vector<16xf32>,
          %mul3A_758 = arith.mulf %get3A_757, %gather3A : vector<16xf32>
          %swap3A_759 = arith.index_cast %scan3A_708 : i32 to index
          %swap3A_760 = arith.constant 96 : index
          %swap3A_761 = tpu.vector_load %arg27[%swap3A_759, %swap3A_760] {strides = array<i32>} : memref<16x144xf32, #tpu.memory_space<vmem>>, vector<16xf32>,
          tpu.vector_store %arg27[%swap3A_759, %swap3A_760], %mul3A_758 {strides = array<i32>} : memref<16x144xf32, #tpu.memory_space<vmem>>, vector<16xf32>,
          %get3A_762 = arith.index_cast %scan3A_708 : i32 to index
          %get3A_763 = arith.constant 112 : index
          %get3A_764 = tpu.vector_load %arg27[%get3A_762, %get3A_763] {strides = array<i32>} : memref<16x144xf32, #tpu.memory_space<vmem>>, vector<16xf32>,
          %mul3A_765 = arith.mulf %get3A_764, %gather3A : vector<16xf32>
          %swap3A_766 = arith.index_cast %scan3A_708 : i32 to index
          %swap3A_767 = arith.constant 112 : index
          %swap3A_768 = tpu.vector_load %arg27[%swap3A_766, %swap3A_767] {strides = array<i32>} : memref<16x144xf32, #tpu.memory_space<vmem>>, vector<16xf32>,
          tpu.vector_store %arg27[%swap3A_766, %swap3A_767], %mul3A_765 {strides = array<i32>} : memref<16x144xf32, #tpu.memory_space<vmem>>, vector<16xf32>,
          %get3A_769 = arith.index_cast %scan3A_708 : i32 to index
          %get3A_770 = arith.constant 128 : index
          %get3A_771 = tpu.vector_load %arg27[%get3A_769, %get3A_770] {strides = array<i32>} : memref<16x144xf32, #tpu.memory_space<vmem>>, vector<16xf32>,
          %mul3A_772 = arith.mulf %get3A_771, %gather3A : vector<16xf32>
          %swap3A_773 = arith.index_cast %scan3A_708 : i32 to index
          %swap3A_774 = arith.constant 128 : index
          %swap3A_775 = tpu.vector_load %arg27[%swap3A_773, %swap3A_774] {strides = array<i32>} : memref<16x144xf32, #tpu.memory_space<vmem>>, vector<16xf32>,
          tpu.vector_store %arg27[%swap3A_773, %swap3A_774], %mul3A_772 {strides = array<i32>} : memref<16x144xf32, #tpu.memory_space<vmem>>, vector<16xf32>,
        }
        %scan3A_449 = arith.constant 16 : i32
        %dma_start3A_450 = arith.constant 0 : i32
        %dma_start3A_451 = tpu.memref_slice %arg10[%add3A_439, %dma_start3A_450] : memref<96x16xi32, #tpu.memory_space<vmem>> -> memref<1x16xi32, #tpu.memory_space<vmem>>
        %dma_start3A_452 = tpu.memref_squeeze %dma_start3A_451 : memref<1x16xi32, #tpu.memory_space<vmem>> -> memref<16xi32, #tpu.memory_space<vmem>>
        %dma_start3A_453 = arith.constant 0 : i32
        %dma_start3A_454 = arith.constant 0 : i32
        %dma_start3A_455 = tpu.memref_slice %arg8[%dma_start3A_453, %dma_start3A_454] : memref<10000x144xf32, #tpu.memory_space<vmem_shared>> -> memref<10000x144xf32, #tpu.memory_space<vmem_shared>>
        tpu.enqueue_indirect_dma source(%arg27 : memref<16x144xf32, #tpu.memory_space<vmem>>) target(%dma_start3A_455 : memref<10000x144xf32, #tpu.memory_space<vmem_shared>>) offsets(%dma_start3A_452 : memref<16xi32, #tpu.memory_space<vmem>>) semaphore(%arg40 : memref<!tpu.dma_semaphore, #tpu.memory_space<semaphore_mem>>) {add = true}
        %add3A_456 = arith.constant 2 : i32
        %add3A_457 = arith.addi %mul3A_323, %add3A_456 : i32
        %dma_wait3A_458 = tpu.memref_slice %arg38[%mul3A_343] : memref<1536xi32, #tpu.memory_space<vmem>> -> memref<16xi32, #tpu.memory_space<vmem>>
        %dma_wait3A_459 = arith.constant 0 : i32
        %dma_wait3A_460 = arith.constant 0 : i32
        %dma_wait3A_461 = tpu.memref_slice %arg2[%dma_wait3A_459, %dma_wait3A_460] : memref<20000x144xf32, #tpu.memory_space<hbm>> -> memref<20000x144xf32, #tpu.memory_space<hbm>>
        tpu.wait_indirect_dma semaphore(%arg14 : memref<!tpu.dma_semaphore, #tpu.memory_space<semaphore_mem>>) src(%dma_wait3A_461 : memref<20000x144xf32, #tpu.memory_space<hbm>>) dst(%arg28 : memref<16x144xf32, #tpu.memory_space<vmem>>)
        %scan3A_462 = arith.constant 0 : i32
        %scan3A_463 = arith.constant 0 : i32
        %scan3A_464 = arith.constant 16 : i32
        %scan3A_465 = arith.addi %scan3A_463, %scan3A_464 : i32
        %scan3A_466 = arith.constant 1 : i32
        scf.for %scan3A_708 = %scan3A_463 to %scan3A_465 step %scan3A_466  : i32 {
          %broadcast_in_dim3A = arith.constant 0 : i32
          %broadcast_in_dim3A_709 = vector.broadcast %broadcast_in_dim3A : i32 to vector<16xi32>
          %mul3A_710 = arith.constant 16 : i32
          %mul3A_711 = arith.muli %add3A_457, %mul3A_710 : i32
          %add3A_712 = arith.addi %mul3A_711, %scan3A_708 : i32
          %add3A_713 = vector.broadcast %add3A_712 : i32 to vector<16xi32>
          %add3A_714 = arith.addi %broadcast_in_dim3A_709, %add3A_713 : vector<16xi32>
          %gather3A = tpu.vector_load_idx %arg11[%add3A_714] : memref<1536xf32, #tpu.memory_space<vmem>>[vector<16xi32>], vector<16xf32>,
          %get3A = arith.index_cast %scan3A_708 : i32 to index
          %get3A_715 = arith.constant 0 : index
          %get3A_716 = tpu.vector_load %arg28[%get3A, %get3A_715] {strides = array<i32>} : memref<16x144xf32, #tpu.memory_space<vmem>>, vector<16xf32>,
          %mul3A_717 = arith.mulf %get3A_716, %gather3A : vector<16xf32>
          %swap3A = arith.index_cast %scan3A_708 : i32 to index
          %swap3A_718 = arith.constant 0 : index
          %swap3A_719 = tpu.vector_load %arg28[%swap3A, %swap3A_718] {strides = array<i32>} : memref<16x144xf32, #tpu.memory_space<vmem>>, vector<16xf32>,
          tpu.vector_store %arg28[%swap3A, %swap3A_718], %mul3A_717 {strides = array<i32>} : memref<16x144xf32, #tpu.memory_space<vmem>>, vector<16xf32>,
          %get3A_720 = arith.index_cast %scan3A_708 : i32 to index
          %get3A_721 = arith.constant 16 : index
          %get3A_722 = tpu.vector_load %arg28[%get3A_720, %get3A_721] {strides = array<i32>} : memref<16x144xf32, #tpu.memory_space<vmem>>, vector<16xf32>,
          %mul3A_723 = arith.mulf %get3A_722, %gather3A : vector<16xf32>
          %swap3A_724 = arith.index_cast %scan3A_708 : i32 to index
          %swap3A_725 = arith.constant 16 : index
          %swap3A_726 = tpu.vector_load %arg28[%swap3A_724, %swap3A_725] {strides = array<i32>} : memref<16x144xf32, #tpu.memory_space<vmem>>, vector<16xf32>,
          tpu.vector_store %arg28[%swap3A_724, %swap3A_725], %mul3A_723 {strides = array<i32>} : memref<16x144xf32, #tpu.memory_space<vmem>>, vector<16xf32>,
          %get3A_727 = arith.index_cast %scan3A_708 : i32 to index
          %get3A_728 = arith.constant 32 : index
          %get3A_729 = tpu.vector_load %arg28[%get3A_727, %get3A_728] {strides = array<i32>} : memref<16x144xf32, #tpu.memory_space<vmem>>, vector<16xf32>,
          %mul3A_730 = arith.mulf %get3A_729, %gather3A : vector<16xf32>
          %swap3A_731 = arith.index_cast %scan3A_708 : i32 to index
          %swap3A_732 = arith.constant 32 : index
          %swap3A_733 = tpu.vector_load %arg28[%swap3A_731, %swap3A_732] {strides = array<i32>} : memref<16x144xf32, #tpu.memory_space<vmem>>, vector<16xf32>,
          tpu.vector_store %arg28[%swap3A_731, %swap3A_732], %mul3A_730 {strides = array<i32>} : memref<16x144xf32, #tpu.memory_space<vmem>>, vector<16xf32>,
          %get3A_734 = arith.index_cast %scan3A_708 : i32 to index
          %get3A_735 = arith.constant 48 : index
          %get3A_736 = tpu.vector_load %arg28[%get3A_734, %get3A_735] {strides = array<i32>} : memref<16x144xf32, #tpu.memory_space<vmem>>, vector<16xf32>,
          %mul3A_737 = arith.mulf %get3A_736, %gather3A : vector<16xf32>
          %swap3A_738 = arith.index_cast %scan3A_708 : i32 to index
          %swap3A_739 = arith.constant 48 : index
          %swap3A_740 = tpu.vector_load %arg28[%swap3A_738, %swap3A_739] {strides = array<i32>} : memref<16x144xf32, #tpu.memory_space<vmem>>, vector<16xf32>,
          tpu.vector_store %arg28[%swap3A_738, %swap3A_739], %mul3A_737 {strides = array<i32>} : memref<16x144xf32, #tpu.memory_space<vmem>>, vector<16xf32>,
          %get3A_741 = arith.index_cast %scan3A_708 : i32 to index
          %get3A_742 = arith.constant 64 : index
          %get3A_743 = tpu.vector_load %arg28[%get3A_741, %get3A_742] {strides = array<i32>} : memref<16x144xf32, #tpu.memory_space<vmem>>, vector<16xf32>,
          %mul3A_744 = arith.mulf %get3A_743, %gather3A : vector<16xf32>
          %swap3A_745 = arith.index_cast %scan3A_708 : i32 to index
          %swap3A_746 = arith.constant 64 : index
          %swap3A_747 = tpu.vector_load %arg28[%swap3A_745, %swap3A_746] {strides = array<i32>} : memref<16x144xf32, #tpu.memory_space<vmem>>, vector<16xf32>,
          tpu.vector_store %arg28[%swap3A_745, %swap3A_746], %mul3A_744 {strides = array<i32>} : memref<16x144xf32, #tpu.memory_space<vmem>>, vector<16xf32>,
          %get3A_748 = arith.index_cast %scan3A_708 : i32 to index
          %get3A_749 = arith.constant 80 : index
          %get3A_750 = tpu.vector_load %arg28[%get3A_748, %get3A_749] {strides = array<i32>} : memref<16x144xf32, #tpu.memory_space<vmem>>, vector<16xf32>,
          %mul3A_751 = arith.mulf %get3A_750, %gather3A : vector<16xf32>
          %swap3A_752 = arith.index_cast %scan3A_708 : i32 to index
          %swap3A_753 = arith.constant 80 : index
          %swap3A_754 = tpu.vector_load %arg28[%swap3A_752, %swap3A_753] {strides = array<i32>} : memref<16x144xf32, #tpu.memory_space<vmem>>, vector<16xf32>,
          tpu.vector_store %arg28[%swap3A_752, %swap3A_753], %mul3A_751 {strides = array<i32>} : memref<16x144xf32, #tpu.memory_space<vmem>>, vector<16xf32>,
          %get3A_755 = arith.index_cast %scan3A_708 : i32 to index
          %get3A_756 = arith.constant 96 : index
          %get3A_757 = tpu.vector_load %arg28[%get3A_755, %get3A_756] {strides = array<i32>} : memref<16x144xf32, #tpu.memory_space<vmem>>, vector<16xf32>,
          %mul3A_758 = arith.mulf %get3A_757, %gather3A : vector<16xf32>
          %swap3A_759 = arith.index_cast %scan3A_708 : i32 to index
          %swap3A_760 = arith.constant 96 : index
          %swap3A_761 = tpu.vector_load %arg28[%swap3A_759, %swap3A_760] {strides = array<i32>} : memref<16x144xf32, #tpu.memory_space<vmem>>, vector<16xf32>,
          tpu.vector_store %arg28[%swap3A_759, %swap3A_760], %mul3A_758 {strides = array<i32>} : memref<16x144xf32, #tpu.memory_space<vmem>>, vector<16xf32>,
          %get3A_762 = arith.index_cast %scan3A_708 : i32 to index
          %get3A_763 = arith.constant 112 : index
          %get3A_764 = tpu.vector_load %arg28[%get3A_762, %get3A_763] {strides = array<i32>} : memref<16x144xf32, #tpu.memory_space<vmem>>, vector<16xf32>,
          %mul3A_765 = arith.mulf %get3A_764, %gather3A : vector<16xf32>
          %swap3A_766 = arith.index_cast %scan3A_708 : i32 to index
          %swap3A_767 = arith.constant 112 : index
          %swap3A_768 = tpu.vector_load %arg28[%swap3A_766, %swap3A_767] {strides = array<i32>} : memref<16x144xf32, #tpu.memory_space<vmem>>, vector<16xf32>,
          tpu.vector_store %arg28[%swap3A_766, %swap3A_767], %mul3A_765 {strides = array<i32>} : memref<16x144xf32, #tpu.memory_space<vmem>>, vector<16xf32>,
          %get3A_769 = arith.index_cast %scan3A_708 : i32 to index
          %get3A_770 = arith.constant 128 : index
          %get3A_771 = tpu.vector_load %arg28[%get3A_769, %get3A_770] {strides = array<i32>} : memref<16x144xf32, #tpu.memory_space<vmem>>, vector<16xf32>,
          %mul3A_772 = arith.mulf %get3A_771, %gather3A : vector<16xf32>
          %swap3A_773 = arith.index_cast %scan3A_708 : i32 to index
          %swap3A_774 = arith.constant 128 : index
          %swap3A_775 = tpu.vector_load %arg28[%swap3A_773, %swap3A_774] {strides = array<i32>} : memref<16x144xf32, #tpu.memory_space<vmem>>, vector<16xf32>,
          tpu.vector_store %arg28[%swap3A_773, %swap3A_774], %mul3A_772 {strides = array<i32>} : memref<16x144xf32, #tpu.memory_space<vmem>>, vector<16xf32>,
        }
        %scan3A_467 = arith.constant 16 : i32
        %dma_start3A_468 = arith.constant 0 : i32
        %dma_start3A_469 = tpu.memref_slice %arg10[%add3A_457, %dma_start3A_468] : memref<96x16xi32, #tpu.memory_space<vmem>> -> memref<1x16xi32, #tpu.memory_space<vmem>>
        %dma_start3A_470 = tpu.memref_squeeze %dma_start3A_469 : memref<1x16xi32, #tpu.memory_space<vmem>> -> memref<16xi32, #tpu.memory_space<vmem>>
        %dma_start3A_471 = arith.constant 0 : i32
        %dma_start3A_472 = arith.constant 0 : i32
        %dma_start3A_473 = tpu.memref_slice %arg8[%dma_start3A_471, %dma_start3A_472] : memref<10000x144xf32, #tpu.memory_space<vmem_shared>> -> memref<10000x144xf32, #tpu.memory_space<vmem_shared>>
        tpu.enqueue_indirect_dma source(%arg28 : memref<16x144xf32, #tpu.memory_space<vmem>>) target(%dma_start3A_473 : memref<10000x144xf32, #tpu.memory_space<vmem_shared>>) offsets(%dma_start3A_470 : memref<16xi32, #tpu.memory_space<vmem>>) semaphore(%arg41 : memref<!tpu.dma_semaphore, #tpu.memory_space<semaphore_mem>>) {add = true}
        %add3A_474 = arith.constant 3 : i32
        %add3A_475 = arith.addi %mul3A_323, %add3A_474 : i32
        %dma_wait3A_476 = tpu.memref_slice %arg38[%mul3A_351] : memref<1536xi32, #tpu.memory_space<vmem>> -> memref<16xi32, #tpu.memory_space<vmem>>
        %dma_wait3A_477 = arith.constant 0 : i32
        %dma_wait3A_478 = arith.constant 0 : i32
        %dma_wait3A_479 = tpu.memref_slice %arg2[%dma_wait3A_477, %dma_wait3A_478] : memref<20000x144xf32, #tpu.memory_space<hbm>> -> memref<20000x144xf32, #tpu.memory_space<hbm>>
        tpu.wait_indirect_dma semaphore(%arg15 : memref<!tpu.dma_semaphore, #tpu.memory_space<semaphore_mem>>) src(%dma_wait3A_479 : memref<20000x144xf32, #tpu.memory_space<hbm>>) dst(%arg29 : memref<16x144xf32, #tpu.memory_space<vmem>>)
        %scan3A_480 = arith.constant 0 : i32
        %scan3A_481 = arith.constant 0 : i32
        %scan3A_482 = arith.constant 16 : i32
        %scan3A_483 = arith.addi %scan3A_481, %scan3A_482 : i32
        %scan3A_484 = arith.constant 1 : i32
        scf.for %scan3A_708 = %scan3A_481 to %scan3A_483 step %scan3A_484  : i32 {
          %broadcast_in_dim3A = arith.constant 0 : i32
          %broadcast_in_dim3A_709 = vector.broadcast %broadcast_in_dim3A : i32 to vector<16xi32>
          %mul3A_710 = arith.constant 16 : i32
          %mul3A_711 = arith.muli %add3A_475, %mul3A_710 : i32
          %add3A_712 = arith.addi %mul3A_711, %scan3A_708 : i32
          %add3A_713 = vector.broadcast %add3A_712 : i32 to vector<16xi32>
          %add3A_714 = arith.addi %broadcast_in_dim3A_709, %add3A_713 : vector<16xi32>
          %gather3A = tpu.vector_load_idx %arg11[%add3A_714] : memref<1536xf32, #tpu.memory_space<vmem>>[vector<16xi32>], vector<16xf32>,
          %get3A = arith.index_cast %scan3A_708 : i32 to index
          %get3A_715 = arith.constant 0 : index
          %get3A_716 = tpu.vector_load %arg29[%get3A, %get3A_715] {strides = array<i32>} : memref<16x144xf32, #tpu.memory_space<vmem>>, vector<16xf32>,
          %mul3A_717 = arith.mulf %get3A_716, %gather3A : vector<16xf32>
          %swap3A = arith.index_cast %scan3A_708 : i32 to index
          %swap3A_718 = arith.constant 0 : index
          %swap3A_719 = tpu.vector_load %arg29[%swap3A, %swap3A_718] {strides = array<i32>} : memref<16x144xf32, #tpu.memory_space<vmem>>, vector<16xf32>,
          tpu.vector_store %arg29[%swap3A, %swap3A_718], %mul3A_717 {strides = array<i32>} : memref<16x144xf32, #tpu.memory_space<vmem>>, vector<16xf32>,
          %get3A_720 = arith.index_cast %scan3A_708 : i32 to index
          %get3A_721 = arith.constant 16 : index
          %get3A_722 = tpu.vector_load %arg29[%get3A_720, %get3A_721] {strides = array<i32>} : memref<16x144xf32, #tpu.memory_space<vmem>>, vector<16xf32>,
          %mul3A_723 = arith.mulf %get3A_722, %gather3A : vector<16xf32>
          %swap3A_724 = arith.index_cast %scan3A_708 : i32 to index
          %swap3A_725 = arith.constant 16 : index
          %swap3A_726 = tpu.vector_load %arg29[%swap3A_724, %swap3A_725] {strides = array<i32>} : memref<16x144xf32, #tpu.memory_space<vmem>>, vector<16xf32>,
          tpu.vector_store %arg29[%swap3A_724, %swap3A_725], %mul3A_723 {strides = array<i32>} : memref<16x144xf32, #tpu.memory_space<vmem>>, vector<16xf32>,
          %get3A_727 = arith.index_cast %scan3A_708 : i32 to index
          %get3A_728 = arith.constant 32 : index
          %get3A_729 = tpu.vector_load %arg29[%get3A_727, %get3A_728] {strides = array<i32>} : memref<16x144xf32, #tpu.memory_space<vmem>>, vector<16xf32>,
          %mul3A_730 = arith.mulf %get3A_729, %gather3A : vector<16xf32>
          %swap3A_731 = arith.index_cast %scan3A_708 : i32 to index
          %swap3A_732 = arith.constant 32 : index
          %swap3A_733 = tpu.vector_load %arg29[%swap3A_731, %swap3A_732] {strides = array<i32>} : memref<16x144xf32, #tpu.memory_space<vmem>>, vector<16xf32>,
          tpu.vector_store %arg29[%swap3A_731, %swap3A_732], %mul3A_730 {strides = array<i32>} : memref<16x144xf32, #tpu.memory_space<vmem>>, vector<16xf32>,
          %get3A_734 = arith.index_cast %scan3A_708 : i32 to index
          %get3A_735 = arith.constant 48 : index
          %get3A_736 = tpu.vector_load %arg29[%get3A_734, %get3A_735] {strides = array<i32>} : memref<16x144xf32, #tpu.memory_space<vmem>>, vector<16xf32>,
          %mul3A_737 = arith.mulf %get3A_736, %gather3A : vector<16xf32>
          %swap3A_738 = arith.index_cast %scan3A_708 : i32 to index
          %swap3A_739 = arith.constant 48 : index
          %swap3A_740 = tpu.vector_load %arg29[%swap3A_738, %swap3A_739] {strides = array<i32>} : memref<16x144xf32, #tpu.memory_space<vmem>>, vector<16xf32>,
          tpu.vector_store %arg29[%swap3A_738, %swap3A_739], %mul3A_737 {strides = array<i32>} : memref<16x144xf32, #tpu.memory_space<vmem>>, vector<16xf32>,
          %get3A_741 = arith.index_cast %scan3A_708 : i32 to index
          %get3A_742 = arith.constant 64 : index
          %get3A_743 = tpu.vector_load %arg29[%get3A_741, %get3A_742] {strides = array<i32>} : memref<16x144xf32, #tpu.memory_space<vmem>>, vector<16xf32>,
          %mul3A_744 = arith.mulf %get3A_743, %gather3A : vector<16xf32>
          %swap3A_745 = arith.index_cast %scan3A_708 : i32 to index
          %swap3A_746 = arith.constant 64 : index
          %swap3A_747 = tpu.vector_load %arg29[%swap3A_745, %swap3A_746] {strides = array<i32>} : memref<16x144xf32, #tpu.memory_space<vmem>>, vector<16xf32>,
          tpu.vector_store %arg29[%swap3A_745, %swap3A_746], %mul3A_744 {strides = array<i32>} : memref<16x144xf32, #tpu.memory_space<vmem>>, vector<16xf32>,
          %get3A_748 = arith.index_cast %scan3A_708 : i32 to index
          %get3A_749 = arith.constant 80 : index
          %get3A_750 = tpu.vector_load %arg29[%get3A_748, %get3A_749] {strides = array<i32>} : memref<16x144xf32, #tpu.memory_space<vmem>>, vector<16xf32>,
          %mul3A_751 = arith.mulf %get3A_750, %gather3A : vector<16xf32>
          %swap3A_752 = arith.index_cast %scan3A_708 : i32 to index
          %swap3A_753 = arith.constant 80 : index
          %swap3A_754 = tpu.vector_load %arg29[%swap3A_752, %swap3A_753] {strides = array<i32>} : memref<16x144xf32, #tpu.memory_space<vmem>>, vector<16xf32>,
          tpu.vector_store %arg29[%swap3A_752, %swap3A_753], %mul3A_751 {strides = array<i32>} : memref<16x144xf32, #tpu.memory_space<vmem>>, vector<16xf32>,
          %get3A_755 = arith.index_cast %scan3A_708 : i32 to index
          %get3A_756 = arith.constant 96 : index
          %get3A_757 = tpu.vector_load %arg29[%get3A_755, %get3A_756] {strides = array<i32>} : memref<16x144xf32, #tpu.memory_space<vmem>>, vector<16xf32>,
          %mul3A_758 = arith.mulf %get3A_757, %gather3A : vector<16xf32>
          %swap3A_759 = arith.index_cast %scan3A_708 : i32 to index
          %swap3A_760 = arith.constant 96 : index
          %swap3A_761 = tpu.vector_load %arg29[%swap3A_759, %swap3A_760] {strides = array<i32>} : memref<16x144xf32, #tpu.memory_space<vmem>>, vector<16xf32>,
          tpu.vector_store %arg29[%swap3A_759, %swap3A_760], %mul3A_758 {strides = array<i32>} : memref<16x144xf32, #tpu.memory_space<vmem>>, vector<16xf32>,
          %get3A_762 = arith.index_cast %scan3A_708 : i32 to index
          %get3A_763 = arith.constant 112 : index
          %get3A_764 = tpu.vector_load %arg29[%get3A_762, %get3A_763] {strides = array<i32>} : memref<16x144xf32, #tpu.memory_space<vmem>>, vector<16xf32>,
          %mul3A_765 = arith.mulf %get3A_764, %gather3A : vector<16xf32>
          %swap3A_766 = arith.index_cast %scan3A_708 : i32 to index
          %swap3A_767 = arith.constant 112 : index
          %swap3A_768 = tpu.vector_load %arg29[%swap3A_766, %swap3A_767] {strides = array<i32>} : memref<16x144xf32, #tpu.memory_space<vmem>>, vector<16xf32>,
          tpu.vector_store %arg29[%swap3A_766, %swap3A_767], %mul3A_765 {strides = array<i32>} : memref<16x144xf32, #tpu.memory_space<vmem>>, vector<16xf32>,
          %get3A_769 = arith.index_cast %scan3A_708 : i32 to index
          %get3A_770 = arith.constant 128 : index
          %get3A_771 = tpu.vector_load %arg29[%get3A_769, %get3A_770] {strides = array<i32>} : memref<16x144xf32, #tpu.memory_space<vmem>>, vector<16xf32>,
          %mul3A_772 = arith.mulf %get3A_771, %gather3A : vector<16xf32>
          %swap3A_773 = arith.index_cast %scan3A_708 : i32 to index
          %swap3A_774 = arith.constant 128 : index
          %swap3A_775 = tpu.vector_load %arg29[%swap3A_773, %swap3A_774] {strides = array<i32>} : memref<16x144xf32, #tpu.memory_space<vmem>>, vector<16xf32>,
          tpu.vector_store %arg29[%swap3A_773, %swap3A_774], %mul3A_772 {strides = array<i32>} : memref<16x144xf32, #tpu.memory_space<vmem>>, vector<16xf32>,
        }
        %scan3A_485 = arith.constant 16 : i32
        %dma_start3A_486 = arith.constant 0 : i32
        %dma_start3A_487 = tpu.memref_slice %arg10[%add3A_475, %dma_start3A_486] : memref<96x16xi32, #tpu.memory_space<vmem>> -> memref<1x16xi32, #tpu.memory_space<vmem>>
        %dma_start3A_488 = tpu.memref_squeeze %dma_start3A_487 : memref<1x16xi32, #tpu.memory_space<vmem>> -> memref<16xi32, #tpu.memory_space<vmem>>
        %dma_start3A_489 = arith.constant 0 : i32
        %dma_start3A_490 = arith.constant 0 : i32
        %dma_start3A_491 = tpu.memref_slice %arg8[%dma_start3A_489, %dma_start3A_490] : memref<10000x144xf32, #tpu.memory_space<vmem_shared>> -> memref<10000x144xf32, #tpu.memory_space<vmem_shared>>
        tpu.enqueue_indirect_dma source(%arg29 : memref<16x144xf32, #tpu.memory_space<vmem>>) target(%dma_start3A_491 : memref<10000x144xf32, #tpu.memory_space<vmem_shared>>) offsets(%dma_start3A_488 : memref<16xi32, #tpu.memory_space<vmem>>) semaphore(%arg42 : memref<!tpu.dma_semaphore, #tpu.memory_space<semaphore_mem>>) {add = true}
        %add3A_492 = arith.constant 4 : i32
        %add3A_493 = arith.addi %mul3A_323, %add3A_492 : i32
        %dma_wait3A_494 = tpu.memref_slice %arg38[%mul3A_359] : memref<1536xi32, #tpu.memory_space<vmem>> -> memref<16xi32, #tpu.memory_space<vmem>>
        %dma_wait3A_495 = arith.constant 0 : i32
        %dma_wait3A_496 = arith.constant 0 : i32
        %dma_wait3A_497 = tpu.memref_slice %arg2[%dma_wait3A_495, %dma_wait3A_496] : memref<20000x144xf32, #tpu.memory_space<hbm>> -> memref<20000x144xf32, #tpu.memory_space<hbm>>
        tpu.wait_indirect_dma semaphore(%arg16 : memref<!tpu.dma_semaphore, #tpu.memory_space<semaphore_mem>>) src(%dma_wait3A_497 : memref<20000x144xf32, #tpu.memory_space<hbm>>) dst(%arg30 : memref<16x144xf32, #tpu.memory_space<vmem>>)
        %scan3A_498 = arith.constant 0 : i32
        %scan3A_499 = arith.constant 0 : i32
        %scan3A_500 = arith.constant 16 : i32
        %scan3A_501 = arith.addi %scan3A_499, %scan3A_500 : i32
        %scan3A_502 = arith.constant 1 : i32
        scf.for %scan3A_708 = %scan3A_499 to %scan3A_501 step %scan3A_502  : i32 {
          %broadcast_in_dim3A = arith.constant 0 : i32
          %broadcast_in_dim3A_709 = vector.broadcast %broadcast_in_dim3A : i32 to vector<16xi32>
          %mul3A_710 = arith.constant 16 : i32
          %mul3A_711 = arith.muli %add3A_493, %mul3A_710 : i32
          %add3A_712 = arith.addi %mul3A_711, %scan3A_708 : i32
          %add3A_713 = vector.broadcast %add3A_712 : i32 to vector<16xi32>
          %add3A_714 = arith.addi %broadcast_in_dim3A_709, %add3A_713 : vector<16xi32>
          %gather3A = tpu.vector_load_idx %arg11[%add3A_714] : memref<1536xf32, #tpu.memory_space<vmem>>[vector<16xi32>], vector<16xf32>,
          %get3A = arith.index_cast %scan3A_708 : i32 to index
          %get3A_715 = arith.constant 0 : index
          %get3A_716 = tpu.vector_load %arg30[%get3A, %get3A_715] {strides = array<i32>} : memref<16x144xf32, #tpu.memory_space<vmem>>, vector<16xf32>,
          %mul3A_717 = arith.mulf %get3A_716, %gather3A : vector<16xf32>
          %swap3A = arith.index_cast %scan3A_708 : i32 to index
          %swap3A_718 = arith.constant 0 : index
          %swap3A_719 = tpu.vector_load %arg30[%swap3A, %swap3A_718] {strides = array<i32>} : memref<16x144xf32, #tpu.memory_space<vmem>>, vector<16xf32>,
          tpu.vector_store %arg30[%swap3A, %swap3A_718], %mul3A_717 {strides = array<i32>} : memref<16x144xf32, #tpu.memory_space<vmem>>, vector<16xf32>,
          %get3A_720 = arith.index_cast %scan3A_708 : i32 to index
          %get3A_721 = arith.constant 16 : index
          %get3A_722 = tpu.vector_load %arg30[%get3A_720, %get3A_721] {strides = array<i32>} : memref<16x144xf32, #tpu.memory_space<vmem>>, vector<16xf32>,
          %mul3A_723 = arith.mulf %get3A_722, %gather3A : vector<16xf32>
          %swap3A_724 = arith.index_cast %scan3A_708 : i32 to index
          %swap3A_725 = arith.constant 16 : index
          %swap3A_726 = tpu.vector_load %arg30[%swap3A_724, %swap3A_725] {strides = array<i32>} : memref<16x144xf32, #tpu.memory_space<vmem>>, vector<16xf32>,
          tpu.vector_store %arg30[%swap3A_724, %swap3A_725], %mul3A_723 {strides = array<i32>} : memref<16x144xf32, #tpu.memory_space<vmem>>, vector<16xf32>,
          %get3A_727 = arith.index_cast %scan3A_708 : i32 to index
          %get3A_728 = arith.constant 32 : index
          %get3A_729 = tpu.vector_load %arg30[%get3A_727, %get3A_728] {strides = array<i32>} : memref<16x144xf32, #tpu.memory_space<vmem>>, vector<16xf32>,
          %mul3A_730 = arith.mulf %get3A_729, %gather3A : vector<16xf32>
          %swap3A_731 = arith.index_cast %scan3A_708 : i32 to index
          %swap3A_732 = arith.constant 32 : index
          %swap3A_733 = tpu.vector_load %arg30[%swap3A_731, %swap3A_732] {strides = array<i32>} : memref<16x144xf32, #tpu.memory_space<vmem>>, vector<16xf32>,
          tpu.vector_store %arg30[%swap3A_731, %swap3A_732], %mul3A_730 {strides = array<i32>} : memref<16x144xf32, #tpu.memory_space<vmem>>, vector<16xf32>,
          %get3A_734 = arith.index_cast %scan3A_708 : i32 to index
          %get3A_735 = arith.constant 48 : index
          %get3A_736 = tpu.vector_load %arg30[%get3A_734, %get3A_735] {strides = array<i32>} : memref<16x144xf32, #tpu.memory_space<vmem>>, vector<16xf32>,
          %mul3A_737 = arith.mulf %get3A_736, %gather3A : vector<16xf32>
          %swap3A_738 = arith.index_cast %scan3A_708 : i32 to index
          %swap3A_739 = arith.constant 48 : index
          %swap3A_740 = tpu.vector_load %arg30[%swap3A_738, %swap3A_739] {strides = array<i32>} : memref<16x144xf32, #tpu.memory_space<vmem>>, vector<16xf32>,
          tpu.vector_store %arg30[%swap3A_738, %swap3A_739], %mul3A_737 {strides = array<i32>} : memref<16x144xf32, #tpu.memory_space<vmem>>, vector<16xf32>,
          %get3A_741 = arith.index_cast %scan3A_708 : i32 to index
          %get3A_742 = arith.constant 64 : index
          %get3A_743 = tpu.vector_load %arg30[%get3A_741, %get3A_742] {strides = array<i32>} : memref<16x144xf32, #tpu.memory_space<vmem>>, vector<16xf32>,
          %mul3A_744 = arith.mulf %get3A_743, %gather3A : vector<16xf32>
          %swap3A_745 = arith.index_cast %scan3A_708 : i32 to index
          %swap3A_746 = arith.constant 64 : index
          %swap3A_747 = tpu.vector_load %arg30[%swap3A_745, %swap3A_746] {strides = array<i32>} : memref<16x144xf32, #tpu.memory_space<vmem>>, vector<16xf32>,
          tpu.vector_store %arg30[%swap3A_745, %swap3A_746], %mul3A_744 {strides = array<i32>} : memref<16x144xf32, #tpu.memory_space<vmem>>, vector<16xf32>,
          %get3A_748 = arith.index_cast %scan3A_708 : i32 to index
          %get3A_749 = arith.constant 80 : index
          %get3A_750 = tpu.vector_load %arg30[%get3A_748, %get3A_749] {strides = array<i32>} : memref<16x144xf32, #tpu.memory_space<vmem>>, vector<16xf32>,
          %mul3A_751 = arith.mulf %get3A_750, %gather3A : vector<16xf32>
          %swap3A_752 = arith.index_cast %scan3A_708 : i32 to index
          %swap3A_753 = arith.constant 80 : index
          %swap3A_754 = tpu.vector_load %arg30[%swap3A_752, %swap3A_753] {strides = array<i32>} : memref<16x144xf32, #tpu.memory_space<vmem>>, vector<16xf32>,
          tpu.vector_store %arg30[%swap3A_752, %swap3A_753], %mul3A_751 {strides = array<i32>} : memref<16x144xf32, #tpu.memory_space<vmem>>, vector<16xf32>,
          %get3A_755 = arith.index_cast %scan3A_708 : i32 to index
          %get3A_756 = arith.constant 96 : index
          %get3A_757 = tpu.vector_load %arg30[%get3A_755, %get3A_756] {strides = array<i32>} : memref<16x144xf32, #tpu.memory_space<vmem>>, vector<16xf32>,
          %mul3A_758 = arith.mulf %get3A_757, %gather3A : vector<16xf32>
          %swap3A_759 = arith.index_cast %scan3A_708 : i32 to index
          %swap3A_760 = arith.constant 96 : index
          %swap3A_761 = tpu.vector_load %arg30[%swap3A_759, %swap3A_760] {strides = array<i32>} : memref<16x144xf32, #tpu.memory_space<vmem>>, vector<16xf32>,
          tpu.vector_store %arg30[%swap3A_759, %swap3A_760], %mul3A_758 {strides = array<i32>} : memref<16x144xf32, #tpu.memory_space<vmem>>, vector<16xf32>,
          %get3A_762 = arith.index_cast %scan3A_708 : i32 to index
          %get3A_763 = arith.constant 112 : index
          %get3A_764 = tpu.vector_load %arg30[%get3A_762, %get3A_763] {strides = array<i32>} : memref<16x144xf32, #tpu.memory_space<vmem>>, vector<16xf32>,
          %mul3A_765 = arith.mulf %get3A_764, %gather3A : vector<16xf32>
          %swap3A_766 = arith.index_cast %scan3A_708 : i32 to index
          %swap3A_767 = arith.constant 112 : index
          %swap3A_768 = tpu.vector_load %arg30[%swap3A_766, %swap3A_767] {strides = array<i32>} : memref<16x144xf32, #tpu.memory_space<vmem>>, vector<16xf32>,
          tpu.vector_store %arg30[%swap3A_766, %swap3A_767], %mul3A_765 {strides = array<i32>} : memref<16x144xf32, #tpu.memory_space<vmem>>, vector<16xf32>,
          %get3A_769 = arith.index_cast %scan3A_708 : i32 to index
          %get3A_770 = arith.constant 128 : index
          %get3A_771 = tpu.vector_load %arg30[%get3A_769, %get3A_770] {strides = array<i32>} : memref<16x144xf32, #tpu.memory_space<vmem>>, vector<16xf32>,
          %mul3A_772 = arith.mulf %get3A_771, %gather3A : vector<16xf32>
          %swap3A_773 = arith.index_cast %scan3A_708 : i32 to index
          %swap3A_774 = arith.constant 128 : index
          %swap3A_775 = tpu.vector_load %arg30[%swap3A_773, %swap3A_774] {strides = array<i32>} : memref<16x144xf32, #tpu.memory_space<vmem>>, vector<16xf32>,
          tpu.vector_store %arg30[%swap3A_773, %swap3A_774], %mul3A_772 {strides = array<i32>} : memref<16x144xf32, #tpu.memory_space<vmem>>, vector<16xf32>,
        }
        %scan3A_503 = arith.constant 16 : i32
        %dma_start3A_504 = arith.constant 0 : i32
        %dma_start3A_505 = tpu.memref_slice %arg10[%add3A_493, %dma_start3A_504] : memref<96x16xi32, #tpu.memory_space<vmem>> -> memref<1x16xi32, #tpu.memory_space<vmem>>
        %dma_start3A_506 = tpu.memref_squeeze %dma_start3A_505 : memref<1x16xi32, #tpu.memory_space<vmem>> -> memref<16xi32, #tpu.memory_space<vmem>>
        %dma_start3A_507 = arith.constant 0 : i32
        %dma_start3A_508 = arith.constant 0 : i32
        %dma_start3A_509 = tpu.memref_slice %arg8[%dma_start3A_507, %dma_start3A_508] : memref<10000x144xf32, #tpu.memory_space<vmem_shared>> -> memref<10000x144xf32, #tpu.memory_space<vmem_shared>>
        tpu.enqueue_indirect_dma source(%arg30 : memref<16x144xf32, #tpu.memory_space<vmem>>) target(%dma_start3A_509 : memref<10000x144xf32, #tpu.memory_space<vmem_shared>>) offsets(%dma_start3A_506 : memref<16xi32, #tpu.memory_space<vmem>>) semaphore(%arg43 : memref<!tpu.dma_semaphore, #tpu.memory_space<semaphore_mem>>) {add = true}
        %add3A_510 = arith.constant 5 : i32
        %add3A_511 = arith.addi %mul3A_323, %add3A_510 : i32
        %dma_wait3A_512 = tpu.memref_slice %arg38[%mul3A_367] : memref<1536xi32, #tpu.memory_space<vmem>> -> memref<16xi32, #tpu.memory_space<vmem>>
        %dma_wait3A_513 = arith.constant 0 : i32
        %dma_wait3A_514 = arith.constant 0 : i32
        %dma_wait3A_515 = tpu.memref_slice %arg2[%dma_wait3A_513, %dma_wait3A_514] : memref<20000x144xf32, #tpu.memory_space<hbm>> -> memref<20000x144xf32, #tpu.memory_space<hbm>>
        tpu.wait_indirect_dma semaphore(%arg17 : memref<!tpu.dma_semaphore, #tpu.memory_space<semaphore_mem>>) src(%dma_wait3A_515 : memref<20000x144xf32, #tpu.memory_space<hbm>>) dst(%arg31 : memref<16x144xf32, #tpu.memory_space<vmem>>)
        %scan3A_516 = arith.constant 0 : i32
        %scan3A_517 = arith.constant 0 : i32
        %scan3A_518 = arith.constant 16 : i32
        %scan3A_519 = arith.addi %scan3A_517, %scan3A_518 : i32
        %scan3A_520 = arith.constant 1 : i32
        scf.for %scan3A_708 = %scan3A_517 to %scan3A_519 step %scan3A_520  : i32 {
          %broadcast_in_dim3A = arith.constant 0 : i32
          %broadcast_in_dim3A_709 = vector.broadcast %broadcast_in_dim3A : i32 to vector<16xi32>
          %mul3A_710 = arith.constant 16 : i32
          %mul3A_711 = arith.muli %add3A_511, %mul3A_710 : i32
          %add3A_712 = arith.addi %mul3A_711, %scan3A_708 : i32
          %add3A_713 = vector.broadcast %add3A_712 : i32 to vector<16xi32>
          %add3A_714 = arith.addi %broadcast_in_dim3A_709, %add3A_713 : vector<16xi32>
          %gather3A = tpu.vector_load_idx %arg11[%add3A_714] : memref<1536xf32, #tpu.memory_space<vmem>>[vector<16xi32>], vector<16xf32>,
          %get3A = arith.index_cast %scan3A_708 : i32 to index
          %get3A_715 = arith.constant 0 : index
          %get3A_716 = tpu.vector_load %arg31[%get3A, %get3A_715] {strides = array<i32>} : memref<16x144xf32, #tpu.memory_space<vmem>>, vector<16xf32>,
          %mul3A_717 = arith.mulf %get3A_716, %gather3A : vector<16xf32>
          %swap3A = arith.index_cast %scan3A_708 : i32 to index
          %swap3A_718 = arith.constant 0 : index
          %swap3A_719 = tpu.vector_load %arg31[%swap3A, %swap3A_718] {strides = array<i32>} : memref<16x144xf32, #tpu.memory_space<vmem>>, vector<16xf32>,
          tpu.vector_store %arg31[%swap3A, %swap3A_718], %mul3A_717 {strides = array<i32>} : memref<16x144xf32, #tpu.memory_space<vmem>>, vector<16xf32>,
          %get3A_720 = arith.index_cast %scan3A_708 : i32 to index
          %get3A_721 = arith.constant 16 : index
          %get3A_722 = tpu.vector_load %arg31[%get3A_720, %get3A_721] {strides = array<i32>} : memref<16x144xf32, #tpu.memory_space<vmem>>, vector<16xf32>,
          %mul3A_723 = arith.mulf %get3A_722, %gather3A : vector<16xf32>
          %swap3A_724 = arith.index_cast %scan3A_708 : i32 to index
          %swap3A_725 = arith.constant 16 : index
          %swap3A_726 = tpu.vector_load %arg31[%swap3A_724, %swap3A_725] {strides = array<i32>} : memref<16x144xf32, #tpu.memory_space<vmem>>, vector<16xf32>,
          tpu.vector_store %arg31[%swap3A_724, %swap3A_725], %mul3A_723 {strides = array<i32>} : memref<16x144xf32, #tpu.memory_space<vmem>>, vector<16xf32>,
          %get3A_727 = arith.index_cast %scan3A_708 : i32 to index
          %get3A_728 = arith.constant 32 : index
          %get3A_729 = tpu.vector_load %arg31[%get3A_727, %get3A_728] {strides = array<i32>} : memref<16x144xf32, #tpu.memory_space<vmem>>, vector<16xf32>,
          %mul3A_730 = arith.mulf %get3A_729, %gather3A : vector<16xf32>
          %swap3A_731 = arith.index_cast %scan3A_708 : i32 to index
          %swap3A_732 = arith.constant 32 : index
          %swap3A_733 = tpu.vector_load %arg31[%swap3A_731, %swap3A_732] {strides = array<i32>} : memref<16x144xf32, #tpu.memory_space<vmem>>, vector<16xf32>,
          tpu.vector_store %arg31[%swap3A_731, %swap3A_732], %mul3A_730 {strides = array<i32>} : memref<16x144xf32, #tpu.memory_space<vmem>>, vector<16xf32>,
          %get3A_734 = arith.index_cast %scan3A_708 : i32 to index
          %get3A_735 = arith.constant 48 : index
          %get3A_736 = tpu.vector_load %arg31[%get3A_734, %get3A_735] {strides = array<i32>} : memref<16x144xf32, #tpu.memory_space<vmem>>, vector<16xf32>,
          %mul3A_737 = arith.mulf %get3A_736, %gather3A : vector<16xf32>
          %swap3A_738 = arith.index_cast %scan3A_708 : i32 to index
          %swap3A_739 = arith.constant 48 : index
          %swap3A_740 = tpu.vector_load %arg31[%swap3A_738, %swap3A_739] {strides = array<i32>} : memref<16x144xf32, #tpu.memory_space<vmem>>, vector<16xf32>,
          tpu.vector_store %arg31[%swap3A_738, %swap3A_739], %mul3A_737 {strides = array<i32>} : memref<16x144xf32, #tpu.memory_space<vmem>>, vector<16xf32>,
          %get3A_741 = arith.index_cast %scan3A_708 : i32 to index
          %get3A_742 = arith.constant 64 : index
          %get3A_743 = tpu.vector_load %arg31[%get3A_741, %get3A_742] {strides = array<i32>} : memref<16x144xf32, #tpu.memory_space<vmem>>, vector<16xf32>,
          %mul3A_744 = arith.mulf %get3A_743, %gather3A : vector<16xf32>
          %swap3A_745 = arith.index_cast %scan3A_708 : i32 to index
          %swap3A_746 = arith.constant 64 : index
          %swap3A_747 = tpu.vector_load %arg31[%swap3A_745, %swap3A_746] {strides = array<i32>} : memref<16x144xf32, #tpu.memory_space<vmem>>, vector<16xf32>,
          tpu.vector_store %arg31[%swap3A_745, %swap3A_746], %mul3A_744 {strides = array<i32>} : memref<16x144xf32, #tpu.memory_space<vmem>>, vector<16xf32>,
          %get3A_748 = arith.index_cast %scan3A_708 : i32 to index
          %get3A_749 = arith.constant 80 : index
          %get3A_750 = tpu.vector_load %arg31[%get3A_748, %get3A_749] {strides = array<i32>} : memref<16x144xf32, #tpu.memory_space<vmem>>, vector<16xf32>,
          %mul3A_751 = arith.mulf %get3A_750, %gather3A : vector<16xf32>
          %swap3A_752 = arith.index_cast %scan3A_708 : i32 to index
          %swap3A_753 = arith.constant 80 : index
          %swap3A_754 = tpu.vector_load %arg31[%swap3A_752, %swap3A_753] {strides = array<i32>} : memref<16x144xf32, #tpu.memory_space<vmem>>, vector<16xf32>,
          tpu.vector_store %arg31[%swap3A_752, %swap3A_753], %mul3A_751 {strides = array<i32>} : memref<16x144xf32, #tpu.memory_space<vmem>>, vector<16xf32>,
          %get3A_755 = arith.index_cast %scan3A_708 : i32 to index
          %get3A_756 = arith.constant 96 : index
          %get3A_757 = tpu.vector_load %arg31[%get3A_755, %get3A_756] {strides = array<i32>} : memref<16x144xf32, #tpu.memory_space<vmem>>, vector<16xf32>,
          %mul3A_758 = arith.mulf %get3A_757, %gather3A : vector<16xf32>
          %swap3A_759 = arith.index_cast %scan3A_708 : i32 to index
          %swap3A_760 = arith.constant 96 : index
          %swap3A_761 = tpu.vector_load %arg31[%swap3A_759, %swap3A_760] {strides = array<i32>} : memref<16x144xf32, #tpu.memory_space<vmem>>, vector<16xf32>,
          tpu.vector_store %arg31[%swap3A_759, %swap3A_760], %mul3A_758 {strides = array<i32>} : memref<16x144xf32, #tpu.memory_space<vmem>>, vector<16xf32>,
          %get3A_762 = arith.index_cast %scan3A_708 : i32 to index
          %get3A_763 = arith.constant 112 : index
          %get3A_764 = tpu.vector_load %arg31[%get3A_762, %get3A_763] {strides = array<i32>} : memref<16x144xf32, #tpu.memory_space<vmem>>, vector<16xf32>,
          %mul3A_765 = arith.mulf %get3A_764, %gather3A : vector<16xf32>
          %swap3A_766 = arith.index_cast %scan3A_708 : i32 to index
          %swap3A_767 = arith.constant 112 : index
          %swap3A_768 = tpu.vector_load %arg31[%swap3A_766, %swap3A_767] {strides = array<i32>} : memref<16x144xf32, #tpu.memory_space<vmem>>, vector<16xf32>,
          tpu.vector_store %arg31[%swap3A_766, %swap3A_767], %mul3A_765 {strides = array<i32>} : memref<16x144xf32, #tpu.memory_space<vmem>>, vector<16xf32>,
          %get3A_769 = arith.index_cast %scan3A_708 : i32 to index
          %get3A_770 = arith.constant 128 : index
          %get3A_771 = tpu.vector_load %arg31[%get3A_769, %get3A_770] {strides = array<i32>} : memref<16x144xf32, #tpu.memory_space<vmem>>, vector<16xf32>,
          %mul3A_772 = arith.mulf %get3A_771, %gather3A : vector<16xf32>
          %swap3A_773 = arith.index_cast %scan3A_708 : i32 to index
          %swap3A_774 = arith.constant 128 : index
          %swap3A_775 = tpu.vector_load %arg31[%swap3A_773, %swap3A_774] {strides = array<i32>} : memref<16x144xf32, #tpu.memory_space<vmem>>, vector<16xf32>,
          tpu.vector_store %arg31[%swap3A_773, %swap3A_774], %mul3A_772 {strides = array<i32>} : memref<16x144xf32, #tpu.memory_space<vmem>>, vector<16xf32>,
        }
        %scan3A_521 = arith.constant 16 : i32
        %dma_start3A_522 = arith.constant 0 : i32
        %dma_start3A_523 = tpu.memref_slice %arg10[%add3A_511, %dma_start3A_522] : memref<96x16xi32, #tpu.memory_space<vmem>> -> memref<1x16xi32, #tpu.memory_space<vmem>>
        %dma_start3A_524 = tpu.memref_squeeze %dma_start3A_523 : memref<1x16xi32, #tpu.memory_space<vmem>> -> memref<16xi32, #tpu.memory_space<vmem>>
        %dma_start3A_525 = arith.constant 0 : i32
        %dma_start3A_526 = arith.constant 0 : i32
        %dma_start3A_527 = tpu.memref_slice %arg8[%dma_start3A_525, %dma_start3A_526] : memref<10000x144xf32, #tpu.memory_space<vmem_shared>> -> memref<10000x144xf32, #tpu.memory_space<vmem_shared>>
        tpu.enqueue_indirect_dma source(%arg31 : memref<16x144xf32, #tpu.memory_space<vmem>>) target(%dma_start3A_527 : memref<10000x144xf32, #tpu.memory_space<vmem_shared>>) offsets(%dma_start3A_524 : memref<16xi32, #tpu.memory_space<vmem>>) semaphore(%arg44 : memref<!tpu.dma_semaphore, #tpu.memory_space<semaphore_mem>>) {add = true}
        %add3A_528 = arith.constant 6 : i32
        %add3A_529 = arith.addi %mul3A_323, %add3A_528 : i32
        %dma_wait3A_530 = tpu.memref_slice %arg38[%mul3A_375] : memref<1536xi32, #tpu.memory_space<vmem>> -> memref<16xi32, #tpu.memory_space<vmem>>
        %dma_wait3A_531 = arith.constant 0 : i32
        %dma_wait3A_532 = arith.constant 0 : i32
        %dma_wait3A_533 = tpu.memref_slice %arg2[%dma_wait3A_531, %dma_wait3A_532] : memref<20000x144xf32, #tpu.memory_space<hbm>> -> memref<20000x144xf32, #tpu.memory_space<hbm>>
        tpu.wait_indirect_dma semaphore(%arg18 : memref<!tpu.dma_semaphore, #tpu.memory_space<semaphore_mem>>) src(%dma_wait3A_533 : memref<20000x144xf32, #tpu.memory_space<hbm>>) dst(%arg32 : memref<16x144xf32, #tpu.memory_space<vmem>>)
        %scan3A_534 = arith.constant 0 : i32
        %scan3A_535 = arith.constant 0 : i32
        %scan3A_536 = arith.constant 16 : i32
        %scan3A_537 = arith.addi %scan3A_535, %scan3A_536 : i32
        %scan3A_538 = arith.constant 1 : i32
        scf.for %scan3A_708 = %scan3A_535 to %scan3A_537 step %scan3A_538  : i32 {
          %broadcast_in_dim3A = arith.constant 0 : i32
          %broadcast_in_dim3A_709 = vector.broadcast %broadcast_in_dim3A : i32 to vector<16xi32>
          %mul3A_710 = arith.constant 16 : i32
          %mul3A_711 = arith.muli %add3A_529, %mul3A_710 : i32
          %add3A_712 = arith.addi %mul3A_711, %scan3A_708 : i32
          %add3A_713 = vector.broadcast %add3A_712 : i32 to vector<16xi32>
          %add3A_714 = arith.addi %broadcast_in_dim3A_709, %add3A_713 : vector<16xi32>
          %gather3A = tpu.vector_load_idx %arg11[%add3A_714] : memref<1536xf32, #tpu.memory_space<vmem>>[vector<16xi32>], vector<16xf32>,
          %get3A = arith.index_cast %scan3A_708 : i32 to index
          %get3A_715 = arith.constant 0 : index
          %get3A_716 = tpu.vector_load %arg32[%get3A, %get3A_715] {strides = array<i32>} : memref<16x144xf32, #tpu.memory_space<vmem>>, vector<16xf32>,
          %mul3A_717 = arith.mulf %get3A_716, %gather3A : vector<16xf32>
          %swap3A = arith.index_cast %scan3A_708 : i32 to index
          %swap3A_718 = arith.constant 0 : index
          %swap3A_719 = tpu.vector_load %arg32[%swap3A, %swap3A_718] {strides = array<i32>} : memref<16x144xf32, #tpu.memory_space<vmem>>, vector<16xf32>,
          tpu.vector_store %arg32[%swap3A, %swap3A_718], %mul3A_717 {strides = array<i32>} : memref<16x144xf32, #tpu.memory_space<vmem>>, vector<16xf32>,
          %get3A_720 = arith.index_cast %scan3A_708 : i32 to index
          %get3A_721 = arith.constant 16 : index
          %get3A_722 = tpu.vector_load %arg32[%get3A_720, %get3A_721] {strides = array<i32>} : memref<16x144xf32, #tpu.memory_space<vmem>>, vector<16xf32>,
          %mul3A_723 = arith.mulf %get3A_722, %gather3A : vector<16xf32>
          %swap3A_724 = arith.index_cast %scan3A_708 : i32 to index
          %swap3A_725 = arith.constant 16 : index
          %swap3A_726 = tpu.vector_load %arg32[%swap3A_724, %swap3A_725] {strides = array<i32>} : memref<16x144xf32, #tpu.memory_space<vmem>>, vector<16xf32>,
          tpu.vector_store %arg32[%swap3A_724, %swap3A_725], %mul3A_723 {strides = array<i32>} : memref<16x144xf32, #tpu.memory_space<vmem>>, vector<16xf32>,
          %get3A_727 = arith.index_cast %scan3A_708 : i32 to index
          %get3A_728 = arith.constant 32 : index
          %get3A_729 = tpu.vector_load %arg32[%get3A_727, %get3A_728] {strides = array<i32>} : memref<16x144xf32, #tpu.memory_space<vmem>>, vector<16xf32>,
          %mul3A_730 = arith.mulf %get3A_729, %gather3A : vector<16xf32>
          %swap3A_731 = arith.index_cast %scan3A_708 : i32 to index
          %swap3A_732 = arith.constant 32 : index
          %swap3A_733 = tpu.vector_load %arg32[%swap3A_731, %swap3A_732] {strides = array<i32>} : memref<16x144xf32, #tpu.memory_space<vmem>>, vector<16xf32>,
          tpu.vector_store %arg32[%swap3A_731, %swap3A_732], %mul3A_730 {strides = array<i32>} : memref<16x144xf32, #tpu.memory_space<vmem>>, vector<16xf32>,
          %get3A_734 = arith.index_cast %scan3A_708 : i32 to index
          %get3A_735 = arith.constant 48 : index
          %get3A_736 = tpu.vector_load %arg32[%get3A_734, %get3A_735] {strides = array<i32>} : memref<16x144xf32, #tpu.memory_space<vmem>>, vector<16xf32>,
          %mul3A_737 = arith.mulf %get3A_736, %gather3A : vector<16xf32>
          %swap3A_738 = arith.index_cast %scan3A_708 : i32 to index
          %swap3A_739 = arith.constant 48 : index
          %swap3A_740 = tpu.vector_load %arg32[%swap3A_738, %swap3A_739] {strides = array<i32>} : memref<16x144xf32, #tpu.memory_space<vmem>>, vector<16xf32>,
          tpu.vector_store %arg32[%swap3A_738, %swap3A_739], %mul3A_737 {strides = array<i32>} : memref<16x144xf32, #tpu.memory_space<vmem>>, vector<16xf32>,
          %get3A_741 = arith.index_cast %scan3A_708 : i32 to index
          %get3A_742 = arith.constant 64 : index
          %get3A_743 = tpu.vector_load %arg32[%get3A_741, %get3A_742] {strides = array<i32>} : memref<16x144xf32, #tpu.memory_space<vmem>>, vector<16xf32>,
          %mul3A_744 = arith.mulf %get3A_743, %gather3A : vector<16xf32>
          %swap3A_745 = arith.index_cast %scan3A_708 : i32 to index
          %swap3A_746 = arith.constant 64 : index
          %swap3A_747 = tpu.vector_load %arg32[%swap3A_745, %swap3A_746] {strides = array<i32>} : memref<16x144xf32, #tpu.memory_space<vmem>>, vector<16xf32>,
          tpu.vector_store %arg32[%swap3A_745, %swap3A_746], %mul3A_744 {strides = array<i32>} : memref<16x144xf32, #tpu.memory_space<vmem>>, vector<16xf32>,
          %get3A_748 = arith.index_cast %scan3A_708 : i32 to index
          %get3A_749 = arith.constant 80 : index
          %get3A_750 = tpu.vector_load %arg32[%get3A_748, %get3A_749] {strides = array<i32>} : memref<16x144xf32, #tpu.memory_space<vmem>>, vector<16xf32>,
          %mul3A_751 = arith.mulf %get3A_750, %gather3A : vector<16xf32>
          %swap3A_752 = arith.index_cast %scan3A_708 : i32 to index
          %swap3A_753 = arith.constant 80 : index
          %swap3A_754 = tpu.vector_load %arg32[%swap3A_752, %swap3A_753] {strides = array<i32>} : memref<16x144xf32, #tpu.memory_space<vmem>>, vector<16xf32>,
          tpu.vector_store %arg32[%swap3A_752, %swap3A_753], %mul3A_751 {strides = array<i32>} : memref<16x144xf32, #tpu.memory_space<vmem>>, vector<16xf32>,
          %get3A_755 = arith.index_cast %scan3A_708 : i32 to index
          %get3A_756 = arith.constant 96 : index
          %get3A_757 = tpu.vector_load %arg32[%get3A_755, %get3A_756] {strides = array<i32>} : memref<16x144xf32, #tpu.memory_space<vmem>>, vector<16xf32>,
          %mul3A_758 = arith.mulf %get3A_757, %gather3A : vector<16xf32>
          %swap3A_759 = arith.index_cast %scan3A_708 : i32 to index
          %swap3A_760 = arith.constant 96 : index
          %swap3A_761 = tpu.vector_load %arg32[%swap3A_759, %swap3A_760] {strides = array<i32>} : memref<16x144xf32, #tpu.memory_space<vmem>>, vector<16xf32>,
          tpu.vector_store %arg32[%swap3A_759, %swap3A_760], %mul3A_758 {strides = array<i32>} : memref<16x144xf32, #tpu.memory_space<vmem>>, vector<16xf32>,
          %get3A_762 = arith.index_cast %scan3A_708 : i32 to index
          %get3A_763 = arith.constant 112 : index
          %get3A_764 = tpu.vector_load %arg32[%get3A_762, %get3A_763] {strides = array<i32>} : memref<16x144xf32, #tpu.memory_space<vmem>>, vector<16xf32>,
          %mul3A_765 = arith.mulf %get3A_764, %gather3A : vector<16xf32>
          %swap3A_766 = arith.index_cast %scan3A_708 : i32 to index
          %swap3A_767 = arith.constant 112 : index
          %swap3A_768 = tpu.vector_load %arg32[%swap3A_766, %swap3A_767] {strides = array<i32>} : memref<16x144xf32, #tpu.memory_space<vmem>>, vector<16xf32>,
          tpu.vector_store %arg32[%swap3A_766, %swap3A_767], %mul3A_765 {strides = array<i32>} : memref<16x144xf32, #tpu.memory_space<vmem>>, vector<16xf32>,
          %get3A_769 = arith.index_cast %scan3A_708 : i32 to index
          %get3A_770 = arith.constant 128 : index
          %get3A_771 = tpu.vector_load %arg32[%get3A_769, %get3A_770] {strides = array<i32>} : memref<16x144xf32, #tpu.memory_space<vmem>>, vector<16xf32>,
          %mul3A_772 = arith.mulf %get3A_771, %gather3A : vector<16xf32>
          %swap3A_773 = arith.index_cast %scan3A_708 : i32 to index
          %swap3A_774 = arith.constant 128 : index
          %swap3A_775 = tpu.vector_load %arg32[%swap3A_773, %swap3A_774] {strides = array<i32>} : memref<16x144xf32, #tpu.memory_space<vmem>>, vector<16xf32>,
          tpu.vector_store %arg32[%swap3A_773, %swap3A_774], %mul3A_772 {strides = array<i32>} : memref<16x144xf32, #tpu.memory_space<vmem>>, vector<16xf32>,
        }
        %scan3A_539 = arith.constant 16 : i32
        %dma_start3A_540 = arith.constant 0 : i32
        %dma_start3A_541 = tpu.memref_slice %arg10[%add3A_529, %dma_start3A_540] : memref<96x16xi32, #tpu.memory_space<vmem>> -> memref<1x16xi32, #tpu.memory_space<vmem>>
        %dma_start3A_542 = tpu.memref_squeeze %dma_start3A_541 : memref<1x16xi32, #tpu.memory_space<vmem>> -> memref<16xi32, #tpu.memory_space<vmem>>
        %dma_start3A_543 = arith.constant 0 : i32
        %dma_start3A_544 = arith.constant 0 : i32
        %dma_start3A_545 = tpu.memref_slice %arg8[%dma_start3A_543, %dma_start3A_544] : memref<10000x144xf32, #tpu.memory_space<vmem_shared>> -> memref<10000x144xf32, #tpu.memory_space<vmem_shared>>
        tpu.enqueue_indirect_dma source(%arg32 : memref<16x144xf32, #tpu.memory_space<vmem>>) target(%dma_start3A_545 : memref<10000x144xf32, #tpu.memory_space<vmem_shared>>) offsets(%dma_start3A_542 : memref<16xi32, #tpu.memory_space<vmem>>) semaphore(%arg45 : memref<!tpu.dma_semaphore, #tpu.memory_space<semaphore_mem>>) {add = true}
        %add3A_546 = arith.constant 7 : i32
        %add3A_547 = arith.addi %mul3A_323, %add3A_546 : i32
        %dma_wait3A_548 = tpu.memref_slice %arg38[%mul3A_383] : memref<1536xi32, #tpu.memory_space<vmem>> -> memref<16xi32, #tpu.memory_space<vmem>>
        %dma_wait3A_549 = arith.constant 0 : i32
        %dma_wait3A_550 = arith.constant 0 : i32
        %dma_wait3A_551 = tpu.memref_slice %arg2[%dma_wait3A_549, %dma_wait3A_550] : memref<20000x144xf32, #tpu.memory_space<hbm>> -> memref<20000x144xf32, #tpu.memory_space<hbm>>
        tpu.wait_indirect_dma semaphore(%arg19 : memref<!tpu.dma_semaphore, #tpu.memory_space<semaphore_mem>>) src(%dma_wait3A_551 : memref<20000x144xf32, #tpu.memory_space<hbm>>) dst(%arg33 : memref<16x144xf32, #tpu.memory_space<vmem>>)
        %scan3A_552 = arith.constant 0 : i32
        %scan3A_553 = arith.constant 0 : i32
        %scan3A_554 = arith.constant 16 : i32
        %scan3A_555 = arith.addi %scan3A_553, %scan3A_554 : i32
        %scan3A_556 = arith.constant 1 : i32
        scf.for %scan3A_708 = %scan3A_553 to %scan3A_555 step %scan3A_556  : i32 {
          %broadcast_in_dim3A = arith.constant 0 : i32
          %broadcast_in_dim3A_709 = vector.broadcast %broadcast_in_dim3A : i32 to vector<16xi32>
          %mul3A_710 = arith.constant 16 : i32
          %mul3A_711 = arith.muli %add3A_547, %mul3A_710 : i32
          %add3A_712 = arith.addi %mul3A_711, %scan3A_708 : i32
          %add3A_713 = vector.broadcast %add3A_712 : i32 to vector<16xi32>
          %add3A_714 = arith.addi %broadcast_in_dim3A_709, %add3A_713 : vector<16xi32>
          %gather3A = tpu.vector_load_idx %arg11[%add3A_714] : memref<1536xf32, #tpu.memory_space<vmem>>[vector<16xi32>], vector<16xf32>,
          %get3A = arith.index_cast %scan3A_708 : i32 to index
          %get3A_715 = arith.constant 0 : index
          %get3A_716 = tpu.vector_load %arg33[%get3A, %get3A_715] {strides = array<i32>} : memref<16x144xf32, #tpu.memory_space<vmem>>, vector<16xf32>,
          %mul3A_717 = arith.mulf %get3A_716, %gather3A : vector<16xf32>
          %swap3A = arith.index_cast %scan3A_708 : i32 to index
          %swap3A_718 = arith.constant 0 : index
          %swap3A_719 = tpu.vector_load %arg33[%swap3A, %swap3A_718] {strides = array<i32>} : memref<16x144xf32, #tpu.memory_space<vmem>>, vector<16xf32>,
          tpu.vector_store %arg33[%swap3A, %swap3A_718], %mul3A_717 {strides = array<i32>} : memref<16x144xf32, #tpu.memory_space<vmem>>, vector<16xf32>,
          %get3A_720 = arith.index_cast %scan3A_708 : i32 to index
          %get3A_721 = arith.constant 16 : index
          %get3A_722 = tpu.vector_load %arg33[%get3A_720, %get3A_721] {strides = array<i32>} : memref<16x144xf32, #tpu.memory_space<vmem>>, vector<16xf32>,
          %mul3A_723 = arith.mulf %get3A_722, %gather3A : vector<16xf32>
          %swap3A_724 = arith.index_cast %scan3A_708 : i32 to index
          %swap3A_725 = arith.constant 16 : index
          %swap3A_726 = tpu.vector_load %arg33[%swap3A_724, %swap3A_725] {strides = array<i32>} : memref<16x144xf32, #tpu.memory_space<vmem>>, vector<16xf32>,
          tpu.vector_store %arg33[%swap3A_724, %swap3A_725], %mul3A_723 {strides = array<i32>} : memref<16x144xf32, #tpu.memory_space<vmem>>, vector<16xf32>,
          %get3A_727 = arith.index_cast %scan3A_708 : i32 to index
          %get3A_728 = arith.constant 32 : index
          %get3A_729 = tpu.vector_load %arg33[%get3A_727, %get3A_728] {strides = array<i32>} : memref<16x144xf32, #tpu.memory_space<vmem>>, vector<16xf32>,
          %mul3A_730 = arith.mulf %get3A_729, %gather3A : vector<16xf32>
          %swap3A_731 = arith.index_cast %scan3A_708 : i32 to index
          %swap3A_732 = arith.constant 32 : index
          %swap3A_733 = tpu.vector_load %arg33[%swap3A_731, %swap3A_732] {strides = array<i32>} : memref<16x144xf32, #tpu.memory_space<vmem>>, vector<16xf32>,
          tpu.vector_store %arg33[%swap3A_731, %swap3A_732], %mul3A_730 {strides = array<i32>} : memref<16x144xf32, #tpu.memory_space<vmem>>, vector<16xf32>,
          %get3A_734 = arith.index_cast %scan3A_708 : i32 to index
          %get3A_735 = arith.constant 48 : index
          %get3A_736 = tpu.vector_load %arg33[%get3A_734, %get3A_735] {strides = array<i32>} : memref<16x144xf32, #tpu.memory_space<vmem>>, vector<16xf32>,
          %mul3A_737 = arith.mulf %get3A_736, %gather3A : vector<16xf32>
          %swap3A_738 = arith.index_cast %scan3A_708 : i32 to index
          %swap3A_739 = arith.constant 48 : index
          %swap3A_740 = tpu.vector_load %arg33[%swap3A_738, %swap3A_739] {strides = array<i32>} : memref<16x144xf32, #tpu.memory_space<vmem>>, vector<16xf32>,
          tpu.vector_store %arg33[%swap3A_738, %swap3A_739], %mul3A_737 {strides = array<i32>} : memref<16x144xf32, #tpu.memory_space<vmem>>, vector<16xf32>,
          %get3A_741 = arith.index_cast %scan3A_708 : i32 to index
          %get3A_742 = arith.constant 64 : index
          %get3A_743 = tpu.vector_load %arg33[%get3A_741, %get3A_742] {strides = array<i32>} : memref<16x144xf32, #tpu.memory_space<vmem>>, vector<16xf32>,
          %mul3A_744 = arith.mulf %get3A_743, %gather3A : vector<16xf32>
          %swap3A_745 = arith.index_cast %scan3A_708 : i32 to index
          %swap3A_746 = arith.constant 64 : index
          %swap3A_747 = tpu.vector_load %arg33[%swap3A_745, %swap3A_746] {strides = array<i32>} : memref<16x144xf32, #tpu.memory_space<vmem>>, vector<16xf32>,
          tpu.vector_store %arg33[%swap3A_745, %swap3A_746], %mul3A_744 {strides = array<i32>} : memref<16x144xf32, #tpu.memory_space<vmem>>, vector<16xf32>,
          %get3A_748 = arith.index_cast %scan3A_708 : i32 to index
          %get3A_749 = arith.constant 80 : index
          %get3A_750 = tpu.vector_load %arg33[%get3A_748, %get3A_749] {strides = array<i32>} : memref<16x144xf32, #tpu.memory_space<vmem>>, vector<16xf32>,
          %mul3A_751 = arith.mulf %get3A_750, %gather3A : vector<16xf32>
          %swap3A_752 = arith.index_cast %scan3A_708 : i32 to index
          %swap3A_753 = arith.constant 80 : index
          %swap3A_754 = tpu.vector_load %arg33[%swap3A_752, %swap3A_753] {strides = array<i32>} : memref<16x144xf32, #tpu.memory_space<vmem>>, vector<16xf32>,
          tpu.vector_store %arg33[%swap3A_752, %swap3A_753], %mul3A_751 {strides = array<i32>} : memref<16x144xf32, #tpu.memory_space<vmem>>, vector<16xf32>,
          %get3A_755 = arith.index_cast %scan3A_708 : i32 to index
          %get3A_756 = arith.constant 96 : index
          %get3A_757 = tpu.vector_load %arg33[%get3A_755, %get3A_756] {strides = array<i32>} : memref<16x144xf32, #tpu.memory_space<vmem>>, vector<16xf32>,
          %mul3A_758 = arith.mulf %get3A_757, %gather3A : vector<16xf32>
          %swap3A_759 = arith.index_cast %scan3A_708 : i32 to index
          %swap3A_760 = arith.constant 96 : index
          %swap3A_761 = tpu.vector_load %arg33[%swap3A_759, %swap3A_760] {strides = array<i32>} : memref<16x144xf32, #tpu.memory_space<vmem>>, vector<16xf32>,
          tpu.vector_store %arg33[%swap3A_759, %swap3A_760], %mul3A_758 {strides = array<i32>} : memref<16x144xf32, #tpu.memory_space<vmem>>, vector<16xf32>,
          %get3A_762 = arith.index_cast %scan3A_708 : i32 to index
          %get3A_763 = arith.constant 112 : index
          %get3A_764 = tpu.vector_load %arg33[%get3A_762, %get3A_763] {strides = array<i32>} : memref<16x144xf32, #tpu.memory_space<vmem>>, vector<16xf32>,
          %mul3A_765 = arith.mulf %get3A_764, %gather3A : vector<16xf32>
          %swap3A_766 = arith.index_cast %scan3A_708 : i32 to index
          %swap3A_767 = arith.constant 112 : index
          %swap3A_768 = tpu.vector_load %arg33[%swap3A_766, %swap3A_767] {strides = array<i32>} : memref<16x144xf32, #tpu.memory_space<vmem>>, vector<16xf32>,
          tpu.vector_store %arg33[%swap3A_766, %swap3A_767], %mul3A_765 {strides = array<i32>} : memref<16x144xf32, #tpu.memory_space<vmem>>, vector<16xf32>,
          %get3A_769 = arith.index_cast %scan3A_708 : i32 to index
          %get3A_770 = arith.constant 128 : index
          %get3A_771 = tpu.vector_load %arg33[%get3A_769, %get3A_770] {strides = array<i32>} : memref<16x144xf32, #tpu.memory_space<vmem>>, vector<16xf32>,
          %mul3A_772 = arith.mulf %get3A_771, %gather3A : vector<16xf32>
          %swap3A_773 = arith.index_cast %scan3A_708 : i32 to index
          %swap3A_774 = arith.constant 128 : index
          %swap3A_775 = tpu.vector_load %arg33[%swap3A_773, %swap3A_774] {strides = array<i32>} : memref<16x144xf32, #tpu.memory_space<vmem>>, vector<16xf32>,
          tpu.vector_store %arg33[%swap3A_773, %swap3A_774], %mul3A_772 {strides = array<i32>} : memref<16x144xf32, #tpu.memory_space<vmem>>, vector<16xf32>,
        }
        %scan3A_557 = arith.constant 16 : i32
        %dma_start3A_558 = arith.constant 0 : i32
        %dma_start3A_559 = tpu.memref_slice %arg10[%add3A_547, %dma_start3A_558] : memref<96x16xi32, #tpu.memory_space<vmem>> -> memref<1x16xi32, #tpu.memory_space<vmem>>
        %dma_start3A_560 = tpu.memref_squeeze %dma_start3A_559 : memref<1x16xi32, #tpu.memory_space<vmem>> -> memref<16xi32, #tpu.memory_space<vmem>>
        %dma_start3A_561 = arith.constant 0 : i32
        %dma_start3A_562 = arith.constant 0 : i32
        %dma_start3A_563 = tpu.memref_slice %arg8[%dma_start3A_561, %dma_start3A_562] : memref<10000x144xf32, #tpu.memory_space<vmem_shared>> -> memref<10000x144xf32, #tpu.memory_space<vmem_shared>>
        tpu.enqueue_indirect_dma source(%arg33 : memref<16x144xf32, #tpu.memory_space<vmem>>) target(%dma_start3A_563 : memref<10000x144xf32, #tpu.memory_space<vmem_shared>>) offsets(%dma_start3A_560 : memref<16xi32, #tpu.memory_space<vmem>>) semaphore(%arg46 : memref<!tpu.dma_semaphore, #tpu.memory_space<semaphore_mem>>) {add = true}
        %add3A_564 = arith.constant 8 : i32
        %add3A_565 = arith.addi %mul3A_323, %add3A_564 : i32
        %dma_wait3A_566 = tpu.memref_slice %arg38[%mul3A_391] : memref<1536xi32, #tpu.memory_space<vmem>> -> memref<16xi32, #tpu.memory_space<vmem>>
        %dma_wait3A_567 = arith.constant 0 : i32
        %dma_wait3A_568 = arith.constant 0 : i32
        %dma_wait3A_569 = tpu.memref_slice %arg2[%dma_wait3A_567, %dma_wait3A_568] : memref<20000x144xf32, #tpu.memory_space<hbm>> -> memref<20000x144xf32, #tpu.memory_space<hbm>>
        tpu.wait_indirect_dma semaphore(%arg20 : memref<!tpu.dma_semaphore, #tpu.memory_space<semaphore_mem>>) src(%dma_wait3A_569 : memref<20000x144xf32, #tpu.memory_space<hbm>>) dst(%arg34 : memref<16x144xf32, #tpu.memory_space<vmem>>)
        %scan3A_570 = arith.constant 0 : i32
        %scan3A_571 = arith.constant 0 : i32
        %scan3A_572 = arith.constant 16 : i32
        %scan3A_573 = arith.addi %scan3A_571, %scan3A_572 : i32
        %scan3A_574 = arith.constant 1 : i32
        scf.for %scan3A_708 = %scan3A_571 to %scan3A_573 step %scan3A_574  : i32 {
          %broadcast_in_dim3A = arith.constant 0 : i32
          %broadcast_in_dim3A_709 = vector.broadcast %broadcast_in_dim3A : i32 to vector<16xi32>
          %mul3A_710 = arith.constant 16 : i32
          %mul3A_711 = arith.muli %add3A_565, %mul3A_710 : i32
          %add3A_712 = arith.addi %mul3A_711, %scan3A_708 : i32
          %add3A_713 = vector.broadcast %add3A_712 : i32 to vector<16xi32>
          %add3A_714 = arith.addi %broadcast_in_dim3A_709, %add3A_713 : vector<16xi32>
          %gather3A = tpu.vector_load_idx %arg11[%add3A_714] : memref<1536xf32, #tpu.memory_space<vmem>>[vector<16xi32>], vector<16xf32>,
          %get3A = arith.index_cast %scan3A_708 : i32 to index
          %get3A_715 = arith.constant 0 : index
          %get3A_716 = tpu.vector_load %arg34[%get3A, %get3A_715] {strides = array<i32>} : memref<16x144xf32, #tpu.memory_space<vmem>>, vector<16xf32>,
          %mul3A_717 = arith.mulf %get3A_716, %gather3A : vector<16xf32>
          %swap3A = arith.index_cast %scan3A_708 : i32 to index
          %swap3A_718 = arith.constant 0 : index
          %swap3A_719 = tpu.vector_load %arg34[%swap3A, %swap3A_718] {strides = array<i32>} : memref<16x144xf32, #tpu.memory_space<vmem>>, vector<16xf32>,
          tpu.vector_store %arg34[%swap3A, %swap3A_718], %mul3A_717 {strides = array<i32>} : memref<16x144xf32, #tpu.memory_space<vmem>>, vector<16xf32>,
          %get3A_720 = arith.index_cast %scan3A_708 : i32 to index
          %get3A_721 = arith.constant 16 : index
          %get3A_722 = tpu.vector_load %arg34[%get3A_720, %get3A_721] {strides = array<i32>} : memref<16x144xf32, #tpu.memory_space<vmem>>, vector<16xf32>,
          %mul3A_723 = arith.mulf %get3A_722, %gather3A : vector<16xf32>
          %swap3A_724 = arith.index_cast %scan3A_708 : i32 to index
          %swap3A_725 = arith.constant 16 : index
          %swap3A_726 = tpu.vector_load %arg34[%swap3A_724, %swap3A_725] {strides = array<i32>} : memref<16x144xf32, #tpu.memory_space<vmem>>, vector<16xf32>,
          tpu.vector_store %arg34[%swap3A_724, %swap3A_725], %mul3A_723 {strides = array<i32>} : memref<16x144xf32, #tpu.memory_space<vmem>>, vector<16xf32>,
          %get3A_727 = arith.index_cast %scan3A_708 : i32 to index
          %get3A_728 = arith.constant 32 : index
          %get3A_729 = tpu.vector_load %arg34[%get3A_727, %get3A_728] {strides = array<i32>} : memref<16x144xf32, #tpu.memory_space<vmem>>, vector<16xf32>,
          %mul3A_730 = arith.mulf %get3A_729, %gather3A : vector<16xf32>
          %swap3A_731 = arith.index_cast %scan3A_708 : i32 to index
          %swap3A_732 = arith.constant 32 : index
          %swap3A_733 = tpu.vector_load %arg34[%swap3A_731, %swap3A_732] {strides = array<i32>} : memref<16x144xf32, #tpu.memory_space<vmem>>, vector<16xf32>,
          tpu.vector_store %arg34[%swap3A_731, %swap3A_732], %mul3A_730 {strides = array<i32>} : memref<16x144xf32, #tpu.memory_space<vmem>>, vector<16xf32>,
          %get3A_734 = arith.index_cast %scan3A_708 : i32 to index
          %get3A_735 = arith.constant 48 : index
          %get3A_736 = tpu.vector_load %arg34[%get3A_734, %get3A_735] {strides = array<i32>} : memref<16x144xf32, #tpu.memory_space<vmem>>, vector<16xf32>,
          %mul3A_737 = arith.mulf %get3A_736, %gather3A : vector<16xf32>
          %swap3A_738 = arith.index_cast %scan3A_708 : i32 to index
          %swap3A_739 = arith.constant 48 : index
          %swap3A_740 = tpu.vector_load %arg34[%swap3A_738, %swap3A_739] {strides = array<i32>} : memref<16x144xf32, #tpu.memory_space<vmem>>, vector<16xf32>,
          tpu.vector_store %arg34[%swap3A_738, %swap3A_739], %mul3A_737 {strides = array<i32>} : memref<16x144xf32, #tpu.memory_space<vmem>>, vector<16xf32>,
          %get3A_741 = arith.index_cast %scan3A_708 : i32 to index
          %get3A_742 = arith.constant 64 : index
          %get3A_743 = tpu.vector_load %arg34[%get3A_741, %get3A_742] {strides = array<i32>} : memref<16x144xf32, #tpu.memory_space<vmem>>, vector<16xf32>,
          %mul3A_744 = arith.mulf %get3A_743, %gather3A : vector<16xf32>
          %swap3A_745 = arith.index_cast %scan3A_708 : i32 to index
          %swap3A_746 = arith.constant 64 : index
          %swap3A_747 = tpu.vector_load %arg34[%swap3A_745, %swap3A_746] {strides = array<i32>} : memref<16x144xf32, #tpu.memory_space<vmem>>, vector<16xf32>,
          tpu.vector_store %arg34[%swap3A_745, %swap3A_746], %mul3A_744 {strides = array<i32>} : memref<16x144xf32, #tpu.memory_space<vmem>>, vector<16xf32>,
          %get3A_748 = arith.index_cast %scan3A_708 : i32 to index
          %get3A_749 = arith.constant 80 : index
          %get3A_750 = tpu.vector_load %arg34[%get3A_748, %get3A_749] {strides = array<i32>} : memref<16x144xf32, #tpu.memory_space<vmem>>, vector<16xf32>,
          %mul3A_751 = arith.mulf %get3A_750, %gather3A : vector<16xf32>
          %swap3A_752 = arith.index_cast %scan3A_708 : i32 to index
          %swap3A_753 = arith.constant 80 : index
          %swap3A_754 = tpu.vector_load %arg34[%swap3A_752, %swap3A_753] {strides = array<i32>} : memref<16x144xf32, #tpu.memory_space<vmem>>, vector<16xf32>,
          tpu.vector_store %arg34[%swap3A_752, %swap3A_753], %mul3A_751 {strides = array<i32>} : memref<16x144xf32, #tpu.memory_space<vmem>>, vector<16xf32>,
          %get3A_755 = arith.index_cast %scan3A_708 : i32 to index
          %get3A_756 = arith.constant 96 : index
          %get3A_757 = tpu.vector_load %arg34[%get3A_755, %get3A_756] {strides = array<i32>} : memref<16x144xf32, #tpu.memory_space<vmem>>, vector<16xf32>,
          %mul3A_758 = arith.mulf %get3A_757, %gather3A : vector<16xf32>
          %swap3A_759 = arith.index_cast %scan3A_708 : i32 to index
          %swap3A_760 = arith.constant 96 : index
          %swap3A_761 = tpu.vector_load %arg34[%swap3A_759, %swap3A_760] {strides = array<i32>} : memref<16x144xf32, #tpu.memory_space<vmem>>, vector<16xf32>,
          tpu.vector_store %arg34[%swap3A_759, %swap3A_760], %mul3A_758 {strides = array<i32>} : memref<16x144xf32, #tpu.memory_space<vmem>>, vector<16xf32>,
          %get3A_762 = arith.index_cast %scan3A_708 : i32 to index
          %get3A_763 = arith.constant 112 : index
          %get3A_764 = tpu.vector_load %arg34[%get3A_762, %get3A_763] {strides = array<i32>} : memref<16x144xf32, #tpu.memory_space<vmem>>, vector<16xf32>,
          %mul3A_765 = arith.mulf %get3A_764, %gather3A : vector<16xf32>
          %swap3A_766 = arith.index_cast %scan3A_708 : i32 to index
          %swap3A_767 = arith.constant 112 : index
          %swap3A_768 = tpu.vector_load %arg34[%swap3A_766, %swap3A_767] {strides = array<i32>} : memref<16x144xf32, #tpu.memory_space<vmem>>, vector<16xf32>,
          tpu.vector_store %arg34[%swap3A_766, %swap3A_767], %mul3A_765 {strides = array<i32>} : memref<16x144xf32, #tpu.memory_space<vmem>>, vector<16xf32>,
          %get3A_769 = arith.index_cast %scan3A_708 : i32 to index
          %get3A_770 = arith.constant 128 : index
          %get3A_771 = tpu.vector_load %arg34[%get3A_769, %get3A_770] {strides = array<i32>} : memref<16x144xf32, #tpu.memory_space<vmem>>, vector<16xf32>,
          %mul3A_772 = arith.mulf %get3A_771, %gather3A : vector<16xf32>
          %swap3A_773 = arith.index_cast %scan3A_708 : i32 to index
          %swap3A_774 = arith.constant 128 : index
          %swap3A_775 = tpu.vector_load %arg34[%swap3A_773, %swap3A_774] {strides = array<i32>} : memref<16x144xf32, #tpu.memory_space<vmem>>, vector<16xf32>,
          tpu.vector_store %arg34[%swap3A_773, %swap3A_774], %mul3A_772 {strides = array<i32>} : memref<16x144xf32, #tpu.memory_space<vmem>>, vector<16xf32>,
        }
        %scan3A_575 = arith.constant 16 : i32
        %dma_start3A_576 = arith.constant 0 : i32
        %dma_start3A_577 = tpu.memref_slice %arg10[%add3A_565, %dma_start3A_576] : memref<96x16xi32, #tpu.memory_space<vmem>> -> memref<1x16xi32, #tpu.memory_space<vmem>>
        %dma_start3A_578 = tpu.memref_squeeze %dma_start3A_577 : memref<1x16xi32, #tpu.memory_space<vmem>> -> memref<16xi32, #tpu.memory_space<vmem>>
        %dma_start3A_579 = arith.constant 0 : i32
        %dma_start3A_580 = arith.constant 0 : i32
        %dma_start3A_581 = tpu.memref_slice %arg8[%dma_start3A_579, %dma_start3A_580] : memref<10000x144xf32, #tpu.memory_space<vmem_shared>> -> memref<10000x144xf32, #tpu.memory_space<vmem_shared>>
        tpu.enqueue_indirect_dma source(%arg34 : memref<16x144xf32, #tpu.memory_space<vmem>>) target(%dma_start3A_581 : memref<10000x144xf32, #tpu.memory_space<vmem_shared>>) offsets(%dma_start3A_578 : memref<16xi32, #tpu.memory_space<vmem>>) semaphore(%arg47 : memref<!tpu.dma_semaphore, #tpu.memory_space<semaphore_mem>>) {add = true}
        %add3A_582 = arith.constant 9 : i32
        %add3A_583 = arith.addi %mul3A_323, %add3A_582 : i32
        %dma_wait3A_584 = tpu.memref_slice %arg38[%mul3A_399] : memref<1536xi32, #tpu.memory_space<vmem>> -> memref<16xi32, #tpu.memory_space<vmem>>
        %dma_wait3A_585 = arith.constant 0 : i32
        %dma_wait3A_586 = arith.constant 0 : i32
        %dma_wait3A_587 = tpu.memref_slice %arg2[%dma_wait3A_585, %dma_wait3A_586] : memref<20000x144xf32, #tpu.memory_space<hbm>> -> memref<20000x144xf32, #tpu.memory_space<hbm>>
        tpu.wait_indirect_dma semaphore(%arg21 : memref<!tpu.dma_semaphore, #tpu.memory_space<semaphore_mem>>) src(%dma_wait3A_587 : memref<20000x144xf32, #tpu.memory_space<hbm>>) dst(%arg35 : memref<16x144xf32, #tpu.memory_space<vmem>>)
        %scan3A_588 = arith.constant 0 : i32
        %scan3A_589 = arith.constant 0 : i32
        %scan3A_590 = arith.constant 16 : i32
        %scan3A_591 = arith.addi %scan3A_589, %scan3A_590 : i32
        %scan3A_592 = arith.constant 1 : i32
        scf.for %scan3A_708 = %scan3A_589 to %scan3A_591 step %scan3A_592  : i32 {
          %broadcast_in_dim3A = arith.constant 0 : i32
          %broadcast_in_dim3A_709 = vector.broadcast %broadcast_in_dim3A : i32 to vector<16xi32>
          %mul3A_710 = arith.constant 16 : i32
          %mul3A_711 = arith.muli %add3A_583, %mul3A_710 : i32
          %add3A_712 = arith.addi %mul3A_711, %scan3A_708 : i32
          %add3A_713 = vector.broadcast %add3A_712 : i32 to vector<16xi32>
          %add3A_714 = arith.addi %broadcast_in_dim3A_709, %add3A_713 : vector<16xi32>
          %gather3A = tpu.vector_load_idx %arg11[%add3A_714] : memref<1536xf32, #tpu.memory_space<vmem>>[vector<16xi32>], vector<16xf32>,
          %get3A = arith.index_cast %scan3A_708 : i32 to index
          %get3A_715 = arith.constant 0 : index
          %get3A_716 = tpu.vector_load %arg35[%get3A, %get3A_715] {strides = array<i32>} : memref<16x144xf32, #tpu.memory_space<vmem>>, vector<16xf32>,
          %mul3A_717 = arith.mulf %get3A_716, %gather3A : vector<16xf32>
          %swap3A = arith.index_cast %scan3A_708 : i32 to index
          %swap3A_718 = arith.constant 0 : index
          %swap3A_719 = tpu.vector_load %arg35[%swap3A, %swap3A_718] {strides = array<i32>} : memref<16x144xf32, #tpu.memory_space<vmem>>, vector<16xf32>,
          tpu.vector_store %arg35[%swap3A, %swap3A_718], %mul3A_717 {strides = array<i32>} : memref<16x144xf32, #tpu.memory_space<vmem>>, vector<16xf32>,
          %get3A_720 = arith.index_cast %scan3A_708 : i32 to index
          %get3A_721 = arith.constant 16 : index
          %get3A_722 = tpu.vector_load %arg35[%get3A_720, %get3A_721] {strides = array<i32>} : memref<16x144xf32, #tpu.memory_space<vmem>>, vector<16xf32>,
          %mul3A_723 = arith.mulf %get3A_722, %gather3A : vector<16xf32>
          %swap3A_724 = arith.index_cast %scan3A_708 : i32 to index
          %swap3A_725 = arith.constant 16 : index
          %swap3A_726 = tpu.vector_load %arg35[%swap3A_724, %swap3A_725] {strides = array<i32>} : memref<16x144xf32, #tpu.memory_space<vmem>>, vector<16xf32>,
          tpu.vector_store %arg35[%swap3A_724, %swap3A_725], %mul3A_723 {strides = array<i32>} : memref<16x144xf32, #tpu.memory_space<vmem>>, vector<16xf32>,
          %get3A_727 = arith.index_cast %scan3A_708 : i32 to index
          %get3A_728 = arith.constant 32 : index
          %get3A_729 = tpu.vector_load %arg35[%get3A_727, %get3A_728] {strides = array<i32>} : memref<16x144xf32, #tpu.memory_space<vmem>>, vector<16xf32>,
          %mul3A_730 = arith.mulf %get3A_729, %gather3A : vector<16xf32>
          %swap3A_731 = arith.index_cast %scan3A_708 : i32 to index
          %swap3A_732 = arith.constant 32 : index
          %swap3A_733 = tpu.vector_load %arg35[%swap3A_731, %swap3A_732] {strides = array<i32>} : memref<16x144xf32, #tpu.memory_space<vmem>>, vector<16xf32>,
          tpu.vector_store %arg35[%swap3A_731, %swap3A_732], %mul3A_730 {strides = array<i32>} : memref<16x144xf32, #tpu.memory_space<vmem>>, vector<16xf32>,
          %get3A_734 = arith.index_cast %scan3A_708 : i32 to index
          %get3A_735 = arith.constant 48 : index
          %get3A_736 = tpu.vector_load %arg35[%get3A_734, %get3A_735] {strides = array<i32>} : memref<16x144xf32, #tpu.memory_space<vmem>>, vector<16xf32>,
          %mul3A_737 = arith.mulf %get3A_736, %gather3A : vector<16xf32>
          %swap3A_738 = arith.index_cast %scan3A_708 : i32 to index
          %swap3A_739 = arith.constant 48 : index
          %swap3A_740 = tpu.vector_load %arg35[%swap3A_738, %swap3A_739] {strides = array<i32>} : memref<16x144xf32, #tpu.memory_space<vmem>>, vector<16xf32>,
          tpu.vector_store %arg35[%swap3A_738, %swap3A_739], %mul3A_737 {strides = array<i32>} : memref<16x144xf32, #tpu.memory_space<vmem>>, vector<16xf32>,
          %get3A_741 = arith.index_cast %scan3A_708 : i32 to index
          %get3A_742 = arith.constant 64 : index
          %get3A_743 = tpu.vector_load %arg35[%get3A_741, %get3A_742] {strides = array<i32>} : memref<16x144xf32, #tpu.memory_space<vmem>>, vector<16xf32>,
          %mul3A_744 = arith.mulf %get3A_743, %gather3A : vector<16xf32>
          %swap3A_745 = arith.index_cast %scan3A_708 : i32 to index
          %swap3A_746 = arith.constant 64 : index
          %swap3A_747 = tpu.vector_load %arg35[%swap3A_745, %swap3A_746] {strides = array<i32>} : memref<16x144xf32, #tpu.memory_space<vmem>>, vector<16xf32>,
          tpu.vector_store %arg35[%swap3A_745, %swap3A_746], %mul3A_744 {strides = array<i32>} : memref<16x144xf32, #tpu.memory_space<vmem>>, vector<16xf32>,
          %get3A_748 = arith.index_cast %scan3A_708 : i32 to index
          %get3A_749 = arith.constant 80 : index
          %get3A_750 = tpu.vector_load %arg35[%get3A_748, %get3A_749] {strides = array<i32>} : memref<16x144xf32, #tpu.memory_space<vmem>>, vector<16xf32>,
          %mul3A_751 = arith.mulf %get3A_750, %gather3A : vector<16xf32>
          %swap3A_752 = arith.index_cast %scan3A_708 : i32 to index
          %swap3A_753 = arith.constant 80 : index
          %swap3A_754 = tpu.vector_load %arg35[%swap3A_752, %swap3A_753] {strides = array<i32>} : memref<16x144xf32, #tpu.memory_space<vmem>>, vector<16xf32>,
          tpu.vector_store %arg35[%swap3A_752, %swap3A_753], %mul3A_751 {strides = array<i32>} : memref<16x144xf32, #tpu.memory_space<vmem>>, vector<16xf32>,
          %get3A_755 = arith.index_cast %scan3A_708 : i32 to index
          %get3A_756 = arith.constant 96 : index
          %get3A_757 = tpu.vector_load %arg35[%get3A_755, %get3A_756] {strides = array<i32>} : memref<16x144xf32, #tpu.memory_space<vmem>>, vector<16xf32>,
          %mul3A_758 = arith.mulf %get3A_757, %gather3A : vector<16xf32>
          %swap3A_759 = arith.index_cast %scan3A_708 : i32 to index
          %swap3A_760 = arith.constant 96 : index
          %swap3A_761 = tpu.vector_load %arg35[%swap3A_759, %swap3A_760] {strides = array<i32>} : memref<16x144xf32, #tpu.memory_space<vmem>>, vector<16xf32>,
          tpu.vector_store %arg35[%swap3A_759, %swap3A_760], %mul3A_758 {strides = array<i32>} : memref<16x144xf32, #tpu.memory_space<vmem>>, vector<16xf32>,
          %get3A_762 = arith.index_cast %scan3A_708 : i32 to index
          %get3A_763 = arith.constant 112 : index
          %get3A_764 = tpu.vector_load %arg35[%get3A_762, %get3A_763] {strides = array<i32>} : memref<16x144xf32, #tpu.memory_space<vmem>>, vector<16xf32>,
          %mul3A_765 = arith.mulf %get3A_764, %gather3A : vector<16xf32>
          %swap3A_766 = arith.index_cast %scan3A_708 : i32 to index
          %swap3A_767 = arith.constant 112 : index
          %swap3A_768 = tpu.vector_load %arg35[%swap3A_766, %swap3A_767] {strides = array<i32>} : memref<16x144xf32, #tpu.memory_space<vmem>>, vector<16xf32>,
          tpu.vector_store %arg35[%swap3A_766, %swap3A_767], %mul3A_765 {strides = array<i32>} : memref<16x144xf32, #tpu.memory_space<vmem>>, vector<16xf32>,
          %get3A_769 = arith.index_cast %scan3A_708 : i32 to index
          %get3A_770 = arith.constant 128 : index
          %get3A_771 = tpu.vector_load %arg35[%get3A_769, %get3A_770] {strides = array<i32>} : memref<16x144xf32, #tpu.memory_space<vmem>>, vector<16xf32>,
          %mul3A_772 = arith.mulf %get3A_771, %gather3A : vector<16xf32>
          %swap3A_773 = arith.index_cast %scan3A_708 : i32 to index
          %swap3A_774 = arith.constant 128 : index
          %swap3A_775 = tpu.vector_load %arg35[%swap3A_773, %swap3A_774] {strides = array<i32>} : memref<16x144xf32, #tpu.memory_space<vmem>>, vector<16xf32>,
          tpu.vector_store %arg35[%swap3A_773, %swap3A_774], %mul3A_772 {strides = array<i32>} : memref<16x144xf32, #tpu.memory_space<vmem>>, vector<16xf32>,
        }
        %scan3A_593 = arith.constant 16 : i32
        %dma_start3A_594 = arith.constant 0 : i32
        %dma_start3A_595 = tpu.memref_slice %arg10[%add3A_583, %dma_start3A_594] : memref<96x16xi32, #tpu.memory_space<vmem>> -> memref<1x16xi32, #tpu.memory_space<vmem>>
        %dma_start3A_596 = tpu.memref_squeeze %dma_start3A_595 : memref<1x16xi32, #tpu.memory_space<vmem>> -> memref<16xi32, #tpu.memory_space<vmem>>
        %dma_start3A_597 = arith.constant 0 : i32
        %dma_start3A_598 = arith.constant 0 : i32
        %dma_start3A_599 = tpu.memref_slice %arg8[%dma_start3A_597, %dma_start3A_598] : memref<10000x144xf32, #tpu.memory_space<vmem_shared>> -> memref<10000x144xf32, #tpu.memory_space<vmem_shared>>
        tpu.enqueue_indirect_dma source(%arg35 : memref<16x144xf32, #tpu.memory_space<vmem>>) target(%dma_start3A_599 : memref<10000x144xf32, #tpu.memory_space<vmem_shared>>) offsets(%dma_start3A_596 : memref<16xi32, #tpu.memory_space<vmem>>) semaphore(%arg48 : memref<!tpu.dma_semaphore, #tpu.memory_space<semaphore_mem>>) {add = true}
        %add3A_600 = arith.constant 10 : i32
        %add3A_601 = arith.addi %mul3A_323, %add3A_600 : i32
        %dma_wait3A_602 = tpu.memref_slice %arg38[%mul3A_407] : memref<1536xi32, #tpu.memory_space<vmem>> -> memref<16xi32, #tpu.memory_space<vmem>>
        %dma_wait3A_603 = arith.constant 0 : i32
        %dma_wait3A_604 = arith.constant 0 : i32
        %dma_wait3A_605 = tpu.memref_slice %arg2[%dma_wait3A_603, %dma_wait3A_604] : memref<20000x144xf32, #tpu.memory_space<hbm>> -> memref<20000x144xf32, #tpu.memory_space<hbm>>
        tpu.wait_indirect_dma semaphore(%arg22 : memref<!tpu.dma_semaphore, #tpu.memory_space<semaphore_mem>>) src(%dma_wait3A_605 : memref<20000x144xf32, #tpu.memory_space<hbm>>) dst(%arg36 : memref<16x144xf32, #tpu.memory_space<vmem>>)
        %scan3A_606 = arith.constant 0 : i32
        %scan3A_607 = arith.constant 0 : i32
        %scan3A_608 = arith.constant 16 : i32
        %scan3A_609 = arith.addi %scan3A_607, %scan3A_608 : i32
        %scan3A_610 = arith.constant 1 : i32
        scf.for %scan3A_708 = %scan3A_607 to %scan3A_609 step %scan3A_610  : i32 {
          %broadcast_in_dim3A = arith.constant 0 : i32
          %broadcast_in_dim3A_709 = vector.broadcast %broadcast_in_dim3A : i32 to vector<16xi32>
          %mul3A_710 = arith.constant 16 : i32
          %mul3A_711 = arith.muli %add3A_601, %mul3A_710 : i32
          %add3A_712 = arith.addi %mul3A_711, %scan3A_708 : i32
          %add3A_713 = vector.broadcast %add3A_712 : i32 to vector<16xi32>
          %add3A_714 = arith.addi %broadcast_in_dim3A_709, %add3A_713 : vector<16xi32>
          %gather3A = tpu.vector_load_idx %arg11[%add3A_714] : memref<1536xf32, #tpu.memory_space<vmem>>[vector<16xi32>], vector<16xf32>,
          %get3A = arith.index_cast %scan3A_708 : i32 to index
          %get3A_715 = arith.constant 0 : index
          %get3A_716 = tpu.vector_load %arg36[%get3A, %get3A_715] {strides = array<i32>} : memref<16x144xf32, #tpu.memory_space<vmem>>, vector<16xf32>,
          %mul3A_717 = arith.mulf %get3A_716, %gather3A : vector<16xf32>
          %swap3A = arith.index_cast %scan3A_708 : i32 to index
          %swap3A_718 = arith.constant 0 : index
          %swap3A_719 = tpu.vector_load %arg36[%swap3A, %swap3A_718] {strides = array<i32>} : memref<16x144xf32, #tpu.memory_space<vmem>>, vector<16xf32>,
          tpu.vector_store %arg36[%swap3A, %swap3A_718], %mul3A_717 {strides = array<i32>} : memref<16x144xf32, #tpu.memory_space<vmem>>, vector<16xf32>,
          %get3A_720 = arith.index_cast %scan3A_708 : i32 to index
          %get3A_721 = arith.constant 16 : index
          %get3A_722 = tpu.vector_load %arg36[%get3A_720, %get3A_721] {strides = array<i32>} : memref<16x144xf32, #tpu.memory_space<vmem>>, vector<16xf32>,
          %mul3A_723 = arith.mulf %get3A_722, %gather3A : vector<16xf32>
          %swap3A_724 = arith.index_cast %scan3A_708 : i32 to index
          %swap3A_725 = arith.constant 16 : index
          %swap3A_726 = tpu.vector_load %arg36[%swap3A_724, %swap3A_725] {strides = array<i32>} : memref<16x144xf32, #tpu.memory_space<vmem>>, vector<16xf32>,
          tpu.vector_store %arg36[%swap3A_724, %swap3A_725], %mul3A_723 {strides = array<i32>} : memref<16x144xf32, #tpu.memory_space<vmem>>, vector<16xf32>,
          %get3A_727 = arith.index_cast %scan3A_708 : i32 to index
          %get3A_728 = arith.constant 32 : index
          %get3A_729 = tpu.vector_load %arg36[%get3A_727, %get3A_728] {strides = array<i32>} : memref<16x144xf32, #tpu.memory_space<vmem>>, vector<16xf32>,
          %mul3A_730 = arith.mulf %get3A_729, %gather3A : vector<16xf32>
          %swap3A_731 = arith.index_cast %scan3A_708 : i32 to index
          %swap3A_732 = arith.constant 32 : index
          %swap3A_733 = tpu.vector_load %arg36[%swap3A_731, %swap3A_732] {strides = array<i32>} : memref<16x144xf32, #tpu.memory_space<vmem>>, vector<16xf32>,
          tpu.vector_store %arg36[%swap3A_731, %swap3A_732], %mul3A_730 {strides = array<i32>} : memref<16x144xf32, #tpu.memory_space<vmem>>, vector<16xf32>,
          %get3A_734 = arith.index_cast %scan3A_708 : i32 to index
          %get3A_735 = arith.constant 48 : index
          %get3A_736 = tpu.vector_load %arg36[%get3A_734, %get3A_735] {strides = array<i32>} : memref<16x144xf32, #tpu.memory_space<vmem>>, vector<16xf32>,
          %mul3A_737 = arith.mulf %get3A_736, %gather3A : vector<16xf32>
          %swap3A_738 = arith.index_cast %scan3A_708 : i32 to index
          %swap3A_739 = arith.constant 48 : index
          %swap3A_740 = tpu.vector_load %arg36[%swap3A_738, %swap3A_739] {strides = array<i32>} : memref<16x144xf32, #tpu.memory_space<vmem>>, vector<16xf32>,
          tpu.vector_store %arg36[%swap3A_738, %swap3A_739], %mul3A_737 {strides = array<i32>} : memref<16x144xf32, #tpu.memory_space<vmem>>, vector<16xf32>,
          %get3A_741 = arith.index_cast %scan3A_708 : i32 to index
          %get3A_742 = arith.constant 64 : index
          %get3A_743 = tpu.vector_load %arg36[%get3A_741, %get3A_742] {strides = array<i32>} : memref<16x144xf32, #tpu.memory_space<vmem>>, vector<16xf32>,
          %mul3A_744 = arith.mulf %get3A_743, %gather3A : vector<16xf32>
          %swap3A_745 = arith.index_cast %scan3A_708 : i32 to index
          %swap3A_746 = arith.constant 64 : index
          %swap3A_747 = tpu.vector_load %arg36[%swap3A_745, %swap3A_746] {strides = array<i32>} : memref<16x144xf32, #tpu.memory_space<vmem>>, vector<16xf32>,
          tpu.vector_store %arg36[%swap3A_745, %swap3A_746], %mul3A_744 {strides = array<i32>} : memref<16x144xf32, #tpu.memory_space<vmem>>, vector<16xf32>,
          %get3A_748 = arith.index_cast %scan3A_708 : i32 to index
          %get3A_749 = arith.constant 80 : index
          %get3A_750 = tpu.vector_load %arg36[%get3A_748, %get3A_749] {strides = array<i32>} : memref<16x144xf32, #tpu.memory_space<vmem>>, vector<16xf32>,
          %mul3A_751 = arith.mulf %get3A_750, %gather3A : vector<16xf32>
          %swap3A_752 = arith.index_cast %scan3A_708 : i32 to index
          %swap3A_753 = arith.constant 80 : index
          %swap3A_754 = tpu.vector_load %arg36[%swap3A_752, %swap3A_753] {strides = array<i32>} : memref<16x144xf32, #tpu.memory_space<vmem>>, vector<16xf32>,
          tpu.vector_store %arg36[%swap3A_752, %swap3A_753], %mul3A_751 {strides = array<i32>} : memref<16x144xf32, #tpu.memory_space<vmem>>, vector<16xf32>,
          %get3A_755 = arith.index_cast %scan3A_708 : i32 to index
          %get3A_756 = arith.constant 96 : index
          %get3A_757 = tpu.vector_load %arg36[%get3A_755, %get3A_756] {strides = array<i32>} : memref<16x144xf32, #tpu.memory_space<vmem>>, vector<16xf32>,
          %mul3A_758 = arith.mulf %get3A_757, %gather3A : vector<16xf32>
          %swap3A_759 = arith.index_cast %scan3A_708 : i32 to index
          %swap3A_760 = arith.constant 96 : index
          %swap3A_761 = tpu.vector_load %arg36[%swap3A_759, %swap3A_760] {strides = array<i32>} : memref<16x144xf32, #tpu.memory_space<vmem>>, vector<16xf32>,
          tpu.vector_store %arg36[%swap3A_759, %swap3A_760], %mul3A_758 {strides = array<i32>} : memref<16x144xf32, #tpu.memory_space<vmem>>, vector<16xf32>,
          %get3A_762 = arith.index_cast %scan3A_708 : i32 to index
          %get3A_763 = arith.constant 112 : index
          %get3A_764 = tpu.vector_load %arg36[%get3A_762, %get3A_763] {strides = array<i32>} : memref<16x144xf32, #tpu.memory_space<vmem>>, vector<16xf32>,
          %mul3A_765 = arith.mulf %get3A_764, %gather3A : vector<16xf32>
          %swap3A_766 = arith.index_cast %scan3A_708 : i32 to index
          %swap3A_767 = arith.constant 112 : index
          %swap3A_768 = tpu.vector_load %arg36[%swap3A_766, %swap3A_767] {strides = array<i32>} : memref<16x144xf32, #tpu.memory_space<vmem>>, vector<16xf32>,
          tpu.vector_store %arg36[%swap3A_766, %swap3A_767], %mul3A_765 {strides = array<i32>} : memref<16x144xf32, #tpu.memory_space<vmem>>, vector<16xf32>,
          %get3A_769 = arith.index_cast %scan3A_708 : i32 to index
          %get3A_770 = arith.constant 128 : index
          %get3A_771 = tpu.vector_load %arg36[%get3A_769, %get3A_770] {strides = array<i32>} : memref<16x144xf32, #tpu.memory_space<vmem>>, vector<16xf32>,
          %mul3A_772 = arith.mulf %get3A_771, %gather3A : vector<16xf32>
          %swap3A_773 = arith.index_cast %scan3A_708 : i32 to index
          %swap3A_774 = arith.constant 128 : index
          %swap3A_775 = tpu.vector_load %arg36[%swap3A_773, %swap3A_774] {strides = array<i32>} : memref<16x144xf32, #tpu.memory_space<vmem>>, vector<16xf32>,
          tpu.vector_store %arg36[%swap3A_773, %swap3A_774], %mul3A_772 {strides = array<i32>} : memref<16x144xf32, #tpu.memory_space<vmem>>, vector<16xf32>,
        }
        %scan3A_611 = arith.constant 16 : i32
        %dma_start3A_612 = arith.constant 0 : i32
        %dma_start3A_613 = tpu.memref_slice %arg10[%add3A_601, %dma_start3A_612] : memref<96x16xi32, #tpu.memory_space<vmem>> -> memref<1x16xi32, #tpu.memory_space<vmem>>
        %dma_start3A_614 = tpu.memref_squeeze %dma_start3A_613 : memref<1x16xi32, #tpu.memory_space<vmem>> -> memref<16xi32, #tpu.memory_space<vmem>>
        %dma_start3A_615 = arith.constant 0 : i32
        %dma_start3A_616 = arith.constant 0 : i32
        %dma_start3A_617 = tpu.memref_slice %arg8[%dma_start3A_615, %dma_start3A_616] : memref<10000x144xf32, #tpu.memory_space<vmem_shared>> -> memref<10000x144xf32, #tpu.memory_space<vmem_shared>>
        tpu.enqueue_indirect_dma source(%arg36 : memref<16x144xf32, #tpu.memory_space<vmem>>) target(%dma_start3A_617 : memref<10000x144xf32, #tpu.memory_space<vmem_shared>>) offsets(%dma_start3A_614 : memref<16xi32, #tpu.memory_space<vmem>>) semaphore(%arg49 : memref<!tpu.dma_semaphore, #tpu.memory_space<semaphore_mem>>) {add = true}
        %add3A_618 = arith.constant 11 : i32
        %add3A_619 = arith.addi %mul3A_323, %add3A_618 : i32
        %dma_wait3A_620 = tpu.memref_slice %arg38[%mul3A_415] : memref<1536xi32, #tpu.memory_space<vmem>> -> memref<16xi32, #tpu.memory_space<vmem>>
        %dma_wait3A_621 = arith.constant 0 : i32
        %dma_wait3A_622 = arith.constant 0 : i32
        %dma_wait3A_623 = tpu.memref_slice %arg2[%dma_wait3A_621, %dma_wait3A_622] : memref<20000x144xf32, #tpu.memory_space<hbm>> -> memref<20000x144xf32, #tpu.memory_space<hbm>>
        tpu.wait_indirect_dma semaphore(%arg23 : memref<!tpu.dma_semaphore, #tpu.memory_space<semaphore_mem>>) src(%dma_wait3A_623 : memref<20000x144xf32, #tpu.memory_space<hbm>>) dst(%arg37 : memref<16x144xf32, #tpu.memory_space<vmem>>)
        %scan3A_624 = arith.constant 0 : i32
        %scan3A_625 = arith.constant 0 : i32
        %scan3A_626 = arith.constant 16 : i32
        %scan3A_627 = arith.addi %scan3A_625, %scan3A_626 : i32
        %scan3A_628 = arith.constant 1 : i32
        scf.for %scan3A_708 = %scan3A_625 to %scan3A_627 step %scan3A_628  : i32 {
          %broadcast_in_dim3A = arith.constant 0 : i32
          %broadcast_in_dim3A_709 = vector.broadcast %broadcast_in_dim3A : i32 to vector<16xi32>
          %mul3A_710 = arith.constant 16 : i32
          %mul3A_711 = arith.muli %add3A_619, %mul3A_710 : i32
          %add3A_712 = arith.addi %mul3A_711, %scan3A_708 : i32
          %add3A_713 = vector.broadcast %add3A_712 : i32 to vector<16xi32>
          %add3A_714 = arith.addi %broadcast_in_dim3A_709, %add3A_713 : vector<16xi32>
          %gather3A = tpu.vector_load_idx %arg11[%add3A_714] : memref<1536xf32, #tpu.memory_space<vmem>>[vector<16xi32>], vector<16xf32>,
          %get3A = arith.index_cast %scan3A_708 : i32 to index
          %get3A_715 = arith.constant 0 : index
          %get3A_716 = tpu.vector_load %arg37[%get3A, %get3A_715] {strides = array<i32>} : memref<16x144xf32, #tpu.memory_space<vmem>>, vector<16xf32>,
          %mul3A_717 = arith.mulf %get3A_716, %gather3A : vector<16xf32>
          %swap3A = arith.index_cast %scan3A_708 : i32 to index
          %swap3A_718 = arith.constant 0 : index
          %swap3A_719 = tpu.vector_load %arg37[%swap3A, %swap3A_718] {strides = array<i32>} : memref<16x144xf32, #tpu.memory_space<vmem>>, vector<16xf32>,
          tpu.vector_store %arg37[%swap3A, %swap3A_718], %mul3A_717 {strides = array<i32>} : memref<16x144xf32, #tpu.memory_space<vmem>>, vector<16xf32>,
          %get3A_720 = arith.index_cast %scan3A_708 : i32 to index
          %get3A_721 = arith.constant 16 : index
          %get3A_722 = tpu.vector_load %arg37[%get3A_720, %get3A_721] {strides = array<i32>} : memref<16x144xf32, #tpu.memory_space<vmem>>, vector<16xf32>,
          %mul3A_723 = arith.mulf %get3A_722, %gather3A : vector<16xf32>
          %swap3A_724 = arith.index_cast %scan3A_708 : i32 to index
          %swap3A_725 = arith.constant 16 : index
          %swap3A_726 = tpu.vector_load %arg37[%swap3A_724, %swap3A_725] {strides = array<i32>} : memref<16x144xf32, #tpu.memory_space<vmem>>, vector<16xf32>,
          tpu.vector_store %arg37[%swap3A_724, %swap3A_725], %mul3A_723 {strides = array<i32>} : memref<16x144xf32, #tpu.memory_space<vmem>>, vector<16xf32>,
          %get3A_727 = arith.index_cast %scan3A_708 : i32 to index
          %get3A_728 = arith.constant 32 : index
          %get3A_729 = tpu.vector_load %arg37[%get3A_727, %get3A_728] {strides = array<i32>} : memref<16x144xf32, #tpu.memory_space<vmem>>, vector<16xf32>,
          %mul3A_730 = arith.mulf %get3A_729, %gather3A : vector<16xf32>
          %swap3A_731 = arith.index_cast %scan3A_708 : i32 to index
          %swap3A_732 = arith.constant 32 : index
          %swap3A_733 = tpu.vector_load %arg37[%swap3A_731, %swap3A_732] {strides = array<i32>} : memref<16x144xf32, #tpu.memory_space<vmem>>, vector<16xf32>,
          tpu.vector_store %arg37[%swap3A_731, %swap3A_732], %mul3A_730 {strides = array<i32>} : memref<16x144xf32, #tpu.memory_space<vmem>>, vector<16xf32>,
          %get3A_734 = arith.index_cast %scan3A_708 : i32 to index
          %get3A_735 = arith.constant 48 : index
          %get3A_736 = tpu.vector_load %arg37[%get3A_734, %get3A_735] {strides = array<i32>} : memref<16x144xf32, #tpu.memory_space<vmem>>, vector<16xf32>,
          %mul3A_737 = arith.mulf %get3A_736, %gather3A : vector<16xf32>
          %swap3A_738 = arith.index_cast %scan3A_708 : i32 to index
          %swap3A_739 = arith.constant 48 : index
          %swap3A_740 = tpu.vector_load %arg37[%swap3A_738, %swap3A_739] {strides = array<i32>} : memref<16x144xf32, #tpu.memory_space<vmem>>, vector<16xf32>,
          tpu.vector_store %arg37[%swap3A_738, %swap3A_739], %mul3A_737 {strides = array<i32>} : memref<16x144xf32, #tpu.memory_space<vmem>>, vector<16xf32>,
          %get3A_741 = arith.index_cast %scan3A_708 : i32 to index
          %get3A_742 = arith.constant 64 : index
          %get3A_743 = tpu.vector_load %arg37[%get3A_741, %get3A_742] {strides = array<i32>} : memref<16x144xf32, #tpu.memory_space<vmem>>, vector<16xf32>,
          %mul3A_744 = arith.mulf %get3A_743, %gather3A : vector<16xf32>
          %swap3A_745 = arith.index_cast %scan3A_708 : i32 to index
          %swap3A_746 = arith.constant 64 : index
          %swap3A_747 = tpu.vector_load %arg37[%swap3A_745, %swap3A_746] {strides = array<i32>} : memref<16x144xf32, #tpu.memory_space<vmem>>, vector<16xf32>,
          tpu.vector_store %arg37[%swap3A_745, %swap3A_746], %mul3A_744 {strides = array<i32>} : memref<16x144xf32, #tpu.memory_space<vmem>>, vector<16xf32>,
          %get3A_748 = arith.index_cast %scan3A_708 : i32 to index
          %get3A_749 = arith.constant 80 : index
          %get3A_750 = tpu.vector_load %arg37[%get3A_748, %get3A_749] {strides = array<i32>} : memref<16x144xf32, #tpu.memory_space<vmem>>, vector<16xf32>,
          %mul3A_751 = arith.mulf %get3A_750, %gather3A : vector<16xf32>
          %swap3A_752 = arith.index_cast %scan3A_708 : i32 to index
          %swap3A_753 = arith.constant 80 : index
          %swap3A_754 = tpu.vector_load %arg37[%swap3A_752, %swap3A_753] {strides = array<i32>} : memref<16x144xf32, #tpu.memory_space<vmem>>, vector<16xf32>,
          tpu.vector_store %arg37[%swap3A_752, %swap3A_753], %mul3A_751 {strides = array<i32>} : memref<16x144xf32, #tpu.memory_space<vmem>>, vector<16xf32>,
          %get3A_755 = arith.index_cast %scan3A_708 : i32 to index
          %get3A_756 = arith.constant 96 : index
          %get3A_757 = tpu.vector_load %arg37[%get3A_755, %get3A_756] {strides = array<i32>} : memref<16x144xf32, #tpu.memory_space<vmem>>, vector<16xf32>,
          %mul3A_758 = arith.mulf %get3A_757, %gather3A : vector<16xf32>
          %swap3A_759 = arith.index_cast %scan3A_708 : i32 to index
          %swap3A_760 = arith.constant 96 : index
          %swap3A_761 = tpu.vector_load %arg37[%swap3A_759, %swap3A_760] {strides = array<i32>} : memref<16x144xf32, #tpu.memory_space<vmem>>, vector<16xf32>,
          tpu.vector_store %arg37[%swap3A_759, %swap3A_760], %mul3A_758 {strides = array<i32>} : memref<16x144xf32, #tpu.memory_space<vmem>>, vector<16xf32>,
          %get3A_762 = arith.index_cast %scan3A_708 : i32 to index
          %get3A_763 = arith.constant 112 : index
          %get3A_764 = tpu.vector_load %arg37[%get3A_762, %get3A_763] {strides = array<i32>} : memref<16x144xf32, #tpu.memory_space<vmem>>, vector<16xf32>,
          %mul3A_765 = arith.mulf %get3A_764, %gather3A : vector<16xf32>
          %swap3A_766 = arith.index_cast %scan3A_708 : i32 to index
          %swap3A_767 = arith.constant 112 : index
          %swap3A_768 = tpu.vector_load %arg37[%swap3A_766, %swap3A_767] {strides = array<i32>} : memref<16x144xf32, #tpu.memory_space<vmem>>, vector<16xf32>,
          tpu.vector_store %arg37[%swap3A_766, %swap3A_767], %mul3A_765 {strides = array<i32>} : memref<16x144xf32, #tpu.memory_space<vmem>>, vector<16xf32>,
          %get3A_769 = arith.index_cast %scan3A_708 : i32 to index
          %get3A_770 = arith.constant 128 : index
          %get3A_771 = tpu.vector_load %arg37[%get3A_769, %get3A_770] {strides = array<i32>} : memref<16x144xf32, #tpu.memory_space<vmem>>, vector<16xf32>,
          %mul3A_772 = arith.mulf %get3A_771, %gather3A : vector<16xf32>
          %swap3A_773 = arith.index_cast %scan3A_708 : i32 to index
          %swap3A_774 = arith.constant 128 : index
          %swap3A_775 = tpu.vector_load %arg37[%swap3A_773, %swap3A_774] {strides = array<i32>} : memref<16x144xf32, #tpu.memory_space<vmem>>, vector<16xf32>,
          tpu.vector_store %arg37[%swap3A_773, %swap3A_774], %mul3A_772 {strides = array<i32>} : memref<16x144xf32, #tpu.memory_space<vmem>>, vector<16xf32>,
        }
        %scan3A_629 = arith.constant 16 : i32
        %dma_start3A_630 = arith.constant 0 : i32
        %dma_start3A_631 = tpu.memref_slice %arg10[%add3A_619, %dma_start3A_630] : memref<96x16xi32, #tpu.memory_space<vmem>> -> memref<1x16xi32, #tpu.memory_space<vmem>>
        %dma_start3A_632 = tpu.memref_squeeze %dma_start3A_631 : memref<1x16xi32, #tpu.memory_space<vmem>> -> memref<16xi32, #tpu.memory_space<vmem>>
        %dma_start3A_633 = arith.constant 0 : i32
        %dma_start3A_634 = arith.constant 0 : i32
        %dma_start3A_635 = tpu.memref_slice %arg8[%dma_start3A_633, %dma_start3A_634] : memref<10000x144xf32, #tpu.memory_space<vmem_shared>> -> memref<10000x144xf32, #tpu.memory_space<vmem_shared>>
        tpu.enqueue_indirect_dma source(%arg37 : memref<16x144xf32, #tpu.memory_space<vmem>>) target(%dma_start3A_635 : memref<10000x144xf32, #tpu.memory_space<vmem_shared>>) offsets(%dma_start3A_632 : memref<16xi32, #tpu.memory_space<vmem>>) semaphore(%arg50 : memref<!tpu.dma_semaphore, #tpu.memory_space<semaphore_mem>>) {add = true}
        %dma_wait3A_636 = arith.constant 0 : i32
        %dma_wait3A_637 = tpu.memref_slice %arg10[%add3A_421, %dma_wait3A_636] : memref<96x16xi32, #tpu.memory_space<vmem>> -> memref<1x16xi32, #tpu.memory_space<vmem>>
        %dma_wait3A_638 = tpu.memref_squeeze %dma_wait3A_637 : memref<1x16xi32, #tpu.memory_space<vmem>> -> memref<16xi32, #tpu.memory_space<vmem>>
        %dma_wait3A_639 = arith.constant 0 : i32
        %dma_wait3A_640 = arith.constant 0 : i32
        %dma_wait3A_641 = tpu.memref_slice %arg8[%dma_wait3A_639, %dma_wait3A_640] : memref<10000x144xf32, #tpu.memory_space<vmem_shared>> -> memref<10000x144xf32, #tpu.memory_space<vmem_shared>>
        tpu.wait_indirect_dma semaphore(%arg39 : memref<!tpu.dma_semaphore, #tpu.memory_space<semaphore_mem>>) src(%arg26 : memref<16x144xf32, #tpu.memory_space<vmem>>) dst(%dma_wait3A_641 : memref<10000x144xf32, #tpu.memory_space<vmem_shared>>)
        %dma_wait3A_642 = arith.constant 0 : i32
        %dma_wait3A_643 = tpu.memref_slice %arg10[%add3A_439, %dma_wait3A_642] : memref<96x16xi32, #tpu.memory_space<vmem>> -> memref<1x16xi32, #tpu.memory_space<vmem>>
        %dma_wait3A_644 = tpu.memref_squeeze %dma_wait3A_643 : memref<1x16xi32, #tpu.memory_space<vmem>> -> memref<16xi32, #tpu.memory_space<vmem>>
        %dma_wait3A_645 = arith.constant 0 : i32
        %dma_wait3A_646 = arith.constant 0 : i32
        %dma_wait3A_647 = tpu.memref_slice %arg8[%dma_wait3A_645, %dma_wait3A_646] : memref<10000x144xf32, #tpu.memory_space<vmem_shared>> -> memref<10000x144xf32, #tpu.memory_space<vmem_shared>>
        tpu.wait_indirect_dma semaphore(%arg40 : memref<!tpu.dma_semaphore, #tpu.memory_space<semaphore_mem>>) src(%arg27 : memref<16x144xf32, #tpu.memory_space<vmem>>) dst(%dma_wait3A_647 : memref<10000x144xf32, #tpu.memory_space<vmem_shared>>)
        %dma_wait3A_648 = arith.constant 0 : i32
        %dma_wait3A_649 = tpu.memref_slice %arg10[%add3A_457, %dma_wait3A_648] : memref<96x16xi32, #tpu.memory_space<vmem>> -> memref<1x16xi32, #tpu.memory_space<vmem>>
        %dma_wait3A_650 = tpu.memref_squeeze %dma_wait3A_649 : memref<1x16xi32, #tpu.memory_space<vmem>> -> memref<16xi32, #tpu.memory_space<vmem>>
        %dma_wait3A_651 = arith.constant 0 : i32
        %dma_wait3A_652 = arith.constant 0 : i32
        %dma_wait3A_653 = tpu.memref_slice %arg8[%dma_wait3A_651, %dma_wait3A_652] : memref<10000x144xf32, #tpu.memory_space<vmem_shared>> -> memref<10000x144xf32, #tpu.memory_space<vmem_shared>>
        tpu.wait_indirect_dma semaphore(%arg41 : memref<!tpu.dma_semaphore, #tpu.memory_space<semaphore_mem>>) src(%arg28 : memref<16x144xf32, #tpu.memory_space<vmem>>) dst(%dma_wait3A_653 : memref<10000x144xf32, #tpu.memory_space<vmem_shared>>)
        %dma_wait3A_654 = arith.constant 0 : i32
        %dma_wait3A_655 = tpu.memref_slice %arg10[%add3A_475, %dma_wait3A_654] : memref<96x16xi32, #tpu.memory_space<vmem>> -> memref<1x16xi32, #tpu.memory_space<vmem>>
        %dma_wait3A_656 = tpu.memref_squeeze %dma_wait3A_655 : memref<1x16xi32, #tpu.memory_space<vmem>> -> memref<16xi32, #tpu.memory_space<vmem>>
        %dma_wait3A_657 = arith.constant 0 : i32
        %dma_wait3A_658 = arith.constant 0 : i32
        %dma_wait3A_659 = tpu.memref_slice %arg8[%dma_wait3A_657, %dma_wait3A_658] : memref<10000x144xf32, #tpu.memory_space<vmem_shared>> -> memref<10000x144xf32, #tpu.memory_space<vmem_shared>>
        tpu.wait_indirect_dma semaphore(%arg42 : memref<!tpu.dma_semaphore, #tpu.memory_space<semaphore_mem>>) src(%arg29 : memref<16x144xf32, #tpu.memory_space<vmem>>) dst(%dma_wait3A_659 : memref<10000x144xf32, #tpu.memory_space<vmem_shared>>)
        %dma_wait3A_660 = arith.constant 0 : i32
        %dma_wait3A_661 = tpu.memref_slice %arg10[%add3A_493, %dma_wait3A_660] : memref<96x16xi32, #tpu.memory_space<vmem>> -> memref<1x16xi32, #tpu.memory_space<vmem>>
        %dma_wait3A_662 = tpu.memref_squeeze %dma_wait3A_661 : memref<1x16xi32, #tpu.memory_space<vmem>> -> memref<16xi32, #tpu.memory_space<vmem>>
        %dma_wait3A_663 = arith.constant 0 : i32
        %dma_wait3A_664 = arith.constant 0 : i32
        %dma_wait3A_665 = tpu.memref_slice %arg8[%dma_wait3A_663, %dma_wait3A_664] : memref<10000x144xf32, #tpu.memory_space<vmem_shared>> -> memref<10000x144xf32, #tpu.memory_space<vmem_shared>>
        tpu.wait_indirect_dma semaphore(%arg43 : memref<!tpu.dma_semaphore, #tpu.memory_space<semaphore_mem>>) src(%arg30 : memref<16x144xf32, #tpu.memory_space<vmem>>) dst(%dma_wait3A_665 : memref<10000x144xf32, #tpu.memory_space<vmem_shared>>)
        %dma_wait3A_666 = arith.constant 0 : i32
        %dma_wait3A_667 = tpu.memref_slice %arg10[%add3A_511, %dma_wait3A_666] : memref<96x16xi32, #tpu.memory_space<vmem>> -> memref<1x16xi32, #tpu.memory_space<vmem>>
        %dma_wait3A_668 = tpu.memref_squeeze %dma_wait3A_667 : memref<1x16xi32, #tpu.memory_space<vmem>> -> memref<16xi32, #tpu.memory_space<vmem>>
        %dma_wait3A_669 = arith.constant 0 : i32
        %dma_wait3A_670 = arith.constant 0 : i32
        %dma_wait3A_671 = tpu.memref_slice %arg8[%dma_wait3A_669, %dma_wait3A_670] : memref<10000x144xf32, #tpu.memory_space<vmem_shared>> -> memref<10000x144xf32, #tpu.memory_space<vmem_shared>>
        tpu.wait_indirect_dma semaphore(%arg44 : memref<!tpu.dma_semaphore, #tpu.memory_space<semaphore_mem>>) src(%arg31 : memref<16x144xf32, #tpu.memory_space<vmem>>) dst(%dma_wait3A_671 : memref<10000x144xf32, #tpu.memory_space<vmem_shared>>)
        %dma_wait3A_672 = arith.constant 0 : i32
        %dma_wait3A_673 = tpu.memref_slice %arg10[%add3A_529, %dma_wait3A_672] : memref<96x16xi32, #tpu.memory_space<vmem>> -> memref<1x16xi32, #tpu.memory_space<vmem>>
        %dma_wait3A_674 = tpu.memref_squeeze %dma_wait3A_673 : memref<1x16xi32, #tpu.memory_space<vmem>> -> memref<16xi32, #tpu.memory_space<vmem>>
        %dma_wait3A_675 = arith.constant 0 : i32
        %dma_wait3A_676 = arith.constant 0 : i32
        %dma_wait3A_677 = tpu.memref_slice %arg8[%dma_wait3A_675, %dma_wait3A_676] : memref<10000x144xf32, #tpu.memory_space<vmem_shared>> -> memref<10000x144xf32, #tpu.memory_space<vmem_shared>>
        tpu.wait_indirect_dma semaphore(%arg45 : memref<!tpu.dma_semaphore, #tpu.memory_space<semaphore_mem>>) src(%arg32 : memref<16x144xf32, #tpu.memory_space<vmem>>) dst(%dma_wait3A_677 : memref<10000x144xf32, #tpu.memory_space<vmem_shared>>)
        %dma_wait3A_678 = arith.constant 0 : i32
        %dma_wait3A_679 = tpu.memref_slice %arg10[%add3A_547, %dma_wait3A_678] : memref<96x16xi32, #tpu.memory_space<vmem>> -> memref<1x16xi32, #tpu.memory_space<vmem>>
        %dma_wait3A_680 = tpu.memref_squeeze %dma_wait3A_679 : memref<1x16xi32, #tpu.memory_space<vmem>> -> memref<16xi32, #tpu.memory_space<vmem>>
        %dma_wait3A_681 = arith.constant 0 : i32
        %dma_wait3A_682 = arith.constant 0 : i32
        %dma_wait3A_683 = tpu.memref_slice %arg8[%dma_wait3A_681, %dma_wait3A_682] : memref<10000x144xf32, #tpu.memory_space<vmem_shared>> -> memref<10000x144xf32, #tpu.memory_space<vmem_shared>>
        tpu.wait_indirect_dma semaphore(%arg46 : memref<!tpu.dma_semaphore, #tpu.memory_space<semaphore_mem>>) src(%arg33 : memref<16x144xf32, #tpu.memory_space<vmem>>) dst(%dma_wait3A_683 : memref<10000x144xf32, #tpu.memory_space<vmem_shared>>)
        %dma_wait3A_684 = arith.constant 0 : i32
        %dma_wait3A_685 = tpu.memref_slice %arg10[%add3A_565, %dma_wait3A_684] : memref<96x16xi32, #tpu.memory_space<vmem>> -> memref<1x16xi32, #tpu.memory_space<vmem>>
        %dma_wait3A_686 = tpu.memref_squeeze %dma_wait3A_685 : memref<1x16xi32, #tpu.memory_space<vmem>> -> memref<16xi32, #tpu.memory_space<vmem>>
        %dma_wait3A_687 = arith.constant 0 : i32
        %dma_wait3A_688 = arith.constant 0 : i32
        %dma_wait3A_689 = tpu.memref_slice %arg8[%dma_wait3A_687, %dma_wait3A_688] : memref<10000x144xf32, #tpu.memory_space<vmem_shared>> -> memref<10000x144xf32, #tpu.memory_space<vmem_shared>>
        tpu.wait_indirect_dma semaphore(%arg47 : memref<!tpu.dma_semaphore, #tpu.memory_space<semaphore_mem>>) src(%arg34 : memref<16x144xf32, #tpu.memory_space<vmem>>) dst(%dma_wait3A_689 : memref<10000x144xf32, #tpu.memory_space<vmem_shared>>)
        %dma_wait3A_690 = arith.constant 0 : i32
        %dma_wait3A_691 = tpu.memref_slice %arg10[%add3A_583, %dma_wait3A_690] : memref<96x16xi32, #tpu.memory_space<vmem>> -> memref<1x16xi32, #tpu.memory_space<vmem>>
        %dma_wait3A_692 = tpu.memref_squeeze %dma_wait3A_691 : memref<1x16xi32, #tpu.memory_space<vmem>> -> memref<16xi32, #tpu.memory_space<vmem>>
        %dma_wait3A_693 = arith.constant 0 : i32
        %dma_wait3A_694 = arith.constant 0 : i32
        %dma_wait3A_695 = tpu.memref_slice %arg8[%dma_wait3A_693, %dma_wait3A_694] : memref<10000x144xf32, #tpu.memory_space<vmem_shared>> -> memref<10000x144xf32, #tpu.memory_space<vmem_shared>>
        tpu.wait_indirect_dma semaphore(%arg48 : memref<!tpu.dma_semaphore, #tpu.memory_space<semaphore_mem>>) src(%arg35 : memref<16x144xf32, #tpu.memory_space<vmem>>) dst(%dma_wait3A_695 : memref<10000x144xf32, #tpu.memory_space<vmem_shared>>)
        %dma_wait3A_696 = arith.constant 0 : i32
        %dma_wait3A_697 = tpu.memref_slice %arg10[%add3A_601, %dma_wait3A_696] : memref<96x16xi32, #tpu.memory_space<vmem>> -> memref<1x16xi32, #tpu.memory_space<vmem>>
        %dma_wait3A_698 = tpu.memref_squeeze %dma_wait3A_697 : memref<1x16xi32, #tpu.memory_space<vmem>> -> memref<16xi32, #tpu.memory_space<vmem>>
        %dma_wait3A_699 = arith.constant 0 : i32
        %dma_wait3A_700 = arith.constant 0 : i32
        %dma_wait3A_701 = tpu.memref_slice %arg8[%dma_wait3A_699, %dma_wait3A_700] : memref<10000x144xf32, #tpu.memory_space<vmem_shared>> -> memref<10000x144xf32, #tpu.memory_space<vmem_shared>>
        tpu.wait_indirect_dma semaphore(%arg49 : memref<!tpu.dma_semaphore, #tpu.memory_space<semaphore_mem>>) src(%arg36 : memref<16x144xf32, #tpu.memory_space<vmem>>) dst(%dma_wait3A_701 : memref<10000x144xf32, #tpu.memory_space<vmem_shared>>)
        %dma_wait3A_702 = arith.constant 0 : i32
        %dma_wait3A_703 = tpu.memref_slice %arg10[%add3A_619, %dma_wait3A_702] : memref<96x16xi32, #tpu.memory_space<vmem>> -> memref<1x16xi32, #tpu.memory_space<vmem>>
        %dma_wait3A_704 = tpu.memref_squeeze %dma_wait3A_703 : memref<1x16xi32, #tpu.memory_space<vmem>> -> memref<16xi32, #tpu.memory_space<vmem>>
        %dma_wait3A_705 = arith.constant 0 : i32
        %dma_wait3A_706 = arith.constant 0 : i32
        %dma_wait3A_707 = tpu.memref_slice %arg8[%dma_wait3A_705, %dma_wait3A_706] : memref<10000x144xf32, #tpu.memory_space<vmem_shared>> -> memref<10000x144xf32, #tpu.memory_space<vmem_shared>>
        tpu.wait_indirect_dma semaphore(%arg50 : memref<!tpu.dma_semaphore, #tpu.memory_space<semaphore_mem>>) src(%arg37 : memref<16x144xf32, #tpu.memory_space<vmem>>) dst(%dma_wait3A_707 : memref<10000x144xf32, #tpu.memory_space<vmem_shared>>)
      }
      %scan3A_320 = arith.constant 8 : i32
    }
    %scan3A_260 = arith.constant 7 : i32
    %barrier3A_261 = arith.constant 0 : index
    tpu.barrier barrier_id(%barrier3A_261)
    %scan3A_262 = arith.constant 0 : i32
    %scan3A_263 = arith.constant 0 : i32
    %scan3A_264 = arith.constant 25 : i32
    %scan3A_265 = arith.addi %scan3A_263, %scan3A_264 : i32
    %scan3A_266 = arith.constant 1 : i32
    scf.for %scan3A_268 = %scan3A_263 to %scan3A_265 step %scan3A_266  : i32 {
      %mul3A_269 = arith.constant 25 : i32
      %mul3A_270 = arith.muli %scan3A_268, %mul3A_269 : i32
      %add3A_271 = arith.addi %mul3A_0, %mul3A_270 : i32
      "tpu.region"() ({
        %run_scoped3A = tpu.sem_alloc : memref<!tpu.dma_semaphore, #tpu.memory_space<semaphore_mem>>
        %dma_start3A_280 = arith.constant 0 : i32
        %dma_start3A_281 = tpu.memref_slice %arg8[%add3A_271, %dma_start3A_280] : memref<10000x144xf32, #tpu.memory_space<vmem_shared>> -> memref<25x144xf32, #tpu.memory_space<vmem_shared>>
        %dma_start3A_282 = arith.constant 0 : i32
        %dma_start3A_283 = tpu.memref_slice %arg8[%add3A_271, %dma_start3A_282] : memref<10000x144xf32, #tpu.memory_space<vmem_shared>> -> memref<25x144xf32, #tpu.memory_space<vmem_shared>>
        tpu.enqueue_dma source(%dma_start3A_283 : memref<25x144xf32, #tpu.memory_space<vmem_shared>>) target(%arg24 : memref<25x144xf32, #tpu.memory_space<vmem>>) target_semaphore(%run_scoped3A : memref<!tpu.dma_semaphore, #tpu.memory_space<semaphore_mem>>)
        %dma_wait3A_284 = arith.constant 0 : i32
        %dma_wait3A_285 = tpu.memref_slice %arg8[%add3A_271, %dma_wait3A_284] : memref<10000x144xf32, #tpu.memory_space<vmem_shared>> -> memref<25x144xf32, #tpu.memory_space<vmem_shared>>
        %dma_wait3A_286 = arith.constant 0 : i32
        %dma_wait3A_287 = tpu.memref_slice %arg8[%add3A_271, %dma_wait3A_286] : memref<10000x144xf32, #tpu.memory_space<vmem_shared>> -> memref<25x144xf32, #tpu.memory_space<vmem_shared>>
        tpu.wait_dma2 semaphore(%run_scoped3A : memref<!tpu.dma_semaphore, #tpu.memory_space<semaphore_mem>>) src(%dma_wait3A_287 : memref<25x144xf32, #tpu.memory_space<vmem_shared>>) dst(%arg24 : memref<25x144xf32, #tpu.memory_space<vmem>>)
        tpu.yield
      }) : () -> ()
      %scan3A_272 = arith.constant 0 : i32
      %scan3A_273 = arith.constant 0 : i32
      %scan3A_274 = arith.constant 25 : i32
      %scan3A_275 = arith.addi %scan3A_273, %scan3A_274 : i32
      %scan3A_276 = arith.constant 1 : i32
      scf.for %scan3A_280 = %scan3A_273 to %scan3A_275 step %scan3A_276  : i32 {
        %broadcast_in_dim3A = arith.constant 0 : i32
        %broadcast_in_dim3A_281 = vector.broadcast %broadcast_in_dim3A : i32 to vector<16xi32>
        %add3A_282 = vector.broadcast %scan3A_280 : i32 to vector<16xi32>
        %add3A_283 = arith.addi %broadcast_in_dim3A_281, %add3A_282 : vector<16xi32>
        %broadcast_in_dim3A_284 = arith.constant 128 : i32
        %broadcast_in_dim3A_285 = vector.broadcast %broadcast_in_dim3A_284 : i32 to vector<16xi32>
        %gather3A = tpu.vector_load_idx %arg24[%add3A_283, %broadcast_in_dim3A_285] : memref<25x144xf32, #tpu.memory_space<vmem>>[vector<16xi32>, vector<16xi32>], vector<16xf32>,
        %add3A_286 = arith.constant 1.000000e-16 : f32
        %add3A_287 = vector.broadcast %add3A_286 : f32 to vector<16xf32>
        %add3A_288 = arith.addf %gather3A, %add3A_287 : vector<16xf32>
        %div3A = arith.constant 1.000000e+00 : f32
        %div3A_289 = vector.broadcast %div3A : f32 to vector<16xf32>
        %div3A_290 = arith.divf %div3A_289, %add3A_288 : vector<16xf32>
        %get3A = arith.index_cast %scan3A_280 : i32 to index
        %get3A_291 = arith.constant 0 : index
        %get3A_292 = tpu.vector_load %arg24[%get3A, %get3A_291] {strides = array<i32>} : memref<25x144xf32, #tpu.memory_space<vmem>>, vector<16xf32>,
        %mul3A_293 = arith.mulf %get3A_292, %div3A_290 : vector<16xf32>
        %get3A_294 = arith.constant 0 : index
        %get3A_295 = tpu.vector_load %arg9[%get3A_294] {strides = array<i32>} : memref<128xf32, #tpu.memory_space<vmem>>, vector<16xf32>,
        %add3A_296 = arith.addf %mul3A_293, %get3A_295 : vector<16xf32>
        %swap3A = arith.index_cast %scan3A_280 : i32 to index
        %swap3A_297 = arith.constant 0 : index
        %swap3A_298 = tpu.vector_load %arg25[%swap3A, %swap3A_297] {strides = array<i32>} : memref<25x128xf32, #tpu.memory_space<vmem>>, vector<16xf32>,
        tpu.vector_store %arg25[%swap3A, %swap3A_297], %add3A_296 {strides = array<i32>} : memref<25x128xf32, #tpu.memory_space<vmem>>, vector<16xf32>,
        %get3A_299 = arith.index_cast %scan3A_280 : i32 to index
        %get3A_300 = arith.constant 16 : index
        %get3A_301 = tpu.vector_load %arg24[%get3A_299, %get3A_300] {strides = array<i32>} : memref<25x144xf32, #tpu.memory_space<vmem>>, vector<16xf32>,
        %mul3A_302 = arith.mulf %get3A_301, %div3A_290 : vector<16xf32>
        %get3A_303 = arith.constant 16 : index
        %get3A_304 = tpu.vector_load %arg9[%get3A_303] {strides = array<i32>} : memref<128xf32, #tpu.memory_space<vmem>>, vector<16xf32>,
        %add3A_305 = arith.addf %mul3A_302, %get3A_304 : vector<16xf32>
        %swap3A_306 = arith.index_cast %scan3A_280 : i32 to index
        %swap3A_307 = arith.constant 16 : index
        %swap3A_308 = tpu.vector_load %arg25[%swap3A_306, %swap3A_307] {strides = array<i32>} : memref<25x128xf32, #tpu.memory_space<vmem>>, vector<16xf32>,
        tpu.vector_store %arg25[%swap3A_306, %swap3A_307], %add3A_305 {strides = array<i32>} : memref<25x128xf32, #tpu.memory_space<vmem>>, vector<16xf32>,
        %get3A_309 = arith.index_cast %scan3A_280 : i32 to index
        %get3A_310 = arith.constant 32 : index
        %get3A_311 = tpu.vector_load %arg24[%get3A_309, %get3A_310] {strides = array<i32>} : memref<25x144xf32, #tpu.memory_space<vmem>>, vector<16xf32>,
        %mul3A_312 = arith.mulf %get3A_311, %div3A_290 : vector<16xf32>
        %get3A_313 = arith.constant 32 : index
        %get3A_314 = tpu.vector_load %arg9[%get3A_313] {strides = array<i32>} : memref<128xf32, #tpu.memory_space<vmem>>, vector<16xf32>,
        %add3A_315 = arith.addf %mul3A_312, %get3A_314 : vector<16xf32>
        %swap3A_316 = arith.index_cast %scan3A_280 : i32 to index
        %swap3A_317 = arith.constant 32 : index
        %swap3A_318 = tpu.vector_load %arg25[%swap3A_316, %swap3A_317] {strides = array<i32>} : memref<25x128xf32, #tpu.memory_space<vmem>>, vector<16xf32>,
        tpu.vector_store %arg25[%swap3A_316, %swap3A_317], %add3A_315 {strides = array<i32>} : memref<25x128xf32, #tpu.memory_space<vmem>>, vector<16xf32>,
        %get3A_319 = arith.index_cast %scan3A_280 : i32 to index
        %get3A_320 = arith.constant 48 : index
        %get3A_321 = tpu.vector_load %arg24[%get3A_319, %get3A_320] {strides = array<i32>} : memref<25x144xf32, #tpu.memory_space<vmem>>, vector<16xf32>,
        %mul3A_322 = arith.mulf %get3A_321, %div3A_290 : vector<16xf32>
        %get3A_323 = arith.constant 48 : index
        %get3A_324 = tpu.vector_load %arg9[%get3A_323] {strides = array<i32>} : memref<128xf32, #tpu.memory_space<vmem>>, vector<16xf32>,
        %add3A_325 = arith.addf %mul3A_322, %get3A_324 : vector<16xf32>
        %swap3A_326 = arith.index_cast %scan3A_280 : i32 to index
        %swap3A_327 = arith.constant 48 : index
        %swap3A_328 = tpu.vector_load %arg25[%swap3A_326, %swap3A_327] {strides = array<i32>} : memref<25x128xf32, #tpu.memory_space<vmem>>, vector<16xf32>,
        tpu.vector_store %arg25[%swap3A_326, %swap3A_327], %add3A_325 {strides = array<i32>} : memref<25x128xf32, #tpu.memory_space<vmem>>, vector<16xf32>,
        %get3A_329 = arith.index_cast %scan3A_280 : i32 to index
        %get3A_330 = arith.constant 64 : index
        %get3A_331 = tpu.vector_load %arg24[%get3A_329, %get3A_330] {strides = array<i32>} : memref<25x144xf32, #tpu.memory_space<vmem>>, vector<16xf32>,
        %mul3A_332 = arith.mulf %get3A_331, %div3A_290 : vector<16xf32>
        %get3A_333 = arith.constant 64 : index
        %get3A_334 = tpu.vector_load %arg9[%get3A_333] {strides = array<i32>} : memref<128xf32, #tpu.memory_space<vmem>>, vector<16xf32>,
        %add3A_335 = arith.addf %mul3A_332, %get3A_334 : vector<16xf32>
        %swap3A_336 = arith.index_cast %scan3A_280 : i32 to index
        %swap3A_337 = arith.constant 64 : index
        %swap3A_338 = tpu.vector_load %arg25[%swap3A_336, %swap3A_337] {strides = array<i32>} : memref<25x128xf32, #tpu.memory_space<vmem>>, vector<16xf32>,
        tpu.vector_store %arg25[%swap3A_336, %swap3A_337], %add3A_335 {strides = array<i32>} : memref<25x128xf32, #tpu.memory_space<vmem>>, vector<16xf32>,
        %get3A_339 = arith.index_cast %scan3A_280 : i32 to index
        %get3A_340 = arith.constant 80 : index
        %get3A_341 = tpu.vector_load %arg24[%get3A_339, %get3A_340] {strides = array<i32>} : memref<25x144xf32, #tpu.memory_space<vmem>>, vector<16xf32>,
        %mul3A_342 = arith.mulf %get3A_341, %div3A_290 : vector<16xf32>
        %get3A_343 = arith.constant 80 : index
        %get3A_344 = tpu.vector_load %arg9[%get3A_343] {strides = array<i32>} : memref<128xf32, #tpu.memory_space<vmem>>, vector<16xf32>,
        %add3A_345 = arith.addf %mul3A_342, %get3A_344 : vector<16xf32>
        %swap3A_346 = arith.index_cast %scan3A_280 : i32 to index
        %swap3A_347 = arith.constant 80 : index
        %swap3A_348 = tpu.vector_load %arg25[%swap3A_346, %swap3A_347] {strides = array<i32>} : memref<25x128xf32, #tpu.memory_space<vmem>>, vector<16xf32>,
        tpu.vector_store %arg25[%swap3A_346, %swap3A_347], %add3A_345 {strides = array<i32>} : memref<25x128xf32, #tpu.memory_space<vmem>>, vector<16xf32>,
        %get3A_349 = arith.index_cast %scan3A_280 : i32 to index
        %get3A_350 = arith.constant 96 : index
        %get3A_351 = tpu.vector_load %arg24[%get3A_349, %get3A_350] {strides = array<i32>} : memref<25x144xf32, #tpu.memory_space<vmem>>, vector<16xf32>,
        %mul3A_352 = arith.mulf %get3A_351, %div3A_290 : vector<16xf32>
        %get3A_353 = arith.constant 96 : index
        %get3A_354 = tpu.vector_load %arg9[%get3A_353] {strides = array<i32>} : memref<128xf32, #tpu.memory_space<vmem>>, vector<16xf32>,
        %add3A_355 = arith.addf %mul3A_352, %get3A_354 : vector<16xf32>
        %swap3A_356 = arith.index_cast %scan3A_280 : i32 to index
        %swap3A_357 = arith.constant 96 : index
        %swap3A_358 = tpu.vector_load %arg25[%swap3A_356, %swap3A_357] {strides = array<i32>} : memref<25x128xf32, #tpu.memory_space<vmem>>, vector<16xf32>,
        tpu.vector_store %arg25[%swap3A_356, %swap3A_357], %add3A_355 {strides = array<i32>} : memref<25x128xf32, #tpu.memory_space<vmem>>, vector<16xf32>,
        %get3A_359 = arith.index_cast %scan3A_280 : i32 to index
        %get3A_360 = arith.constant 112 : index
        %get3A_361 = tpu.vector_load %arg24[%get3A_359, %get3A_360] {strides = array<i32>} : memref<25x144xf32, #tpu.memory_space<vmem>>, vector<16xf32>,
        %mul3A_362 = arith.mulf %get3A_361, %div3A_290 : vector<16xf32>
        %get3A_363 = arith.constant 112 : index
        %get3A_364 = tpu.vector_load %arg9[%get3A_363] {strides = array<i32>} : memref<128xf32, #tpu.memory_space<vmem>>, vector<16xf32>,
        %add3A_365 = arith.addf %mul3A_362, %get3A_364 : vector<16xf32>
        %swap3A_366 = arith.index_cast %scan3A_280 : i32 to index
        %swap3A_367 = arith.constant 112 : index
        %swap3A_368 = tpu.vector_load %arg25[%swap3A_366, %swap3A_367] {strides = array<i32>} : memref<25x128xf32, #tpu.memory_space<vmem>>, vector<16xf32>,
        tpu.vector_store %arg25[%swap3A_366, %swap3A_367], %add3A_365 {strides = array<i32>} : memref<25x128xf32, #tpu.memory_space<vmem>>, vector<16xf32>,
      }
      %scan3A_277 = arith.constant 25 : i32
      %mul3A_278 = arith.constant 128 : i32
      %mul3A_279 = arith.muli %arg0, %mul3A_278 : i32
      "tpu.region"() ({
        %run_scoped3A = tpu.sem_alloc : memref<!tpu.dma_semaphore, #tpu.memory_space<semaphore_mem>>
        %dma_start3A_280 = tpu.memref_slice %arg7[%add3A_271, %mul3A_279] : memref<10000x256xf32, #tpu.memory_space<hbm>> -> memref<25x128xf32, #tpu.memory_space<hbm>>
        %dma_start3A_281 = tpu.memref_slice %arg7[%add3A_271, %mul3A_279] : memref<10000x256xf32, #tpu.memory_space<hbm>> -> memref<25x128xf32, #tpu.memory_space<hbm>>
        tpu.enqueue_dma source(%arg25 : memref<25x128xf32, #tpu.memory_space<vmem>>) target(%dma_start3A_281 : memref<25x128xf32, #tpu.memory_space<hbm>>) target_semaphore(%run_scoped3A : memref<!tpu.dma_semaphore, #tpu.memory_space<semaphore_mem>>)
        %dma_wait3A_282 = tpu.memref_slice %arg7[%add3A_271, %mul3A_279] : memref<10000x256xf32, #tpu.memory_space<hbm>> -> memref<25x128xf32, #tpu.memory_space<hbm>>
        %dma_wait3A_283 = tpu.memref_slice %arg7[%add3A_271, %mul3A_279] : memref<10000x256xf32, #tpu.memory_space<hbm>> -> memref<25x128xf32, #tpu.memory_space<hbm>>
        tpu.wait_dma2 semaphore(%run_scoped3A : memref<!tpu.dma_semaphore, #tpu.memory_space<semaphore_mem>>) src(%arg25 : memref<25x128xf32, #tpu.memory_space<vmem>>) dst(%dma_wait3A_283 : memref<25x128xf32, #tpu.memory_space<hbm>>)
        tpu.yield
      }) : () -> ()
    }
    %scan3A_267 = arith.constant 25 : i32
    return
  }
}

#map = affine_map<(d0, d1) -> (0, 0)>
#map1 = affine_map<(d0, d1) -> (0)>
module attributes {stable_mosaic.version = 14 : i64} {
  func.func @body(%arg0: i32, %arg1: i32, %arg2: memref<32x5376xi32, #tpu.memory_space<hbm>>, %arg3: memref<32x5376xi32, #tpu.memory_space<hbm>>, %arg4: memref<10000xf32, #tpu.memory_space<hbm>>, %arg5: memref<10000xf32, #tpu.memory_space<hbm>>, %arg6: memref<32x5376xf32, #tpu.memory_space<hbm>>, %arg7: memref<10000xf32, #tpu.memory_space<vmem>>, %arg8: memref<10000xf32, #tpu.memory_space<vmem>>, %arg9: memref<5376xi32, #tpu.memory_space<vmem>>, %arg10: memref<5376xf32, #tpu.memory_space<vmem>>, %arg11: memref<5376xi32, #tpu.memory_space<vmem>>) attributes {dimension_semantics = [#tpu.dimension_semantics<core_parallel>, #tpu.dimension_semantics<subcore_parallel>], iteration_bounds = array<i64: 2, 16>, scalar_prefetch = 0 : i64, scratch_operands = 5 : i64, tpu.core_type = #tpu.core_type<sc_vector_subcore>, window_params = [{transform_indices = #map}, {transform_indices = #map}, {transform_indices = #map1}, {transform_indices = #map1}, {transform_indices = #map}]} {
    %mul3A = arith.constant 2 : i32
    %mul3A_0 = arith.muli %mul3A, %arg1 : i32
    %add3A = arith.addi %mul3A_0, %arg0 : i32
    "tpu.region"() ({
      %run_scoped3A = tpu.sem_alloc : memref<!tpu.dma_semaphore, #tpu.memory_space<semaphore_mem>>
      tpu.enqueue_dma source(%arg4 : memref<10000xf32, #tpu.memory_space<hbm>>) target(%arg8 : memref<10000xf32, #tpu.memory_space<vmem>>) target_semaphore(%run_scoped3A : memref<!tpu.dma_semaphore, #tpu.memory_space<semaphore_mem>>)
      tpu.wait_dma2 semaphore(%run_scoped3A : memref<!tpu.dma_semaphore, #tpu.memory_space<semaphore_mem>>) src(%arg4 : memref<10000xf32, #tpu.memory_space<hbm>>) dst(%arg8 : memref<10000xf32, #tpu.memory_space<vmem>>)
      tpu.yield
    }) : () -> ()
    "tpu.region"() ({
      %run_scoped3A = tpu.sem_alloc : memref<!tpu.dma_semaphore, #tpu.memory_space<semaphore_mem>>
      tpu.enqueue_dma source(%arg5 : memref<10000xf32, #tpu.memory_space<hbm>>) target(%arg7 : memref<10000xf32, #tpu.memory_space<vmem>>) target_semaphore(%run_scoped3A : memref<!tpu.dma_semaphore, #tpu.memory_space<semaphore_mem>>)
      tpu.wait_dma2 semaphore(%run_scoped3A : memref<!tpu.dma_semaphore, #tpu.memory_space<semaphore_mem>>) src(%arg5 : memref<10000xf32, #tpu.memory_space<hbm>>) dst(%arg7 : memref<10000xf32, #tpu.memory_space<vmem>>)
      tpu.yield
    }) : () -> ()
    "tpu.region"() ({
      %run_scoped3A = tpu.sem_alloc : memref<!tpu.dma_semaphore, #tpu.memory_space<semaphore_mem>>
      %dma_start3A = arith.constant 0 : i32
      %dma_start3A_32 = tpu.memref_slice %arg2[%add3A, %dma_start3A] : memref<32x5376xi32, #tpu.memory_space<hbm>> -> memref<1x5376xi32, #tpu.memory_space<hbm>>
      %dma_start3A_33 = tpu.memref_squeeze %dma_start3A_32 : memref<1x5376xi32, #tpu.memory_space<hbm>> -> memref<5376xi32, #tpu.memory_space<hbm>>
      %dma_start3A_34 = arith.constant 0 : i32
      %dma_start3A_35 = tpu.memref_slice %arg2[%add3A, %dma_start3A_34] : memref<32x5376xi32, #tpu.memory_space<hbm>> -> memref<1x5376xi32, #tpu.memory_space<hbm>>
      %dma_start3A_36 = tpu.memref_squeeze %dma_start3A_35 : memref<1x5376xi32, #tpu.memory_space<hbm>> -> memref<5376xi32, #tpu.memory_space<hbm>>
      tpu.enqueue_dma source(%dma_start3A_36 : memref<5376xi32, #tpu.memory_space<hbm>>) target(%arg11 : memref<5376xi32, #tpu.memory_space<vmem>>) target_semaphore(%run_scoped3A : memref<!tpu.dma_semaphore, #tpu.memory_space<semaphore_mem>>)
      %dma_wait3A = arith.constant 0 : i32
      %dma_wait3A_37 = tpu.memref_slice %arg2[%add3A, %dma_wait3A] : memref<32x5376xi32, #tpu.memory_space<hbm>> -> memref<1x5376xi32, #tpu.memory_space<hbm>>
      %dma_wait3A_38 = tpu.memref_squeeze %dma_wait3A_37 : memref<1x5376xi32, #tpu.memory_space<hbm>> -> memref<5376xi32, #tpu.memory_space<hbm>>
      %dma_wait3A_39 = arith.constant 0 : i32
      %dma_wait3A_40 = tpu.memref_slice %arg2[%add3A, %dma_wait3A_39] : memref<32x5376xi32, #tpu.memory_space<hbm>> -> memref<1x5376xi32, #tpu.memory_space<hbm>>
      %dma_wait3A_41 = tpu.memref_squeeze %dma_wait3A_40 : memref<1x5376xi32, #tpu.memory_space<hbm>> -> memref<5376xi32, #tpu.memory_space<hbm>>
      tpu.wait_dma2 semaphore(%run_scoped3A : memref<!tpu.dma_semaphore, #tpu.memory_space<semaphore_mem>>) src(%dma_wait3A_41 : memref<5376xi32, #tpu.memory_space<hbm>>) dst(%arg11 : memref<5376xi32, #tpu.memory_space<vmem>>)
      tpu.yield
    }) : () -> ()
    "tpu.region"() ({
      %run_scoped3A = tpu.sem_alloc : memref<!tpu.dma_semaphore, #tpu.memory_space<semaphore_mem>>
      %dma_start3A = arith.constant 0 : i32
      %dma_start3A_32 = tpu.memref_slice %arg3[%add3A, %dma_start3A] : memref<32x5376xi32, #tpu.memory_space<hbm>> -> memref<1x5376xi32, #tpu.memory_space<hbm>>
      %dma_start3A_33 = tpu.memref_squeeze %dma_start3A_32 : memref<1x5376xi32, #tpu.memory_space<hbm>> -> memref<5376xi32, #tpu.memory_space<hbm>>
      %dma_start3A_34 = arith.constant 0 : i32
      %dma_start3A_35 = tpu.memref_slice %arg3[%add3A, %dma_start3A_34] : memref<32x5376xi32, #tpu.memory_space<hbm>> -> memref<1x5376xi32, #tpu.memory_space<hbm>>
      %dma_start3A_36 = tpu.memref_squeeze %dma_start3A_35 : memref<1x5376xi32, #tpu.memory_space<hbm>> -> memref<5376xi32, #tpu.memory_space<hbm>>
      tpu.enqueue_dma source(%dma_start3A_36 : memref<5376xi32, #tpu.memory_space<hbm>>) target(%arg9 : memref<5376xi32, #tpu.memory_space<vmem>>) target_semaphore(%run_scoped3A : memref<!tpu.dma_semaphore, #tpu.memory_space<semaphore_mem>>)
      %dma_wait3A = arith.constant 0 : i32
      %dma_wait3A_37 = tpu.memref_slice %arg3[%add3A, %dma_wait3A] : memref<32x5376xi32, #tpu.memory_space<hbm>> -> memref<1x5376xi32, #tpu.memory_space<hbm>>
      %dma_wait3A_38 = tpu.memref_squeeze %dma_wait3A_37 : memref<1x5376xi32, #tpu.memory_space<hbm>> -> memref<5376xi32, #tpu.memory_space<hbm>>
      %dma_wait3A_39 = arith.constant 0 : i32
      %dma_wait3A_40 = tpu.memref_slice %arg3[%add3A, %dma_wait3A_39] : memref<32x5376xi32, #tpu.memory_space<hbm>> -> memref<1x5376xi32, #tpu.memory_space<hbm>>
      %dma_wait3A_41 = tpu.memref_squeeze %dma_wait3A_40 : memref<1x5376xi32, #tpu.memory_space<hbm>> -> memref<5376xi32, #tpu.memory_space<hbm>>
      tpu.wait_dma2 semaphore(%run_scoped3A : memref<!tpu.dma_semaphore, #tpu.memory_space<semaphore_mem>>) src(%dma_wait3A_41 : memref<5376xi32, #tpu.memory_space<hbm>>) dst(%arg9 : memref<5376xi32, #tpu.memory_space<vmem>>)
      tpu.yield
    }) : () -> ()
    %broadcast_in_dim3A = arith.constant -1.000000e+30 : f32
    %broadcast_in_dim3A_1 = vector.broadcast %broadcast_in_dim3A : f32 to vector<16xf32>
    %scan3A = arith.constant 0 : i32
    %scan3A_2 = arith.constant 625 : i32
    %scan3A_3 = arith.addi %scan3A, %scan3A_2 : i32
    %scan3A_4 = arith.constant 1 : i32
    %scan3A_5 = scf.for %scan3A_32 = %scan3A to %scan3A_3 step %scan3A_4 iter_args(%scan3A_33 = %broadcast_in_dim3A_1) -> (vector<16xf32>)  : i32 {
      %mul3A_34 = arith.constant 16 : i32
      %mul3A_35 = arith.muli %scan3A_32, %mul3A_34 : i32
      %get3A = arith.index_cast %mul3A_35 : i32 to index
      %get3A_36 = tpu.vector_load %arg8[%get3A] {strides = array<i32>} : memref<10000xf32, #tpu.memory_space<vmem>>, vector<16xf32>,
      %max3A = arith.maximumf %scan3A_33, %get3A_36 : vector<16xf32>
      scf.yield %max3A : vector<16xf32>
    }
    %scan3A_6 = arith.constant 625 : i32
    %reduce_max3A = arith.constant true
    %reduce_max3A_7 = vector.broadcast %reduce_max3A : i1 to vector<16xi1>
    %reduce_max3A_8 = tpu.scan <max>, %scan3A_5 masked %reduce_max3A_7 : vector<16xf32>, vector<16xi1> -> vector<16xf32>
    %reduce_max3A_9 = vector.extract %reduce_max3A_8[15] : f32 from vector<16xf32>
    %broadcast_in_dim3A_10 = arith.constant -1.000000e+30 : f32
    %broadcast_in_dim3A_11 = vector.broadcast %broadcast_in_dim3A_10 : f32 to vector<16xf32>
    %scan3A_12 = arith.constant 0 : i32
    %scan3A_13 = arith.constant 625 : i32
    %scan3A_14 = arith.addi %scan3A_12, %scan3A_13 : i32
    %scan3A_15 = arith.constant 1 : i32
    %scan3A_16 = scf.for %scan3A_32 = %scan3A_12 to %scan3A_14 step %scan3A_15 iter_args(%scan3A_33 = %broadcast_in_dim3A_11) -> (vector<16xf32>)  : i32 {
      %mul3A_34 = arith.constant 16 : i32
      %mul3A_35 = arith.muli %scan3A_32, %mul3A_34 : i32
      %get3A = arith.index_cast %mul3A_35 : i32 to index
      %get3A_36 = tpu.vector_load %arg7[%get3A] {strides = array<i32>} : memref<10000xf32, #tpu.memory_space<vmem>>, vector<16xf32>,
      %max3A = arith.maximumf %scan3A_33, %get3A_36 : vector<16xf32>
      scf.yield %max3A : vector<16xf32>
    }
    %scan3A_17 = arith.constant 625 : i32
    %reduce_max3A_18 = arith.constant true
    %reduce_max3A_19 = vector.broadcast %reduce_max3A_18 : i1 to vector<16xi1>
    %reduce_max3A_20 = tpu.scan <max>, %scan3A_16 masked %reduce_max3A_19 : vector<16xf32>, vector<16xi1> -> vector<16xf32>
    %reduce_max3A_21 = vector.extract %reduce_max3A_20[15] : f32 from vector<16xf32>
    %add3A_22 = arith.addf %reduce_max3A_9, %reduce_max3A_21 : f32
    %gt3A = arith.constant 0.000000e+00 : f32
    %gt3A_23 = arith.cmpf ogt, %add3A_22, %gt3A : f32
    %mul3A_24 = arith.constant 2.000000e-01 : f32
    %mul3A_25 = arith.mulf %mul3A_24, %add3A_22 : f32
    %select_n3A = arith.select %gt3A_23, %add3A_22, %mul3A_25 : f32
    %scan3A_26 = arith.constant 0 : i32
    %scan3A_27 = arith.constant 0 : i32
    %scan3A_28 = arith.constant 336 : i32
    %scan3A_29 = arith.addi %scan3A_27, %scan3A_28 : i32
    %scan3A_30 = arith.constant 1 : i32
    scf.for %scan3A_32 = %scan3A_27 to %scan3A_29 step %scan3A_30  : i32 {
      %mul3A_33 = arith.constant 16 : i32
      %mul3A_34 = arith.muli %scan3A_32, %mul3A_33 : i32
      %add3A_35 = arith.constant 0 : i32
      %add3A_36 = arith.addi %mul3A_34, %add3A_35 : i32
      %get3A = arith.index_cast %add3A_36 : i32 to index
      %get3A_37 = tpu.vector_load %arg11[%get3A] {strides = array<i32>} : memref<5376xi32, #tpu.memory_space<vmem>>, vector<16xi32>,
      %get3A_38 = arith.index_cast %add3A_36 : i32 to index
      %get3A_39 = tpu.vector_load %arg9[%get3A_38] {strides = array<i32>} : memref<5376xi32, #tpu.memory_space<vmem>>, vector<16xi32>,
      %gather3A = tpu.vector_load_idx %arg8[%get3A_37] : memref<10000xf32, #tpu.memory_space<vmem>>[vector<16xi32>], vector<16xf32>,
      %gather3A_40 = tpu.vector_load_idx %arg7[%get3A_39] : memref<10000xf32, #tpu.memory_space<vmem>>[vector<16xi32>], vector<16xf32>,
      %add3A_41 = arith.addf %gather3A, %gather3A_40 : vector<16xf32>
      %gt3A_42 = arith.constant 0.000000e+00 : f32
      %gt3A_43 = vector.broadcast %gt3A_42 : f32 to vector<16xf32>
      %gt3A_44 = arith.cmpf ogt, %add3A_41, %gt3A_43 : vector<16xf32>
      %mul3A_45 = arith.constant 2.000000e-01 : f32
      %mul3A_46 = vector.broadcast %mul3A_45 : f32 to vector<16xf32>
      %mul3A_47 = arith.mulf %mul3A_46, %add3A_41 : vector<16xf32>
      %select_n3A_48 = arith.select %gt3A_44, %add3A_41, %mul3A_47 : vector<16xi1>, vector<16xf32>
      %sub3A = vector.broadcast %select_n3A : f32 to vector<16xf32>
      %sub3A_49 = arith.subf %select_n3A_48, %sub3A : vector<16xf32>
      %exp3A = math.exp %sub3A_49 : vector<16xf32>
      %mul3A_50 = arith.constant 5376 : i32
      %mul3A_51 = arith.muli %add3A, %mul3A_50 : i32
      %add3A_52 = arith.addi %mul3A_51, %add3A_36 : i32
      %iota3A = tpu.iota {dimensions = array<i32: 0>} : vector<16xi32>
      %add3A_53 = vector.broadcast %add3A_52 : i32 to vector<16xi32>
      %add3A_54 = arith.addi %add3A_53, %iota3A : vector<16xi32>
      %lt3A = arith.constant 170000 : i32
      %lt3A_55 = vector.broadcast %lt3A : i32 to vector<16xi32>
      %lt3A_56 = arith.cmpi slt, %add3A_54, %lt3A_55 : vector<16xi32>
      %jit3A = arith.constant 0.000000e+00 : f32
      %broadcast_in_dim3A_57 = vector.broadcast %jit3A : f32 to vector<16xf32>
      %select_n3A_58 = arith.select %lt3A_56, %exp3A, %broadcast_in_dim3A_57 : vector<16xi1>, vector<16xf32>
      %swap3A = arith.index_cast %add3A_36 : i32 to index
      %swap3A_59 = tpu.vector_load %arg10[%swap3A] {strides = array<i32>} : memref<5376xf32, #tpu.memory_space<vmem>>, vector<16xf32>,
      tpu.vector_store %arg10[%swap3A], %select_n3A_58 {strides = array<i32>} : memref<5376xf32, #tpu.memory_space<vmem>>, vector<16xf32>,
    }
    %scan3A_31 = arith.constant 336 : i32
    "tpu.region"() ({
      %run_scoped3A = tpu.sem_alloc : memref<!tpu.dma_semaphore, #tpu.memory_space<semaphore_mem>>
      %dma_start3A = arith.constant 0 : i32
      %dma_start3A_32 = tpu.memref_slice %arg6[%add3A, %dma_start3A] : memref<32x5376xf32, #tpu.memory_space<hbm>> -> memref<1x5376xf32, #tpu.memory_space<hbm>>
      %dma_start3A_33 = tpu.memref_squeeze %dma_start3A_32 : memref<1x5376xf32, #tpu.memory_space<hbm>> -> memref<5376xf32, #tpu.memory_space<hbm>>
      %dma_start3A_34 = arith.constant 0 : i32
      %dma_start3A_35 = tpu.memref_slice %arg6[%add3A, %dma_start3A_34] : memref<32x5376xf32, #tpu.memory_space<hbm>> -> memref<1x5376xf32, #tpu.memory_space<hbm>>
      %dma_start3A_36 = tpu.memref_squeeze %dma_start3A_35 : memref<1x5376xf32, #tpu.memory_space<hbm>> -> memref<5376xf32, #tpu.memory_space<hbm>>
      tpu.enqueue_dma source(%arg10 : memref<5376xf32, #tpu.memory_space<vmem>>) target(%dma_start3A_36 : memref<5376xf32, #tpu.memory_space<hbm>>) target_semaphore(%run_scoped3A : memref<!tpu.dma_semaphore, #tpu.memory_space<semaphore_mem>>)
      %dma_wait3A = arith.constant 0 : i32
      %dma_wait3A_37 = tpu.memref_slice %arg6[%add3A, %dma_wait3A] : memref<32x5376xf32, #tpu.memory_space<hbm>> -> memref<1x5376xf32, #tpu.memory_space<hbm>>
      %dma_wait3A_38 = tpu.memref_squeeze %dma_wait3A_37 : memref<1x5376xf32, #tpu.memory_space<hbm>> -> memref<5376xf32, #tpu.memory_space<hbm>>
      %dma_wait3A_39 = arith.constant 0 : i32
      %dma_wait3A_40 = tpu.memref_slice %arg6[%add3A, %dma_wait3A_39] : memref<32x5376xf32, #tpu.memory_space<hbm>> -> memref<1x5376xf32, #tpu.memory_space<hbm>>
      %dma_wait3A_41 = tpu.memref_squeeze %dma_wait3A_40 : memref<1x5376xf32, #tpu.memory_space<hbm>> -> memref<5376xf32, #tpu.memory_space<hbm>>
      tpu.wait_dma2 semaphore(%run_scoped3A : memref<!tpu.dma_semaphore, #tpu.memory_space<semaphore_mem>>) src(%arg10 : memref<5376xf32, #tpu.memory_space<vmem>>) dst(%dma_wait3A_41 : memref<5376xf32, #tpu.memory_space<hbm>>)
      tpu.yield
    }) : () -> ()
    return
  }
}

module attributes {stable_mosaic.version = 14 : i64} {
  func.func @body(%arg0: i32, %arg1: i32, %arg2: memref<1000x256xf32, #tpu.memory_space<vmem>>, %arg3: memref<128x256xf32, #tpu.memory_space<vmem>>, %arg4: memref<256x256xf32, #tpu.memory_space<vmem>>, %arg5: memref<1x256xf32, #tpu.memory_space<vmem>>, %arg6: memref<1x256xf32, #tpu.memory_space<vmem>>, %arg7: memref<1000x144xf32, #tpu.memory_space<vmem>>, %arg8: memref<1000x1xf32, #tpu.memory_space<vmem>>, %arg9: memref<1000x1xf32, #tpu.memory_space<vmem>>) attributes {dimension_semantics = [#tpu.dimension_semantics<arbitrary>, #tpu.dimension_semantics<arbitrary>], iteration_bounds = array<i64: 10, 2>, scalar_prefetch = 0 : i64, scratch_operands = 0 : i64, tpu.core_type = #tpu.core_type<tc>, window_params = [{transform_indices = @transform_0, window_bounds = array<i64: 1000, 256>}, {transform_indices = @transform_1, window_bounds = array<i64: 128, 256>}, {pipeline_mode = #tpu.pipeline_mode<synchronous>, transform_indices = @transform_2, window_bounds = array<i64: 256, 256>}, {pipeline_mode = #tpu.pipeline_mode<synchronous>, transform_indices = @transform_3, window_bounds = array<i64: 1, 256>}, {pipeline_mode = #tpu.pipeline_mode<synchronous>, transform_indices = @transform_4, window_bounds = array<i64: 1, 256>}, {transform_indices = @transform_5, window_bounds = array<i64: 1000, 144>}, {transform_indices = @transform_6, window_bounds = array<i64: 1000, 1>}, {transform_indices = @transform_7, window_bounds = array<i64: 1000, 1>}]} {
    %get3A = arith.constant 0 : index
    %get3A_0 = arith.constant 0 : index
    %get3A_1 = vector.load %arg2[%get3A, %get3A_0] : memref<1000x256xf32, #tpu.memory_space<vmem>>, vector<1000x256xf32>
    %get3A_2 = arith.constant 0 : index
    %get3A_3 = arith.constant 0 : index
    %get3A_4 = vector.load %arg3[%get3A_2, %get3A_3] : memref<128x256xf32, #tpu.memory_space<vmem>>, vector<128x256xf32>
    %convert_element_type3A = arith.truncf %get3A_1 : vector<1000x256xf32> to vector<1000x256xbf16>
    %convert_element_type3A_5 = arith.truncf %get3A_4 : vector<128x256xf32> to vector<128x256xbf16>
    %dot_general3A = arith.constant dense<0.000000e+00> : vector<1000x128xf32>
    %dot_general3A_6 = tpu.matmul %convert_element_type3A, %convert_element_type3A_5, %dot_general3A {dimension_numbers = #tpu.dot_dimension_numbers<[1], [1], [0], [0], [0, 0, 1, 0], [], []>, transpose_lhs_hint = false} : vector<1000x256xbf16>, vector<128x256xbf16>, vector<1000x128xf32> -> vector<1000x128xf32>
    %swap3A = arith.constant 0 : index
    %swap3A_7 = arith.constant 0 : index
    %swap3A_8 = vector.load %arg7[%swap3A, %swap3A_7] : memref<1000x144xf32, #tpu.memory_space<vmem>>, vector<1000x128xf32>
    tpu.vector_store %arg7[%swap3A, %swap3A_7], %dot_general3A_6 {strides = array<i32>} : memref<1000x144xf32, #tpu.memory_space<vmem>>, vector<1000x128xf32>,
    %iota3A = tpu.iota {dimensions = array<i32: 1>} : vector<1000x16xi32>
    %eq3A = arith.constant 0 : i32
    %eq3A_9 = vector.broadcast %eq3A : i32 to vector<1000x16xi32>
    %eq3A_10 = arith.cmpi eq, %iota3A, %eq3A_9 : vector<1000x16xi32>
    %jit3A = arith.constant 1.000000e+00 : f32
    %jit3A_11 = arith.constant 0.000000e+00 : f32
    %broadcast_in_dim3A = vector.broadcast %jit3A : f32 to vector<1000x16xf32>
    %broadcast_in_dim3A_12 = vector.broadcast %jit3A_11 : f32 to vector<1000x16xf32>
    %select_n3A = arith.select %eq3A_10, %broadcast_in_dim3A, %broadcast_in_dim3A_12 : vector<1000x16xi1>, vector<1000x16xf32>
    %swap3A_13 = arith.constant 0 : index
    %swap3A_14 = arith.constant 128 : index
    %swap3A_15 = vector.load %arg7[%swap3A_13, %swap3A_14] : memref<1000x144xf32, #tpu.memory_space<vmem>>, vector<1000x16xf32>
    tpu.vector_store %arg7[%swap3A_13, %swap3A_14], %select_n3A {strides = array<i32>} : memref<1000x144xf32, #tpu.memory_space<vmem>>, vector<1000x16xf32>,
    %get3A_16 = arith.constant 0 : index
    %get3A_17 = arith.constant 0 : index
    %get3A_18 = vector.load %arg4[%get3A_16, %get3A_17] : memref<256x256xf32, #tpu.memory_space<vmem>>, vector<256x256xf32>
    %get3A_19 = arith.constant 0 : index
    %get3A_20 = arith.constant 0 : index
    %get3A_21 = vector.load %arg5[%get3A_19, %get3A_20] : memref<1x256xf32, #tpu.memory_space<vmem>>, vector<1x256xf32>
    %dot_general3A_22 = arith.constant dense<0.000000e+00> : vector<1x256xf32>
    %dot_general3A_23 = tpu.matmul %get3A_21, %get3A_18, %dot_general3A_22 {dimension_numbers = #tpu.dot_dimension_numbers<[1], [0], [0], [1], [0, 0, 1, 1], [], []>, transpose_lhs_hint = false} : vector<1x256xf32>, vector<256x256xf32>, vector<1x256xf32> -> vector<1x256xf32>
    %get3A_24 = arith.constant 0 : index
    %get3A_25 = arith.constant 0 : index
    %get3A_26 = vector.load %arg6[%get3A_24, %get3A_25] : memref<1x256xf32, #tpu.memory_space<vmem>>, vector<1x256xf32>
    %dot_general3A_27 = arith.constant dense<0.000000e+00> : vector<1x256xf32>
    %dot_general3A_28 = tpu.matmul %get3A_26, %get3A_18, %dot_general3A_27 {dimension_numbers = #tpu.dot_dimension_numbers<[1], [0], [0], [1], [0, 0, 1, 1], [], []>, transpose_lhs_hint = false} : vector<1x256xf32>, vector<256x256xf32>, vector<1x256xf32> -> vector<1x256xf32>
    %dot_general3A_29 = arith.constant dense<0.000000e+00> : vector<1000x1xf32>
    %dot_general3A_30 = tpu.matmul %get3A_1, %dot_general3A_23, %dot_general3A_29 {dimension_numbers = #tpu.dot_dimension_numbers<[1], [1], [0], [0], [0, 0, 1, 0], [], []>, transpose_lhs_hint = false} : vector<1000x256xf32>, vector<1x256xf32>, vector<1000x1xf32> -> vector<1000x1xf32>
    %swap3A_31 = arith.constant 0 : index
    %swap3A_32 = arith.constant 0 : index
    %swap3A_33 = vector.load %arg8[%swap3A_31, %swap3A_32] : memref<1000x1xf32, #tpu.memory_space<vmem>>, vector<1000x1xf32>
    tpu.vector_store %arg8[%swap3A_31, %swap3A_32], %dot_general3A_30 {strides = array<i32>} : memref<1000x1xf32, #tpu.memory_space<vmem>>, vector<1000x1xf32>,
    %dot_general3A_34 = arith.constant dense<0.000000e+00> : vector<1000x1xf32>
    %dot_general3A_35 = tpu.matmul %get3A_1, %dot_general3A_28, %dot_general3A_34 {dimension_numbers = #tpu.dot_dimension_numbers<[1], [1], [0], [0], [0, 0, 1, 0], [], []>, transpose_lhs_hint = false} : vector<1000x256xf32>, vector<1x256xf32>, vector<1000x1xf32> -> vector<1000x1xf32>
    %swap3A_36 = arith.constant 0 : index
    %swap3A_37 = arith.constant 0 : index
    %swap3A_38 = vector.load %arg9[%swap3A_36, %swap3A_37] : memref<1000x1xf32, #tpu.memory_space<vmem>>, vector<1000x1xf32>
    tpu.vector_store %arg9[%swap3A_36, %swap3A_37], %dot_general3A_35 {strides = array<i32>} : memref<1000x1xf32, #tpu.memory_space<vmem>>, vector<1000x1xf32>,
    return
  }
  func.func @transform_0(%arg0: i32, %arg1: i32) -> (i32, i32) {
    %c0_i32 = arith.constant 0 : i32
    %c0_i32_0 = arith.constant 0 : i32
    return %arg0, %c0_i32 : i32, i32
  }
  func.func @transform_1(%arg0: i32, %arg1: i32) -> (i32, i32) {
    %c0_i32 = arith.constant 0 : i32
    %c0_i32_0 = arith.constant 0 : i32
    return %arg1, %c0_i32 : i32, i32
  }
  func.func @transform_2(%arg0: i32, %arg1: i32) -> (i32, i32) {
    %c0_i32 = arith.constant 0 : i32
    %c0_i32_0 = arith.constant 0 : i32
    %c0_i32_1 = arith.constant 0 : i32
    return %c0_i32, %c0_i32_0 : i32, i32
  }
  func.func @transform_3(%arg0: i32, %arg1: i32) -> (i32, i32) {
    %c0_i32 = arith.constant 0 : i32
    %c0_i32_0 = arith.constant 0 : i32
    %c0_i32_1 = arith.constant 0 : i32
    return %c0_i32, %c0_i32_0 : i32, i32
  }
  func.func @transform_4(%arg0: i32, %arg1: i32) -> (i32, i32) {
    %c0_i32 = arith.constant 0 : i32
    %c0_i32_0 = arith.constant 0 : i32
    %c0_i32_1 = arith.constant 0 : i32
    return %c0_i32, %c0_i32_0 : i32, i32
  }
  func.func @transform_5(%arg0: i32, %arg1: i32) -> (i32, i32) {
    %mul3A = arith.constant 10 : i32
    %mul3A_0 = arith.muli %arg1, %mul3A : i32
    %add3A = arith.addi %mul3A_0, %arg0 : i32
    %c0_i32 = arith.constant 0 : i32
    %c0_i32_1 = arith.constant 0 : i32
    return %add3A, %c0_i32 : i32, i32
  }
  func.func @transform_6(%arg0: i32, %arg1: i32) -> (i32, i32) {
    %c0_i32 = arith.constant 0 : i32
    %c0_i32_0 = arith.constant 0 : i32
    return %arg0, %c0_i32 : i32, i32
  }
  func.func @transform_7(%arg0: i32, %arg1: i32) -> (i32, i32) {
    %c0_i32 = arith.constant 0 : i32
    %c0_i32_0 = arith.constant 0 : i32
    return %arg0, %c0_i32 : i32, i32
  }
}

</mosaic_0001>

<sc_bundles>
// kernel: kernel.5.cloned.1.call-start
scs
__scs_entry_jumppad:
0x0: {  	(pc) =	sbr.rel $0x88, $3  }
0x1: {  	(tag) =	ssettag $0x0;
	lr =	simm.s32 $0x1  }
0x2: {  	[smem:$0x3F9B] =	sst lr;
	_ =	strace $0xD0000000  }
0x3: {  	_ = 	snop  }
0x4: {  	_ = 	snop  }
0x5: {  	_ = 	snop  }
0x6: {  	_ = 	snop  }
0x7: {  	_ = 	snop  }
__scs_overlays_trampoline_lowered:
0x8: {  	[smem:$0x3FAA] =	sst s0  }
0x9: {  	[smem:$0x3FAB] =	sst s1  }
0xa: {  	[smem:$0x3FAC] =	sst s2  }
0xb: {  	[smem:$0x3FAD] =	sst s3  }
0xc: {  	[smem:$0x3FAE] =	sst s4  }
0xd: {  	[smem:$0x3FAF] =	sst s5  }
0xe: {  	[smem:$0x3FB0] =	sst s6  }
0xf: {  	[smem:$0x3FB1] =	sst s7  }
0x10: {  	[smem:$0x3FB2] =	sst s8  }
0x11: {  	[smem:$0x3FB3] =	sst s9;
	s0 =	simm.s32 @!p0 $0x0  }
0x12: {  	s1 =	sld [smem:$0x3F99];
	s0 =	simm.s32 @p0 $0x1  }
0x13: {  	[smem:$0x3FB4] =	sst s0;
	s0 =	simm.s32 @!p1 $0x0  }
0x14: {  	s2 =	sld [smem:$0x3F98];
	s0 =	simm.s32 @p1 $0x1  }
0x15: {  	[smem:$0x3FB5] =	sst s0;
	s0 =	simm.s32 @!p2 $0x0  }
0x16: {  	s3 =	sld [smem:$0x3FDB];
	s0 =	simm.s32 @p2 $0x1  }
0x17: {  	s4 =	simm.s32 $0x1BF5;
	[smem:$0x3FB7] =	sst s0  }
0x18: {  	s0 =	sld [smem:$0x3F9A];
	_ =	swait.ge [sflag:s4], $0x0  }
0x19: {  	s7 =	sld [smem:$0x3F9B]  }
0x1a: {  	s8 =	sadd.s32 $0xFFFFE003, lr  }
0x1b: {  	s9 =	sadd.s32 $0xFFFFFEF7, lr;
	s5 =	simm.s32 $0xFFFFFFFF;
	p2 =	slt.u32 s8, $0xFFFFF086  }
0x1c: {  	p1 =	slt.u32 s9, $0xF7A;
	s5 =	simm.s32 @!p2 $0x0  }
0x1d: {  	s5 =	simm.s32 @p1 $0x1;
	p0 =	seq.s32 s7, s2  }
0x1e: {  	s7 =	smul.u32 @!p0 $0xF7A, s2;
	p2 =	seq.s32 @!p0 s5, $0x0  }
0x1f: {  	s9 =	smul.u32 $0xF7A, s1;
	s8 =	simm.s32 @!p0 $0x1BF5;
	p2 =	por !p2, p0  }
0x20: {  	[sflag:s8] =	ssyncset.s32 @!p0 $0xFFFFF086;
	s6 =	sadd.s32 @!p0 s3, s7;
	s7 =	simm.s32 @!p0 $0x108  }
0x21: {  	s3 =	sadd.s32 s3, s9;
	s6 =	sadd.s32 @!p0 $0x88, s6;
	s7 =	simm.s32 @p2 $0x1082  }
0x22: {  	[simem:s7], [sflag:s8] =	dma.local @!p0 [hbm:s6], $0xF7A  }
0x23: {  	s9 =	sor.u32 $0xD0000000, s2;
	s6 =	simm.s32 $0x108;
	_ =	swait.ge @!p0 [sflag:s8], $0x0  }
0x24: {  	s3 =	sadd.s32 $0x88, s3;
	s6 =	simm.s32 @!p1 $0x1082;
	[sflag:s4] =	ssyncset.s32 $0xFFFFF086  }
0x25: {  	[simem:s6], [sflag:s4] =	dma.local [hbm:s3], $0xF7A  }
0x26: {  	[smem:$0x3F9B] =	sst s1;
	(tag) =	ssettag s2;
	_ =	strace s9  }
0x27: {  	s1 =	sld [smem:$0x3FAB]  }
0x28: {  	s2 =	sld [smem:$0x3FAC]  }
0x29: {  	s4 =	sld [smem:$0x3FAE]  }
0x2a: {  	p0 =	seq.s32 s5, $0x0;
	s5 =	sld [smem:$0x3FAF]  }
0x2b: {  	s6 =	sld [smem:$0x3FB0]  }
0x2c: {  	s7 =	sld [smem:$0x3FB1]  }
0x2d: {  	s3 =	simm.s32 $0x108;
	s8 =	sld [smem:$0x3FB2]  }
0x2e: {  	s3 =	simm.s32 @!p0 $0x1082;
	s9 =	sld [smem:$0x3FB3]  }
0x2f: {  	lr =	sadd.s32 s0, s3;
	s0 =	sld [smem:$0x3FAA]  }
0x30: {  	s3 =	sld [smem:$0x3FAD]  }
0x31: {  	[smem:$0x3FB6] =	sst s10  }
0x32: {  	s10 =	sld [smem:$0x3FB4];
	_ =	sdelay $0x3  }
0x33: {  	p0 =	seq.s32 s10, $0x1;
	s10 =	sld [smem:$0x3FB6];
	_ =	sdelay $0x3  }
0x34: {  	[smem:$0x3FB6] =	sst s10  }
0x35: {  	s10 =	sld [smem:$0x3FB5];
	_ =	sdelay $0x3  }
0x36: {  	p1 =	seq.s32 s10, $0x1;
	s10 =	sld [smem:$0x3FB6];
	_ =	sdelay $0x3  }
0x37: {  	[smem:$0x3FB6] =	sst s10  }
0x38: {  	s10 =	sld [smem:$0x3FB7]  }
0x39: {  	_ = 	snop;
	(pc) =	sbr.ind lr, $3  }
0x3a: {  	_ = 	snop  }
0x3b: {  	_ = 	snop  }
0x3c: {  	p2 =	seq.s32 s10, $0x1;
	s10 =	sld [smem:$0x3FB6]  }
0x3d: {  	_ =	shalt  }
0x3e: {  	_ =	shalt  }
0x3f: {  	_ =	shalt  }
0x40: {  	_ =	shalt  }
0x41: {  	_ =	shalt  }
0x42: {  	_ =	shalt  }
0x43: {  	_ =	shalt  }
0x44: {  	_ =	shalt  }
0x45: {  	_ =	shalt  }
0x46: {  	_ =	shalt  }
0x47: {  	_ =	shalt  }
0x48: {  	_ =	shalt  }
0x49: {  	_ =	shalt  }
0x4a: {  	_ =	shalt  }
0x4b: {  	_ =	shalt  }
0x4c: {  	_ =	shalt  }
0x4d: {  	_ =	shalt  }
0x4e: {  	_ =	shalt  }
0x4f: {  	_ =	shalt  }
0x50: {  	_ =	shalt  }
0x51: {  	_ =	shalt  }
0x52: {  	_ =	shalt  }
0x53: {  	_ =	shalt  }
0x54: {  	_ =	shalt  }
0x55: {  	_ =	shalt  }
0x56: {  	_ =	shalt  }
0x57: {  	_ =	shalt  }
0x58: {  	_ =	shalt  }
0x59: {  	_ =	shalt  }
0x5a: {  	_ =	shalt  }
0x5b: {  	_ =	shalt  }
0x5c: {  	_ =	shalt  }
0x5d: {  	_ =	shalt  }
0x5e: {  	_ =	shalt  }
0x5f: {  	_ =	shalt  }
0x60: {  	_ =	shalt  }
0x61: {  	_ =	shalt  }
0x62: {  	_ =	shalt  }
0x63: {  	_ =	shalt  }
0x64: {  	_ =	shalt  }
0x65: {  	_ =	shalt  }
0x66: {  	_ =	shalt  }
0x67: {  	_ =	shalt  }
0x68: {  	_ =	shalt  }
0x69: {  	_ =	shalt  }
0x6a: {  	_ =	shalt  }
0x6b: {  	_ =	shalt  }
0x6c: {  	_ =	shalt  }
0x6d: {  	_ =	shalt  }
0x6e: {  	_ =	shalt  }
0x6f: {  	_ =	shalt  }
0x70: {  	_ =	shalt  }
0x71: {  	_ =	shalt  }
0x72: {  	_ =	shalt  }
0x73: {  	_ =	shalt  }
0x74: {  	_ =	shalt  }
0x75: {  	_ =	shalt  }
0x76: {  	_ =	shalt  }
0x77: {  	_ =	shalt  }
0x78: {  	_ =	shalt  }
0x79: {  	_ =	shalt  }
0x7a: {  	_ =	shalt  }
0x7b: {  	_ =	shalt  }
0x7c: {  	_ =	shalt  }
0x7d: {  	_ =	shalt  }
0x7e: {  	_ =	shalt  }
0x7f: {  	_ =	shalt  }
0x80: {  	_ =	shalt  }
0x81: {  	_ =	shalt  }
0x82: {  	_ =	shalt  }
0x83: {  	_ =	shalt  }
0x84: {  	_ =	shalt  }
0x85: {  	_ =	shalt  }
0x86: {  	_ =	shalt  }
0x87: {  	_ =	shalt  }
.Lfunc_end0:
.L_simem_size_0:
called_computation_lowered:
.L_overlay_start_0:
0x88: {  	s2 =	sld [smem:$0x3FD9]  }
0x89: {  	s3 =	sld [smem:$0x3FFE];
	_ =	sdelay $0x1  }
0x8a: {  	s1 =	srdreg.scid  }
0x8b: {  	s0 =	sand.u32 $0x1, s1  }
0x8c: {  	s17 =	sshll.u32 s0, $0xA;
	s2 =	sadd.s32 s3, s2  }
0x8d: {  	s2 =	sadd.s32 s2, s17  }
0x8e: {  	[smem:$0x3FC2] =	sst s2  }
0x8f: {  	_ = 	snop  }
0x90: {  	s2 =	sld [smem:$0x3FD0];
	(tm) =	ssettm $0x1  }
0x91: {  	s18 =	sld [smem:$0x3FFB];
	_ =	sdelay $0x3  }
0x92: {  	_ =	strace s18  }
0x93: {  	s3 =	sld [smem:$0x3FFC];
	_ =	sdelay $0x3  }
0x94: {  	_ =	strace s3  }
0x95: {  	s3 =	sld [smem:$0x3FFD];
	_ =	sdelay $0x3  }
0x96: {  	_ =	strace s3  }
0x97: {  	_ =	strace $0x8FFFFFFF  }
0x98: {  	s19 =	sld [smem:$0x3FDB];
	_ =	sdelay $0x1  }
0x99: {  	s4 =	simm.s32 $_scs_section_size  }
0x9a: {  	s5 =	simm.s32 $_size__tile_overlayer_lowered;
	s6 =	simm.s32 $_tile_overlayer_lowered  }
0x9b: {  	s22 =	simm.s32 $0x1BFF;
	s21 =	sshll.u32 s6, $0x1;
	s3 =	sadd.s32 s4, s19  }
0x9c: {  	s7 =	simm.s32 $0x0;
	s20 =	sshll.u32 s5, $0x1;
	s5 =	sadd.s32 s21, s3  }
0x9d: {  	[timem:s7], [sflag:s22] =	dma.local [hbm:s5], s20  }
0x9e: {  	_ =	swait.ge [sflag:s22], s20  }
0x9f: {  	s4 =	ssub.s32 $0x0, s20;
	[sflag:s22] =	ssyncset.done $0x0  }
0xa0: {  	[sflag:s22] =	ssyncadd.s32 s4;
	_ =	sdelay $0x1  }
0xa1: {  	s23 =	simm.s32 $0x1B8B  }
0xa2: {  	_ =	swait.ge [sflag:s23], $0x1  }
0xa3: {  	[sflag:s23] =	ssyncset.done $0x0  }
0xa4: {  	s25 =	simm.s32 $0x1B8E;
	s24 =	sld [smem:$0x3FFE];
	[sflag:s23] =	ssyncadd.s32 $0xFFFFFFFF  }
0xa5: {  	s26 =	simm.s32 $execute0_lowered;
	[smem:$0x3FD2] =	sst s25  }
0xa6: {  	s5 =	sshll.u32 s26, $0x1;
	_ =	strace $0x80000046;
	[dreg:$0x1] =	wrdreg $0xFFFFFFFF  }
0xa7: {  	s28 =	simm.s32 $_size_execute0_lowered;
	s3 =	sadd.s32 s3, s5;
	[dreg:$0x0] =	wrdreg $0x0  }
0xa8: {  	s5 =	sshll.u32 s28, $0x1;
	[dreg:$0x2] =	wrdreg s3  }
0xa9: {  	[dreg:$0x3] =	wrdreg s5  }
0xaa: {  	[dreg:$0x4] =	wrdreg $0xC0  }
0xab: {  	_ =	task [dreg:s7], $0x5FFFF  }
0xac: {  	[dreg:$0x1] =	wrdreg $0xFFFFFFFF  }
0xad: {  	[dreg:$0x0] =	wrdreg $0x60  }
0xae: {  	[dreg:$0x2] =	wrdreg s2  }
0xaf: {  	[dreg:$0x3] =	wrdreg s24  }
0xb0: {  	[dreg:$0x4] =	wrdreg $0x9  }
0xb1: {  	_ =	task.clear_ibuf [dreg:s7], $0x5FFFF;
	_ =	strace $0x90000046  }
0xb2: {  	s29 =	simm.s32 $0x9;
	_ =	strace $0x80000048  }
0xb3: {  	_ =	swait.ge [sflag:s29], $0x1  }
0xb4: {  	[sflag:s29] =	ssyncadd.s32 $0xFFFFFFFF  }
0xb5: {  	_ =	strace $0x90000048  }
0xb6: {  	_ =	sfence  }
0xb7: {  	s30 =	sld [smem:$0x0];
	_ =	sdelay $0x2  }
0xb8: {  	s31 =	sshll.u32 s1, $0xD;
	s1 =	sshrl.u32 s1, $0x2  }
0xb9: {  	s3 =	sand.u32 $0x4000, s31;
	s1 =	sadd.s32 s1, s30  }
0xba: {  	s0 =	sor.u32 s3, s0;
	s1 =	sshll.u32 s1, $0x11  }
0xbb: {  	s0 =	sor.u32 s1, s0  }
0xbc: {  	s0 =	sadd.s32 $0x8F2B, s0  }
0xbd: {  	[sflag:s0] =	ssyncadd.remote.s32 $0x1  }
0xbe: {  	_ =	sfence.sel $0xFFFF  }
0xbf: {  	[dreg:$0x0] =	wrdreg $0xFFFFFFFF;
	(pc) =	sbr.abs _section_cstart, $3  }
0xc0: {  	[dreg:$0x1] =	wrdreg $0xFFFFFFFF  }
0xc1: {  	_ =	task.clear_ibuf [dreg:s7], $0x2FFFF;
	_ =	strace $0x9FFFFFFF  }
0xc2: {  	(tm) =	ssettm $0x7FFFFFFF  }
0xc3: {  	_ =	shalt  }
tec
execute0_lowered:
.L_overlay_start_1:
0x0: {  	(tag) =	ssettag $0x1  }
0x1: {  	s5 =	rddreg [dreg:$0x0]  }
0x2: {  	s6 =	rddreg [dreg:$0x1]  }
0x3: {  	s0 =	rddreg [dreg:$0x2];
	s3 =	srdreg.scid  }
0x4: {  	s1 =	stileid.u32;
	s2 =	simm.s32 $0x0;
	s13 =	simm.s32 $0x4E20  }
0x5: {  	s14 =	simm.s32 $0x6320;
	s7 =	sand.u32 $0x1, s3;
	s31 =	sshll.u32 s1, $0x1  }
0x6: {  	s15 =	simm.s32 $0x0;
	s10 =	smul.u32 $0x2A00, s1;
	s4 =	sor.u32 s7, s31  }
0x7: {  	[smem:$0x7FF] =	sst s2;
	s3 =	sadd.s32 $0xA1E00, s6;
	s8 =	smul.u32 $0x1500, s4  }
0x8: {  	_ =	strace $0x80000047;
	s9 =	ssub.s32 $0x2, s7;
	s12 =	smul.u32 $0x1500, s7  }
0x9: {  	s4 =	sadd.s32 $0xA1800, s6;
	s11 =	sshrl.u32 s9, $0x1;
	s8 =	sshrl.u32 s8, $0x3  }
0xa: {  	s9 =	ssub.s32 s9, s11;
	s11 =	simm.s32 $0x1;
	s5 =	sadd.s32 s5, s8  }
0xb: {  	s6 =	sadd.s32 s6, s8;
	s8 =	smax.u32 s9, $0x1;
	s9 =	sadd.s32 s12, s10  }
0xc: {  	s10 =	simm.s32 $0x2710;
	s12 =	simm.s32 $0x7820;
	s7 =	sadd.s32 $0xA2400, s6  }
.LBB2_1:
0xd: {  	[tilespmem:s10], [sflag:$0x1] =	stream.linear.gather [hbm4b:s3+s2], $0x2710, $0x38;
	[tilespmem:$0x8D20] =	vst v63  }
0xe: {  	_ =	swait.ge [sflag:s11], $0x2710  }
0xf: {  	[sflag:s11] =	ssyncset.done $0x0  }
0x10: {  	[sflag:s11] =	ssyncadd.s32 $0xFFFFD8F0  }
0x11: {  	[tilespmem:s2], [sflag:$0x1] =	stream.linear.gather [hbm4b:s4+s2], $0x2710, $0x38;
	[tilespmem:$0x8D20] =	vst v63  }
0x12: {  	_ =	swait.ge [sflag:s11], $0x2710  }
0x13: {  	[sflag:s11] =	ssyncset.done $0x0  }
0x14: {  	[sflag:s11] =	ssyncadd.s32 $0xFFFFD8F0  }
0x15: {  	[tilespmem:s12], [sflag:$0x1] =	stream.linear.gather [hbm4b:s5+s2], $0x1500, $0x38;
	[tilespmem:$0x8D20] =	vst v63  }
0x16: {  	_ =	swait.ge [sflag:s11], $0x1500  }
0x17: {  	[sflag:s11] =	ssyncset.done $0x0  }
0x18: {  	[sflag:s11] =	ssyncadd.s32 $0xFFFFEB00  }
0x19: {  	[tilespmem:s13], [sflag:$0x1] =	stream.linear.gather [hbm4b:s6+s2], $0x1500, $0x38;
	[tilespmem:$0x8D20] =	vst v63  }
0x1a: {  	_ =	swait.ge [sflag:s11], $0x1500  }
0x1b: {  	[sflag:s11] =	ssyncset.done $0x0  }
0x1c: {  	s17 =	simm.s32 $0x0;
	[sflag:s11] =	ssyncadd.s32 $0xFFFFEB00  }
0x1d: {  	v0 =	vimm.f32 $-1.000000020e+30;
	s16 =	simm.s32 $0x40;
	v1 =	vimm.f32 $-1.000000020e+30;
	v2 =	vld [tilespmem:s17+$0x2710]  }
.LBB2_2:
0x1e: {  	p0 =	sne.s32 s16, $0x9C00  }
.Ltmp0:
0x1f: {  	_ = 	snop;
	(pc) =	sbr.rel @p0 .LBB2_2-.Ltmp0, $3  }
0x20: {  	_ =	sdelay $0x1  }
0x21: {  	s17 =	sshra.s32 s16, $0x2;
	s16 =	sadd.s32 $0x40, s16;
	v1 =	vmax.f32 v1, v2  }
0x22: {  	v2 =	vld [tilespmem:s17+$0x2710]  }
0x23: {  	_ =	sdelay $0x2  }
0x24: {  	s17 =	simm.s32 $0x0  }
0x25: {  	s16 =	simm.s32 $0x40;
	v1 =	vmax.f32 v1, v2;
	v2 =	vld [tilespmem:s17+$0x0]  }
.LBB2_4:
0x26: {  	p0 =	sne.s32 s16, $0x9C00  }
.Ltmp1:
0x27: {  	_ = 	snop;
	(pc) =	sbr.rel @p0 .LBB2_4-.Ltmp1, $3  }
0x28: {  	_ =	sdelay $0x1  }
0x29: {  	s17 =	sshra.s32 s16, $0x2;
	s16 =	sadd.s32 $0x40, s16;
	v0 =	vmax.f32 v0, v2  }
0x2a: {  	v2 =	vld [tilespmem:s17+$0x0]  }
0x2b: {  	_ =	sdelay $0x3  }
0x2c: {  	(xrf0) =	vmax.scan.msk.f32 $0xffff, v1;
	v0 =	vmax.f32 v0, v2  }
0x2d: {  	(xrf0) =	vmax.scan.msk.f32 $0xffff, v0;
	_ =	sdelay $0x4  }
0x2e: {  	v0, _, _ =	vpop (xrf0)  }
0x2f: {  	(v2sf) =	vpush v0, $0xF;
	v0, _, _ =	vpop (xrf0)  }
0x30: {  	(v2sf) =	vpush v0, $0xF;
	_ =	sdelay $0x1  }
0x31: {  	s17 =	simm.s32 $0x0  }
0x32: {  	v1 =	vld [tilespmem:s17+$0x7820]  }
0x33: {  	v0 =	vld [tilespmem:s17+$0x4E20];
	_ =	sdelay $0x6  }
0x34: {  	v1 =	vld.idx.msk [tilespmem:v1+s10+$0x0], $0xffff  }
0x35: {  	v0 =	vld.idx.msk [tilespmem:v0+s2+$0x0], $0xffff;
	_ =	sdelay $0x1  }
0x36: {  	s16 =	spop (v2sf)  }
0x37: {  	s18 =	spop (v2sf)  }
0x38: {  	s16 =	sadd.f32 s18, s16  }
0x39: {  	v1 =	vadd.f32 v0, v1  }
0x3a: {  	p0 =	sgt.f32 s16, $0.0e+00;
	s18 =	smul.f32 $2.000000030e-01, s16  }
0x3b: {  	v2 =	vmul.f32 $2.000000030e-01, v1  }
0x3c: {  	vm0 =	vgt.f32 v1, $0.0e+00;
	s18 =	smov.u32 @p0 s16  }
0x3d: {  	v1 =	vsel vm0, v1, v2;
	v0 =	vmov s18  }
0x3e: {  	v1 =	vsub.f32 v1, v0;
	_ =	sdelay $0x1  }
0x3f: {  	v1 =	vmul.f32 $1.442695020e+00, v1;
	_ =	sdelay $0x1  }
0x40: {  	(erf) = vpow2.f32 v1;
	_ =	sdelay $0x2  }
0x41: {  	s16 =	simm.s32 $0x10  }
0x42: {  	v1 =	vld [tilespmem:s16+$0x4E20]  }
0x43: {  	v2 =	vld [tilespmem:s16+$0x7820];
	_ =	sdelay $0x3  }
0x44: {  	p6 =	slt.u32 s9, $0x29810;
	v3 =	vpop (erf)  }
0x45: {  	v3 =	vpsel !p6, $0x0, v3  }
0x46: {  	[tilespmem:s17+$0x6320] =	vst v3  }
0x47: {  	v1 =	vld.idx.msk [tilespmem:v1+s2+$0x0], $0xffff  }
0x48: {  	v2 =	vld.idx.msk [tilespmem:v2+s10+$0x0], $0xffff;
	_ =	sdelay $0x4  }
0x49: {  	v1 =	vadd.f32 v1, v2;
	_ =	sdelay $0x1  }
0x4a: {  	v2 =	vmul.f32 $2.000000030e-01, v1  }
0x4b: {  	vm15 =	vgt.f32 v1, $0.0e+00  }
0x4c: {  	v1 =	vsel vm15, v1, v2  }
0x4d: {  	v1 =	vsub.f32 v1, v0;
	_ =	sdelay $0x1  }
0x4e: {  	v1 =	vmul.f32 $1.442695020e+00, v1;
	_ =	sdelay $0x1  }
0x4f: {  	(erf) = vpow2.f32 v1;
	_ =	sdelay $0x2  }
0x50: {  	s19 =	simm.s32 $0x20  }
0x51: {  	s18 =	simm.s32 $0xC0;
	s17 =	smov.u32 s9;
	v1 =	vld [tilespmem:s19+$0x4E20]  }
.LBB2_6:
0x52: {  	p0 =	sne.s32 s18, $0x53C0;
	v2 =	vld [tilespmem:s19+$0x7820];
	_ =	sdelay $0x2  }
0x53: {  	s17 =	sadd.s32 $0x10, s17  }
0x54: {  	p1 =	slt.u32 s17, $0x29810;
	v3 =	vpop (erf)  }
0x55: {  	v3 =	vpsel !p1, $0x0, v3  }
0x56: {  	[tilespmem:s16+$0x6320] =	vst v3;
	s16 =	smov.u32 s19  }
0x57: {  	v1 =	vld.idx.msk [tilespmem:v1+s2+$0x0], $0xffff  }
0x58: {  	v2 =	vld.idx.msk [tilespmem:v2+s10+$0x0], $0xffff;
	_ =	sdelay $0x5  }
0x59: {  	v1 =	vadd.f32 v1, v2;
	_ =	sdelay $0x1  }
0x5a: {  	v2 =	vmul.f32 $2.000000030e-01, v1  }
0x5b: {  	vm0 =	vgt.f32 v1, $0.0e+00  }
0x5c: {  	v1 =	vsel vm0, v1, v2  }
0x5d: {  	v1 =	vsub.f32 v1, v0;
	_ =	sdelay $0x1  }
0x5e: {  	v1 =	vmul.f32 $1.442695020e+00, v1;
	_ =	sdelay $0x1  }
.Ltmp2:
0x5f: {  	(erf) = vpow2.f32 v1;
	(pc) =	sbr.rel @p0 .LBB2_6-.Ltmp2, $3  }
0x60: {  	_ =	sdelay $0x1  }
0x61: {  	s19 =	sshra.s32 s18, $0x2  }
0x62: {  	s18 =	sadd.s32 $0x40, s18;
	v1 =	vld [tilespmem:s19+$0x4E20]  }
0x63: {  	_ = 	snop  }
0x64: {  	v2 =	vld [tilespmem:s19+$0x7820];
	_ =	sdelay $0x2  }
0x65: {  	s17 =	sadd.s32 $0x10, s17  }
0x66: {  	p0 =	slt.u32 s17, $0x29810;
	v3 =	vpop (erf)  }
0x67: {  	v3 =	vpsel !p0, $0x0, v3  }
0x68: {  	[tilespmem:s16+$0x6320] =	vst v3  }
0x69: {  	v1 =	vld.idx.msk [tilespmem:v1+s2+$0x0], $0xffff  }
0x6a: {  	v2 =	vld.idx.msk [tilespmem:v2+s10+$0x0], $0xffff;
	_ =	sdelay $0x4  }
0x6b: {  	v1 =	vadd.f32 v1, v2;
	_ =	sdelay $0x1  }
0x6c: {  	v2 =	vmul.f32 $2.000000030e-01, v1  }
0x6d: {  	vm0 =	vgt.f32 v1, $0.0e+00  }
0x6e: {  	v1 =	vsel vm0, v1, v2  }
0x6f: {  	v0 =	vsub.f32 v1, v0;
	_ =	sdelay $0x1  }
0x70: {  	v0 =	vmul.f32 $1.442695020e+00, v0;
	_ =	sdelay $0x1  }
0x71: {  	(erf) = vpow2.f32 v0;
	_ =	sdelay $0x7  }
0x72: {  	s31 =	sadd.s32 $0x10, s17  }
0x73: {  	s15 =	sadd.s32 $0x1, s15;
	p6 =	slt.u32 s31, $0x29810;
	v0 =	vpop (erf)  }
0x74: {  	p0 =	sne.s32 s15, s8;
	v0 =	vpsel !p6, $0x0, v0  }
.Ltmp3:
0x75: {  	[tilespmem:s19+$0x6320] =	vst v0;
	(pc) =	sbr.rel @p0 .LBB2_1-.Ltmp3, $4  }
0x76: {  	[hbm4b:s7+s2] =	stream.linear.scatter [tilespmem:s14], [sflag:$0x1], $0x1500, $0x38;
	[tilespmem:$0x8D20] =	vst v63  }
0x77: {  	_ =	swait.ge [sflag:s11], $0x1500  }
0x78: {  	[sflag:s11] =	ssyncset.done $0x0  }
0x79: {  	[sflag:s11] =	ssyncadd.s32 $0xFFFFEB00  }
0x7a: {  	_ =	sfence.sel $0x180000  }
0x7b: {  	[bflag:$0x0] =	sbarrier.arrive $0xFFFF  }
0x7c: {  	p0 =	sne.s32 s1, $0x0;
	_ =	strace $0x90000047  }
0x7d: {  	s0 =	sadd.s32 @!p0 $0x100000, s0;
	[bflag:$0x2] =	sbarrier.arrive $0xFFFF  }
0x7e: {  	[sflag:s0] =	ssyncadd.tile.s32 @!p0 $0x1;
	_ =	shalt  }
.Lfunc_end2:
_tile_overlayer_lowered:
.L_overlay_start_2:
0x7f: {  	(tag) =	ssettag $0x2  }
0x80: {  	s0 =	rddreg [dreg:$0x0];
	s2 =	stileid.u32  }
0x81: {  	s1 =	rddreg [dreg:$0x1];
	p0 =	sne.s32 s2, $0x0  }
0x82: {  	s3 =	rddreg [dreg:$0x2];
	[bflag:$0x3] =	sbarrier.arrive $0xFFFF;
	s2 =	simm.s32 @!p0 $0x1C01  }
0x83: {  	[timem:s3], [sflag:s2] =	dma.local @!p0 [hbm:s0], s1  }
0x84: {  	s0 =	simm.s32 @!p0 $0x1  }
0x85: {  	_ =	swait.ge @!p0 [sflag:s0], s1  }
0x86: {  	s1 =	ssub.s32 @!p0 $0x0, s1;
	[sflag:s0] =	ssyncset.done @!p0 $0x0  }
0x87: {  	[sflag:s0] =	ssyncadd.s32 @!p0 s1  }
0x88: {  	[bflag:$0x3] =	sbarrier.arrive $0xFFFF  }
0x89: {  	_ =	shalt  }

// kernel: kernel.8.cloned.1.call-start
scs
__scs_entry_jumppad:
0x0: {  	(pc) =	sbr.rel $0x88, $3  }
0x1: {  	(tag) =	ssettag $0x0;
	lr =	simm.s32 $0x1  }
0x2: {  	[smem:$0x3F9B] =	sst lr;
	_ =	strace $0xD0000000  }
0x3: {  	_ = 	snop  }
0x4: {  	_ = 	snop  }
0x5: {  	_ = 	snop  }
0x6: {  	_ = 	snop  }
0x7: {  	_ = 	snop  }
__scs_overlays_trampoline_lowered:
0x8: {  	[smem:$0x3FAA] =	sst s0  }
0x9: {  	[smem:$0x3FAB] =	sst s1  }
0xa: {  	[smem:$0x3FAC] =	sst s2  }
0xb: {  	[smem:$0x3FAD] =	sst s3  }
0xc: {  	[smem:$0x3FAE] =	sst s4  }
0xd: {  	[smem:$0x3FAF] =	sst s5  }
0xe: {  	[smem:$0x3FB0] =	sst s6  }
0xf: {  	[smem:$0x3FB1] =	sst s7  }
0x10: {  	[smem:$0x3FB2] =	sst s8  }
0x11: {  	[smem:$0x3FB3] =	sst s9;
	s0 =	simm.s32 @!p0 $0x0  }
0x12: {  	s1 =	sld [smem:$0x3F99];
	s0 =	simm.s32 @p0 $0x1  }
0x13: {  	[smem:$0x3FB4] =	sst s0;
	s0 =	simm.s32 @!p1 $0x0  }
0x14: {  	s2 =	sld [smem:$0x3F98];
	s0 =	simm.s32 @p1 $0x1  }
0x15: {  	[smem:$0x3FB5] =	sst s0;
	s0 =	simm.s32 @!p2 $0x0  }
0x16: {  	s3 =	sld [smem:$0x3FDB];
	s0 =	simm.s32 @p2 $0x1  }
0x17: {  	s4 =	simm.s32 $0x1BF5;
	[smem:$0x3FB7] =	sst s0  }
0x18: {  	s0 =	sld [smem:$0x3F9A];
	_ =	swait.ge [sflag:s4], $0x0  }
0x19: {  	s7 =	sld [smem:$0x3F9B]  }
0x1a: {  	s8 =	sadd.s32 $0xFFFFE003, lr  }
0x1b: {  	s9 =	sadd.s32 $0xFFFFFEF7, lr;
	s5 =	simm.s32 $0xFFFFFFFF;
	p2 =	slt.u32 s8, $0xFFFFF086  }
0x1c: {  	p1 =	slt.u32 s9, $0xF7A;
	s5 =	simm.s32 @!p2 $0x0  }
0x1d: {  	s5 =	simm.s32 @p1 $0x1;
	p0 =	seq.s32 s7, s2  }
0x1e: {  	s7 =	smul.u32 @!p0 $0xF7A, s2;
	p2 =	seq.s32 @!p0 s5, $0x0  }
0x1f: {  	s9 =	smul.u32 $0xF7A, s1;
	s8 =	simm.s32 @!p0 $0x1BF5;
	p2 =	por !p2, p0  }
0x20: {  	[sflag:s8] =	ssyncset.s32 @!p0 $0xFFFFF086;
	s6 =	sadd.s32 @!p0 s3, s7;
	s7 =	simm.s32 @!p0 $0x108  }
0x21: {  	s3 =	sadd.s32 s3, s9;
	s6 =	sadd.s32 @!p0 $0x88, s6;
	s7 =	simm.s32 @p2 $0x1082  }
0x22: {  	[simem:s7], [sflag:s8] =	dma.local @!p0 [hbm:s6], $0xF7A  }
0x23: {  	s9 =	sor.u32 $0xD0000000, s2;
	s6 =	simm.s32 $0x108;
	_ =	swait.ge @!p0 [sflag:s8], $0x0  }
0x24: {  	s3 =	sadd.s32 $0x88, s3;
	s6 =	simm.s32 @!p1 $0x1082;
	[sflag:s4] =	ssyncset.s32 $0xFFFFF086  }
0x25: {  	[simem:s6], [sflag:s4] =	dma.local [hbm:s3], $0xF7A  }
0x26: {  	[smem:$0x3F9B] =	sst s1;
	(tag) =	ssettag s2;
	_ =	strace s9  }
0x27: {  	s1 =	sld [smem:$0x3FAB]  }
0x28: {  	s2 =	sld [smem:$0x3FAC]  }
0x29: {  	s4 =	sld [smem:$0x3FAE]  }
0x2a: {  	p0 =	seq.s32 s5, $0x0;
	s5 =	sld [smem:$0x3FAF]  }
0x2b: {  	s6 =	sld [smem:$0x3FB0]  }
0x2c: {  	s7 =	sld [smem:$0x3FB1]  }
0x2d: {  	s3 =	simm.s32 $0x108;
	s8 =	sld [smem:$0x3FB2]  }
0x2e: {  	s3 =	simm.s32 @!p0 $0x1082;
	s9 =	sld [smem:$0x3FB3]  }
0x2f: {  	lr =	sadd.s32 s0, s3;
	s0 =	sld [smem:$0x3FAA]  }
0x30: {  	s3 =	sld [smem:$0x3FAD]  }
0x31: {  	[smem:$0x3FB6] =	sst s10  }
0x32: {  	s10 =	sld [smem:$0x3FB4];
	_ =	sdelay $0x3  }
0x33: {  	p0 =	seq.s32 s10, $0x1;
	s10 =	sld [smem:$0x3FB6];
	_ =	sdelay $0x3  }
0x34: {  	[smem:$0x3FB6] =	sst s10  }
0x35: {  	s10 =	sld [smem:$0x3FB5];
	_ =	sdelay $0x3  }
0x36: {  	p1 =	seq.s32 s10, $0x1;
	s10 =	sld [smem:$0x3FB6];
	_ =	sdelay $0x3  }
0x37: {  	[smem:$0x3FB6] =	sst s10  }
0x38: {  	s10 =	sld [smem:$0x3FB7]  }
0x39: {  	_ = 	snop;
	(pc) =	sbr.ind lr, $3  }
0x3a: {  	_ = 	snop  }
0x3b: {  	_ = 	snop  }
0x3c: {  	p2 =	seq.s32 s10, $0x1;
	s10 =	sld [smem:$0x3FB6]  }
0x3d: {  	_ =	shalt  }
0x3e: {  	_ =	shalt  }
0x3f: {  	_ =	shalt  }
0x40: {  	_ =	shalt  }
0x41: {  	_ =	shalt  }
0x42: {  	_ =	shalt  }
0x43: {  	_ =	shalt  }
0x44: {  	_ =	shalt  }
0x45: {  	_ =	shalt  }
0x46: {  	_ =	shalt  }
0x47: {  	_ =	shalt  }
0x48: {  	_ =	shalt  }
0x49: {  	_ =	shalt  }
0x4a: {  	_ =	shalt  }
0x4b: {  	_ =	shalt  }
0x4c: {  	_ =	shalt  }
0x4d: {  	_ =	shalt  }
0x4e: {  	_ =	shalt  }
0x4f: {  	_ =	shalt  }
0x50: {  	_ =	shalt  }
0x51: {  	_ =	shalt  }
0x52: {  	_ =	shalt  }
0x53: {  	_ =	shalt  }
0x54: {  	_ =	shalt  }
0x55: {  	_ =	shalt  }
0x56: {  	_ =	shalt  }
0x57: {  	_ =	shalt  }
0x58: {  	_ =	shalt  }
0x59: {  	_ =	shalt  }
0x5a: {  	_ =	shalt  }
0x5b: {  	_ =	shalt  }
0x5c: {  	_ =	shalt  }
0x5d: {  	_ =	shalt  }
0x5e: {  	_ =	shalt  }
0x5f: {  	_ =	shalt  }
0x60: {  	_ =	shalt  }
0x61: {  	_ =	shalt  }
0x62: {  	_ =	shalt  }
0x63: {  	_ =	shalt  }
0x64: {  	_ =	shalt  }
0x65: {  	_ =	shalt  }
0x66: {  	_ =	shalt  }
0x67: {  	_ =	shalt  }
0x68: {  	_ =	shalt  }
0x69: {  	_ =	shalt  }
0x6a: {  	_ =	shalt  }
0x6b: {  	_ =	shalt  }
0x6c: {  	_ =	shalt  }
0x6d: {  	_ =	shalt  }
0x6e: {  	_ =	shalt  }
0x6f: {  	_ =	shalt  }
0x70: {  	_ =	shalt  }
0x71: {  	_ =	shalt  }
0x72: {  	_ =	shalt  }
0x73: {  	_ =	shalt  }
0x74: {  	_ =	shalt  }
0x75: {  	_ =	shalt  }
0x76: {  	_ =	shalt  }
0x77: {  	_ =	shalt  }
0x78: {  	_ =	shalt  }
0x79: {  	_ =	shalt  }
0x7a: {  	_ =	shalt  }
0x7b: {  	_ =	shalt  }
0x7c: {  	_ =	shalt  }
0x7d: {  	_ =	shalt  }
0x7e: {  	_ =	shalt  }
0x7f: {  	_ =	shalt  }
0x80: {  	_ =	shalt  }
0x81: {  	_ =	shalt  }
0x82: {  	_ =	shalt  }
0x83: {  	_ =	shalt  }
0x84: {  	_ =	shalt  }
0x85: {  	_ =	shalt  }
0x86: {  	_ =	shalt  }
0x87: {  	_ =	shalt  }
.Lfunc_end0:
.L_simem_size_0:
called_computation.1_lowered:
.L_overlay_start_0:
0x88: {  	s2 =	sld [smem:$0x3FD9]  }
0x89: {  	s3 =	sld [smem:$0x3FFE];
	_ =	sdelay $0x1  }
0x8a: {  	s1 =	srdreg.scid  }
0x8b: {  	s0 =	sand.u32 $0x1, s1  }
0x8c: {  	s17 =	sshll.u32 s0, $0xA;
	s2 =	sadd.s32 s3, s2  }
0x8d: {  	s2 =	sadd.s32 s2, s17  }
0x8e: {  	[smem:$0x3FC2] =	sst s2  }
0x8f: {  	_ = 	snop  }
0x90: {  	s2 =	sld [smem:$0x3FC4]  }
0x91: {  	s18 =	sld [smem:$0x3FD0];
	(tm) =	ssettm $0x1  }
0x92: {  	s4 =	sld [smem:$0x3FFB];
	_ =	sdelay $0x3  }
0x93: {  	_ =	strace s4  }
0x94: {  	s4 =	sld [smem:$0x3FFC];
	_ =	sdelay $0x3  }
0x95: {  	_ =	strace s4  }
0x96: {  	s4 =	sld [smem:$0x3FFD];
	_ =	sdelay $0x3  }
0x97: {  	_ =	strace s4  }
0x98: {  	_ =	strace $0x8FFFFFFF  }
0x99: {  	s19 =	sld [smem:$0x3FDB];
	_ =	sdelay $0x1  }
0x9a: {  	s5 =	simm.s32 $_scs_section_size  }
0x9b: {  	s6 =	simm.s32 $_size__tile_overlayer_lowered;
	s7 =	simm.s32 $_tile_overlayer_lowered  }
0x9c: {  	s22 =	simm.s32 $0x1BFF;
	s21 =	sshll.u32 s7, $0x1;
	s4 =	sadd.s32 s5, s19  }
0x9d: {  	s8 =	simm.s32 $0x0;
	s20 =	sshll.u32 s6, $0x1;
	s6 =	sadd.s32 s21, s4  }
0x9e: {  	[timem:s8], [sflag:s22] =	dma.local [hbm:s6], s20  }
0x9f: {  	_ =	swait.ge [sflag:s22], s20  }
0xa0: {  	s5 =	ssub.s32 $0x0, s20;
	[sflag:s22] =	ssyncset.done $0x0  }
0xa1: {  	[sflag:s22] =	ssyncadd.s32 s5;
	_ =	sdelay $0x1  }
0xa2: {  	s23 =	simm.s32 $0x1B8B  }
0xa3: {  	_ =	swait.ge [sflag:s23], $0x1  }
0xa4: {  	[sflag:s23] =	ssyncset.done $0x0  }
0xa5: {  	s25 =	simm.s32 $0x1B8E;
	s24 =	sld [smem:$0x3FFE];
	[sflag:s23] =	ssyncadd.s32 $0xFFFFFFFF  }
0xa6: {  	s26 =	simm.s32 $execute0_lowered;
	[smem:$0x3FD2] =	sst s25  }
0xa7: {  	s6 =	sshll.u32 s26, $0x1;
	_ =	strace $0x80000049;
	[dreg:$0x1] =	wrdreg $0xFFFFFFFF  }
0xa8: {  	s28 =	simm.s32 $_size_execute0_lowered;
	s4 =	sadd.s32 s4, s6;
	[dreg:$0x0] =	wrdreg $0x0  }
0xa9: {  	s6 =	sshll.u32 s28, $0x1;
	[dreg:$0x2] =	wrdreg s4  }
0xaa: {  	[dreg:$0x3] =	wrdreg s6  }
0xab: {  	[dreg:$0x4] =	wrdreg $0xC0  }
0xac: {  	_ =	task [dreg:s8], $0x5FFFF  }
0xad: {  	[dreg:$0x1] =	wrdreg $0xFFFFFFFF  }
0xae: {  	[dreg:$0x0] =	wrdreg $0x60  }
0xaf: {  	[dreg:$0x2] =	wrdreg s24  }
0xb0: {  	[dreg:$0x3] =	wrdreg s18  }
0xb1: {  	[dreg:$0x4] =	wrdreg s2  }
0xb2: {  	[dreg:$0x5] =	wrdreg $0x0  }
0xb3: {  	[dreg:$0x6] =	wrdreg $0x9  }
0xb4: {  	_ =	task.clear_ibuf [dreg:s8], $0x7FFFF;
	_ =	strace $0x90000049  }
0xb5: {  	s29 =	simm.s32 $0x9;
	_ =	strace $0x8000004B  }
0xb6: {  	_ =	swait.ge [sflag:s29], $0x1  }
0xb7: {  	[sflag:s29] =	ssyncadd.s32 $0xFFFFFFFF  }
0xb8: {  	_ =	strace $0x9000004B  }
0xb9: {  	_ =	sfence  }
0xba: {  	s30 =	sld [smem:$0x0];
	_ =	sdelay $0x2  }
0xbb: {  	s31 =	sshll.u32 s1, $0xD;
	s1 =	sshrl.u32 s1, $0x2  }
0xbc: {  	s3 =	sand.u32 $0x4000, s31;
	s1 =	sadd.s32 s1, s30  }
0xbd: {  	s0 =	sor.u32 s3, s0;
	s1 =	sshll.u32 s1, $0x11  }
0xbe: {  	s0 =	sor.u32 s1, s0  }
0xbf: {  	s0 =	sadd.s32 $0x8F2B, s0  }
0xc0: {  	[sflag:s0] =	ssyncadd.remote.s32 $0x1  }
0xc1: {  	_ =	sfence.sel $0xFFFF  }
0xc2: {  	[dreg:$0x0] =	wrdreg $0xFFFFFFFF;
	(pc) =	sbr.abs _section_cstart, $3  }
0xc3: {  	[dreg:$0x1] =	wrdreg $0xFFFFFFFF  }
0xc4: {  	_ =	task.clear_ibuf [dreg:s8], $0x2FFFF;
	_ =	strace $0x9FFFFFFF  }
0xc5: {  	(tm) =	ssettm $0x7FFFFFFF  }
tec
execute0_lowered:
.L_overlay_start_1:
0x0: {  	(tag) =	ssettag $0x1  }
0x1: {  	s7 =	rddreg [dreg:$0x0]  }
0x2: {  	s1 =	rddreg [dreg:$0x2]  }
0x3: {  	s3 =	rddreg [dreg:$0x3]  }
0x4: {  	s0 =	simm.s32 $0x0;
	s17 =	srdreg.scid;
	s9 =	stileid.u32  }
0x5: {  	[smem:$0x7FF] =	sst s0;
	s2 =	smul.u32 $0x57E40, s9  }
0x6: {  	s0 =	sand.u32 $0x1, s17;
	s4 =	sadd.s32 $0xA2400, s7;
	s10 =	smul.u32 $0x271, s9  }
0x7: {  	_ =	strace $0x8000004A;
	[dreg:$0x5] =	wrdreg s4;
	s18 =	sshll.u32 s0, $0x4  }
0x8: {  	s2 =	sshrl.u32 s2, $0x2;
	s1 =	sadd.s32 s1, s18;
	[dreg:$0x6] =	wrdreg s10  }
0x9: {  	s2 =	sadd.s32 s2, s3;
	[dreg:$0x8] =	wrdreg s1  }
0xa: {  	s19 =	sadd.s32 $0xE10, s2;
	[dreg:$0x7] =	wrdreg s2  }
0xb: {  	s20 =	sadd.s32 $0x1C20, s2;
	[dreg:$0x9] =	wrdreg s19  }
0xc: {  	s21 =	sadd.s32 $0x2A30, s2;
	[dreg:$0xa] =	wrdreg s20  }
0xd: {  	s22 =	sadd.s32 $0x3840, s2;
	[dreg:$0xb] =	wrdreg s21  }
0xe: {  	s23 =	sadd.s32 $0x4650, s2;
	[dreg:$0xc] =	wrdreg s22  }
0xf: {  	s24 =	sadd.s32 $0x5460, s2;
	[dreg:$0xd] =	wrdreg s23  }
0x10: {  	s25 =	sadd.s32 $0x6270, s2;
	[dreg:$0xe] =	wrdreg s24  }
0x11: {  	s5 =	ssub.s32 $0x2, s0;
	s26 =	sadd.s32 $0x7080, s2;
	[dreg:$0xf] =	wrdreg s25  }
0x12: {  	s8 =	sshrl.u32 s5, $0x1;
	s4 =	sadd.s32 $0x7E90, s2;
	[dreg:$0x10] =	wrdreg s26  }
0x13: {  	s5 =	ssub.s32 s5, s8;
	s8 =	sadd.s32 $0x8CA0, s2;
	[dreg:$0x11] =	wrdreg s4  }
0x14: {  	s11 =	sadd.s32 $0x9AB0, s2;
	[dreg:$0x12] =	wrdreg s8  }
0x15: {  	s12 =	sadd.s32 $0xA8C0, s2;
	[dreg:$0x13] =	wrdreg s11  }
0x16: {  	s13 =	smax.u32 s5, $0x1;
	[dreg:$0x14] =	wrdreg s12  }
0x17: {  	s14 =	sadd.s32 $0xB6D0, s2;
	[dreg:$0x16] =	wrdreg s13  }
0x18: {  	s31 =	simm.s32 $0x1AAA0;
	s15 =	sadd.s32 $0xC4E0, s2;
	[dreg:$0x17] =	wrdreg s14  }
0x19: {  	s30 =	simm.s32 $0x1B3A0;
	s16 =	sadd.s32 $0xD2F0, s2;
	[dreg:$0x18] =	wrdreg s15  }
0x1a: {  	s6 =	sadd.s32 $0xA7800, s7;
	s17 =	sadd.s32 $0xE100, s2;
	[dreg:$0x19] =	wrdreg s16  }
0x1b: {  	s7 =	sadd.s32 s18, s7;
	s18 =	sadd.s32 $0xEF10, s2;
	[dreg:$0x1a] =	wrdreg s17  }
0x1c: {  	s29 =	simm.s32 $0x1BCA0;
	[dreg:$0x1b] =	wrdreg s18;
	s19 =	sadd.s32 $0xFD20, s2  }
0x1d: {  	s28 =	simm.s32 $0x1C5A0;
	s20 =	sadd.s32 $0x10B30, s2;
	[dreg:$0x1c] =	wrdreg s19  }
0x1e: {  	s0 =	smul.u32 $0x2710, s0;
	s21 =	sadd.s32 $0x11940, s2;
	[dreg:$0x1d] =	wrdreg s20  }
0x1f: {  	s1 =	simm.s32 $0x0;
	s22 =	sadd.s32 $0x12750, s2;
	[dreg:$0x1e] =	wrdreg s21  }
0x20: {  	s11 =	sadd.s32 $0x5400, s7;
	s23 =	sadd.s32 $0x13560, s2;
	[dreg:$0x1f] =	wrdreg s22  }
0x21: {  	s24 =	sadd.s32 $0x14370, s2;
	s25 =	sadd.s32 $0x15180, s2;
	[smem:$0x7FA] =	sst s23  }
0x22: {  	s26 =	smul.u32 $0x2A00, s9;
	s12 =	simm.s32 $0x19;
	[smem:$0x7FB] =	sst s24  }
0x23: {  	s15 =	simm.s32 $0x16C10;
	s16 =	simm.s32 $0x1E9A0;
	[smem:$0x7FC] =	sst s25  }
0x24: {  	s19 =	simm.s32 $0x16610;
	s22 =	simm.s32 $0x10;
	s24 =	simm.s32 $0x18FA0  }
0x25: {  	s21 =	simm.s32 $0x198A0;
	s20 =	simm.s32 $0x1A1A0;
	[dreg:$0x15] =	wrdreg s11  }
0x26: {  	v1 =	vimm.f32 $0.0e+00;
	v0 =	vmov s0;
	s25 =	simm.s32 $0x1D7A0;
	[smem:$0x7FD] =	sst s26;
	s26 =	simm.s32 $0x1CEA0  }
.LBB2_1:
0x27: {  	[smem:$0x7F9] =	sst s1  }
0x28: {  	s0 =	simm.s32 $0x0;
	s23 =	rddreg [dreg:$0x8];
	s2 =	simm.s32 $0x15F90  }
0x29: {  	[tilespmem:s2], [sflag:$0x19] =	stream.linear.gather [hbm4b:s23+s0], $0x80, $0x38;
	[tilespmem:$0x1F8A0] =	vst v63  }
0x2a: {  	_ =	swait.ge [sflag:s12], $0x80  }
0x2b: {  	[sflag:s12] =	ssyncset.done $0x0  }
0x2c: {  	s1 =	simm.s32 $0x240;
	s0 =	simm.s32 $0x0;
	[sflag:s12] =	ssyncadd.s32 $0xFFFFFF80  }
.LBB2_2:
0x2d: {  	p0 =	sne.s32 s1, $0x3600;
	[tilespmem:s0+$0x16C90] =	vst v1  }
0x2e: {  	[tilespmem:s0+$0x16C10] =	vst v1  }
0x2f: {  	[tilespmem:s0+$0x16C20] =	vst v1  }
0x30: {  	[tilespmem:s0+$0x16C30] =	vst v1  }
.Ltmp0:
0x31: {  	[tilespmem:s0+$0x16C40] =	vst v1;
	(pc) =	sbr.rel @p0 .LBB2_2-.Ltmp0, $4  }
0x32: {  	[tilespmem:s0+$0x16C50] =	vst v1  }
0x33: {  	[tilespmem:s0+$0x16C60] =	vst v1  }
0x34: {  	[tilespmem:s0+$0x16C70] =	vst v1  }
0x35: {  	[tilespmem:s0+$0x16C80] =	vst v1;
	s0 =	sshra.s32 s1, $0x2;
	s1 =	sadd.s32 $0x240, s1  }
0x36: {  	[tilespmem:s0+$0x16C90] =	vst v1  }
0x37: {  	[tilespmem:s0+$0x16C10] =	vst v1  }
0x38: {  	[tilespmem:s0+$0x16C20] =	vst v1  }
0x39: {  	[tilespmem:s0+$0x16C30] =	vst v1  }
0x3a: {  	[tilespmem:s0+$0x16C40] =	vst v1  }
0x3b: {  	[tilespmem:s0+$0x16C50] =	vst v1  }
0x3c: {  	[tilespmem:s0+$0x16C60] =	vst v1  }
0x3d: {  	[tilespmem:s0+$0x16C70] =	vst v1;
	s7 =	rddreg [dreg:$0x7]  }
0x3e: {  	[tilespmem:s0+$0x16C80] =	vst v1;
	s8 =	rddreg [dreg:$0x9]  }
0x3f: {  	[spmem:s7] =	stream.linear.scatter [tilespmem:s15], [sflag:$0x1], $0xE10, $0x38;
	[tilespmem:$0x1F8A0] =	vst v63  }
0x40: {  	s9 =	rddreg [dreg:$0xa]  }
0x41: {  	[spmem:s8] =	stream.linear.scatter [tilespmem:s15], [sflag:$0x1], $0xE10, $0x38;
	[tilespmem:$0x1F8A0] =	vst v63  }
0x42: {  	s10 =	rddreg [dreg:$0xb]  }
0x43: {  	[spmem:s9] =	stream.linear.scatter [tilespmem:s15], [sflag:$0x1], $0xE10, $0x38;
	[tilespmem:$0x1F8A0] =	vst v63  }
0x44: {  	s11 =	rddreg [dreg:$0xc]  }
0x45: {  	[spmem:s10] =	stream.linear.scatter [tilespmem:s15], [sflag:$0x1], $0xE10, $0x38;
	[tilespmem:$0x1F8A0] =	vst v63  }
0x46: {  	s12 =	rddreg [dreg:$0xd]  }
0x47: {  	[spmem:s11] =	stream.linear.scatter [tilespmem:s15], [sflag:$0x1], $0xE10, $0x38;
	[tilespmem:$0x1F8A0] =	vst v63  }
0x48: {  	s13 =	rddreg [dreg:$0xe]  }
0x49: {  	[spmem:s12] =	stream.linear.scatter [tilespmem:s15], [sflag:$0x1], $0xE10, $0x38;
	[tilespmem:$0x1F8A0] =	vst v63  }
0x4a: {  	s14 =	rddreg [dreg:$0xf]  }
0x4b: {  	[spmem:s13] =	stream.linear.scatter [tilespmem:s15], [sflag:$0x1], $0xE10, $0x38;
	[tilespmem:$0x1F8A0] =	vst v63  }
0x4c: {  	s17 =	rddreg [dreg:$0x10]  }
0x4d: {  	[spmem:s14] =	stream.linear.scatter [tilespmem:s15], [sflag:$0x1], $0xE10, $0x38;
	[tilespmem:$0x1F8A0] =	vst v63  }
0x4e: {  	s18 =	rddreg [dreg:$0x11]  }
0x4f: {  	[spmem:s17] =	stream.linear.scatter [tilespmem:s15], [sflag:$0x1], $0xE10, $0x38;
	[tilespmem:$0x1F8A0] =	vst v63  }
0x50: {  	s23 =	rddreg [dreg:$0x12]  }
0x51: {  	[spmem:s18] =	stream.linear.scatter [tilespmem:s15], [sflag:$0x1], $0xE10, $0x38;
	[tilespmem:$0x1F8A0] =	vst v63  }
0x52: {  	s1 =	rddreg [dreg:$0x13]  }
0x53: {  	[spmem:s23] =	stream.linear.scatter [tilespmem:s15], [sflag:$0x1], $0xE10, $0x38;
	[tilespmem:$0x1F8A0] =	vst v63  }
0x54: {  	s2 =	rddreg [dreg:$0x14]  }
0x55: {  	[spmem:s1] =	stream.linear.scatter [tilespmem:s15], [sflag:$0x1], $0xE10, $0x38;
	[tilespmem:$0x1F8A0] =	vst v63  }
0x56: {  	s4 =	rddreg [dreg:$0x17]  }
0x57: {  	[spmem:s2] =	stream.linear.scatter [tilespmem:s15], [sflag:$0x1], $0xE10, $0x38;
	[tilespmem:$0x1F8A0] =	vst v63  }
0x58: {  	s5 =	rddreg [dreg:$0x18]  }
0x59: {  	[spmem:s4] =	stream.linear.scatter [tilespmem:s15], [sflag:$0x1], $0xE10, $0x38;
	[tilespmem:$0x1F8A0] =	vst v63  }
0x5a: {  	s7 =	rddreg [dreg:$0x19]  }
0x5b: {  	[spmem:s5] =	stream.linear.scatter [tilespmem:s15], [sflag:$0x1], $0xE10, $0x38;
	[tilespmem:$0x1F8A0] =	vst v63  }
0x5c: {  	s8 =	rddreg [dreg:$0x1a]  }
0x5d: {  	[spmem:s7] =	stream.linear.scatter [tilespmem:s15], [sflag:$0x1], $0xE10, $0x38;
	[tilespmem:$0x1F8A0] =	vst v63  }
0x5e: {  	s9 =	rddreg [dreg:$0x1b]  }
0x5f: {  	[spmem:s8] =	stream.linear.scatter [tilespmem:s15], [sflag:$0x1], $0xE10, $0x38;
	[tilespmem:$0x1F8A0] =	vst v63  }
0x60: {  	s10 =	rddreg [dreg:$0x1c]  }
0x61: {  	[spmem:s9] =	stream.linear.scatter [tilespmem:s15], [sflag:$0x1], $0xE10, $0x38;
	[tilespmem:$0x1F8A0] =	vst v63  }
0x62: {  	s11 =	rddreg [dreg:$0x1d]  }
0x63: {  	[spmem:s10] =	stream.linear.scatter [tilespmem:s15], [sflag:$0x1], $0xE10, $0x38;
	[tilespmem:$0x1F8A0] =	vst v63  }
0x64: {  	s12 =	rddreg [dreg:$0x1e]  }
0x65: {  	[spmem:s11] =	stream.linear.scatter [tilespmem:s15], [sflag:$0x1], $0xE10, $0x38;
	[tilespmem:$0x1F8A0] =	vst v63  }
0x66: {  	s13 =	rddreg [dreg:$0x1f]  }
0x67: {  	[spmem:s12] =	stream.linear.scatter [tilespmem:s15], [sflag:$0x1], $0xE10, $0x38;
	[tilespmem:$0x1F8A0] =	vst v63  }
0x68: {  	s14 =	sld [smem:$0x7FA]  }
0x69: {  	[spmem:s13] =	stream.linear.scatter [tilespmem:s15], [sflag:$0x1], $0xE10, $0x38;
	[tilespmem:$0x1F8A0] =	vst v63  }
0x6a: {  	s17 =	sld [smem:$0x7FB]  }
0x6b: {  	[spmem:s14] =	stream.linear.scatter [tilespmem:s15], [sflag:$0x1], $0xE10, $0x38;
	[tilespmem:$0x1F8A0] =	vst v63  }
0x6c: {  	s18 =	sld [smem:$0x7FC]  }
0x6d: {  	[spmem:s17] =	stream.linear.scatter [tilespmem:s15], [sflag:$0x1], $0xE10, $0x38;
	[tilespmem:$0x1F8A0] =	vst v63  }
0x6e: {  	s23 =	simm.s32 $0x1  }
0x6f: {  	[spmem:s18] =	stream.linear.scatter [tilespmem:s15], [sflag:$0x1], $0xE10, $0x38;
	[tilespmem:$0x1F8A0] =	vst v63  }
0x70: {  	_ =	swait.ge [sflag:s23], $0xE10  }
0x71: {  	[sflag:s23] =	ssyncset.done $0x0  }
0x72: {  	[sflag:s23] =	ssyncadd.s32 $0xFFFFF1F0  }
0x73: {  	_ =	swait.ge [sflag:s23], $0xE10  }
0x74: {  	[sflag:s23] =	ssyncset.done $0x0  }
0x75: {  	[sflag:s23] =	ssyncadd.s32 $0xFFFFF1F0  }
0x76: {  	_ =	swait.ge [sflag:s23], $0xE10  }
0x77: {  	[sflag:s23] =	ssyncset.done $0x0  }
0x78: {  	[sflag:s23] =	ssyncadd.s32 $0xFFFFF1F0  }
0x79: {  	_ =	swait.ge [sflag:s23], $0xE10  }
0x7a: {  	[sflag:s23] =	ssyncset.done $0x0  }
0x7b: {  	[sflag:s23] =	ssyncadd.s32 $0xFFFFF1F0  }
0x7c: {  	_ =	swait.ge [sflag:s23], $0xE10  }
0x7d: {  	[sflag:s23] =	ssyncset.done $0x0  }
0x7e: {  	[sflag:s23] =	ssyncadd.s32 $0xFFFFF1F0  }
0x7f: {  	_ =	swait.ge [sflag:s23], $0xE10  }
0x80: {  	[sflag:s23] =	ssyncset.done $0x0  }
0x81: {  	[sflag:s23] =	ssyncadd.s32 $0xFFFFF1F0  }
0x82: {  	_ =	swait.ge [sflag:s23], $0xE10  }
0x83: {  	[sflag:s23] =	ssyncset.done $0x0  }
0x84: {  	[sflag:s23] =	ssyncadd.s32 $0xFFFFF1F0  }
0x85: {  	_ =	swait.ge [sflag:s23], $0xE10  }
0x86: {  	[sflag:s23] =	ssyncset.done $0x0  }
0x87: {  	[sflag:s23] =	ssyncadd.s32 $0xFFFFF1F0  }
0x88: {  	_ =	swait.ge [sflag:s23], $0xE10  }
0x89: {  	[sflag:s23] =	ssyncset.done $0x0  }
0x8a: {  	[sflag:s23] =	ssyncadd.s32 $0xFFFFF1F0  }
0x8b: {  	_ =	swait.ge [sflag:s23], $0xE10  }
0x8c: {  	[sflag:s23] =	ssyncset.done $0x0  }
0x8d: {  	[sflag:s23] =	ssyncadd.s32 $0xFFFFF1F0  }
0x8e: {  	_ =	swait.ge [sflag:s23], $0xE10  }
0x8f: {  	[sflag:s23] =	ssyncset.done $0x0  }
0x90: {  	[sflag:s23] =	ssyncadd.s32 $0xFFFFF1F0  }
0x91: {  	_ =	swait.ge [sflag:s23], $0xE10  }
0x92: {  	[sflag:s23] =	ssyncset.done $0x0  }
0x93: {  	[sflag:s23] =	ssyncadd.s32 $0xFFFFF1F0  }
0x94: {  	_ =	swait.ge [sflag:s23], $0xE10  }
0x95: {  	[sflag:s23] =	ssyncset.done $0x0  }
0x96: {  	[sflag:s23] =	ssyncadd.s32 $0xFFFFF1F0  }
0x97: {  	_ =	swait.ge [sflag:s23], $0xE10  }
0x98: {  	[sflag:s23] =	ssyncset.done $0x0  }
0x99: {  	[sflag:s23] =	ssyncadd.s32 $0xFFFFF1F0  }
0x9a: {  	_ =	swait.ge [sflag:s23], $0xE10  }
0x9b: {  	[sflag:s23] =	ssyncset.done $0x0  }
0x9c: {  	[sflag:s23] =	ssyncadd.s32 $0xFFFFF1F0  }
0x9d: {  	_ =	swait.ge [sflag:s23], $0xE10  }
0x9e: {  	[sflag:s23] =	ssyncset.done $0x0  }
0x9f: {  	[sflag:s23] =	ssyncadd.s32 $0xFFFFF1F0  }
0xa0: {  	_ =	swait.ge [sflag:s23], $0xE10  }
0xa1: {  	[sflag:s23] =	ssyncset.done $0x0  }
0xa2: {  	[sflag:s23] =	ssyncadd.s32 $0xFFFFF1F0  }
0xa3: {  	_ =	swait.ge [sflag:s23], $0xE10  }
0xa4: {  	[sflag:s23] =	ssyncset.done $0x0  }
0xa5: {  	[sflag:s23] =	ssyncadd.s32 $0xFFFFF1F0  }
0xa6: {  	_ =	swait.ge [sflag:s23], $0xE10  }
0xa7: {  	[sflag:s23] =	ssyncset.done $0x0  }
0xa8: {  	[sflag:s23] =	ssyncadd.s32 $0xFFFFF1F0  }
0xa9: {  	_ =	swait.ge [sflag:s23], $0xE10  }
0xaa: {  	[sflag:s23] =	ssyncset.done $0x0  }
0xab: {  	[sflag:s23] =	ssyncadd.s32 $0xFFFFF1F0  }
0xac: {  	_ =	swait.ge [sflag:s23], $0xE10  }
0xad: {  	[sflag:s23] =	ssyncset.done $0x0  }
0xae: {  	[sflag:s23] =	ssyncadd.s32 $0xFFFFF1F0  }
0xaf: {  	_ =	swait.ge [sflag:s23], $0xE10  }
0xb0: {  	[sflag:s23] =	ssyncset.done $0x0  }
0xb1: {  	[sflag:s23] =	ssyncadd.s32 $0xFFFFF1F0  }
0xb2: {  	_ =	swait.ge [sflag:s23], $0xE10  }
0xb3: {  	[sflag:s23] =	ssyncset.done $0x0  }
0xb4: {  	[sflag:s23] =	ssyncadd.s32 $0xFFFFF1F0  }
0xb5: {  	_ =	swait.ge [sflag:s23], $0xE10  }
0xb6: {  	[sflag:s23] =	ssyncset.done $0x0  }
0xb7: {  	[sflag:s23] =	ssyncadd.s32 $0xFFFFF1F0  }
0xb8: {  	_ =	swait.ge [sflag:s23], $0xE10  }
0xb9: {  	[sflag:s23] =	ssyncset.done $0x0  }
0xba: {  	[sflag:s23] =	ssyncadd.s32 $0xFFFFF1F0  }
0xbb: {  	s0 =	simm.s32 $0x0;
	[bflag:$0x0] =	sbarrier.arrive $0xFFFF  }
.LBB2_4:
0xbc: {  	s1 =	sld [smem:$0x7FD]  }
0xbd: {  	s12 =	smul.u32 $0x600, s0;
	_ =	sdelay $0x1  }
0xbe: {  	[smem:$0x7F8] =	sst s0;
	s0 =	sadd.s32 s1, s12  }
0xbf: {  	s13 =	rddreg [dreg:$0x1];
	s2 =	simm.s32 $0x1F2A0;
	s0 =	sshrl.u32 s0, $0x3  }
0xc0: {  	s4 =	simm.s32 $0x0;
	s14 =	rddreg [dreg:$0x0];
	s1 =	sadd.s32 s13, s0  }
0xc1: {  	[tilespmem:s2], [sflag:$0x1] =	stream.linear.gather [hbm4b:s1+s4], $0x600, $0x38;
	[tilespmem:$0x1F8A0] =	vst v63  }
0xc2: {  	s17 =	simm.s32 $0x16010;
	s18 =	rddreg [dreg:$0x5];
	s1 =	sadd.s32 s14, s0  }
0xc3: {  	[tilespmem:s17], [sflag:$0x2] =	stream.linear.gather [hbm4b:s1+s4], $0x600, $0x38;
	[tilespmem:$0x1F8A0] =	vst v63  }
0xc4: {  	s23 =	simm.s32 $0x1;
	s0 =	sadd.s32 s18, s0  }
0xc5: {  	[tilespmem:s19], [sflag:$0x3] =	stream.linear.gather [hbm4b:s0+s4], $0x600, $0x38;
	[tilespmem:$0x1F8A0] =	vst v63  }
0xc6: {  	_ =	swait.ge [sflag:s23], $0x600  }
0xc7: {  	[sflag:s23] =	ssyncset.done $0x0  }
0xc8: {  	s1 =	simm.s32 $0x40;
	s0 =	simm.s32 $0x0;
	[sflag:s23] =	ssyncadd.s32 $0xFFFFFA00  }
.LBB2_5:
0xc9: {  	p0 =	sne.s32 s1, $0x17C0;
	v2 =	vld [tilespmem:s0+$0x1F2A0];
	_ =	sdelay $0x1  }
.Ltmp1:
0xca: {  	(pc) =	sbr.rel @p0 .LBB2_5-.Ltmp1, $3  }
0xcb: {  	_ =	sdelay $0x1  }
0xcc: {  	v2 =	vadd.s32 v0, v2  }
0xcd: {  	[tilespmem:s0+$0x1F2A0] =	vst v2;
	s0 =	sshra.s32 s1, $0x2;
	s1 =	sadd.s32 $0x40, s1  }
0xce: {  	v2 =	vld [tilespmem:s0+$0x1F2A0];
	_ =	sdelay $0x4  }
0xcf: {  	v2 =	vadd.s32 v0, v2  }
0xd0: {  	s18 =	simm.s32 $0x2;
	s23 =	simm.s32 $0x3;
	s5 =	simm.s32 $0x0;
	[tilespmem:s0+$0x1F2A0] =	vst v2  }
0xd1: {  	s10 =	simm.s32 $0x10;
	s11 =	simm.s32 $0x20;
	_ =	swait.ge [sflag:s18], $0x600  }
0xd2: {  	s12 =	simm.s32 $0x30;
	s9 =	simm.s32 $0x40;
	[sflag:s18] =	ssyncset.done $0x0  }
0xd3: {  	s2 =	simm.s32 $0x50;
	s1 =	simm.s32 $0x60;
	[sflag:s18] =	ssyncadd.s32 $0xFFFFFA00  }
0xd4: {  	s17 =	simm.s32 $0x70;
	s7 =	simm.s32 $0x90;
	_ =	swait.ge [sflag:s23], $0x600  }
0xd5: {  	s8 =	simm.s32 $0xA0;
	s13 =	simm.s32 $0x0;
	[sflag:s23] =	ssyncset.done $0x0  }
0xd6: {  	s18 =	simm.s32 $0x80;
	[sflag:s23] =	ssyncadd.s32 $0xFFFFFA00;
	s23 =	simm.s32 $0xB0  }
.LBB2_7:
0xd7: {  	s14 =	smul.u32 $0xC0, s13;
	_ =	sdelay $0x1  }
0xd8: {  	s4 =	simm.s32 $0x186A0;
	s0 =	sadd.s32 $0x1F2A0, s14  }
0xd9: {  	[tilespmem:s4], [sflag:$0x1] =	stream.indirect.gather [hbm4b:s6+s22], $0x90, s0, s22, $0xb8;
	[tilespmem:$0x1F8A0] =	vst v63  }
0xda: {  	s4 =	sadd.s32 $0x1F2B0, s14  }
0xdb: {  	[tilespmem:s24], [sflag:$0x2] =	stream.indirect.gather [hbm4b:s6+s22], $0x90, s4, s22, $0xb8;
	[tilespmem:$0x1F8A0] =	vst v63  }
0xdc: {  	s24 =	sadd.s32 $0x1F2C0, s14  }
0xdd: {  	[tilespmem:s21], [sflag:$0x3] =	stream.indirect.gather [hbm4b:s6+s22], $0x90, s24, s22, $0xb8;
	[tilespmem:$0x1F8A0] =	vst v63  }
0xde: {  	s4 =	sadd.s32 $0x1F2D0, s14  }
0xdf: {  	[tilespmem:s20], [sflag:$0x4] =	stream.indirect.gather [hbm4b:s6+s22], $0x90, s4, s22, $0xb8;
	[tilespmem:$0x1F8A0] =	vst v63  }
0xe0: {  	s21 =	sadd.s32 $0x1F2E0, s14  }
0xe1: {  	[tilespmem:s31], [sflag:$0x5] =	stream.indirect.gather [hbm4b:s6+s22], $0x90, s21, s22, $0xb8;
	[tilespmem:$0x1F8A0] =	vst v63  }
0xe2: {  	s24 =	sadd.s32 $0x1F2F0, s14  }
0xe3: {  	[tilespmem:s30], [sflag:$0x6] =	stream.indirect.gather [hbm4b:s6+s22], $0x90, s24, s22, $0xb8;
	[tilespmem:$0x1F8A0] =	vst v63  }
0xe4: {  	s4 =	sadd.s32 $0x1F300, s14  }
0xe5: {  	[tilespmem:s29], [sflag:$0x7] =	stream.indirect.gather [hbm4b:s6+s22], $0x90, s4, s22, $0xb8;
	[tilespmem:$0x1F8A0] =	vst v63  }
0xe6: {  	s20 =	sadd.s32 $0x1F310, s14  }
0xe7: {  	[tilespmem:s28], [sflag:$0x8] =	stream.indirect.gather [hbm4b:s6+s22], $0x90, s20, s22, $0xb8;
	[tilespmem:$0x1F8A0] =	vst v63  }
0xe8: {  	s21 =	sadd.s32 $0x1F320, s14  }
0xe9: {  	[tilespmem:s26], [sflag:$0x9] =	stream.indirect.gather [hbm4b:s6+s22], $0x90, s21, s22, $0xb8;
	[tilespmem:$0x1F8A0] =	vst v63  }
0xea: {  	s24 =	sadd.s32 $0x1F330, s14  }
0xeb: {  	[tilespmem:s25], [sflag:$0xA] =	stream.indirect.gather [hbm4b:s6+s22], $0x90, s24, s22, $0xb8;
	[tilespmem:$0x1F8A0] =	vst v63  }
0xec: {  	s26 =	simm.s32 $0x1E0A0;
	s25 =	sadd.s32 $0x1F340, s14  }
0xed: {  	[tilespmem:s26], [sflag:$0xB] =	stream.indirect.gather [hbm4b:s6+s22], $0x90, s25, s22, $0xb8;
	[tilespmem:$0x1F8A0] =	vst v63  }
0xee: {  	s4 =	sadd.s32 $0x1F350, s14;
	s20 =	simm.s32 $0x1  }
0xef: {  	[tilespmem:s16], [sflag:$0xC] =	stream.indirect.gather [hbm4b:s6+s22], $0x90, s4, s22, $0xb8;
	[tilespmem:$0x1F8A0] =	vst v63  }
0xf0: {  	s21 =	sadd.s32 $0x0, s5;
	_ =	swait.ge [sflag:s20], $0x900  }
0xf1: {  	v2 =	vmov s21;
	[sflag:s20] =	ssyncset.done $0x0  }
0xf2: {  	s21 =	simm.s32 $0x186E0;
	[sflag:s20] =	ssyncadd.s32 $0xFFFFF700  }
0xf3: {  	v7 =	vld [tilespmem:s21+$0xFFFFFFC0]  }
0xf4: {  	v10 =	vld [tilespmem:s21+$0x30]  }
0xf5: {  	v8 =	vld [tilespmem:s21+$0x40]  }
0xf6: {  	v3 =	vld.idx.msk [tilespmem:v2+s19+$0x0], $0xffff  }
0xf7: {  	v12 =	vld [tilespmem:s21+$0xFFFFFFE0]  }
0xf8: {  	v2 =	vld [tilespmem:s21+$0xFFFFFFF0]  }
0xf9: {  	s0 =	sor.u32 $0x30, s14;
	s31 =	sadd.s32 $0x40, s14;
	s30 =	sadd.s32 $0x50, s14;
	v4 =	vld [tilespmem:s21+$0x20]  }
0xfa: {  	s29 =	sadd.s32 $0x60, s14;
	s28 =	sadd.s32 $0x70, s14;
	s24 =	sadd.s32 $0xA0, s14;
	v5 =	vld [tilespmem:s21+$0xFFFFFFD0]  }
0xfb: {  	s26 =	sadd.s32 $0x80, s14;
	s25 =	sadd.s32 $0x90, s14;
	s4 =	sor.u32 $0x20, s14;
	v6 =	vld [tilespmem:s21+$0x10]  }
0xfc: {  	[smem:$0x7F6] =	sst s24;
	s20 =	sor.u32 $0x10, s14;
	s14 =	sadd.s32 $0xB0, s14;
	v11 =	vmul.f32 v7, v3;
	v9 =	vmul.f32 v8, v3;
	v7 =	vld [tilespmem:s21+$0x0]  }
0xfd: {  	s16 =	simm.s32 $0x1;
	[smem:$0x7F7] =	sst s14;
	s14 =	simm.s32 $0x186E0;
	v8 =	vmul.f32 v12, v3;
	v10 =	vmul.f32 v10, v3  }
.LBB2_8:
0xfe: {  	p0 =	sne.s32 s16, $0xF  }
0xff: {  	[tilespmem:s21+$0xFFFFFFC0] =	vst v11;
	v5 =	vmul.f32 v5, v3;
	v4 =	vmul.f32 v4, v3;
	s14 =	sadd.s32 $0x90, s14;
	s24 =	smov.u32 s16;
	s16 =	sadd.s32 $0x1, s16  }
0x100: {  	v11 =	vmul.f32 v2, v3;
	v2 =	vmul.f32 v6, v3;
	[tilespmem:s21+$0x40] =	vst v9  }
0x101: {  	v3 =	vmul.f32 v7, v3;
	[tilespmem:s21+$0x30] =	vst v10  }
0x102: {  	s24 =	sadd.s32 s24, s5;
	[tilespmem:s21+$0xFFFFFFE0] =	vst v8  }
0x103: {  	v6 =	vmov s24;
	[tilespmem:s21+$0x10] =	vst v2  }
0x104: {  	v2 =	vld [tilespmem:s14+$0xFFFFFFF0];
	[tilespmem:s21+$0x0] =	vst v3  }
0x105: {  	v8 =	vld [tilespmem:s14+$0xFFFFFFC0];
	[tilespmem:s21+$0xFFFFFFF0] =	vst v11  }
0x106: {  	v10 =	vld [tilespmem:s14+$0x30];
	[tilespmem:s21+$0x20] =	vst v4  }
0x107: {  	v9 =	vld [tilespmem:s14+$0x40];
	[tilespmem:s21+$0xFFFFFFD0] =	vst v5;
	s21 =	smov.u32 s14  }
0x108: {  	v3 =	vld.idx.msk [tilespmem:v6+s19+$0x0], $0xffff  }
0x109: {  	v12 =	vld [tilespmem:s14+$0xFFFFFFE0]  }
0x10a: {  	v4 =	vld [tilespmem:s14+$0x20]  }
.Ltmp2:
0x10b: {  	v5 =	vld [tilespmem:s14+$0xFFFFFFD0];
	(pc) =	sbr.rel @p0 .LBB2_8-.Ltmp2, $4  }
0x10c: {  	v6 =	vld [tilespmem:s14+$0x10]  }
0x10d: {  	v7 =	vld [tilespmem:s14+$0x0]  }
0x10e: {  	v11 =	vmul.f32 v8, v3;
	v9 =	vmul.f32 v9, v3  }
0x10f: {  	v10 =	vmul.f32 v10, v3;
	v8 =	vmul.f32 v12, v3  }
0x110: {  	[tilespmem:s21+$0xFFFFFFC0] =	vst v11  }
0x111: {  	[tilespmem:s21+$0x40] =	vst v9  }
0x112: {  	v2 =	vmul.f32 v2, v3;
	[tilespmem:s21+$0x30] =	vst v10  }
0x113: {  	v4 =	vmul.f32 v4, v3;
	[tilespmem:s21+$0xFFFFFFE0] =	vst v8  }
0x114: {  	v6 =	vmul.f32 v6, v3;
	[tilespmem:s21+$0xFFFFFFF0] =	vst v2  }
0x115: {  	s14 =	smul.u32 $0x300, s13;
	v7 =	vmul.f32 v7, v3;
	[tilespmem:s21+$0x20] =	vst v4  }
0x116: {  	v3 =	vmul.f32 v5, v3;
	[tilespmem:s21+$0x10] =	vst v6  }
0x117: {  	s14 =	sshra.s32 s14, $0x2;
	[tilespmem:s21+$0x0] =	vst v7  }
0x118: {  	s16 =	simm.s32 $0x186A0;
	s14 =	sadd.s32 $0x16010, s14;
	[tilespmem:s21+$0xFFFFFFD0] =	vst v3;
	s21 =	simm.s32 $0x2  }
0x119: {  	[spmem:s3] =	stream.indirect.scatter.add.f32 [tilespmem:s16], [sflag:$0xD], $0x90, s14, s22, $0xb8;
	[tilespmem:$0x1F8A0] =	vst v63  }
0x11a: {  	s24 =	sadd.s32 $0x0, s10;
	_ =	swait.ge [sflag:s21], $0x900  }
0x11b: {  	v2 =	vmov s24;
	[sflag:s21] =	ssyncset.done $0x0  }
0x11c: {  	[sflag:s21] =	ssyncadd.s32 $0xFFFFF700;
	s21 =	simm.s32 $0x18FE0  }
0x11d: {  	v7 =	vld [tilespmem:s21+$0xFFFFFFC0]  }
0x11e: {  	v10 =	vld [tilespmem:s21+$0x30]  }
0x11f: {  	v8 =	vld [tilespmem:s21+$0x40]  }
0x120: {  	v3 =	vld.idx.msk [tilespmem:v2+s19+$0x0], $0xffff  }
0x121: {  	v12 =	vld [tilespmem:s21+$0xFFFFFFE0]  }
0x122: {  	v2 =	vld [tilespmem:s21+$0xFFFFFFF0]  }
0x123: {  	v4 =	vld [tilespmem:s21+$0x20]  }
0x124: {  	v5 =	vld [tilespmem:s21+$0xFFFFFFD0]  }
0x125: {  	v6 =	vld [tilespmem:s21+$0x10]  }
0x126: {  	v11 =	vmul.f32 v7, v3;
	v9 =	vmul.f32 v8, v3;
	v7 =	vld [tilespmem:s21+$0x0]  }
0x127: {  	s16 =	simm.s32 $0x1;
	s14 =	simm.s32 $0x18FE0;
	v8 =	vmul.f32 v12, v3;
	v10 =	vmul.f32 v10, v3  }
.LBB2_10:
0x128: {  	p0 =	sne.s32 s16, $0xF  }
0x129: {  	[tilespmem:s21+$0xFFFFFFC0] =	vst v11;
	v5 =	vmul.f32 v5, v3;
	v4 =	vmul.f32 v4, v3;
	s14 =	sadd.s32 $0x90, s14;
	s24 =	smov.u32 s16;
	s16 =	sadd.s32 $0x1, s16  }
0x12a: {  	v11 =	vmul.f32 v2, v3;
	v2 =	vmul.f32 v6, v3;
	[tilespmem:s21+$0x40] =	vst v9  }
0x12b: {  	v3 =	vmul.f32 v7, v3;
	[tilespmem:s21+$0x30] =	vst v10  }
0x12c: {  	s24 =	sadd.s32 s24, s10;
	[tilespmem:s21+$0xFFFFFFE0] =	vst v8  }
0x12d: {  	v6 =	vmov s24;
	[tilespmem:s21+$0x10] =	vst v2  }
0x12e: {  	v2 =	vld [tilespmem:s14+$0xFFFFFFF0];
	[tilespmem:s21+$0x0] =	vst v3  }
0x12f: {  	v8 =	vld [tilespmem:s14+$0xFFFFFFC0];
	[tilespmem:s21+$0xFFFFFFF0] =	vst v11  }
0x130: {  	v10 =	vld [tilespmem:s14+$0x30];
	[tilespmem:s21+$0x20] =	vst v4  }
0x131: {  	v9 =	vld [tilespmem:s14+$0x40];
	[tilespmem:s21+$0xFFFFFFD0] =	vst v5;
	s21 =	smov.u32 s14  }
0x132: {  	v3 =	vld.idx.msk [tilespmem:v6+s19+$0x0], $0xffff  }
0x133: {  	v12 =	vld [tilespmem:s14+$0xFFFFFFE0]  }
0x134: {  	v4 =	vld [tilespmem:s14+$0x20]  }
.Ltmp3:
0x135: {  	v5 =	vld [tilespmem:s14+$0xFFFFFFD0];
	(pc) =	sbr.rel @p0 .LBB2_10-.Ltmp3, $4  }
0x136: {  	v6 =	vld [tilespmem:s14+$0x10]  }
0x137: {  	v7 =	vld [tilespmem:s14+$0x0]  }
0x138: {  	v11 =	vmul.f32 v8, v3;
	v9 =	vmul.f32 v9, v3  }
0x139: {  	v10 =	vmul.f32 v10, v3;
	v8 =	vmul.f32 v12, v3  }
0x13a: {  	[tilespmem:s21+$0xFFFFFFC0] =	vst v11  }
0x13b: {  	[tilespmem:s21+$0x40] =	vst v9  }
0x13c: {  	v2 =	vmul.f32 v2, v3;
	[tilespmem:s21+$0x30] =	vst v10  }
0x13d: {  	v4 =	vmul.f32 v4, v3;
	[tilespmem:s21+$0xFFFFFFE0] =	vst v8  }
0x13e: {  	v6 =	vmul.f32 v6, v3;
	[tilespmem:s21+$0xFFFFFFF0] =	vst v2  }
0x13f: {  	v7 =	vmul.f32 v7, v3;
	[tilespmem:s21+$0x20] =	vst v4  }
0x140: {  	v3 =	vmul.f32 v5, v3;
	[tilespmem:s21+$0x10] =	vst v6  }
0x141: {  	[tilespmem:s21+$0x0] =	vst v7  }
0x142: {  	s14 =	sadd.s32 $0x16010, s20;
	s24 =	simm.s32 $0x18FA0;
	s16 =	simm.s32 $0x3;
	[tilespmem:s21+$0xFFFFFFD0] =	vst v3  }
0x143: {  	[spmem:s3] =	stream.indirect.scatter.add.f32 [tilespmem:s24], [sflag:$0xE], $0x90, s14, s22, $0xb8;
	[tilespmem:$0x1F8A0] =	vst v63  }
0x144: {  	_ =	swait.ge [sflag:s16], $0x900  }
0x145: {  	s21 =	sadd.s32 $0x0, s11;
	[sflag:s16] =	ssyncset.done $0x0  }
0x146: {  	s20 =	simm.s32 $0x198E0;
	v2 =	vmov s21;
	[sflag:s16] =	ssyncadd.s32 $0xFFFFF700  }
0x147: {  	v7 =	vld [tilespmem:s20+$0xFFFFFFC0]  }
0x148: {  	v10 =	vld [tilespmem:s20+$0x30]  }
0x149: {  	v8 =	vld [tilespmem:s20+$0x40]  }
0x14a: {  	v12 =	vld [tilespmem:s20+$0xFFFFFFE0]  }
0x14b: {  	v3 =	vld.idx.msk [tilespmem:v2+s19+$0x0], $0xffff  }
0x14c: {  	v4 =	vld [tilespmem:s20+$0x20]  }
0x14d: {  	v5 =	vld [tilespmem:s20+$0xFFFFFFD0]  }
0x14e: {  	v6 =	vld [tilespmem:s20+$0x10]  }
0x14f: {  	v2 =	vld [tilespmem:s20+$0xFFFFFFF0]  }
0x150: {  	v11 =	vmul.f32 v7, v3;
	v9 =	vmul.f32 v8, v3;
	v7 =	vld [tilespmem:s20+$0x0]  }
0x151: {  	s14 =	simm.s32 $0x198E0;
	s16 =	simm.s32 $0x1;
	v8 =	vmul.f32 v12, v3;
	v10 =	vmul.f32 v10, v3  }
.LBB2_12:
0x152: {  	p0 =	sne.s32 s16, $0xF  }
0x153: {  	[tilespmem:s20+$0xFFFFFFC0] =	vst v11;
	v5 =	vmul.f32 v5, v3;
	v4 =	vmul.f32 v4, v3;
	s14 =	sadd.s32 $0x90, s14;
	s21 =	smov.u32 s16;
	s16 =	sadd.s32 $0x1, s16  }
0x154: {  	v11 =	vmul.f32 v2, v3;
	v2 =	vmul.f32 v6, v3;
	[tilespmem:s20+$0x40] =	vst v9  }
0x155: {  	v3 =	vmul.f32 v7, v3;
	[tilespmem:s20+$0x30] =	vst v10  }
0x156: {  	s21 =	sadd.s32 s21, s11;
	[tilespmem:s20+$0xFFFFFFE0] =	vst v8  }
0x157: {  	v6 =	vmov s21;
	[tilespmem:s20+$0x10] =	vst v2  }
0x158: {  	v2 =	vld [tilespmem:s14+$0xFFFFFFF0];
	[tilespmem:s20+$0x0] =	vst v3  }
0x159: {  	v8 =	vld [tilespmem:s14+$0xFFFFFFC0];
	[tilespmem:s20+$0xFFFFFFF0] =	vst v11  }
0x15a: {  	v10 =	vld [tilespmem:s14+$0x30];
	[tilespmem:s20+$0x20] =	vst v4  }
0x15b: {  	v9 =	vld [tilespmem:s14+$0x40];
	[tilespmem:s20+$0xFFFFFFD0] =	vst v5;
	s20 =	smov.u32 s14  }
0x15c: {  	v3 =	vld.idx.msk [tilespmem:v6+s19+$0x0], $0xffff  }
0x15d: {  	v12 =	vld [tilespmem:s14+$0xFFFFFFE0]  }
0x15e: {  	v4 =	vld [tilespmem:s14+$0x20]  }
.Ltmp4:
0x15f: {  	v5 =	vld [tilespmem:s14+$0xFFFFFFD0];
	(pc) =	sbr.rel @p0 .LBB2_12-.Ltmp4, $4  }
0x160: {  	v6 =	vld [tilespmem:s14+$0x10]  }
0x161: {  	v7 =	vld [tilespmem:s14+$0x0]  }
0x162: {  	v11 =	vmul.f32 v8, v3;
	v9 =	vmul.f32 v9, v3  }
0x163: {  	v10 =	vmul.f32 v10, v3;
	v8 =	vmul.f32 v12, v3  }
0x164: {  	[tilespmem:s20+$0xFFFFFFC0] =	vst v11  }
0x165: {  	[tilespmem:s20+$0x40] =	vst v9  }
0x166: {  	v2 =	vmul.f32 v2, v3;
	[tilespmem:s20+$0x30] =	vst v10  }
0x167: {  	v4 =	vmul.f32 v4, v3;
	[tilespmem:s20+$0xFFFFFFE0] =	vst v8  }
0x168: {  	v6 =	vmul.f32 v6, v3;
	[tilespmem:s20+$0xFFFFFFF0] =	vst v2  }
0x169: {  	v7 =	vmul.f32 v7, v3;
	[tilespmem:s20+$0x20] =	vst v4  }
0x16a: {  	v3 =	vmul.f32 v5, v3;
	[tilespmem:s20+$0x10] =	vst v6  }
0x16b: {  	[tilespmem:s20+$0x0] =	vst v7  }
0x16c: {  	s4 =	sadd.s32 $0x16010, s4;
	s21 =	simm.s32 $0x198A0;
	s14 =	simm.s32 $0x4;
	[tilespmem:s20+$0xFFFFFFD0] =	vst v3  }
0x16d: {  	[spmem:s3] =	stream.indirect.scatter.add.f32 [tilespmem:s21], [sflag:$0xF], $0x90, s4, s22, $0xb8;
	[tilespmem:$0x1F8A0] =	vst v63  }
0x16e: {  	_ =	swait.ge [sflag:s14], $0x900  }
0x16f: {  	s20 =	sadd.s32 $0x0, s12;
	[sflag:s14] =	ssyncset.done $0x0  }
0x170: {  	v2 =	vmov s20;
	s4 =	simm.s32 $0x1A1E0;
	[sflag:s14] =	ssyncadd.s32 $0xFFFFF700  }
0x171: {  	v7 =	vld [tilespmem:s4+$0xFFFFFFC0]  }
0x172: {  	v10 =	vld [tilespmem:s4+$0x30]  }
0x173: {  	v8 =	vld [tilespmem:s4+$0x40]  }
0x174: {  	v12 =	vld [tilespmem:s4+$0xFFFFFFE0]  }
0x175: {  	v3 =	vld.idx.msk [tilespmem:v2+s19+$0x0], $0xffff  }
0x176: {  	v4 =	vld [tilespmem:s4+$0x20]  }
0x177: {  	v5 =	vld [tilespmem:s4+$0xFFFFFFD0]  }
0x178: {  	v6 =	vld [tilespmem:s4+$0x10]  }
0x179: {  	v2 =	vld [tilespmem:s4+$0xFFFFFFF0]  }
0x17a: {  	v11 =	vmul.f32 v7, v3;
	v9 =	vmul.f32 v8, v3;
	v7 =	vld [tilespmem:s4+$0x0]  }
0x17b: {  	s16 =	simm.s32 $0x1;
	s14 =	simm.s32 $0x1A1E0;
	v8 =	vmul.f32 v12, v3;
	v10 =	vmul.f32 v10, v3  }
.LBB2_14:
0x17c: {  	p0 =	sne.s32 s16, $0xF  }
0x17d: {  	[tilespmem:s4+$0xFFFFFFC0] =	vst v11;
	v5 =	vmul.f32 v5, v3;
	v4 =	vmul.f32 v4, v3;
	s14 =	sadd.s32 $0x90, s14;
	s20 =	smov.u32 s16;
	s16 =	sadd.s32 $0x1, s16  }
0x17e: {  	v11 =	vmul.f32 v2, v3;
	v2 =	vmul.f32 v6, v3;
	[tilespmem:s4+$0x40] =	vst v9  }
0x17f: {  	v3 =	vmul.f32 v7, v3;
	[tilespmem:s4+$0x30] =	vst v10  }
0x180: {  	s20 =	sadd.s32 s20, s12;
	[tilespmem:s4+$0xFFFFFFE0] =	vst v8  }
0x181: {  	v6 =	vmov s20;
	[tilespmem:s4+$0x10] =	vst v2  }
0x182: {  	v2 =	vld [tilespmem:s14+$0xFFFFFFF0];
	[tilespmem:s4+$0x0] =	vst v3  }
0x183: {  	v8 =	vld [tilespmem:s14+$0xFFFFFFC0];
	[tilespmem:s4+$0xFFFFFFF0] =	vst v11  }
0x184: {  	v10 =	vld [tilespmem:s14+$0x30];
	[tilespmem:s4+$0x20] =	vst v4  }
0x185: {  	v9 =	vld [tilespmem:s14+$0x40];
	[tilespmem:s4+$0xFFFFFFD0] =	vst v5;
	s4 =	smov.u32 s14  }
0x186: {  	v3 =	vld.idx.msk [tilespmem:v6+s19+$0x0], $0xffff  }
0x187: {  	v12 =	vld [tilespmem:s14+$0xFFFFFFE0]  }
0x188: {  	v4 =	vld [tilespmem:s14+$0x20]  }
.Ltmp5:
0x189: {  	v5 =	vld [tilespmem:s14+$0xFFFFFFD0];
	(pc) =	sbr.rel @p0 .LBB2_14-.Ltmp5, $4  }
0x18a: {  	v6 =	vld [tilespmem:s14+$0x10]  }
0x18b: {  	v7 =	vld [tilespmem:s14+$0x0]  }
0x18c: {  	v11 =	vmul.f32 v8, v3;
	v9 =	vmul.f32 v9, v3  }
0x18d: {  	v10 =	vmul.f32 v10, v3;
	v8 =	vmul.f32 v12, v3  }
0x18e: {  	[tilespmem:s4+$0xFFFFFFC0] =	vst v11  }
0x18f: {  	[tilespmem:s4+$0x40] =	vst v9  }
0x190: {  	v2 =	vmul.f32 v2, v3;
	[tilespmem:s4+$0x30] =	vst v10  }
0x191: {  	v4 =	vmul.f32 v4, v3;
	[tilespmem:s4+$0xFFFFFFE0] =	vst v8  }
0x192: {  	v6 =	vmul.f32 v6, v3;
	[tilespmem:s4+$0xFFFFFFF0] =	vst v2  }
0x193: {  	v7 =	vmul.f32 v7, v3;
	[tilespmem:s4+$0x20] =	vst v4  }
0x194: {  	v3 =	vmul.f32 v5, v3;
	[tilespmem:s4+$0x10] =	vst v6  }
0x195: {  	[tilespmem:s4+$0x0] =	vst v7  }
0x196: {  	s0 =	sadd.s32 $0x16010, s0;
	s20 =	simm.s32 $0x1A1A0;
	s14 =	simm.s32 $0x5;
	[tilespmem:s4+$0xFFFFFFD0] =	vst v3  }
0x197: {  	[spmem:s3] =	stream.indirect.scatter.add.f32 [tilespmem:s20], [sflag:$0x10], $0x90, s0, s22, $0xb8;
	[tilespmem:$0x1F8A0] =	vst v63  }
0x198: {  	s16 =	sadd.s32 $0x0, s9;
	_ =	swait.ge [sflag:s14], $0x900  }
0x199: {  	v2 =	vmov s16;
	[sflag:s14] =	ssyncset.done $0x0  }
0x19a: {  	s0 =	simm.s32 $0x1AAE0;
	[sflag:s14] =	ssyncadd.s32 $0xFFFFF700  }
0x19b: {  	v7 =	vld [tilespmem:s0+$0xFFFFFFC0]  }
0x19c: {  	v10 =	vld [tilespmem:s0+$0x30]  }
0x19d: {  	v8 =	vld [tilespmem:s0+$0x40]  }
0x19e: {  	v3 =	vld.idx.msk [tilespmem:v2+s19+$0x0], $0xffff  }
0x19f: {  	v12 =	vld [tilespmem:s0+$0xFFFFFFE0]  }
0x1a0: {  	v2 =	vld [tilespmem:s0+$0xFFFFFFF0]  }
0x1a1: {  	v4 =	vld [tilespmem:s0+$0x20]  }
0x1a2: {  	v5 =	vld [tilespmem:s0+$0xFFFFFFD0]  }
0x1a3: {  	v6 =	vld [tilespmem:s0+$0x10]  }
0x1a4: {  	v11 =	vmul.f32 v7, v3;
	v9 =	vmul.f32 v8, v3;
	v7 =	vld [tilespmem:s0+$0x0]  }
0x1a5: {  	s4 =	simm.s32 $0x1;
	s14 =	simm.s32 $0x1AAE0;
	v8 =	vmul.f32 v12, v3;
	v10 =	vmul.f32 v10, v3  }
.LBB2_16:
0x1a6: {  	p0 =	sne.s32 s4, $0xF  }
0x1a7: {  	[tilespmem:s0+$0xFFFFFFC0] =	vst v11;
	v5 =	vmul.f32 v5, v3;
	v4 =	vmul.f32 v4, v3;
	s14 =	sadd.s32 $0x90, s14;
	s16 =	smov.u32 s4;
	s4 =	sadd.s32 $0x1, s4  }
0x1a8: {  	v11 =	vmul.f32 v2, v3;
	v2 =	vmul.f32 v6, v3;
	[tilespmem:s0+$0x40] =	vst v9  }
0x1a9: {  	v3 =	vmul.f32 v7, v3;
	[tilespmem:s0+$0x30] =	vst v10  }
0x1aa: {  	s16 =	sadd.s32 s16, s9;
	[tilespmem:s0+$0xFFFFFFE0] =	vst v8  }
0x1ab: {  	v6 =	vmov s16;
	[tilespmem:s0+$0x10] =	vst v2  }
0x1ac: {  	v2 =	vld [tilespmem:s14+$0xFFFFFFF0];
	[tilespmem:s0+$0x0] =	vst v3  }
0x1ad: {  	v8 =	vld [tilespmem:s14+$0xFFFFFFC0];
	[tilespmem:s0+$0xFFFFFFF0] =	vst v11  }
0x1ae: {  	v10 =	vld [tilespmem:s14+$0x30];
	[tilespmem:s0+$0x20] =	vst v4  }
0x1af: {  	v9 =	vld [tilespmem:s14+$0x40];
	[tilespmem:s0+$0xFFFFFFD0] =	vst v5;
	s0 =	smov.u32 s14  }
0x1b0: {  	v3 =	vld.idx.msk [tilespmem:v6+s19+$0x0], $0xffff  }
0x1b1: {  	v12 =	vld [tilespmem:s14+$0xFFFFFFE0]  }
0x1b2: {  	v4 =	vld [tilespmem:s14+$0x20]  }
.Ltmp6:
0x1b3: {  	v5 =	vld [tilespmem:s14+$0xFFFFFFD0];
	(pc) =	sbr.rel @p0 .LBB2_16-.Ltmp6, $4  }
0x1b4: {  	v6 =	vld [tilespmem:s14+$0x10]  }
0x1b5: {  	v7 =	vld [tilespmem:s14+$0x0]  }
0x1b6: {  	v11 =	vmul.f32 v8, v3;
	v9 =	vmul.f32 v9, v3  }
0x1b7: {  	v10 =	vmul.f32 v10, v3;
	v8 =	vmul.f32 v12, v3  }
0x1b8: {  	[tilespmem:s0+$0xFFFFFFC0] =	vst v11  }
0x1b9: {  	[tilespmem:s0+$0x40] =	vst v9  }
0x1ba: {  	v2 =	vmul.f32 v2, v3;
	[tilespmem:s0+$0x30] =	vst v10  }
0x1bb: {  	v4 =	vmul.f32 v4, v3;
	[tilespmem:s0+$0xFFFFFFE0] =	vst v8  }
0x1bc: {  	v6 =	vmul.f32 v6, v3;
	[tilespmem:s0+$0xFFFFFFF0] =	vst v2  }
0x1bd: {  	v7 =	vmul.f32 v7, v3;
	[tilespmem:s0+$0x20] =	vst v4  }
0x1be: {  	v3 =	vmul.f32 v5, v3;
	[tilespmem:s0+$0x10] =	vst v6  }
0x1bf: {  	[tilespmem:s0+$0x0] =	vst v7  }
0x1c0: {  	s14 =	sadd.s32 $0x16010, s31;
	s31 =	simm.s32 $0x1AAA0;
	s4 =	simm.s32 $0x6;
	[tilespmem:s0+$0xFFFFFFD0] =	vst v3  }
0x1c1: {  	[spmem:s3] =	stream.indirect.scatter.add.f32 [tilespmem:s31], [sflag:$0x11], $0x90, s14, s22, $0xb8;
	[tilespmem:$0x1F8A0] =	vst v63  }
0x1c2: {  	s16 =	sadd.s32 $0x0, s2;
	_ =	swait.ge [sflag:s4], $0x900  }
0x1c3: {  	v2 =	vmov s16;
	[sflag:s4] =	ssyncset.done $0x0  }
0x1c4: {  	s0 =	simm.s32 $0x1B3E0;
	[sflag:s4] =	ssyncadd.s32 $0xFFFFF700  }
0x1c5: {  	v7 =	vld [tilespmem:s0+$0xFFFFFFC0]  }
0x1c6: {  	v10 =	vld [tilespmem:s0+$0x30]  }
0x1c7: {  	v8 =	vld [tilespmem:s0+$0x40]  }
0x1c8: {  	v3 =	vld.idx.msk [tilespmem:v2+s19+$0x0], $0xffff  }
0x1c9: {  	v12 =	vld [tilespmem:s0+$0xFFFFFFE0]  }
0x1ca: {  	v2 =	vld [tilespmem:s0+$0xFFFFFFF0]  }
0x1cb: {  	v4 =	vld [tilespmem:s0+$0x20]  }
0x1cc: {  	v5 =	vld [tilespmem:s0+$0xFFFFFFD0]  }
0x1cd: {  	v6 =	vld [tilespmem:s0+$0x10]  }
0x1ce: {  	v11 =	vmul.f32 v7, v3;
	v9 =	vmul.f32 v8, v3;
	v7 =	vld [tilespmem:s0+$0x0]  }
0x1cf: {  	s14 =	simm.s32 $0x1B3E0;
	s4 =	simm.s32 $0x1;
	v8 =	vmul.f32 v12, v3;
	v10 =	vmul.f32 v10, v3  }
.LBB2_18:
0x1d0: {  	p0 =	sne.s32 s4, $0xF  }
0x1d1: {  	[tilespmem:s0+$0xFFFFFFC0] =	vst v11;
	v5 =	vmul.f32 v5, v3;
	v4 =	vmul.f32 v4, v3;
	s14 =	sadd.s32 $0x90, s14;
	s16 =	smov.u32 s4;
	s4 =	sadd.s32 $0x1, s4  }
0x1d2: {  	v11 =	vmul.f32 v2, v3;
	v2 =	vmul.f32 v6, v3;
	[tilespmem:s0+$0x40] =	vst v9  }
0x1d3: {  	v3 =	vmul.f32 v7, v3;
	[tilespmem:s0+$0x30] =	vst v10  }
0x1d4: {  	s16 =	sadd.s32 s16, s2;
	[tilespmem:s0+$0xFFFFFFE0] =	vst v8  }
0x1d5: {  	v6 =	vmov s16;
	[tilespmem:s0+$0x10] =	vst v2  }
0x1d6: {  	v2 =	vld [tilespmem:s14+$0xFFFFFFF0];
	[tilespmem:s0+$0x0] =	vst v3  }
0x1d7: {  	v8 =	vld [tilespmem:s14+$0xFFFFFFC0];
	[tilespmem:s0+$0xFFFFFFF0] =	vst v11  }
0x1d8: {  	v10 =	vld [tilespmem:s14+$0x30];
	[tilespmem:s0+$0x20] =	vst v4  }
0x1d9: {  	v9 =	vld [tilespmem:s14+$0x40];
	[tilespmem:s0+$0xFFFFFFD0] =	vst v5;
	s0 =	smov.u32 s14  }
0x1da: {  	v3 =	vld.idx.msk [tilespmem:v6+s19+$0x0], $0xffff  }
0x1db: {  	v12 =	vld [tilespmem:s14+$0xFFFFFFE0]  }
0x1dc: {  	v4 =	vld [tilespmem:s14+$0x20]  }
.Ltmp7:
0x1dd: {  	v5 =	vld [tilespmem:s14+$0xFFFFFFD0];
	(pc) =	sbr.rel @p0 .LBB2_18-.Ltmp7, $4  }
0x1de: {  	v6 =	vld [tilespmem:s14+$0x10]  }
0x1df: {  	v7 =	vld [tilespmem:s14+$0x0]  }
0x1e0: {  	v11 =	vmul.f32 v8, v3;
	v9 =	vmul.f32 v9, v3  }
0x1e1: {  	v10 =	vmul.f32 v10, v3;
	v8 =	vmul.f32 v12, v3  }
0x1e2: {  	[tilespmem:s0+$0xFFFFFFC0] =	vst v11  }
0x1e3: {  	[tilespmem:s0+$0x40] =	vst v9  }
0x1e4: {  	v2 =	vmul.f32 v2, v3;
	[tilespmem:s0+$0x30] =	vst v10  }
0x1e5: {  	v4 =	vmul.f32 v4, v3;
	[tilespmem:s0+$0xFFFFFFE0] =	vst v8  }
0x1e6: {  	v6 =	vmul.f32 v6, v3;
	[tilespmem:s0+$0xFFFFFFF0] =	vst v2  }
0x1e7: {  	v7 =	vmul.f32 v7, v3;
	[tilespmem:s0+$0x20] =	vst v4  }
0x1e8: {  	v3 =	vmul.f32 v5, v3;
	[tilespmem:s0+$0x10] =	vst v6  }
0x1e9: {  	[tilespmem:s0+$0x0] =	vst v7  }
0x1ea: {  	s14 =	sadd.s32 $0x16010, s30;
	s30 =	simm.s32 $0x1B3A0;
	s4 =	simm.s32 $0x7;
	[tilespmem:s0+$0xFFFFFFD0] =	vst v3  }
0x1eb: {  	[spmem:s3] =	stream.indirect.scatter.add.f32 [tilespmem:s30], [sflag:$0x12], $0x90, s14, s22, $0xb8;
	[tilespmem:$0x1F8A0] =	vst v63  }
0x1ec: {  	s16 =	sadd.s32 $0x0, s1;
	_ =	swait.ge [sflag:s4], $0x900  }
0x1ed: {  	v2 =	vmov s16;
	[sflag:s4] =	ssyncset.done $0x0  }
0x1ee: {  	s0 =	simm.s32 $0x1BCE0;
	[sflag:s4] =	ssyncadd.s32 $0xFFFFF700  }
0x1ef: {  	v7 =	vld [tilespmem:s0+$0xFFFFFFC0]  }
0x1f0: {  	v10 =	vld [tilespmem:s0+$0x30]  }
0x1f1: {  	v8 =	vld [tilespmem:s0+$0x40]  }
0x1f2: {  	v3 =	vld.idx.msk [tilespmem:v2+s19+$0x0], $0xffff  }
0x1f3: {  	v12 =	vld [tilespmem:s0+$0xFFFFFFE0]  }
0x1f4: {  	v2 =	vld [tilespmem:s0+$0xFFFFFFF0]  }
0x1f5: {  	v4 =	vld [tilespmem:s0+$0x20]  }
0x1f6: {  	v5 =	vld [tilespmem:s0+$0xFFFFFFD0]  }
0x1f7: {  	v6 =	vld [tilespmem:s0+$0x10]  }
0x1f8: {  	v11 =	vmul.f32 v7, v3;
	v9 =	vmul.f32 v8, v3;
	v7 =	vld [tilespmem:s0+$0x0]  }
0x1f9: {  	s14 =	simm.s32 $0x1BCE0;
	s4 =	simm.s32 $0x1;
	v8 =	vmul.f32 v12, v3;
	v10 =	vmul.f32 v10, v3  }
.LBB2_20:
0x1fa: {  	p0 =	sne.s32 s4, $0xF  }
0x1fb: {  	[tilespmem:s0+$0xFFFFFFC0] =	vst v11;
	v5 =	vmul.f32 v5, v3;
	v4 =	vmul.f32 v4, v3;
	s14 =	sadd.s32 $0x90, s14;
	s16 =	smov.u32 s4;
	s4 =	sadd.s32 $0x1, s4  }
0x1fc: {  	v11 =	vmul.f32 v2, v3;
	v2 =	vmul.f32 v6, v3;
	[tilespmem:s0+$0x40] =	vst v9  }
0x1fd: {  	v3 =	vmul.f32 v7, v3;
	[tilespmem:s0+$0x30] =	vst v10  }
0x1fe: {  	s16 =	sadd.s32 s16, s1;
	[tilespmem:s0+$0xFFFFFFE0] =	vst v8  }
0x1ff: {  	v6 =	vmov s16;
	[tilespmem:s0+$0x10] =	vst v2  }
0x200: {  	v2 =	vld [tilespmem:s14+$0xFFFFFFF0];
	[tilespmem:s0+$0x0] =	vst v3  }
0x201: {  	v8 =	vld [tilespmem:s14+$0xFFFFFFC0];
	[tilespmem:s0+$0xFFFFFFF0] =	vst v11  }
0x202: {  	v10 =	vld [tilespmem:s14+$0x30];
	[tilespmem:s0+$0x20] =	vst v4  }
0x203: {  	v9 =	vld [tilespmem:s14+$0x40];
	[tilespmem:s0+$0xFFFFFFD0] =	vst v5;
	s0 =	smov.u32 s14  }
0x204: {  	v3 =	vld.idx.msk [tilespmem:v6+s19+$0x0], $0xffff  }
0x205: {  	v12 =	vld [tilespmem:s14+$0xFFFFFFE0]  }
0x206: {  	v4 =	vld [tilespmem:s14+$0x20]  }
.Ltmp8:
0x207: {  	v5 =	vld [tilespmem:s14+$0xFFFFFFD0];
	(pc) =	sbr.rel @p0 .LBB2_20-.Ltmp8, $4  }
0x208: {  	v6 =	vld [tilespmem:s14+$0x10]  }
0x209: {  	v7 =	vld [tilespmem:s14+$0x0]  }
0x20a: {  	v11 =	vmul.f32 v8, v3;
	v9 =	vmul.f32 v9, v3  }
0x20b: {  	v10 =	vmul.f32 v10, v3;
	v8 =	vmul.f32 v12, v3  }
0x20c: {  	[tilespmem:s0+$0xFFFFFFC0] =	vst v11  }
0x20d: {  	[tilespmem:s0+$0x40] =	vst v9  }
0x20e: {  	v2 =	vmul.f32 v2, v3;
	[tilespmem:s0+$0x30] =	vst v10  }
0x20f: {  	v4 =	vmul.f32 v4, v3;
	[tilespmem:s0+$0xFFFFFFE0] =	vst v8  }
0x210: {  	v6 =	vmul.f32 v6, v3;
	[tilespmem:s0+$0xFFFFFFF0] =	vst v2  }
0x211: {  	v7 =	vmul.f32 v7, v3;
	[tilespmem:s0+$0x20] =	vst v4  }
0x212: {  	v3 =	vmul.f32 v5, v3;
	[tilespmem:s0+$0x10] =	vst v6  }
0x213: {  	[tilespmem:s0+$0x0] =	vst v7  }
0x214: {  	s14 =	sadd.s32 $0x16010, s29;
	s29 =	simm.s32 $0x1BCA0;
	s4 =	simm.s32 $0x8;
	[tilespmem:s0+$0xFFFFFFD0] =	vst v3  }
0x215: {  	[spmem:s3] =	stream.indirect.scatter.add.f32 [tilespmem:s29], [sflag:$0x13], $0x90, s14, s22, $0xb8;
	[tilespmem:$0x1F8A0] =	vst v63  }
0x216: {  	s16 =	sadd.s32 $0x0, s17;
	_ =	swait.ge [sflag:s4], $0x900  }
0x217: {  	v2 =	vmov s16;
	[sflag:s4] =	ssyncset.done $0x0  }
0x218: {  	s0 =	simm.s32 $0x1C5E0;
	[sflag:s4] =	ssyncadd.s32 $0xFFFFF700  }
0x219: {  	v7 =	vld [tilespmem:s0+$0xFFFFFFC0]  }
0x21a: {  	v10 =	vld [tilespmem:s0+$0x30]  }
0x21b: {  	v8 =	vld [tilespmem:s0+$0x40]  }
0x21c: {  	v3 =	vld.idx.msk [tilespmem:v2+s19+$0x0], $0xffff  }
0x21d: {  	v12 =	vld [tilespmem:s0+$0xFFFFFFE0]  }
0x21e: {  	v2 =	vld [tilespmem:s0+$0xFFFFFFF0]  }
0x21f: {  	v4 =	vld [tilespmem:s0+$0x20]  }
0x220: {  	v5 =	vld [tilespmem:s0+$0xFFFFFFD0]  }
0x221: {  	v6 =	vld [tilespmem:s0+$0x10]  }
0x222: {  	v11 =	vmul.f32 v7, v3;
	v9 =	vmul.f32 v8, v3;
	v7 =	vld [tilespmem:s0+$0x0]  }
0x223: {  	s14 =	simm.s32 $0x1C5E0;
	s4 =	simm.s32 $0x1;
	v8 =	vmul.f32 v12, v3;
	v10 =	vmul.f32 v10, v3  }
.LBB2_22:
0x224: {  	p0 =	sne.s32 s4, $0xF  }
0x225: {  	[tilespmem:s0+$0xFFFFFFC0] =	vst v11;
	v5 =	vmul.f32 v5, v3;
	v4 =	vmul.f32 v4, v3;
	s14 =	sadd.s32 $0x90, s14;
	s16 =	smov.u32 s4;
	s4 =	sadd.s32 $0x1, s4  }
0x226: {  	v11 =	vmul.f32 v2, v3;
	v2 =	vmul.f32 v6, v3;
	[tilespmem:s0+$0x40] =	vst v9  }
0x227: {  	v3 =	vmul.f32 v7, v3;
	[tilespmem:s0+$0x30] =	vst v10  }
0x228: {  	s16 =	sadd.s32 s16, s17;
	[tilespmem:s0+$0xFFFFFFE0] =	vst v8  }
0x229: {  	v6 =	vmov s16;
	[tilespmem:s0+$0x10] =	vst v2  }
0x22a: {  	v2 =	vld [tilespmem:s14+$0xFFFFFFF0];
	[tilespmem:s0+$0x0] =	vst v3  }
0x22b: {  	v8 =	vld [tilespmem:s14+$0xFFFFFFC0];
	[tilespmem:s0+$0xFFFFFFF0] =	vst v11  }
0x22c: {  	v10 =	vld [tilespmem:s14+$0x30];
	[tilespmem:s0+$0x20] =	vst v4  }
0x22d: {  	v9 =	vld [tilespmem:s14+$0x40];
	[tilespmem:s0+$0xFFFFFFD0] =	vst v5;
	s0 =	smov.u32 s14  }
0x22e: {  	v3 =	vld.idx.msk [tilespmem:v6+s19+$0x0], $0xffff  }
0x22f: {  	v12 =	vld [tilespmem:s14+$0xFFFFFFE0]  }
0x230: {  	v4 =	vld [tilespmem:s14+$0x20]  }
.Ltmp9:
0x231: {  	v5 =	vld [tilespmem:s14+$0xFFFFFFD0];
	(pc) =	sbr.rel @p0 .LBB2_22-.Ltmp9, $4  }
0x232: {  	v6 =	vld [tilespmem:s14+$0x10]  }
0x233: {  	v7 =	vld [tilespmem:s14+$0x0]  }
0x234: {  	v11 =	vmul.f32 v8, v3;
	v9 =	vmul.f32 v9, v3  }
0x235: {  	v10 =	vmul.f32 v10, v3;
	v8 =	vmul.f32 v12, v3  }
0x236: {  	[tilespmem:s0+$0xFFFFFFC0] =	vst v11  }
0x237: {  	[tilespmem:s0+$0x40] =	vst v9  }
0x238: {  	v2 =	vmul.f32 v2, v3;
	[tilespmem:s0+$0x30] =	vst v10  }
0x239: {  	v4 =	vmul.f32 v4, v3;
	[tilespmem:s0+$0xFFFFFFE0] =	vst v8  }
0x23a: {  	v6 =	vmul.f32 v6, v3;
	[tilespmem:s0+$0xFFFFFFF0] =	vst v2  }
0x23b: {  	v7 =	vmul.f32 v7, v3;
	[tilespmem:s0+$0x20] =	vst v4  }
0x23c: {  	v3 =	vmul.f32 v5, v3;
	[tilespmem:s0+$0x10] =	vst v6  }
0x23d: {  	[tilespmem:s0+$0x0] =	vst v7  }
0x23e: {  	s14 =	sadd.s32 $0x16010, s28;
	s28 =	simm.s32 $0x1C5A0;
	s4 =	simm.s32 $0x9;
	[tilespmem:s0+$0xFFFFFFD0] =	vst v3  }
0x23f: {  	[spmem:s3] =	stream.indirect.scatter.add.f32 [tilespmem:s28], [sflag:$0x14], $0x90, s14, s22, $0xb8;
	[tilespmem:$0x1F8A0] =	vst v63  }
0x240: {  	s16 =	sadd.s32 $0x0, s18;
	_ =	swait.ge [sflag:s4], $0x900  }
0x241: {  	v2 =	vmov s16;
	[sflag:s4] =	ssyncset.done $0x0  }
0x242: {  	s0 =	simm.s32 $0x1CEE0;
	[sflag:s4] =	ssyncadd.s32 $0xFFFFF700  }
0x243: {  	v7 =	vld [tilespmem:s0+$0xFFFFFFC0]  }
0x244: {  	v10 =	vld [tilespmem:s0+$0x30]  }
0x245: {  	v8 =	vld [tilespmem:s0+$0x40]  }
0x246: {  	v3 =	vld.idx.msk [tilespmem:v2+s19+$0x0], $0xffff  }
0x247: {  	v12 =	vld [tilespmem:s0+$0xFFFFFFE0]  }
0x248: {  	v2 =	vld [tilespmem:s0+$0xFFFFFFF0]  }
0x249: {  	v4 =	vld [tilespmem:s0+$0x20]  }
0x24a: {  	v5 =	vld [tilespmem:s0+$0xFFFFFFD0]  }
0x24b: {  	v6 =	vld [tilespmem:s0+$0x10]  }
0x24c: {  	v11 =	vmul.f32 v7, v3;
	v9 =	vmul.f32 v8, v3;
	v7 =	vld [tilespmem:s0+$0x0]  }
0x24d: {  	s14 =	simm.s32 $0x1CEE0;
	s4 =	simm.s32 $0x1;
	v8 =	vmul.f32 v12, v3;
	v10 =	vmul.f32 v10, v3  }
.LBB2_24:
0x24e: {  	p0 =	sne.s32 s4, $0xF  }
0x24f: {  	[tilespmem:s0+$0xFFFFFFC0] =	vst v11;
	v5 =	vmul.f32 v5, v3;
	v4 =	vmul.f32 v4, v3;
	s14 =	sadd.s32 $0x90, s14;
	s16 =	smov.u32 s4;
	s4 =	sadd.s32 $0x1, s4  }
0x250: {  	v11 =	vmul.f32 v2, v3;
	v2 =	vmul.f32 v6, v3;
	[tilespmem:s0+$0x40] =	vst v9  }
0x251: {  	v3 =	vmul.f32 v7, v3;
	[tilespmem:s0+$0x30] =	vst v10  }
0x252: {  	s16 =	sadd.s32 s16, s18;
	[tilespmem:s0+$0xFFFFFFE0] =	vst v8  }
0x253: {  	v6 =	vmov s16;
	[tilespmem:s0+$0x10] =	vst v2  }
0x254: {  	v2 =	vld [tilespmem:s14+$0xFFFFFFF0];
	[tilespmem:s0+$0x0] =	vst v3  }
0x255: {  	v8 =	vld [tilespmem:s14+$0xFFFFFFC0];
	[tilespmem:s0+$0xFFFFFFF0] =	vst v11  }
0x256: {  	v10 =	vld [tilespmem:s14+$0x30];
	[tilespmem:s0+$0x20] =	vst v4  }
0x257: {  	v9 =	vld [tilespmem:s14+$0x40];
	[tilespmem:s0+$0xFFFFFFD0] =	vst v5;
	s0 =	smov.u32 s14  }
0x258: {  	v3 =	vld.idx.msk [tilespmem:v6+s19+$0x0], $0xffff  }
0x259: {  	v12 =	vld [tilespmem:s14+$0xFFFFFFE0]  }
0x25a: {  	v4 =	vld [tilespmem:s14+$0x20]  }
.Ltmp10:
0x25b: {  	v5 =	vld [tilespmem:s14+$0xFFFFFFD0];
	(pc) =	sbr.rel @p0 .LBB2_24-.Ltmp10, $4  }
0x25c: {  	v6 =	vld [tilespmem:s14+$0x10]  }
0x25d: {  	v7 =	vld [tilespmem:s14+$0x0]  }
0x25e: {  	v11 =	vmul.f32 v8, v3;
	v9 =	vmul.f32 v9, v3  }
0x25f: {  	v10 =	vmul.f32 v10, v3;
	v8 =	vmul.f32 v12, v3  }
0x260: {  	[tilespmem:s0+$0xFFFFFFC0] =	vst v11  }
0x261: {  	[tilespmem:s0+$0x40] =	vst v9  }
0x262: {  	v2 =	vmul.f32 v2, v3;
	[tilespmem:s0+$0x30] =	vst v10  }
0x263: {  	v4 =	vmul.f32 v4, v3;
	[tilespmem:s0+$0xFFFFFFE0] =	vst v8  }
0x264: {  	v6 =	vmul.f32 v6, v3;
	[tilespmem:s0+$0xFFFFFFF0] =	vst v2  }
0x265: {  	v7 =	vmul.f32 v7, v3;
	[tilespmem:s0+$0x20] =	vst v4  }
0x266: {  	v3 =	vmul.f32 v5, v3;
	[tilespmem:s0+$0x10] =	vst v6  }
0x267: {  	[tilespmem:s0+$0x0] =	vst v7  }
0x268: {  	s14 =	sadd.s32 $0x16010, s26;
	s26 =	simm.s32 $0x1CEA0;
	s4 =	simm.s32 $0xA;
	[tilespmem:s0+$0xFFFFFFD0] =	vst v3  }
0x269: {  	[spmem:s3] =	stream.indirect.scatter.add.f32 [tilespmem:s26], [sflag:$0x15], $0x90, s14, s22, $0xb8;
	[tilespmem:$0x1F8A0] =	vst v63  }
0x26a: {  	s16 =	sadd.s32 $0x0, s7;
	_ =	swait.ge [sflag:s4], $0x900  }
0x26b: {  	v2 =	vmov s16;
	[sflag:s4] =	ssyncset.done $0x0  }
0x26c: {  	s0 =	simm.s32 $0x1D7E0;
	[sflag:s4] =	ssyncadd.s32 $0xFFFFF700  }
0x26d: {  	v7 =	vld [tilespmem:s0+$0xFFFFFFC0]  }
0x26e: {  	v10 =	vld [tilespmem:s0+$0x30]  }
0x26f: {  	v8 =	vld [tilespmem:s0+$0x40]  }
0x270: {  	v3 =	vld.idx.msk [tilespmem:v2+s19+$0x0], $0xffff  }
0x271: {  	v12 =	vld [tilespmem:s0+$0xFFFFFFE0]  }
0x272: {  	v2 =	vld [tilespmem:s0+$0xFFFFFFF0]  }
0x273: {  	v4 =	vld [tilespmem:s0+$0x20]  }
0x274: {  	v5 =	vld [tilespmem:s0+$0xFFFFFFD0]  }
0x275: {  	v6 =	vld [tilespmem:s0+$0x10]  }
0x276: {  	v11 =	vmul.f32 v7, v3;
	v9 =	vmul.f32 v8, v3;
	v7 =	vld [tilespmem:s0+$0x0]  }
0x277: {  	s14 =	simm.s32 $0x1D7E0;
	s4 =	simm.s32 $0x1;
	v8 =	vmul.f32 v12, v3;
	v10 =	vmul.f32 v10, v3  }
.LBB2_26:
0x278: {  	p0 =	sne.s32 s4, $0xF  }
0x279: {  	[tilespmem:s0+$0xFFFFFFC0] =	vst v11;
	v5 =	vmul.f32 v5, v3;
	v4 =	vmul.f32 v4, v3;
	s14 =	sadd.s32 $0x90, s14;
	s16 =	smov.u32 s4;
	s4 =	sadd.s32 $0x1, s4  }
0x27a: {  	v11 =	vmul.f32 v2, v3;
	v2 =	vmul.f32 v6, v3;
	[tilespmem:s0+$0x40] =	vst v9  }
0x27b: {  	v3 =	vmul.f32 v7, v3;
	[tilespmem:s0+$0x30] =	vst v10  }
0x27c: {  	s16 =	sadd.s32 s16, s7;
	[tilespmem:s0+$0xFFFFFFE0] =	vst v8  }
0x27d: {  	v6 =	vmov s16;
	[tilespmem:s0+$0x10] =	vst v2  }
0x27e: {  	v2 =	vld [tilespmem:s14+$0xFFFFFFF0];
	[tilespmem:s0+$0x0] =	vst v3  }
0x27f: {  	v8 =	vld [tilespmem:s14+$0xFFFFFFC0];
	[tilespmem:s0+$0xFFFFFFF0] =	vst v11  }
0x280: {  	v10 =	vld [tilespmem:s14+$0x30];
	[tilespmem:s0+$0x20] =	vst v4  }
0x281: {  	v9 =	vld [tilespmem:s14+$0x40];
	[tilespmem:s0+$0xFFFFFFD0] =	vst v5;
	s0 =	smov.u32 s14  }
0x282: {  	v3 =	vld.idx.msk [tilespmem:v6+s19+$0x0], $0xffff  }
0x283: {  	v12 =	vld [tilespmem:s14+$0xFFFFFFE0]  }
0x284: {  	v4 =	vld [tilespmem:s14+$0x20]  }
.Ltmp11:
0x285: {  	v5 =	vld [tilespmem:s14+$0xFFFFFFD0];
	(pc) =	sbr.rel @p0 .LBB2_26-.Ltmp11, $4  }
0x286: {  	v6 =	vld [tilespmem:s14+$0x10]  }
0x287: {  	v7 =	vld [tilespmem:s14+$0x0]  }
0x288: {  	v11 =	vmul.f32 v8, v3;
	v9 =	vmul.f32 v9, v3  }
0x289: {  	v10 =	vmul.f32 v10, v3;
	v8 =	vmul.f32 v12, v3  }
0x28a: {  	[tilespmem:s0+$0xFFFFFFC0] =	vst v11  }
0x28b: {  	[tilespmem:s0+$0x40] =	vst v9  }
0x28c: {  	v2 =	vmul.f32 v2, v3;
	[tilespmem:s0+$0x30] =	vst v10  }
0x28d: {  	v4 =	vmul.f32 v4, v3;
	[tilespmem:s0+$0xFFFFFFE0] =	vst v8  }
0x28e: {  	v6 =	vmul.f32 v6, v3;
	[tilespmem:s0+$0xFFFFFFF0] =	vst v2  }
0x28f: {  	v7 =	vmul.f32 v7, v3;
	[tilespmem:s0+$0x20] =	vst v4  }
0x290: {  	v3 =	vmul.f32 v5, v3;
	[tilespmem:s0+$0x10] =	vst v6  }
0x291: {  	[tilespmem:s0+$0x0] =	vst v7  }
0x292: {  	s14 =	sadd.s32 $0x16010, s25;
	s25 =	simm.s32 $0x1D7A0;
	s4 =	simm.s32 $0xB;
	[tilespmem:s0+$0xFFFFFFD0] =	vst v3  }
0x293: {  	[spmem:s3] =	stream.indirect.scatter.add.f32 [tilespmem:s25], [sflag:$0x16], $0x90, s14, s22, $0xb8;
	[tilespmem:$0x1F8A0] =	vst v63  }
0x294: {  	s16 =	sadd.s32 $0x0, s8;
	_ =	swait.ge [sflag:s4], $0x900  }
0x295: {  	v2 =	vmov s16;
	[sflag:s4] =	ssyncset.done $0x0  }
0x296: {  	s0 =	simm.s32 $0x1E0E0;
	[sflag:s4] =	ssyncadd.s32 $0xFFFFF700  }
0x297: {  	v7 =	vld [tilespmem:s0+$0xFFFFFFC0]  }
0x298: {  	v10 =	vld [tilespmem:s0+$0x30]  }
0x299: {  	v8 =	vld [tilespmem:s0+$0x40]  }
0x29a: {  	v3 =	vld.idx.msk [tilespmem:v2+s19+$0x0], $0xffff  }
0x29b: {  	v12 =	vld [tilespmem:s0+$0xFFFFFFE0]  }
0x29c: {  	v2 =	vld [tilespmem:s0+$0xFFFFFFF0]  }
0x29d: {  	v4 =	vld [tilespmem:s0+$0x20]  }
0x29e: {  	v5 =	vld [tilespmem:s0+$0xFFFFFFD0]  }
0x29f: {  	v6 =	vld [tilespmem:s0+$0x10]  }
0x2a0: {  	v11 =	vmul.f32 v7, v3;
	v9 =	vmul.f32 v8, v3;
	v7 =	vld [tilespmem:s0+$0x0]  }
0x2a1: {  	s14 =	simm.s32 $0x1E0E0;
	s4 =	simm.s32 $0x1;
	v8 =	vmul.f32 v12, v3;
	v10 =	vmul.f32 v10, v3  }
.LBB2_28:
0x2a2: {  	p0 =	sne.s32 s4, $0xF  }
0x2a3: {  	[tilespmem:s0+$0xFFFFFFC0] =	vst v11;
	v5 =	vmul.f32 v5, v3;
	v4 =	vmul.f32 v4, v3;
	s14 =	sadd.s32 $0x90, s14;
	s16 =	smov.u32 s4;
	s4 =	sadd.s32 $0x1, s4  }
0x2a4: {  	v11 =	vmul.f32 v2, v3;
	v2 =	vmul.f32 v6, v3;
	[tilespmem:s0+$0x40] =	vst v9  }
0x2a5: {  	v3 =	vmul.f32 v7, v3;
	[tilespmem:s0+$0x30] =	vst v10  }
0x2a6: {  	s16 =	sadd.s32 s16, s8;
	[tilespmem:s0+$0xFFFFFFE0] =	vst v8  }
0x2a7: {  	v6 =	vmov s16;
	[tilespmem:s0+$0x10] =	vst v2  }
0x2a8: {  	v2 =	vld [tilespmem:s14+$0xFFFFFFF0];
	[tilespmem:s0+$0x0] =	vst v3  }
0x2a9: {  	v8 =	vld [tilespmem:s14+$0xFFFFFFC0];
	[tilespmem:s0+$0xFFFFFFF0] =	vst v11  }
0x2aa: {  	v10 =	vld [tilespmem:s14+$0x30];
	[tilespmem:s0+$0x20] =	vst v4  }
0x2ab: {  	v9 =	vld [tilespmem:s14+$0x40];
	[tilespmem:s0+$0xFFFFFFD0] =	vst v5;
	s0 =	smov.u32 s14  }
0x2ac: {  	v3 =	vld.idx.msk [tilespmem:v6+s19+$0x0], $0xffff  }
0x2ad: {  	v12 =	vld [tilespmem:s14+$0xFFFFFFE0]  }
0x2ae: {  	v4 =	vld [tilespmem:s14+$0x20]  }
.Ltmp12:
0x2af: {  	v5 =	vld [tilespmem:s14+$0xFFFFFFD0];
	(pc) =	sbr.rel @p0 .LBB2_28-.Ltmp12, $4  }
0x2b0: {  	v6 =	vld [tilespmem:s14+$0x10]  }
0x2b1: {  	v7 =	vld [tilespmem:s14+$0x0]  }
0x2b2: {  	v11 =	vmul.f32 v8, v3;
	v9 =	vmul.f32 v9, v3  }
0x2b3: {  	v10 =	vmul.f32 v10, v3;
	v8 =	vmul.f32 v12, v3  }
0x2b4: {  	[tilespmem:s0+$0xFFFFFFC0] =	vst v11  }
0x2b5: {  	[tilespmem:s0+$0x40] =	vst v9  }
0x2b6: {  	v2 =	vmul.f32 v2, v3;
	[tilespmem:s0+$0x30] =	vst v10  }
0x2b7: {  	v4 =	vmul.f32 v4, v3;
	[tilespmem:s0+$0xFFFFFFE0] =	vst v8  }
0x2b8: {  	v6 =	vmul.f32 v6, v3;
	[tilespmem:s0+$0xFFFFFFF0] =	vst v2  }
0x2b9: {  	s4 =	sld [smem:$0x7F6];
	v7 =	vmul.f32 v7, v3;
	[tilespmem:s0+$0x20] =	vst v4  }
0x2ba: {  	v3 =	vmul.f32 v5, v3;
	[tilespmem:s0+$0x10] =	vst v6  }
0x2bb: {  	[tilespmem:s0+$0x0] =	vst v7  }
0x2bc: {  	s14 =	simm.s32 $0xC;
	[tilespmem:s0+$0xFFFFFFD0] =	vst v3;
	s0 =	sadd.s32 $0x16010, s4;
	s4 =	simm.s32 $0x1E0A0  }
0x2bd: {  	[spmem:s3] =	stream.indirect.scatter.add.f32 [tilespmem:s4], [sflag:$0x17], $0x90, s0, s22, $0xb8;
	[tilespmem:$0x1F8A0] =	vst v63  }
0x2be: {  	s16 =	sadd.s32 $0x0, s23;
	_ =	swait.ge [sflag:s14], $0x900  }
0x2bf: {  	v2 =	vmov s16;
	[sflag:s14] =	ssyncset.done $0x0  }
0x2c0: {  	s0 =	simm.s32 $0x1E9E0;
	[sflag:s14] =	ssyncadd.s32 $0xFFFFF700  }
0x2c1: {  	v7 =	vld [tilespmem:s0+$0xFFFFFFC0]  }
0x2c2: {  	v10 =	vld [tilespmem:s0+$0x30]  }
0x2c3: {  	v8 =	vld [tilespmem:s0+$0x40]  }
0x2c4: {  	v3 =	vld.idx.msk [tilespmem:v2+s19+$0x0], $0xffff  }
0x2c5: {  	v12 =	vld [tilespmem:s0+$0xFFFFFFE0]  }
0x2c6: {  	v2 =	vld [tilespmem:s0+$0xFFFFFFF0]  }
0x2c7: {  	v4 =	vld [tilespmem:s0+$0x20]  }
0x2c8: {  	v5 =	vld [tilespmem:s0+$0xFFFFFFD0]  }
0x2c9: {  	v6 =	vld [tilespmem:s0+$0x10]  }
0x2ca: {  	v11 =	vmul.f32 v7, v3;
	v9 =	vmul.f32 v8, v3;
	v7 =	vld [tilespmem:s0+$0x0]  }
0x2cb: {  	s4 =	simm.s32 $0x1;
	s14 =	simm.s32 $0x1E9E0;
	v8 =	vmul.f32 v12, v3;
	v10 =	vmul.f32 v10, v3  }
.LBB2_30:
0x2cc: {  	p0 =	sne.s32 s4, $0xF  }
0x2cd: {  	[tilespmem:s0+$0xFFFFFFC0] =	vst v11;
	v5 =	vmul.f32 v5, v3;
	v4 =	vmul.f32 v4, v3;
	s14 =	sadd.s32 $0x90, s14;
	s16 =	smov.u32 s4;
	s4 =	sadd.s32 $0x1, s4  }
0x2ce: {  	v11 =	vmul.f32 v2, v3;
	v2 =	vmul.f32 v6, v3;
	[tilespmem:s0+$0x40] =	vst v9  }
0x2cf: {  	v3 =	vmul.f32 v7, v3;
	[tilespmem:s0+$0x30] =	vst v10  }
0x2d0: {  	s16 =	sadd.s32 s16, s23;
	[tilespmem:s0+$0xFFFFFFE0] =	vst v8  }
0x2d1: {  	v6 =	vmov s16;
	[tilespmem:s0+$0x10] =	vst v2  }
0x2d2: {  	v2 =	vld [tilespmem:s14+$0xFFFFFFF0];
	[tilespmem:s0+$0x0] =	vst v3  }
0x2d3: {  	v8 =	vld [tilespmem:s14+$0xFFFFFFC0];
	[tilespmem:s0+$0xFFFFFFF0] =	vst v11  }
0x2d4: {  	v10 =	vld [tilespmem:s14+$0x30];
	[tilespmem:s0+$0x20] =	vst v4  }
0x2d5: {  	v9 =	vld [tilespmem:s14+$0x40];
	[tilespmem:s0+$0xFFFFFFD0] =	vst v5;
	s0 =	smov.u32 s14  }
0x2d6: {  	v3 =	vld.idx.msk [tilespmem:v6+s19+$0x0], $0xffff  }
0x2d7: {  	v12 =	vld [tilespmem:s14+$0xFFFFFFE0]  }
0x2d8: {  	v4 =	vld [tilespmem:s14+$0x20]  }
.Ltmp13:
0x2d9: {  	v5 =	vld [tilespmem:s14+$0xFFFFFFD0];
	(pc) =	sbr.rel @p0 .LBB2_30-.Ltmp13, $4  }
0x2da: {  	v6 =	vld [tilespmem:s14+$0x10]  }
0x2db: {  	v7 =	vld [tilespmem:s14+$0x0]  }
0x2dc: {  	v11 =	vmul.f32 v8, v3;
	v9 =	vmul.f32 v9, v3  }
0x2dd: {  	v10 =	vmul.f32 v10, v3;
	v8 =	vmul.f32 v12, v3  }
0x2de: {  	[tilespmem:s0+$0xFFFFFFC0] =	vst v11  }
0x2df: {  	[tilespmem:s0+$0x40] =	vst v9  }
0x2e0: {  	v2 =	vmul.f32 v2, v3;
	[tilespmem:s0+$0x30] =	vst v10  }
0x2e1: {  	v4 =	vmul.f32 v4, v3;
	[tilespmem:s0+$0xFFFFFFE0] =	vst v8  }
0x2e2: {  	v6 =	vmul.f32 v6, v3;
	[tilespmem:s0+$0xFFFFFFF0] =	vst v2  }
0x2e3: {  	s4 =	sld [smem:$0x7F7];
	v7 =	vmul.f32 v7, v3;
	[tilespmem:s0+$0x20] =	vst v4  }
0x2e4: {  	v3 =	vmul.f32 v5, v3;
	[tilespmem:s0+$0x10] =	vst v6  }
0x2e5: {  	[tilespmem:s0+$0x0] =	vst v7  }
0x2e6: {  	s16 =	simm.s32 $0x1E9A0;
	s14 =	simm.s32 $0xD;
	[tilespmem:s0+$0xFFFFFFD0] =	vst v3;
	s0 =	sadd.s32 $0x16010, s4  }
0x2e7: {  	[spmem:s3] =	stream.indirect.scatter.add.f32 [tilespmem:s16], [sflag:$0x18], $0x90, s0, s22, $0xb8;
	[tilespmem:$0x1F8A0] =	vst v63  }
0x2e8: {  	_ =	swait.ge [sflag:s14], $0x900  }
0x2e9: {  	[sflag:s14] =	ssyncset.done $0x0  }
0x2ea: {  	s4 =	simm.s32 $0xE;
	[sflag:s14] =	ssyncadd.s32 $0xFFFFF700  }
0x2eb: {  	_ =	swait.ge [sflag:s4], $0x900  }
0x2ec: {  	[sflag:s4] =	ssyncset.done $0x0  }
0x2ed: {  	s14 =	simm.s32 $0xF;
	[sflag:s4] =	ssyncadd.s32 $0xFFFFF700  }
0x2ee: {  	_ =	swait.ge [sflag:s14], $0x900  }
0x2ef: {  	[sflag:s14] =	ssyncset.done $0x0  }
0x2f0: {  	[sflag:s14] =	ssyncadd.s32 $0xFFFFF700  }
0x2f1: {  	_ =	swait.ge [sflag:s22], $0x900  }
0x2f2: {  	[sflag:s22] =	ssyncset.done $0x0  }
0x2f3: {  	s4 =	simm.s32 $0x11;
	[sflag:s22] =	ssyncadd.s32 $0xFFFFF700  }
0x2f4: {  	_ =	swait.ge [sflag:s4], $0x900  }
0x2f5: {  	[sflag:s4] =	ssyncset.done $0x0  }
0x2f6: {  	s14 =	simm.s32 $0x12;
	[sflag:s4] =	ssyncadd.s32 $0xFFFFF700  }
0x2f7: {  	_ =	swait.ge [sflag:s14], $0x900  }
0x2f8: {  	[sflag:s14] =	ssyncset.done $0x0  }
0x2f9: {  	s4 =	simm.s32 $0x13;
	[sflag:s14] =	ssyncadd.s32 $0xFFFFF700  }
0x2fa: {  	_ =	swait.ge [sflag:s4], $0x900  }
0x2fb: {  	[sflag:s4] =	ssyncset.done $0x0  }
0x2fc: {  	s14 =	simm.s32 $0x14;
	[sflag:s4] =	ssyncadd.s32 $0xFFFFF700  }
0x2fd: {  	_ =	swait.ge [sflag:s14], $0x900  }
0x2fe: {  	[sflag:s14] =	ssyncset.done $0x0  }
0x2ff: {  	s4 =	simm.s32 $0x15;
	[sflag:s14] =	ssyncadd.s32 $0xFFFFF700  }
0x300: {  	_ =	swait.ge [sflag:s4], $0x900  }
0x301: {  	[sflag:s4] =	ssyncset.done $0x0  }
0x302: {  	s14 =	simm.s32 $0x16;
	[sflag:s4] =	ssyncadd.s32 $0xFFFFF700  }
0x303: {  	s13 =	sadd.s32 $0x1, s13;
	_ =	swait.ge [sflag:s14], $0x900  }
0x304: {  	s5 =	sadd.s32 $0xC0, s5;
	s10 =	sadd.s32 $0xC0, s10;
	[sflag:s14] =	ssyncset.done $0x0  }
0x305: {  	s11 =	sadd.s32 $0xC0, s11;
	s4 =	simm.s32 $0x17;
	[sflag:s14] =	ssyncadd.s32 $0xFFFFF700  }
0x306: {  	s12 =	sadd.s32 $0xC0, s12;
	p0 =	sne.s32 s13, $0x8;
	_ =	swait.ge [sflag:s4], $0x900  }
.Ltmp14:
0x307: {  	s9 =	sadd.s32 $0xC0, s9;
	[sflag:s4] =	ssyncset.done $0x0;
	(pc) =	sbr.rel @p0 .LBB2_7-.Ltmp14, $4  }
0x308: {  	s2 =	sadd.s32 $0xC0, s2;
	s14 =	simm.s32 $0x18;
	[sflag:s4] =	ssyncadd.s32 $0xFFFFF700  }
0x309: {  	s1 =	sadd.s32 $0xC0, s1;
	s17 =	sadd.s32 $0xC0, s17;
	_ =	swait.ge [sflag:s14], $0x900  }
0x30a: {  	s18 =	sadd.s32 $0xC0, s18;
	s7 =	sadd.s32 $0xC0, s7;
	[sflag:s14] =	ssyncset.done $0x0  }
0x30b: {  	s8 =	sadd.s32 $0xC0, s8;
	s23 =	sadd.s32 $0xC0, s23;
	[sflag:s14] =	ssyncadd.s32 $0xFFFFF700  }
0x30c: {  	s0 =	sld [smem:$0x7F8];
	_ =	sdelay $0x2  }
0x30d: {  	s0 =	sadd.s32 $0x1, s0  }
0x30e: {  	p0 =	sne.s32 s0, $0x7  }
.Ltmp15:
0x30f: {  	_ = 	snop;
	(pc) =	sbr.rel @p0 .LBB2_4-.Ltmp15, $1  }
0x310: {  	_ =	sdelay $0x3  }
0x311: {  	[bflag:$0x0] =	sbarrier.arrive $0xFFFF;
	s0 =	simm.s32 $0x0;
	s1 =	simm.s32 $0x0  }
0x312: {  	s12 =	simm.s32 $0x19;
	s13 =	simm.s32 $0x80;
	s10 =	rddreg [dreg:$0x6]  }
0x313: {  	s14 =	simm.s32 $0x100;
	s17 =	simm.s32 $0x17A20;
	s11 =	rddreg [dreg:$0x15]  }
.LBB2_34:
0x314: {  	s2 =	smul.u32 $0x19, s1  }
0x315: {  	v2 =	vmov s0  }
0x316: {  	v2 =	vmul.u32 $0x90, v2;
	s2 =	sadd.s32 s10, s2  }
0x317: {  	s4 =	smul.u32 $0x240, s2  }
0x318: {  	v2 =	vadd.s32 $0x80, v2  }
0x319: {  	v2 =	vbroadcast v2, $0x0;
	s4 =	sshra.s32 s4, $0x2  }
0x31a: {  	s4 =	sadd.s32 s4, s3  }
0x31b: {  	[tilespmem:s15], [sflag:$0x19] =	stream.linear.gather [spmem:s4], $0xE10, $0x38;
	[tilespmem:$0x1F8A0] =	vst v63  }
0x31c: {  	_ =	swait.ge [sflag:s12], $0xE10  }
0x31d: {  	[sflag:s12] =	ssyncset.done $0x0  }
0x31e: {  	[sflag:s12] =	ssyncadd.s32 $0xFFFFF1F0  }
0x31f: {  	v2 =	vld.idx.msk [tilespmem:v2+s15+$0x0], $0xffff;
	_ =	sdelay $0x4  }
0x320: {  	v2 =	vadd.f32 $1.000000020e-16, v2;
	_ =	sdelay $0x1  }
0x321: {  	(erf) = vrcp.f32 v2;
	_ =	sdelay $0x3  }
0x322: {  	s5 =	simm.s32 $0x16C50  }
0x323: {  	v2 =	vld [tilespmem:s5+$0xFFFFFFC0];
	_ =	sdelay $0x1  }
0x324: {  	v3 =	vld [tilespmem:$0x15F90];
	_ =	sdelay $0x1  }
0x325: {  	v4 =	vpop (erf)  }
0x326: {  	v2 =	vmul.f32 v4, v2;
	_ =	sdelay $0x1  }
0x327: {  	v2 =	vadd.f32 v2, v3  }
0x328: {  	s4 =	simm.s32 $0x17A60  }
0x329: {  	[tilespmem:s4+$0xFFFFFFC0] =	vst v2  }
0x32a: {  	v2 =	vld [tilespmem:s5+$0xFFFFFFD0];
	_ =	sdelay $0x1  }
0x32b: {  	v3 =	vld [tilespmem:$0x15FA0];
	_ =	sdelay $0x2  }
0x32c: {  	v2 =	vmul.f32 v2, v4;
	_ =	sdelay $0x1  }
0x32d: {  	v2 =	vadd.f32 v3, v2;
	_ =	sdelay $0x1  }
0x32e: {  	[tilespmem:s4+$0xFFFFFFD0] =	vst v2  }
0x32f: {  	v2 =	vld [tilespmem:s5+$0xFFFFFFE0];
	_ =	sdelay $0x1  }
0x330: {  	v3 =	vld [tilespmem:$0x15FB0];
	_ =	sdelay $0x2  }
0x331: {  	v2 =	vmul.f32 v2, v4;
	_ =	sdelay $0x1  }
0x332: {  	v2 =	vadd.f32 v3, v2;
	_ =	sdelay $0x1  }
0x333: {  	[tilespmem:s4+$0xFFFFFFE0] =	vst v2  }
0x334: {  	v2 =	vld [tilespmem:s5+$0xFFFFFFF0];
	_ =	sdelay $0x1  }
0x335: {  	v3 =	vld [tilespmem:$0x15FC0];
	_ =	sdelay $0x2  }
0x336: {  	v2 =	vmul.f32 v2, v4;
	_ =	sdelay $0x1  }
0x337: {  	v2 =	vadd.f32 v3, v2;
	_ =	sdelay $0x1  }
0x338: {  	[tilespmem:s4+$0xFFFFFFF0] =	vst v2  }
0x339: {  	v2 =	vld [tilespmem:s5+$0x0];
	_ =	sdelay $0x1  }
0x33a: {  	v3 =	vld [tilespmem:$0x15FD0];
	_ =	sdelay $0x2  }
0x33b: {  	v2 =	vmul.f32 v2, v4;
	_ =	sdelay $0x1  }
0x33c: {  	v2 =	vadd.f32 v3, v2;
	_ =	sdelay $0x1  }
0x33d: {  	[tilespmem:s4+$0x0] =	vst v2  }
0x33e: {  	v2 =	vld [tilespmem:s5+$0x10];
	_ =	sdelay $0x1  }
0x33f: {  	v3 =	vld [tilespmem:$0x15FE0];
	_ =	sdelay $0x2  }
0x340: {  	v2 =	vmul.f32 v2, v4;
	_ =	sdelay $0x1  }
0x341: {  	v2 =	vadd.f32 v3, v2;
	_ =	sdelay $0x1  }
0x342: {  	[tilespmem:s4+$0x10] =	vst v2  }
0x343: {  	v2 =	vld [tilespmem:s5+$0x20];
	_ =	sdelay $0x1  }
0x344: {  	v3 =	vld [tilespmem:$0x15FF0];
	_ =	sdelay $0x2  }
0x345: {  	v2 =	vmul.f32 v2, v4;
	_ =	sdelay $0x1  }
0x346: {  	v2 =	vadd.f32 v3, v2;
	_ =	sdelay $0x1  }
0x347: {  	[tilespmem:s4+$0x20] =	vst v2  }
0x348: {  	v2 =	vld [tilespmem:s5+$0x30]  }
0x349: {  	s7 =	simm.s32 $0x1  }
0x34a: {  	v5 =	vmov s7  }
0x34b: {  	v5 =	vmul.u32 $0x90, v5  }
0x34c: {  	v3 =	vld [tilespmem:$0x16000]  }
0x34d: {  	v4 =	vmul.f32 v2, v4;
	v2 =	vadd.s32 $0x80, v5  }
0x34e: {  	v2 =	vbroadcast v2, $0x0;
	_ =	sdelay $0x2  }
0x34f: {  	s9 =	simm.s32 $0x2;
	v3 =	vadd.f32 v3, v4  }
.LBB2_35:
0x350: {  	s5 =	sadd.s32 $0x90, s5  }
0x351: {  	s8 =	smov.u32 s9;
	s7 =	sadd.s32 $0x1, s9;
	[tilespmem:s4+$0x30] =	vst v3;
	s4 =	sadd.s32 $0x80, s4  }
0x352: {  	p0 =	sne.s32 s9, $0x18;
	v2 =	vld.idx.msk [tilespmem:v2+s15+$0x0], $0xffff;
	_ =	sdelay $0x5  }
0x353: {  	v2 =	vadd.f32 $1.000000020e-16, v2;
	_ =	sdelay $0x1  }
0x354: {  	(erf) = vrcp.f32 v2;
	_ =	sdelay $0x4  }
0x355: {  	v2 =	vld [tilespmem:s5+$0xFFFFFFC0];
	_ =	sdelay $0x1  }
0x356: {  	v3 =	vld [tilespmem:$0x15F90];
	_ =	sdelay $0x1  }
0x357: {  	v4 =	vpop (erf)  }
0x358: {  	v2 =	vmul.f32 v4, v2;
	_ =	sdelay $0x1  }
0x359: {  	v2 =	vadd.f32 v2, v3;
	_ =	sdelay $0x1  }
0x35a: {  	[tilespmem:s4+$0xFFFFFFC0] =	vst v2  }
0x35b: {  	v2 =	vld [tilespmem:s5+$0xFFFFFFD0];
	_ =	sdelay $0x1  }
0x35c: {  	v3 =	vld [tilespmem:$0x15FA0];
	_ =	sdelay $0x2  }
0x35d: {  	v2 =	vmul.f32 v2, v4;
	_ =	sdelay $0x1  }
0x35e: {  	v2 =	vadd.f32 v3, v2;
	_ =	sdelay $0x1  }
0x35f: {  	[tilespmem:s4+$0xFFFFFFD0] =	vst v2  }
0x360: {  	v2 =	vld [tilespmem:s5+$0xFFFFFFE0];
	_ =	sdelay $0x1  }
0x361: {  	v3 =	vld [tilespmem:$0x15FB0];
	_ =	sdelay $0x2  }
0x362: {  	v2 =	vmul.f32 v2, v4;
	_ =	sdelay $0x1  }
0x363: {  	v2 =	vadd.f32 v3, v2;
	_ =	sdelay $0x1  }
0x364: {  	[tilespmem:s4+$0xFFFFFFE0] =	vst v2  }
0x365: {  	v2 =	vld [tilespmem:s5+$0xFFFFFFF0];
	_ =	sdelay $0x1  }
0x366: {  	v3 =	vld [tilespmem:$0x15FC0];
	_ =	sdelay $0x2  }
0x367: {  	v2 =	vmul.f32 v2, v4;
	_ =	sdelay $0x1  }
0x368: {  	v2 =	vadd.f32 v3, v2;
	_ =	sdelay $0x1  }
0x369: {  	[tilespmem:s4+$0xFFFFFFF0] =	vst v2  }
0x36a: {  	v2 =	vld [tilespmem:s5+$0x0];
	_ =	sdelay $0x1  }
0x36b: {  	v3 =	vld [tilespmem:$0x15FD0];
	_ =	sdelay $0x2  }
0x36c: {  	v2 =	vmul.f32 v2, v4;
	_ =	sdelay $0x1  }
0x36d: {  	v2 =	vadd.f32 v3, v2;
	_ =	sdelay $0x1  }
0x36e: {  	[tilespmem:s4+$0x0] =	vst v2  }
0x36f: {  	v2 =	vld [tilespmem:s5+$0x10]  }
0x370: {  	v3 =	vld [tilespmem:$0x15FE0];
	_ =	sdelay $0x3  }
0x371: {  	v2 =	vmul.f32 v2, v4;
	_ =	sdelay $0x1  }
0x372: {  	v2 =	vadd.f32 v3, v2;
	_ =	sdelay $0x1  }
0x373: {  	[tilespmem:s4+$0x10] =	vst v2  }
0x374: {  	v2 =	vld [tilespmem:s5+$0x20]  }
0x375: {  	v3 =	vld [tilespmem:$0x15FF0];
	_ =	sdelay $0x3  }
0x376: {  	v2 =	vmul.f32 v2, v4;
	_ =	sdelay $0x1  }
0x377: {  	v2 =	vadd.f32 v3, v2;
	_ =	sdelay $0x1  }
0x378: {  	[tilespmem:s4+$0x20] =	vst v2  }
0x379: {  	v2 =	vmov s8;
	v3 =	vld [tilespmem:s5+$0x30]  }
0x37a: {  	v2 =	vmul.u32 $0x90, v2;
	v5 =	vld [tilespmem:$0x16000];
	_ =	sdelay $0x1  }
.Ltmp16:
0x37b: {  	v2 =	vadd.s32 $0x80, v2;
	(pc) =	sbr.rel @p0 .LBB2_35-.Ltmp16, $3  }
0x37c: {  	v2 =	vbroadcast v2, $0x0  }
0x37d: {  	v3 =	vmul.f32 v3, v4;
	_ =	sdelay $0x1  }
0x37e: {  	s9 =	smov.u32 s7;
	v3 =	vadd.f32 v5, v3  }
0x37f: {  	_ =	sdelay $0x2  }
0x380: {  	[tilespmem:s4+$0x30] =	vst v3  }
0x381: {  	v2 =	vld.idx.msk [tilespmem:v2+s15+$0x0], $0xffff;
	_ =	sdelay $0x4  }
0x382: {  	v2 =	vadd.f32 $1.000000020e-16, v2;
	_ =	sdelay $0x1  }
0x383: {  	(erf) = vrcp.f32 v2;
	_ =	sdelay $0x3  }
0x384: {  	s5 =	sadd.s32 $0x90, s5  }
0x385: {  	v2 =	vld [tilespmem:s5+$0xFFFFFFC0];
	_ =	sdelay $0x1  }
0x386: {  	v3 =	vld [tilespmem:$0x15F90];
	_ =	sdelay $0x1  }
0x387: {  	v4 =	vpop (erf)  }
0x388: {  	v2 =	vmul.f32 v4, v2;
	_ =	sdelay $0x1  }
0x389: {  	v2 =	vadd.f32 v2, v3  }
0x38a: {  	s23 =	sadd.s32 $0x80, s4  }
0x38b: {  	[tilespmem:s23+$0xFFFFFFC0] =	vst v2  }
0x38c: {  	v2 =	vld [tilespmem:s5+$0xFFFFFFD0];
	_ =	sdelay $0x1  }
0x38d: {  	v3 =	vld [tilespmem:$0x15FA0];
	_ =	sdelay $0x2  }
0x38e: {  	v2 =	vmul.f32 v2, v4;
	_ =	sdelay $0x1  }
0x38f: {  	v2 =	vadd.f32 v3, v2;
	_ =	sdelay $0x1  }
0x390: {  	[tilespmem:s23+$0xFFFFFFD0] =	vst v2  }
0x391: {  	v2 =	vld [tilespmem:s5+$0xFFFFFFE0];
	_ =	sdelay $0x1  }
0x392: {  	v3 =	vld [tilespmem:$0x15FB0];
	_ =	sdelay $0x2  }
0x393: {  	v2 =	vmul.f32 v2, v4;
	_ =	sdelay $0x1  }
0x394: {  	v2 =	vadd.f32 v3, v2;
	_ =	sdelay $0x1  }
0x395: {  	[tilespmem:s23+$0xFFFFFFE0] =	vst v2  }
0x396: {  	v2 =	vld [tilespmem:s5+$0xFFFFFFF0];
	_ =	sdelay $0x1  }
0x397: {  	v3 =	vld [tilespmem:$0x15FC0];
	_ =	sdelay $0x2  }
0x398: {  	v2 =	vmul.f32 v2, v4;
	_ =	sdelay $0x1  }
0x399: {  	v2 =	vadd.f32 v3, v2;
	_ =	sdelay $0x1  }
0x39a: {  	[tilespmem:s23+$0xFFFFFFF0] =	vst v2  }
0x39b: {  	v2 =	vld [tilespmem:s5+$0x0];
	_ =	sdelay $0x1  }
0x39c: {  	v3 =	vld [tilespmem:$0x15FD0];
	_ =	sdelay $0x2  }
0x39d: {  	v2 =	vmul.f32 v2, v4;
	_ =	sdelay $0x1  }
0x39e: {  	v2 =	vadd.f32 v3, v2;
	_ =	sdelay $0x1  }
0x39f: {  	[tilespmem:s23+$0x0] =	vst v2  }
0x3a0: {  	v2 =	vld [tilespmem:s5+$0x10];
	_ =	sdelay $0x1  }
0x3a1: {  	v3 =	vld [tilespmem:$0x15FE0];
	_ =	sdelay $0x2  }
0x3a2: {  	v2 =	vmul.f32 v2, v4;
	_ =	sdelay $0x1  }
0x3a3: {  	v2 =	vadd.f32 v3, v2;
	_ =	sdelay $0x1  }
0x3a4: {  	[tilespmem:s23+$0x10] =	vst v2  }
0x3a5: {  	v2 =	vld [tilespmem:s5+$0x20];
	_ =	sdelay $0x1  }
0x3a6: {  	v3 =	vld [tilespmem:$0x15FF0];
	_ =	sdelay $0x2  }
0x3a7: {  	v2 =	vmul.f32 v2, v4;
	_ =	sdelay $0x1  }
0x3a8: {  	v2 =	vadd.f32 v3, v2;
	_ =	sdelay $0x1  }
0x3a9: {  	[tilespmem:s23+$0x20] =	vst v2  }
0x3aa: {  	v2 =	vld [tilespmem:s5+$0x30];
	_ =	sdelay $0x1  }
0x3ab: {  	v3 =	vld [tilespmem:$0x16000];
	_ =	sdelay $0x2  }
0x3ac: {  	v2 =	vmul.f32 v2, v4;
	_ =	sdelay $0x1  }
0x3ad: {  	s1 =	sadd.s32 $0x1, s1;
	v2 =	vadd.f32 v3, v2  }
0x3ae: {  	s2 =	sshll.u32 s2, $0x5;
	p0 =	sne.s32 s1, $0x19  }
.Ltmp17:
0x3af: {  	s2 =	sadd.s32 s2, s11;
	[tilespmem:s23+$0x30] =	vst v2;
	(pc) =	sbr.rel @p0 .LBB2_34-.Ltmp17, $4  }
0x3b0: {  	[hbm4b:s2+s13] =	stream.strided.scatter [tilespmem:s17], [sflag:$0x19], $0xC80, s14, s13, $0x38;
	[tilespmem:$0x1F8A0] =	vst v63  }
0x3b1: {  	_ =	swait.ge [sflag:s12], $0xC80  }
0x3b2: {  	[sflag:s12] =	ssyncset.done $0x0  }
0x3b3: {  	[sflag:s12] =	ssyncadd.s32 $0xFFFFF380  }
0x3b4: {  	s1 =	sld [smem:$0x7F9];
	_ =	sdelay $0x2  }
0x3b5: {  	s0 =	rddreg [dreg:$0x16];
	s1 =	sadd.s32 $0x1, s1  }
0x3b6: {  	p0 =	sne.s32 s1, s0  }
.Ltmp18:
0x3b7: {  	_ = 	snop;
	(pc) =	sbr.rel @p0 .LBB2_1-.Ltmp18, $1  }
0x3b8: {  	_ =	sdelay $0x3  }
0x3b9: {  	_ =	sfence.sel $0x180000  }
0x3ba: {  	[bflag:$0x0] =	sbarrier.arrive $0xFFFF  }
0x3bb: {  	_ =	strace $0x9000004A  }
0x3bc: {  	s0 =	stileid.u32;
	[bflag:$0x2] =	sbarrier.arrive $0xFFFF  }
0x3bd: {  	p0 =	sne.s32 s0, $0x0;
	s0 =	rddreg [dreg:$0x4]  }
0x3be: {  	s0 =	sadd.s32 @!p0 $0x100000, s0  }
0x3bf: {  	[sflag:s0] =	ssyncadd.tile.s32 @!p0 $0x1;
	_ =	shalt  }
.Lfunc_end2:
_tile_overlayer_lowered:
.L_overlay_start_2:
0x3c0: {  	(tag) =	ssettag $0x2  }
0x3c1: {  	s0 =	rddreg [dreg:$0x0];
	s2 =	stileid.u32  }
0x3c2: {  	s1 =	rddreg [dreg:$0x1];
	p0 =	sne.s32 s2, $0x0  }
0x3c3: {  	s3 =	rddreg [dreg:$0x2];
	[bflag:$0x3] =	sbarrier.arrive $0xFFFF;
	s2 =	simm.s32 @!p0 $0x1C19  }
0x3c4: {  	[timem:s3], [sflag:s2] =	dma.local @!p0 [hbm:s0], s1  }
0x3c5: {  	s0 =	simm.s32 @!p0 $0x19  }
0x3c6: {  	_ =	swait.ge @!p0 [sflag:s0], s1  }
0x3c7: {  	s1 =	ssub.s32 @!p0 $0x0, s1;
	[sflag:s0] =	ssyncset.done @!p0 $0x0  }
0x3c8: {  	[sflag:s0] =	ssyncadd.s32 @!p0 s1  }
0x3c9: {  	[bflag:$0x3] =	sbarrier.arrive $0xFFFF  }
0x3ca: {  	_ =	shalt  }

</sc_bundles>
